<compile_context>
chip_gen: v7x
topology: tpu7x:2x2x1
jax: 0.10.2.dev20260603
libtpu: 0.0.44.dev20260713+nightly
codegen_flags: <defaults>
</compile_context>

<pallas_src>
import jax
import jax.numpy as jnp
from jax import lax
from jax.experimental import pallas as pl
from jax.experimental.pallas import tpu as pltpu
from jax.experimental.pallas import tpu_sc as plsc

_NC = 2
_NS = 16
_NW = _NC * _NS

_T = 800
_STEPS = _T // 16
_CH = 800
_CSTEPS = _CH // 16

_PI = 3.141592653589793
_ACOS = (1.5707963050, -0.2145988016, 0.0889789874, -0.0501743046,
         0.0308918810, -0.0170881256, 0.0066700901, -0.0012624911)


def _rsqrt(y):
    i = plsc.bitcast(y, jnp.int32)
    i = 0x5F3759DF - (i >> 1)
    r = plsc.bitcast(i, jnp.float32)
    for _ in range(3):
        r = r * (1.5 - 0.5 * y * r * r)
    return r


def _acos(x):
    ax = jnp.abs(x)
    u = 1.0 - ax
    su = u * _rsqrt(jnp.maximum(u, 1e-30))
    p = jnp.full((16,), _ACOS[7], jnp.float32)
    for c in _ACOS[6::-1]:
        p = p * ax + c
    r = su * p
    return jnp.where(x < 0.0, _PI - r, r)


def _torsion_body(xs_hbm, ys_hbm, zs_hbm, ti_hbm, tj_hbm, tk_hbm, tl_hbm,
                  out_hbm, tbl0_hbm, tbl1_hbm,
                  idx_v, gat_v, phi_v, buf_v, pxyz_v, isem, gsem, osem):
    core = lax.axis_index("c")
    sub = lax.axis_index("s")
    wid = sub * _NC + core
    n_tors = out_hbm.shape[0]
    tors = (ti_hbm, tj_hbm, tk_hbm, tl_hbm)
    nblk_total = n_tors // _T
    base_n = nblk_total // _NW
    extra = nblk_total - base_n * _NW
    nblk_w = jnp.where(wid < extra, base_n + 1, base_n)

    planes = (xs_hbm, ys_hbm, zs_hbm)
    n_atoms = xs_hbm.shape[0]
    nch = n_atoms // _CH
    lane = lax.broadcasted_iota(jnp.int32, (16,), 0)
    colc = [jnp.full((16,), c, jnp.int32) for c in range(3)]

    def build_table(tbl_hbm):
        def chunk_body(q, carry):
            ch = sub + q * _NS
            for c in range(3):
                pltpu.sync_copy(planes[c].at[pl.ds(ch * _CH, _CH)],
                                pxyz_v[c])

            def cstep(s, carry2):
                rows = s * 16 + lane
                for c in range(3):
                    plsc.store_scatter(buf_v, [rows, colc[c]],
                                       pxyz_v[c][pl.ds(s * 16, 16)])
                return carry2

            lax.fori_loop(0, _CSTEPS, cstep, 0)
            pltpu.sync_copy(buf_v, tbl_hbm.at[pl.ds(ch * _CH, _CH), :])
            return carry

        nch_w = jnp.where(sub < nch - (nch // _NS) * _NS,
                          nch // _NS + 1, nch // _NS)
        lax.fori_loop(0, nch_w, chunk_body, 0)

    def stage(tbl_hbm, b, j):
        blk = wid + j * _NW
        for a in range(4):
            pltpu.async_copy(tors[a].at[pl.ds(blk * _T, _T)],
                             idx_v[b][a], isem[b])
        for a in range(4):
            pltpu.make_async_copy(tors[a].at[pl.ds(blk * _T, _T)],
                                  idx_v[b][a], isem[b]).wait()
        for a in range(4):
            pltpu.async_copy(tbl_hbm.at[idx_v[b][a]], gat_v[b][a], gsem[b])

    def consume(tbl_hbm, b, j):
        blk = wid + j * _NW
        for a in range(4):
            pltpu.make_async_copy(tbl_hbm.at[idx_v[b][a]],
                                  gat_v[b][a], gsem[b]).wait()

        @pl.when(j >= 2)
        def _drain_out():
            pltpu.make_async_copy(
                phi_v[b],
                out_hbm.at[pl.ds((wid + (j - 2) * _NW) * _T, _T)],
                osem[b]).wait()

        def step(s, carry2):
            sl = pl.ds(s * 16, 16)
            rows = s * 16 + lane
            (xi, yi, zi), (xj, yj, zj), (xk, yk, zk), (xl, yl, zl) = (
                tuple(plsc.load_gather(gat_v[b][a], [rows, colc[c]])
                      for c in range(3)) for a in range(4))
            b1x, b1y, b1z = xj - xi, yj - yi, zj - zi
            b2x, b2y, b2z = xk - xj, yk - yj, zk - zj
            b3x, b3y, b3z = xl - xk, yl - yk, zl - zk
            n1x = b1y * b2z - b1z * b2y
            n1y = b1z * b2x - b1x * b2z
            n1z = b1x * b2y - b1y * b2x
            n2x = b2y * b3z - b2z * b3y
            n2y = b2z * b3x - b2x * b3z
            n2z = b2x * b3y - b2y * b3x
            dot = n1x * n2x + n1y * n2y + n1z * n2z
            m1 = n1x * n1x + n1y * n1y + n1z * n1z
            m2 = n2x * n2x + n2y * n2y + n2z * n2z
            y = m1 * m2
            cos = jnp.clip(dot * _rsqrt(y), -1.0, 1.0)
            cos = jnp.where(y > 0.0, cos, jnp.float32(jnp.nan))
            phi = _acos(cos)
            d2 = n1x * b3x + n1y * b3y + n1z * b3z
            phi_v[b][sl] = jnp.where(d2 > 0.0, phi, -phi)
            return carry2

        lax.fori_loop(0, _STEPS, step, 0)
        pltpu.async_copy(phi_v[b], out_hbm.at[pl.ds(blk * _T, _T)], osem[b])

    for k, tbl in ((0, tbl0_hbm), (1, tbl1_hbm)):
        @pl.when(core == k)
        def _build(tbl=tbl):
            build_table(tbl)

    plsc.subcore_barrier()

    for k, tbl in ((0, tbl0_hbm), (1, tbl1_hbm)):
        @pl.when(core == k)
        def _run(tbl=tbl):
            @pl.when(nblk_w > 0)
            def _prologue():
                stage(tbl, 0, 0)

            def pair_body(p, carry):
                j0 = 2 * p
                j1 = j0 + 1

                @pl.when(j1 < nblk_w)
                def _s1():
                    stage(tbl, 1, j1)

                consume(tbl, 0, j0)

                @pl.when(j1 + 1 < nblk_w)
                def _s2():
                    stage(tbl, 0, j1 + 1)

                @pl.when(j1 < nblk_w)
                def _c1():
                    consume(tbl, 1, j1)

                return carry

            lax.fori_loop(0, (nblk_w + 1) // 2, pair_body, 0)

            for b in range(2):
                @pl.when(nblk_w > b)
                def _drain_tail(b=b):
                    jlast = (nblk_w - 1) - ((nblk_w - 1 - b) % 2)
                    pltpu.make_async_copy(
                        phi_v[b],
                        out_hbm.at[pl.ds((wid + jlast * _NW) * _T, _T)],
                        osem[b]).wait()


def kernel(coords, torsions):
    n_tors = torsions.shape[0]
    xs = coords[:, 0]
    ys = coords[:, 1]
    zs = coords[:, 2]

    n_atoms = coords.shape[0]
    launch = pl.kernel(
        _torsion_body,
        out_type=(
            jax.ShapeDtypeStruct((n_tors,), jnp.float32),
            jax.ShapeDtypeStruct((n_atoms, 16), jnp.float32),
            jax.ShapeDtypeStruct((n_atoms, 16), jnp.float32),
        ),
        mesh=plsc.VectorSubcoreMesh(core_axis_name="c", subcore_axis_name="s"),
        scratch_types=[
            [[pltpu.VMEM((_T,), jnp.int32) for _ in range(4)]
             for _ in range(2)],
            [[pltpu.VMEM((_T, 16), jnp.float32) for _ in range(4)]
             for _ in range(2)],
            [pltpu.VMEM((_T,), jnp.float32) for _ in range(2)],
            pltpu.VMEM((_CH, 16), jnp.float32),
            [pltpu.VMEM((_CH,), jnp.float32) for _ in range(3)],
            [pltpu.SemaphoreType.DMA for _ in range(2)],
            [pltpu.SemaphoreType.DMA for _ in range(2)],
            [pltpu.SemaphoreType.DMA for _ in range(2)],
        ],
        compiler_params=pltpu.CompilerParams(needs_layout_passes=False,
                                             use_tc_tiling_on_sc=False),
    )
    phi, _, _ = launch(xs, ys, zs, torsions[:, 0], torsions[:, 1],
                       torsions[:, 2], torsions[:, 3])
    return phi

# --- scband reference (transcript-rebuilt; emitter-appended) ---
"""Pipeline reference for scband-torsion-5454608466123 (READ-ONLY COPY).

The authoritative reference and input builder live on the scoring server;
editing this copy changes nothing except your own understanding.
"""

import jax, jax.numpy as jnp
import numpy as np

N_ATOMS = 500000
N_TORSIONS = 2000000


def setup_inputs(seed: int = 0) -> dict:
    key = jax.random.key(seed)
    k1, k2 = jax.random.split(key)
    coords = jax.random.normal(k1, (N_ATOMS, 3), dtype=jnp.float32) * 10.0
    torsions = jax.random.randint(k2, (N_TORSIONS, 4), 0, N_ATOMS, dtype=jnp.int32)
    return {"coords": coords, "torsions": torsions}


def reference(coords, torsions):
    i = torsions[:, 0]
    j = torsions[:, 1]
    k = torsions[:, 2]
    l = torsions[:, 3]
    r_i = jnp.take(coords, i, axis=0)
    r_j = jnp.take(coords, j, axis=0)
    r_k = jnp.take(coords, k, axis=0)
    r_l = jnp.take(coords, l, axis=0)
    b1 = r_j - r_i
    b2 = r_k - r_j
    b3 = r_l - r_k
    n1 = jnp.cross(b1, b2)
    n2 = jnp.cross(b2, b3)
    n1_norm = jnp.linalg.norm(n1, axis=1)
    n2_norm = jnp.linalg.norm(n2, axis=1)
    cosval = jnp.sum(n1 * n2, axis=1) / (n1_norm * n2_norm)
    cosval = jnp.clip(cosval, -0.999999999, 0.99999999)
    phi = jnp.arccos(cosval)
    sign = jnp.sign(jnp.sum(n1 * b3, axis=1))
    phi = jnp.where(sign > 0, phi, -phi)
    return phi

if __name__ == "__main__":
    import jax
    _d = setup_inputs()
    print(jax.jit(kernel)(*tuple(_d.values())))

</pallas_src>

<mosaic_0001>
#map = affine_map<(d0, d1) -> (0)>
#map1 = affine_map<(d0, d1) -> (0, 0)>
module attributes {stable_mosaic.version = 14 : i64} {
  func.func @_torsion_body(%arg0: i32, %arg1: i32, %arg2: memref<500000xf32, #tpu.memory_space<hbm>>, %arg3: memref<500000xf32, #tpu.memory_space<hbm>>, %arg4: memref<500000xf32, #tpu.memory_space<hbm>>, %arg5: memref<2000000xi32, #tpu.memory_space<hbm>>, %arg6: memref<2000000xi32, #tpu.memory_space<hbm>>, %arg7: memref<2000000xi32, #tpu.memory_space<hbm>>, %arg8: memref<2000000xi32, #tpu.memory_space<hbm>>, %arg9: memref<2000000xf32, #tpu.memory_space<hbm>>, %arg10: memref<500000x16xf32, #tpu.memory_space<hbm>>, %arg11: memref<500000x16xf32, #tpu.memory_space<hbm>>, %arg12: memref<800xi32, #tpu.memory_space<vmem>>, %arg13: memref<800xi32, #tpu.memory_space<vmem>>, %arg14: memref<800xi32, #tpu.memory_space<vmem>>, %arg15: memref<800xi32, #tpu.memory_space<vmem>>, %arg16: memref<800xi32, #tpu.memory_space<vmem>>, %arg17: memref<800xi32, #tpu.memory_space<vmem>>, %arg18: memref<800xi32, #tpu.memory_space<vmem>>, %arg19: memref<800xi32, #tpu.memory_space<vmem>>, %arg20: memref<800x16xf32, #tpu.memory_space<vmem>>, %arg21: memref<800x16xf32, #tpu.memory_space<vmem>>, %arg22: memref<800x16xf32, #tpu.memory_space<vmem>>, %arg23: memref<800x16xf32, #tpu.memory_space<vmem>>, %arg24: memref<800x16xf32, #tpu.memory_space<vmem>>, %arg25: memref<800x16xf32, #tpu.memory_space<vmem>>, %arg26: memref<800x16xf32, #tpu.memory_space<vmem>>, %arg27: memref<800x16xf32, #tpu.memory_space<vmem>>, %arg28: memref<800xf32, #tpu.memory_space<vmem>>, %arg29: memref<800xf32, #tpu.memory_space<vmem>>, %arg30: memref<800x16xf32, #tpu.memory_space<vmem>>, %arg31: memref<800xf32, #tpu.memory_space<vmem>>, %arg32: memref<800xf32, #tpu.memory_space<vmem>>, %arg33: memref<800xf32, #tpu.memory_space<vmem>>, %arg34: memref<!tpu.dma_semaphore, #tpu.memory_space<semaphore_mem>>, %arg35: memref<!tpu.dma_semaphore, #tpu.memory_space<semaphore_mem>>, %arg36: memref<!tpu.dma_semaphore, #tpu.memory_space<semaphore_mem>>, %arg37: memref<!tpu.dma_semaphore, #tpu.memory_space<semaphore_mem>>, %arg38: memref<!tpu.dma_semaphore, #tpu.memory_space<semaphore_mem>>, %arg39: memref<!tpu.dma_semaphore, #tpu.memory_space<semaphore_mem>>) attributes {dimension_semantics = [#tpu.dimension_semantics<core_parallel>, #tpu.dimension_semantics<subcore_parallel>], iteration_bounds = array<i64: 2, 16>, scalar_prefetch = 0 : i64, scratch_operands = 28 : i64, tpu.core_type = #tpu.core_type<sc_vector_subcore>, window_params = [{transform_indices = #map}, {transform_indices = #map}, {transform_indices = #map}, {transform_indices = #map}, {transform_indices = #map}, {transform_indices = #map}, {transform_indices = #map}, {transform_indices = #map}, {transform_indices = #map1}, {transform_indices = #map1}]} {
    %mul3A = arith.constant 2 : i32
    %mul3A_0 = arith.muli %arg1, %mul3A : i32
    %add3A = arith.addi %mul3A_0, %arg0 : i32
    %lt3A = arith.constant 4 : i32
    %lt3A_1 = arith.cmpi slt, %add3A, %lt3A : i32
    %jit3A = arith.constant 79 : i32
    %jit3A_2 = arith.constant 78 : i32
    %select_n3A = arith.select %lt3A_1, %jit3A, %jit3A_2 : i32
    %iota3A = tpu.iota {dimensions = array<i32: 0>} : vector<16xi32>
    %broadcast_in_dim3A = arith.constant 0 : i32
    %broadcast_in_dim3A_3 = vector.broadcast %broadcast_in_dim3A : i32 to vector<16xi32>
    %broadcast_in_dim3A_4 = arith.constant 1 : i32
    %broadcast_in_dim3A_5 = vector.broadcast %broadcast_in_dim3A_4 : i32 to vector<16xi32>
    %broadcast_in_dim3A_6 = arith.constant 2 : i32
    %broadcast_in_dim3A_7 = vector.broadcast %broadcast_in_dim3A_6 : i32 to vector<16xi32>
    %eq3A = arith.constant 0 : i32
    %eq3A_8 = arith.cmpi eq, %arg0, %eq3A : i32
    %convert_element_type3A = arith.extui %eq3A_8 : i1 to i32
    %cond3A = arith.constant 0 : i32
    %cond3A_9 = arith.cmpi ne, %convert_element_type3A, %cond3A : i32
    scf.if %cond3A_9 {
      %lt3A_25 = arith.constant 1 : i32
      %lt3A_26 = arith.cmpi slt, %arg1, %lt3A_25 : i32
      %jit3A_27 = arith.constant 40 : i32
      %jit3A_28 = arith.constant 39 : i32
      %select_n3A_29 = arith.select %lt3A_26, %jit3A_27, %jit3A_28 : i32
      %while3A = arith.constant 0 : i32
      %while3A_30 = arith.constant 0 : i32
      %while3A_31 = arith.subi %select_n3A_29, %while3A_30 : i32
      %while3A_32 = arith.addi %while3A_30, %while3A_31 : i32
      %while3A_33 = arith.constant 1 : i32
      %while3A_34 = arith.divsi %while3A_31, %while3A_33 : i32
      %while3A_35 = arith.muli %while3A_34, %while3A_33 : i32
      %while3A_36 = arith.addi %while3A_30, %while3A_35 : i32
      %while3A_37 = arith.constant 1 : i32
      scf.for %while3A_39 = %while3A_30 to %while3A_36 step %while3A_37  : i32 {
        %mul3A_40 = arith.constant 16 : i32
        %mul3A_41 = arith.muli %while3A_39, %mul3A_40 : i32
        %add3A_42 = arith.addi %arg1, %mul3A_41 : i32
        %mul3A_43 = arith.constant 800 : i32
        %mul3A_44 = arith.muli %add3A_42, %mul3A_43 : i32
        "tpu.region"() ({
          %run_scoped3A = tpu.sem_alloc : memref<!tpu.dma_semaphore, #tpu.memory_space<semaphore_mem>>
          %dma_start3A = tpu.memref_slice %arg2[%mul3A_44] : memref<500000xf32, #tpu.memory_space<hbm>> -> memref<800xf32, #tpu.memory_space<hbm>>
          %dma_start3A_56 = tpu.memref_slice %arg2[%mul3A_44] : memref<500000xf32, #tpu.memory_space<hbm>> -> memref<800xf32, #tpu.memory_space<hbm>>
          tpu.enqueue_dma source(%dma_start3A_56 : memref<800xf32, #tpu.memory_space<hbm>>) target(%arg31 : memref<800xf32, #tpu.memory_space<vmem>>) target_semaphore(%run_scoped3A : memref<!tpu.dma_semaphore, #tpu.memory_space<semaphore_mem>>)
          %dma_wait3A = tpu.memref_slice %arg2[%mul3A_44] : memref<500000xf32, #tpu.memory_space<hbm>> -> memref<800xf32, #tpu.memory_space<hbm>>
          %dma_wait3A_57 = tpu.memref_slice %arg2[%mul3A_44] : memref<500000xf32, #tpu.memory_space<hbm>> -> memref<800xf32, #tpu.memory_space<hbm>>
          tpu.wait_dma2 semaphore(%run_scoped3A : memref<!tpu.dma_semaphore, #tpu.memory_space<semaphore_mem>>) src(%dma_wait3A_57 : memref<800xf32, #tpu.memory_space<hbm>>) dst(%arg31 : memref<800xf32, #tpu.memory_space<vmem>>)
          tpu.yield
        }) : () -> ()
        %mul3A_45 = arith.constant 800 : i32
        %mul3A_46 = arith.muli %add3A_42, %mul3A_45 : i32
        "tpu.region"() ({
          %run_scoped3A = tpu.sem_alloc : memref<!tpu.dma_semaphore, #tpu.memory_space<semaphore_mem>>
          %dma_start3A = tpu.memref_slice %arg3[%mul3A_46] : memref<500000xf32, #tpu.memory_space<hbm>> -> memref<800xf32, #tpu.memory_space<hbm>>
          %dma_start3A_56 = tpu.memref_slice %arg3[%mul3A_46] : memref<500000xf32, #tpu.memory_space<hbm>> -> memref<800xf32, #tpu.memory_space<hbm>>
          tpu.enqueue_dma source(%dma_start3A_56 : memref<800xf32, #tpu.memory_space<hbm>>) target(%arg32 : memref<800xf32, #tpu.memory_space<vmem>>) target_semaphore(%run_scoped3A : memref<!tpu.dma_semaphore, #tpu.memory_space<semaphore_mem>>)
          %dma_wait3A = tpu.memref_slice %arg3[%mul3A_46] : memref<500000xf32, #tpu.memory_space<hbm>> -> memref<800xf32, #tpu.memory_space<hbm>>
          %dma_wait3A_57 = tpu.memref_slice %arg3[%mul3A_46] : memref<500000xf32, #tpu.memory_space<hbm>> -> memref<800xf32, #tpu.memory_space<hbm>>
          tpu.wait_dma2 semaphore(%run_scoped3A : memref<!tpu.dma_semaphore, #tpu.memory_space<semaphore_mem>>) src(%dma_wait3A_57 : memref<800xf32, #tpu.memory_space<hbm>>) dst(%arg32 : memref<800xf32, #tpu.memory_space<vmem>>)
          tpu.yield
        }) : () -> ()
        %mul3A_47 = arith.constant 800 : i32
        %mul3A_48 = arith.muli %add3A_42, %mul3A_47 : i32
        "tpu.region"() ({
          %run_scoped3A = tpu.sem_alloc : memref<!tpu.dma_semaphore, #tpu.memory_space<semaphore_mem>>
          %dma_start3A = tpu.memref_slice %arg4[%mul3A_48] : memref<500000xf32, #tpu.memory_space<hbm>> -> memref<800xf32, #tpu.memory_space<hbm>>
          %dma_start3A_56 = tpu.memref_slice %arg4[%mul3A_48] : memref<500000xf32, #tpu.memory_space<hbm>> -> memref<800xf32, #tpu.memory_space<hbm>>
          tpu.enqueue_dma source(%dma_start3A_56 : memref<800xf32, #tpu.memory_space<hbm>>) target(%arg33 : memref<800xf32, #tpu.memory_space<vmem>>) target_semaphore(%run_scoped3A : memref<!tpu.dma_semaphore, #tpu.memory_space<semaphore_mem>>)
          %dma_wait3A = tpu.memref_slice %arg4[%mul3A_48] : memref<500000xf32, #tpu.memory_space<hbm>> -> memref<800xf32, #tpu.memory_space<hbm>>
          %dma_wait3A_57 = tpu.memref_slice %arg4[%mul3A_48] : memref<500000xf32, #tpu.memory_space<hbm>> -> memref<800xf32, #tpu.memory_space<hbm>>
          tpu.wait_dma2 semaphore(%run_scoped3A : memref<!tpu.dma_semaphore, #tpu.memory_space<semaphore_mem>>) src(%dma_wait3A_57 : memref<800xf32, #tpu.memory_space<hbm>>) dst(%arg33 : memref<800xf32, #tpu.memory_space<vmem>>)
          tpu.yield
        }) : () -> ()
        %scan3A = arith.constant 0 : i32
        %scan3A_49 = arith.constant 0 : i32
        %scan3A_50 = arith.constant 50 : i32
        %scan3A_51 = arith.addi %scan3A_49, %scan3A_50 : i32
        %scan3A_52 = arith.constant 1 : i32
        scf.for %scan3A_56 = %scan3A_49 to %scan3A_51 step %scan3A_52  : i32 {
          %mul3A_57 = arith.constant 16 : i32
          %mul3A_58 = arith.muli %scan3A_56, %mul3A_57 : i32
          %add3A_59 = vector.broadcast %mul3A_58 : i32 to vector<16xi32>
          %add3A_60 = arith.addi %add3A_59, %iota3A : vector<16xi32>
          %mul3A_61 = arith.constant 16 : i32
          %mul3A_62 = arith.muli %scan3A_56, %mul3A_61 : i32
          %get3A = arith.index_cast %mul3A_62 : i32 to index
          %get3A_63 = tpu.vector_load %arg31[%get3A] {strides = array<i32>} : memref<800xf32, #tpu.memory_space<vmem>>, vector<16xf32>,
          tpu.vector_store_idx %arg30[%add3A_60, %broadcast_in_dim3A_3], %get3A_63 : memref<800x16xf32, #tpu.memory_space<vmem>>[vector<16xi32>, vector<16xi32>], vector<16xf32>,
          %mul3A_64 = arith.constant 16 : i32
          %mul3A_65 = arith.muli %scan3A_56, %mul3A_64 : i32
          %get3A_66 = arith.index_cast %mul3A_65 : i32 to index
          %get3A_67 = tpu.vector_load %arg32[%get3A_66] {strides = array<i32>} : memref<800xf32, #tpu.memory_space<vmem>>, vector<16xf32>,
          tpu.vector_store_idx %arg30[%add3A_60, %broadcast_in_dim3A_5], %get3A_67 : memref<800x16xf32, #tpu.memory_space<vmem>>[vector<16xi32>, vector<16xi32>], vector<16xf32>,
          %mul3A_68 = arith.constant 16 : i32
          %mul3A_69 = arith.muli %scan3A_56, %mul3A_68 : i32
          %get3A_70 = arith.index_cast %mul3A_69 : i32 to index
          %get3A_71 = tpu.vector_load %arg33[%get3A_70] {strides = array<i32>} : memref<800xf32, #tpu.memory_space<vmem>>, vector<16xf32>,
          tpu.vector_store_idx %arg30[%add3A_60, %broadcast_in_dim3A_7], %get3A_71 : memref<800x16xf32, #tpu.memory_space<vmem>>[vector<16xi32>, vector<16xi32>], vector<16xf32>,
        }
        %scan3A_53 = arith.constant 50 : i32
        %mul3A_54 = arith.constant 800 : i32
        %mul3A_55 = arith.muli %add3A_42, %mul3A_54 : i32
        "tpu.region"() ({
          %run_scoped3A = tpu.sem_alloc : memref<!tpu.dma_semaphore, #tpu.memory_space<semaphore_mem>>
          %dma_start3A = arith.constant 0 : i32
          %dma_start3A_56 = tpu.memref_slice %arg10[%mul3A_55, %dma_start3A] : memref<500000x16xf32, #tpu.memory_space<hbm>> -> memref<800x16xf32, #tpu.memory_space<hbm>>
          %dma_start3A_57 = arith.constant 0 : i32
          %dma_start3A_58 = tpu.memref_slice %arg10[%mul3A_55, %dma_start3A_57] : memref<500000x16xf32, #tpu.memory_space<hbm>> -> memref<800x16xf32, #tpu.memory_space<hbm>>
          tpu.enqueue_dma source(%arg30 : memref<800x16xf32, #tpu.memory_space<vmem>>) target(%dma_start3A_58 : memref<800x16xf32, #tpu.memory_space<hbm>>) target_semaphore(%run_scoped3A : memref<!tpu.dma_semaphore, #tpu.memory_space<semaphore_mem>>)
          %dma_wait3A = arith.constant 0 : i32
          %dma_wait3A_59 = tpu.memref_slice %arg10[%mul3A_55, %dma_wait3A] : memref<500000x16xf32, #tpu.memory_space<hbm>> -> memref<800x16xf32, #tpu.memory_space<hbm>>
          %dma_wait3A_60 = arith.constant 0 : i32
          %dma_wait3A_61 = tpu.memref_slice %arg10[%mul3A_55, %dma_wait3A_60] : memref<500000x16xf32, #tpu.memory_space<hbm>> -> memref<800x16xf32, #tpu.memory_space<hbm>>
          tpu.wait_dma2 semaphore(%run_scoped3A : memref<!tpu.dma_semaphore, #tpu.memory_space<semaphore_mem>>) src(%arg30 : memref<800x16xf32, #tpu.memory_space<vmem>>) dst(%dma_wait3A_61 : memref<800x16xf32, #tpu.memory_space<hbm>>)
          tpu.yield
        }) : () -> ()
      }
      %while3A_38 = arith.constant 1 : i32
      scf.for %while3A_39 = %while3A_36 to %while3A_32 step %while3A_38  : i32 {
        %mul3A_40 = arith.constant 16 : i32
        %mul3A_41 = arith.muli %while3A_39, %mul3A_40 : i32
        %add3A_42 = arith.addi %arg1, %mul3A_41 : i32
        %mul3A_43 = arith.constant 800 : i32
        %mul3A_44 = arith.muli %add3A_42, %mul3A_43 : i32
        "tpu.region"() ({
          %run_scoped3A = tpu.sem_alloc : memref<!tpu.dma_semaphore, #tpu.memory_space<semaphore_mem>>
          %dma_start3A = tpu.memref_slice %arg2[%mul3A_44] : memref<500000xf32, #tpu.memory_space<hbm>> -> memref<800xf32, #tpu.memory_space<hbm>>
          %dma_start3A_56 = tpu.memref_slice %arg2[%mul3A_44] : memref<500000xf32, #tpu.memory_space<hbm>> -> memref<800xf32, #tpu.memory_space<hbm>>
          tpu.enqueue_dma source(%dma_start3A_56 : memref<800xf32, #tpu.memory_space<hbm>>) target(%arg31 : memref<800xf32, #tpu.memory_space<vmem>>) target_semaphore(%run_scoped3A : memref<!tpu.dma_semaphore, #tpu.memory_space<semaphore_mem>>)
          %dma_wait3A = tpu.memref_slice %arg2[%mul3A_44] : memref<500000xf32, #tpu.memory_space<hbm>> -> memref<800xf32, #tpu.memory_space<hbm>>
          %dma_wait3A_57 = tpu.memref_slice %arg2[%mul3A_44] : memref<500000xf32, #tpu.memory_space<hbm>> -> memref<800xf32, #tpu.memory_space<hbm>>
          tpu.wait_dma2 semaphore(%run_scoped3A : memref<!tpu.dma_semaphore, #tpu.memory_space<semaphore_mem>>) src(%dma_wait3A_57 : memref<800xf32, #tpu.memory_space<hbm>>) dst(%arg31 : memref<800xf32, #tpu.memory_space<vmem>>)
          tpu.yield
        }) : () -> ()
        %mul3A_45 = arith.constant 800 : i32
        %mul3A_46 = arith.muli %add3A_42, %mul3A_45 : i32
        "tpu.region"() ({
          %run_scoped3A = tpu.sem_alloc : memref<!tpu.dma_semaphore, #tpu.memory_space<semaphore_mem>>
          %dma_start3A = tpu.memref_slice %arg3[%mul3A_46] : memref<500000xf32, #tpu.memory_space<hbm>> -> memref<800xf32, #tpu.memory_space<hbm>>
          %dma_start3A_56 = tpu.memref_slice %arg3[%mul3A_46] : memref<500000xf32, #tpu.memory_space<hbm>> -> memref<800xf32, #tpu.memory_space<hbm>>
          tpu.enqueue_dma source(%dma_start3A_56 : memref<800xf32, #tpu.memory_space<hbm>>) target(%arg32 : memref<800xf32, #tpu.memory_space<vmem>>) target_semaphore(%run_scoped3A : memref<!tpu.dma_semaphore, #tpu.memory_space<semaphore_mem>>)
          %dma_wait3A = tpu.memref_slice %arg3[%mul3A_46] : memref<500000xf32, #tpu.memory_space<hbm>> -> memref<800xf32, #tpu.memory_space<hbm>>
          %dma_wait3A_57 = tpu.memref_slice %arg3[%mul3A_46] : memref<500000xf32, #tpu.memory_space<hbm>> -> memref<800xf32, #tpu.memory_space<hbm>>
          tpu.wait_dma2 semaphore(%run_scoped3A : memref<!tpu.dma_semaphore, #tpu.memory_space<semaphore_mem>>) src(%dma_wait3A_57 : memref<800xf32, #tpu.memory_space<hbm>>) dst(%arg32 : memref<800xf32, #tpu.memory_space<vmem>>)
          tpu.yield
        }) : () -> ()
        %mul3A_47 = arith.constant 800 : i32
        %mul3A_48 = arith.muli %add3A_42, %mul3A_47 : i32
        "tpu.region"() ({
          %run_scoped3A = tpu.sem_alloc : memref<!tpu.dma_semaphore, #tpu.memory_space<semaphore_mem>>
          %dma_start3A = tpu.memref_slice %arg4[%mul3A_48] : memref<500000xf32, #tpu.memory_space<hbm>> -> memref<800xf32, #tpu.memory_space<hbm>>
          %dma_start3A_56 = tpu.memref_slice %arg4[%mul3A_48] : memref<500000xf32, #tpu.memory_space<hbm>> -> memref<800xf32, #tpu.memory_space<hbm>>
          tpu.enqueue_dma source(%dma_start3A_56 : memref<800xf32, #tpu.memory_space<hbm>>) target(%arg33 : memref<800xf32, #tpu.memory_space<vmem>>) target_semaphore(%run_scoped3A : memref<!tpu.dma_semaphore, #tpu.memory_space<semaphore_mem>>)
          %dma_wait3A = tpu.memref_slice %arg4[%mul3A_48] : memref<500000xf32, #tpu.memory_space<hbm>> -> memref<800xf32, #tpu.memory_space<hbm>>
          %dma_wait3A_57 = tpu.memref_slice %arg4[%mul3A_48] : memref<500000xf32, #tpu.memory_space<hbm>> -> memref<800xf32, #tpu.memory_space<hbm>>
          tpu.wait_dma2 semaphore(%run_scoped3A : memref<!tpu.dma_semaphore, #tpu.memory_space<semaphore_mem>>) src(%dma_wait3A_57 : memref<800xf32, #tpu.memory_space<hbm>>) dst(%arg33 : memref<800xf32, #tpu.memory_space<vmem>>)
          tpu.yield
        }) : () -> ()
        %scan3A = arith.constant 0 : i32
        %scan3A_49 = arith.constant 0 : i32
        %scan3A_50 = arith.constant 50 : i32
        %scan3A_51 = arith.addi %scan3A_49, %scan3A_50 : i32
        %scan3A_52 = arith.constant 1 : i32
        scf.for %scan3A_56 = %scan3A_49 to %scan3A_51 step %scan3A_52  : i32 {
          %mul3A_57 = arith.constant 16 : i32
          %mul3A_58 = arith.muli %scan3A_56, %mul3A_57 : i32
          %add3A_59 = vector.broadcast %mul3A_58 : i32 to vector<16xi32>
          %add3A_60 = arith.addi %add3A_59, %iota3A : vector<16xi32>
          %mul3A_61 = arith.constant 16 : i32
          %mul3A_62 = arith.muli %scan3A_56, %mul3A_61 : i32
          %get3A = arith.index_cast %mul3A_62 : i32 to index
          %get3A_63 = tpu.vector_load %arg31[%get3A] {strides = array<i32>} : memref<800xf32, #tpu.memory_space<vmem>>, vector<16xf32>,
          tpu.vector_store_idx %arg30[%add3A_60, %broadcast_in_dim3A_3], %get3A_63 : memref<800x16xf32, #tpu.memory_space<vmem>>[vector<16xi32>, vector<16xi32>], vector<16xf32>,
          %mul3A_64 = arith.constant 16 : i32
          %mul3A_65 = arith.muli %scan3A_56, %mul3A_64 : i32
          %get3A_66 = arith.index_cast %mul3A_65 : i32 to index
          %get3A_67 = tpu.vector_load %arg32[%get3A_66] {strides = array<i32>} : memref<800xf32, #tpu.memory_space<vmem>>, vector<16xf32>,
          tpu.vector_store_idx %arg30[%add3A_60, %broadcast_in_dim3A_5], %get3A_67 : memref<800x16xf32, #tpu.memory_space<vmem>>[vector<16xi32>, vector<16xi32>], vector<16xf32>,
          %mul3A_68 = arith.constant 16 : i32
          %mul3A_69 = arith.muli %scan3A_56, %mul3A_68 : i32
          %get3A_70 = arith.index_cast %mul3A_69 : i32 to index
          %get3A_71 = tpu.vector_load %arg33[%get3A_70] {strides = array<i32>} : memref<800xf32, #tpu.memory_space<vmem>>, vector<16xf32>,
          tpu.vector_store_idx %arg30[%add3A_60, %broadcast_in_dim3A_7], %get3A_71 : memref<800x16xf32, #tpu.memory_space<vmem>>[vector<16xi32>, vector<16xi32>], vector<16xf32>,
        }
        %scan3A_53 = arith.constant 50 : i32
        %mul3A_54 = arith.constant 800 : i32
        %mul3A_55 = arith.muli %add3A_42, %mul3A_54 : i32
        "tpu.region"() ({
          %run_scoped3A = tpu.sem_alloc : memref<!tpu.dma_semaphore, #tpu.memory_space<semaphore_mem>>
          %dma_start3A = arith.constant 0 : i32
          %dma_start3A_56 = tpu.memref_slice %arg10[%mul3A_55, %dma_start3A] : memref<500000x16xf32, #tpu.memory_space<hbm>> -> memref<800x16xf32, #tpu.memory_space<hbm>>
          %dma_start3A_57 = arith.constant 0 : i32
          %dma_start3A_58 = tpu.memref_slice %arg10[%mul3A_55, %dma_start3A_57] : memref<500000x16xf32, #tpu.memory_space<hbm>> -> memref<800x16xf32, #tpu.memory_space<hbm>>
          tpu.enqueue_dma source(%arg30 : memref<800x16xf32, #tpu.memory_space<vmem>>) target(%dma_start3A_58 : memref<800x16xf32, #tpu.memory_space<hbm>>) target_semaphore(%run_scoped3A : memref<!tpu.dma_semaphore, #tpu.memory_space<semaphore_mem>>)
          %dma_wait3A = arith.constant 0 : i32
          %dma_wait3A_59 = tpu.memref_slice %arg10[%mul3A_55, %dma_wait3A] : memref<500000x16xf32, #tpu.memory_space<hbm>> -> memref<800x16xf32, #tpu.memory_space<hbm>>
          %dma_wait3A_60 = arith.constant 0 : i32
          %dma_wait3A_61 = tpu.memref_slice %arg10[%mul3A_55, %dma_wait3A_60] : memref<500000x16xf32, #tpu.memory_space<hbm>> -> memref<800x16xf32, #tpu.memory_space<hbm>>
          tpu.wait_dma2 semaphore(%run_scoped3A : memref<!tpu.dma_semaphore, #tpu.memory_space<semaphore_mem>>) src(%arg30 : memref<800x16xf32, #tpu.memory_space<vmem>>) dst(%dma_wait3A_61 : memref<800x16xf32, #tpu.memory_space<hbm>>)
          tpu.yield
        }) : () -> ()
      }
    } else {
    }
    %eq3A_10 = arith.constant 1 : i32
    %eq3A_11 = arith.cmpi eq, %arg0, %eq3A_10 : i32
    %convert_element_type3A_12 = arith.extui %eq3A_11 : i1 to i32
    %cond3A_13 = arith.constant 0 : i32
    %cond3A_14 = arith.cmpi ne, %convert_element_type3A_12, %cond3A_13 : i32
    scf.if %cond3A_14 {
      %lt3A_25 = arith.constant 1 : i32
      %lt3A_26 = arith.cmpi slt, %arg1, %lt3A_25 : i32
      %jit3A_27 = arith.constant 40 : i32
      %jit3A_28 = arith.constant 39 : i32
      %select_n3A_29 = arith.select %lt3A_26, %jit3A_27, %jit3A_28 : i32
      %while3A = arith.constant 0 : i32
      %while3A_30 = arith.constant 0 : i32
      %while3A_31 = arith.subi %select_n3A_29, %while3A_30 : i32
      %while3A_32 = arith.addi %while3A_30, %while3A_31 : i32
      %while3A_33 = arith.constant 1 : i32
      %while3A_34 = arith.divsi %while3A_31, %while3A_33 : i32
      %while3A_35 = arith.muli %while3A_34, %while3A_33 : i32
      %while3A_36 = arith.addi %while3A_30, %while3A_35 : i32
      %while3A_37 = arith.constant 1 : i32
      scf.for %while3A_39 = %while3A_30 to %while3A_36 step %while3A_37  : i32 {
        %mul3A_40 = arith.constant 16 : i32
        %mul3A_41 = arith.muli %while3A_39, %mul3A_40 : i32
        %add3A_42 = arith.addi %arg1, %mul3A_41 : i32
        %mul3A_43 = arith.constant 800 : i32
        %mul3A_44 = arith.muli %add3A_42, %mul3A_43 : i32
        "tpu.region"() ({
          %run_scoped3A = tpu.sem_alloc : memref<!tpu.dma_semaphore, #tpu.memory_space<semaphore_mem>>
          %dma_start3A = tpu.memref_slice %arg2[%mul3A_44] : memref<500000xf32, #tpu.memory_space<hbm>> -> memref<800xf32, #tpu.memory_space<hbm>>
          %dma_start3A_56 = tpu.memref_slice %arg2[%mul3A_44] : memref<500000xf32, #tpu.memory_space<hbm>> -> memref<800xf32, #tpu.memory_space<hbm>>
          tpu.enqueue_dma source(%dma_start3A_56 : memref<800xf32, #tpu.memory_space<hbm>>) target(%arg31 : memref<800xf32, #tpu.memory_space<vmem>>) target_semaphore(%run_scoped3A : memref<!tpu.dma_semaphore, #tpu.memory_space<semaphore_mem>>)
          %dma_wait3A = tpu.memref_slice %arg2[%mul3A_44] : memref<500000xf32, #tpu.memory_space<hbm>> -> memref<800xf32, #tpu.memory_space<hbm>>
          %dma_wait3A_57 = tpu.memref_slice %arg2[%mul3A_44] : memref<500000xf32, #tpu.memory_space<hbm>> -> memref<800xf32, #tpu.memory_space<hbm>>
          tpu.wait_dma2 semaphore(%run_scoped3A : memref<!tpu.dma_semaphore, #tpu.memory_space<semaphore_mem>>) src(%dma_wait3A_57 : memref<800xf32, #tpu.memory_space<hbm>>) dst(%arg31 : memref<800xf32, #tpu.memory_space<vmem>>)
          tpu.yield
        }) : () -> ()
        %mul3A_45 = arith.constant 800 : i32
        %mul3A_46 = arith.muli %add3A_42, %mul3A_45 : i32
        "tpu.region"() ({
          %run_scoped3A = tpu.sem_alloc : memref<!tpu.dma_semaphore, #tpu.memory_space<semaphore_mem>>
          %dma_start3A = tpu.memref_slice %arg3[%mul3A_46] : memref<500000xf32, #tpu.memory_space<hbm>> -> memref<800xf32, #tpu.memory_space<hbm>>
          %dma_start3A_56 = tpu.memref_slice %arg3[%mul3A_46] : memref<500000xf32, #tpu.memory_space<hbm>> -> memref<800xf32, #tpu.memory_space<hbm>>
          tpu.enqueue_dma source(%dma_start3A_56 : memref<800xf32, #tpu.memory_space<hbm>>) target(%arg32 : memref<800xf32, #tpu.memory_space<vmem>>) target_semaphore(%run_scoped3A : memref<!tpu.dma_semaphore, #tpu.memory_space<semaphore_mem>>)
          %dma_wait3A = tpu.memref_slice %arg3[%mul3A_46] : memref<500000xf32, #tpu.memory_space<hbm>> -> memref<800xf32, #tpu.memory_space<hbm>>
          %dma_wait3A_57 = tpu.memref_slice %arg3[%mul3A_46] : memref<500000xf32, #tpu.memory_space<hbm>> -> memref<800xf32, #tpu.memory_space<hbm>>
          tpu.wait_dma2 semaphore(%run_scoped3A : memref<!tpu.dma_semaphore, #tpu.memory_space<semaphore_mem>>) src(%dma_wait3A_57 : memref<800xf32, #tpu.memory_space<hbm>>) dst(%arg32 : memref<800xf32, #tpu.memory_space<vmem>>)
          tpu.yield
        }) : () -> ()
        %mul3A_47 = arith.constant 800 : i32
        %mul3A_48 = arith.muli %add3A_42, %mul3A_47 : i32
        "tpu.region"() ({
          %run_scoped3A = tpu.sem_alloc : memref<!tpu.dma_semaphore, #tpu.memory_space<semaphore_mem>>
          %dma_start3A = tpu.memref_slice %arg4[%mul3A_48] : memref<500000xf32, #tpu.memory_space<hbm>> -> memref<800xf32, #tpu.memory_space<hbm>>
          %dma_start3A_56 = tpu.memref_slice %arg4[%mul3A_48] : memref<500000xf32, #tpu.memory_space<hbm>> -> memref<800xf32, #tpu.memory_space<hbm>>
          tpu.enqueue_dma source(%dma_start3A_56 : memref<800xf32, #tpu.memory_space<hbm>>) target(%arg33 : memref<800xf32, #tpu.memory_space<vmem>>) target_semaphore(%run_scoped3A : memref<!tpu.dma_semaphore, #tpu.memory_space<semaphore_mem>>)
          %dma_wait3A = tpu.memref_slice %arg4[%mul3A_48] : memref<500000xf32, #tpu.memory_space<hbm>> -> memref<800xf32, #tpu.memory_space<hbm>>
          %dma_wait3A_57 = tpu.memref_slice %arg4[%mul3A_48] : memref<500000xf32, #tpu.memory_space<hbm>> -> memref<800xf32, #tpu.memory_space<hbm>>
          tpu.wait_dma2 semaphore(%run_scoped3A : memref<!tpu.dma_semaphore, #tpu.memory_space<semaphore_mem>>) src(%dma_wait3A_57 : memref<800xf32, #tpu.memory_space<hbm>>) dst(%arg33 : memref<800xf32, #tpu.memory_space<vmem>>)
          tpu.yield
        }) : () -> ()
        %scan3A = arith.constant 0 : i32
        %scan3A_49 = arith.constant 0 : i32
        %scan3A_50 = arith.constant 50 : i32
        %scan3A_51 = arith.addi %scan3A_49, %scan3A_50 : i32
        %scan3A_52 = arith.constant 1 : i32
        scf.for %scan3A_56 = %scan3A_49 to %scan3A_51 step %scan3A_52  : i32 {
          %mul3A_57 = arith.constant 16 : i32
          %mul3A_58 = arith.muli %scan3A_56, %mul3A_57 : i32
          %add3A_59 = vector.broadcast %mul3A_58 : i32 to vector<16xi32>
          %add3A_60 = arith.addi %add3A_59, %iota3A : vector<16xi32>
          %mul3A_61 = arith.constant 16 : i32
          %mul3A_62 = arith.muli %scan3A_56, %mul3A_61 : i32
          %get3A = arith.index_cast %mul3A_62 : i32 to index
          %get3A_63 = tpu.vector_load %arg31[%get3A] {strides = array<i32>} : memref<800xf32, #tpu.memory_space<vmem>>, vector<16xf32>,
          tpu.vector_store_idx %arg30[%add3A_60, %broadcast_in_dim3A_3], %get3A_63 : memref<800x16xf32, #tpu.memory_space<vmem>>[vector<16xi32>, vector<16xi32>], vector<16xf32>,
          %mul3A_64 = arith.constant 16 : i32
          %mul3A_65 = arith.muli %scan3A_56, %mul3A_64 : i32
          %get3A_66 = arith.index_cast %mul3A_65 : i32 to index
          %get3A_67 = tpu.vector_load %arg32[%get3A_66] {strides = array<i32>} : memref<800xf32, #tpu.memory_space<vmem>>, vector<16xf32>,
          tpu.vector_store_idx %arg30[%add3A_60, %broadcast_in_dim3A_5], %get3A_67 : memref<800x16xf32, #tpu.memory_space<vmem>>[vector<16xi32>, vector<16xi32>], vector<16xf32>,
          %mul3A_68 = arith.constant 16 : i32
          %mul3A_69 = arith.muli %scan3A_56, %mul3A_68 : i32
          %get3A_70 = arith.index_cast %mul3A_69 : i32 to index
          %get3A_71 = tpu.vector_load %arg33[%get3A_70] {strides = array<i32>} : memref<800xf32, #tpu.memory_space<vmem>>, vector<16xf32>,
          tpu.vector_store_idx %arg30[%add3A_60, %broadcast_in_dim3A_7], %get3A_71 : memref<800x16xf32, #tpu.memory_space<vmem>>[vector<16xi32>, vector<16xi32>], vector<16xf32>,
        }
        %scan3A_53 = arith.constant 50 : i32
        %mul3A_54 = arith.constant 800 : i32
        %mul3A_55 = arith.muli %add3A_42, %mul3A_54 : i32
        "tpu.region"() ({
          %run_scoped3A = tpu.sem_alloc : memref<!tpu.dma_semaphore, #tpu.memory_space<semaphore_mem>>
          %dma_start3A = arith.constant 0 : i32
          %dma_start3A_56 = tpu.memref_slice %arg11[%mul3A_55, %dma_start3A] : memref<500000x16xf32, #tpu.memory_space<hbm>> -> memref<800x16xf32, #tpu.memory_space<hbm>>
          %dma_start3A_57 = arith.constant 0 : i32
          %dma_start3A_58 = tpu.memref_slice %arg11[%mul3A_55, %dma_start3A_57] : memref<500000x16xf32, #tpu.memory_space<hbm>> -> memref<800x16xf32, #tpu.memory_space<hbm>>
          tpu.enqueue_dma source(%arg30 : memref<800x16xf32, #tpu.memory_space<vmem>>) target(%dma_start3A_58 : memref<800x16xf32, #tpu.memory_space<hbm>>) target_semaphore(%run_scoped3A : memref<!tpu.dma_semaphore, #tpu.memory_space<semaphore_mem>>)
          %dma_wait3A = arith.constant 0 : i32
          %dma_wait3A_59 = tpu.memref_slice %arg11[%mul3A_55, %dma_wait3A] : memref<500000x16xf32, #tpu.memory_space<hbm>> -> memref<800x16xf32, #tpu.memory_space<hbm>>
          %dma_wait3A_60 = arith.constant 0 : i32
          %dma_wait3A_61 = tpu.memref_slice %arg11[%mul3A_55, %dma_wait3A_60] : memref<500000x16xf32, #tpu.memory_space<hbm>> -> memref<800x16xf32, #tpu.memory_space<hbm>>
          tpu.wait_dma2 semaphore(%run_scoped3A : memref<!tpu.dma_semaphore, #tpu.memory_space<semaphore_mem>>) src(%arg30 : memref<800x16xf32, #tpu.memory_space<vmem>>) dst(%dma_wait3A_61 : memref<800x16xf32, #tpu.memory_space<hbm>>)
          tpu.yield
        }) : () -> ()
      }
      %while3A_38 = arith.constant 1 : i32
      scf.for %while3A_39 = %while3A_36 to %while3A_32 step %while3A_38  : i32 {
        %mul3A_40 = arith.constant 16 : i32
        %mul3A_41 = arith.muli %while3A_39, %mul3A_40 : i32
        %add3A_42 = arith.addi %arg1, %mul3A_41 : i32
        %mul3A_43 = arith.constant 800 : i32
        %mul3A_44 = arith.muli %add3A_42, %mul3A_43 : i32
        "tpu.region"() ({
          %run_scoped3A = tpu.sem_alloc : memref<!tpu.dma_semaphore, #tpu.memory_space<semaphore_mem>>
          %dma_start3A = tpu.memref_slice %arg2[%mul3A_44] : memref<500000xf32, #tpu.memory_space<hbm>> -> memref<800xf32, #tpu.memory_space<hbm>>
          %dma_start3A_56 = tpu.memref_slice %arg2[%mul3A_44] : memref<500000xf32, #tpu.memory_space<hbm>> -> memref<800xf32, #tpu.memory_space<hbm>>
          tpu.enqueue_dma source(%dma_start3A_56 : memref<800xf32, #tpu.memory_space<hbm>>) target(%arg31 : memref<800xf32, #tpu.memory_space<vmem>>) target_semaphore(%run_scoped3A : memref<!tpu.dma_semaphore, #tpu.memory_space<semaphore_mem>>)
          %dma_wait3A = tpu.memref_slice %arg2[%mul3A_44] : memref<500000xf32, #tpu.memory_space<hbm>> -> memref<800xf32, #tpu.memory_space<hbm>>
          %dma_wait3A_57 = tpu.memref_slice %arg2[%mul3A_44] : memref<500000xf32, #tpu.memory_space<hbm>> -> memref<800xf32, #tpu.memory_space<hbm>>
          tpu.wait_dma2 semaphore(%run_scoped3A : memref<!tpu.dma_semaphore, #tpu.memory_space<semaphore_mem>>) src(%dma_wait3A_57 : memref<800xf32, #tpu.memory_space<hbm>>) dst(%arg31 : memref<800xf32, #tpu.memory_space<vmem>>)
          tpu.yield
        }) : () -> ()
        %mul3A_45 = arith.constant 800 : i32
        %mul3A_46 = arith.muli %add3A_42, %mul3A_45 : i32
        "tpu.region"() ({
          %run_scoped3A = tpu.sem_alloc : memref<!tpu.dma_semaphore, #tpu.memory_space<semaphore_mem>>
          %dma_start3A = tpu.memref_slice %arg3[%mul3A_46] : memref<500000xf32, #tpu.memory_space<hbm>> -> memref<800xf32, #tpu.memory_space<hbm>>
          %dma_start3A_56 = tpu.memref_slice %arg3[%mul3A_46] : memref<500000xf32, #tpu.memory_space<hbm>> -> memref<800xf32, #tpu.memory_space<hbm>>
          tpu.enqueue_dma source(%dma_start3A_56 : memref<800xf32, #tpu.memory_space<hbm>>) target(%arg32 : memref<800xf32, #tpu.memory_space<vmem>>) target_semaphore(%run_scoped3A : memref<!tpu.dma_semaphore, #tpu.memory_space<semaphore_mem>>)
          %dma_wait3A = tpu.memref_slice %arg3[%mul3A_46] : memref<500000xf32, #tpu.memory_space<hbm>> -> memref<800xf32, #tpu.memory_space<hbm>>
          %dma_wait3A_57 = tpu.memref_slice %arg3[%mul3A_46] : memref<500000xf32, #tpu.memory_space<hbm>> -> memref<800xf32, #tpu.memory_space<hbm>>
          tpu.wait_dma2 semaphore(%run_scoped3A : memref<!tpu.dma_semaphore, #tpu.memory_space<semaphore_mem>>) src(%dma_wait3A_57 : memref<800xf32, #tpu.memory_space<hbm>>) dst(%arg32 : memref<800xf32, #tpu.memory_space<vmem>>)
          tpu.yield
        }) : () -> ()
        %mul3A_47 = arith.constant 800 : i32
        %mul3A_48 = arith.muli %add3A_42, %mul3A_47 : i32
        "tpu.region"() ({
          %run_scoped3A = tpu.sem_alloc : memref<!tpu.dma_semaphore, #tpu.memory_space<semaphore_mem>>
          %dma_start3A = tpu.memref_slice %arg4[%mul3A_48] : memref<500000xf32, #tpu.memory_space<hbm>> -> memref<800xf32, #tpu.memory_space<hbm>>
          %dma_start3A_56 = tpu.memref_slice %arg4[%mul3A_48] : memref<500000xf32, #tpu.memory_space<hbm>> -> memref<800xf32, #tpu.memory_space<hbm>>
          tpu.enqueue_dma source(%dma_start3A_56 : memref<800xf32, #tpu.memory_space<hbm>>) target(%arg33 : memref<800xf32, #tpu.memory_space<vmem>>) target_semaphore(%run_scoped3A : memref<!tpu.dma_semaphore, #tpu.memory_space<semaphore_mem>>)
          %dma_wait3A = tpu.memref_slice %arg4[%mul3A_48] : memref<500000xf32, #tpu.memory_space<hbm>> -> memref<800xf32, #tpu.memory_space<hbm>>
          %dma_wait3A_57 = tpu.memref_slice %arg4[%mul3A_48] : memref<500000xf32, #tpu.memory_space<hbm>> -> memref<800xf32, #tpu.memory_space<hbm>>
          tpu.wait_dma2 semaphore(%run_scoped3A : memref<!tpu.dma_semaphore, #tpu.memory_space<semaphore_mem>>) src(%dma_wait3A_57 : memref<800xf32, #tpu.memory_space<hbm>>) dst(%arg33 : memref<800xf32, #tpu.memory_space<vmem>>)
          tpu.yield
        }) : () -> ()
        %scan3A = arith.constant 0 : i32
        %scan3A_49 = arith.constant 0 : i32
        %scan3A_50 = arith.constant 50 : i32
        %scan3A_51 = arith.addi %scan3A_49, %scan3A_50 : i32
        %scan3A_52 = arith.constant 1 : i32
        scf.for %scan3A_56 = %scan3A_49 to %scan3A_51 step %scan3A_52  : i32 {
          %mul3A_57 = arith.constant 16 : i32
          %mul3A_58 = arith.muli %scan3A_56, %mul3A_57 : i32
          %add3A_59 = vector.broadcast %mul3A_58 : i32 to vector<16xi32>
          %add3A_60 = arith.addi %add3A_59, %iota3A : vector<16xi32>
          %mul3A_61 = arith.constant 16 : i32
          %mul3A_62 = arith.muli %scan3A_56, %mul3A_61 : i32
          %get3A = arith.index_cast %mul3A_62 : i32 to index
          %get3A_63 = tpu.vector_load %arg31[%get3A] {strides = array<i32>} : memref<800xf32, #tpu.memory_space<vmem>>, vector<16xf32>,
          tpu.vector_store_idx %arg30[%add3A_60, %broadcast_in_dim3A_3], %get3A_63 : memref<800x16xf32, #tpu.memory_space<vmem>>[vector<16xi32>, vector<16xi32>], vector<16xf32>,
          %mul3A_64 = arith.constant 16 : i32
          %mul3A_65 = arith.muli %scan3A_56, %mul3A_64 : i32
          %get3A_66 = arith.index_cast %mul3A_65 : i32 to index
          %get3A_67 = tpu.vector_load %arg32[%get3A_66] {strides = array<i32>} : memref<800xf32, #tpu.memory_space<vmem>>, vector<16xf32>,
          tpu.vector_store_idx %arg30[%add3A_60, %broadcast_in_dim3A_5], %get3A_67 : memref<800x16xf32, #tpu.memory_space<vmem>>[vector<16xi32>, vector<16xi32>], vector<16xf32>,
          %mul3A_68 = arith.constant 16 : i32
          %mul3A_69 = arith.muli %scan3A_56, %mul3A_68 : i32
          %get3A_70 = arith.index_cast %mul3A_69 : i32 to index
          %get3A_71 = tpu.vector_load %arg33[%get3A_70] {strides = array<i32>} : memref<800xf32, #tpu.memory_space<vmem>>, vector<16xf32>,
          tpu.vector_store_idx %arg30[%add3A_60, %broadcast_in_dim3A_7], %get3A_71 : memref<800x16xf32, #tpu.memory_space<vmem>>[vector<16xi32>, vector<16xi32>], vector<16xf32>,
        }
        %scan3A_53 = arith.constant 50 : i32
        %mul3A_54 = arith.constant 800 : i32
        %mul3A_55 = arith.muli %add3A_42, %mul3A_54 : i32
        "tpu.region"() ({
          %run_scoped3A = tpu.sem_alloc : memref<!tpu.dma_semaphore, #tpu.memory_space<semaphore_mem>>
          %dma_start3A = arith.constant 0 : i32
          %dma_start3A_56 = tpu.memref_slice %arg11[%mul3A_55, %dma_start3A] : memref<500000x16xf32, #tpu.memory_space<hbm>> -> memref<800x16xf32, #tpu.memory_space<hbm>>
          %dma_start3A_57 = arith.constant 0 : i32
          %dma_start3A_58 = tpu.memref_slice %arg11[%mul3A_55, %dma_start3A_57] : memref<500000x16xf32, #tpu.memory_space<hbm>> -> memref<800x16xf32, #tpu.memory_space<hbm>>
          tpu.enqueue_dma source(%arg30 : memref<800x16xf32, #tpu.memory_space<vmem>>) target(%dma_start3A_58 : memref<800x16xf32, #tpu.memory_space<hbm>>) target_semaphore(%run_scoped3A : memref<!tpu.dma_semaphore, #tpu.memory_space<semaphore_mem>>)
          %dma_wait3A = arith.constant 0 : i32
          %dma_wait3A_59 = tpu.memref_slice %arg11[%mul3A_55, %dma_wait3A] : memref<500000x16xf32, #tpu.memory_space<hbm>> -> memref<800x16xf32, #tpu.memory_space<hbm>>
          %dma_wait3A_60 = arith.constant 0 : i32
          %dma_wait3A_61 = tpu.memref_slice %arg11[%mul3A_55, %dma_wait3A_60] : memref<500000x16xf32, #tpu.memory_space<hbm>> -> memref<800x16xf32, #tpu.memory_space<hbm>>
          tpu.wait_dma2 semaphore(%run_scoped3A : memref<!tpu.dma_semaphore, #tpu.memory_space<semaphore_mem>>) src(%arg30 : memref<800x16xf32, #tpu.memory_space<vmem>>) dst(%dma_wait3A_61 : memref<800x16xf32, #tpu.memory_space<hbm>>)
          tpu.yield
        }) : () -> ()
      }
    } else {
    }
    %barrier3A = arith.constant 0 : index
    tpu.barrier barrier_id(%barrier3A)
    %eq3A_15 = arith.constant 0 : i32
    %eq3A_16 = arith.cmpi eq, %arg0, %eq3A_15 : i32
    %convert_element_type3A_17 = arith.extui %eq3A_16 : i1 to i32
    %cond3A_18 = arith.constant 0 : i32
    %cond3A_19 = arith.cmpi ne, %convert_element_type3A_17, %cond3A_18 : i32
    scf.if %cond3A_19 {
      %gt3A = arith.constant 0 : i32
      %gt3A_25 = arith.cmpi sgt, %select_n3A, %gt3A : i32
      %convert_element_type3A_26 = arith.extui %gt3A_25 : i1 to i32
      %cond3A_27 = arith.constant 0 : i32
      %cond3A_28 = arith.cmpi ne, %convert_element_type3A_26, %cond3A_27 : i32
      scf.if %cond3A_28 {
        %add3A_68 = arith.constant 0 : i32
        %add3A_69 = arith.addi %add3A, %add3A_68 : i32
        %mul3A_70 = arith.constant 800 : i32
        %mul3A_71 = arith.muli %add3A_69, %mul3A_70 : i32
        %dma_start3A = tpu.memref_slice %arg5[%mul3A_71] : memref<2000000xi32, #tpu.memory_space<hbm>> -> memref<800xi32, #tpu.memory_space<hbm>>
        %dma_start3A_72 = tpu.memref_slice %arg5[%mul3A_71] : memref<2000000xi32, #tpu.memory_space<hbm>> -> memref<800xi32, #tpu.memory_space<hbm>>
        tpu.enqueue_dma source(%dma_start3A_72 : memref<800xi32, #tpu.memory_space<hbm>>) target(%arg12 : memref<800xi32, #tpu.memory_space<vmem>>) target_semaphore(%arg34 : memref<!tpu.dma_semaphore, #tpu.memory_space<semaphore_mem>>)
        %mul3A_73 = arith.constant 800 : i32
        %mul3A_74 = arith.muli %add3A_69, %mul3A_73 : i32
        %dma_start3A_75 = tpu.memref_slice %arg6[%mul3A_74] : memref<2000000xi32, #tpu.memory_space<hbm>> -> memref<800xi32, #tpu.memory_space<hbm>>
        %dma_start3A_76 = tpu.memref_slice %arg6[%mul3A_74] : memref<2000000xi32, #tpu.memory_space<hbm>> -> memref<800xi32, #tpu.memory_space<hbm>>
        tpu.enqueue_dma source(%dma_start3A_76 : memref<800xi32, #tpu.memory_space<hbm>>) target(%arg13 : memref<800xi32, #tpu.memory_space<vmem>>) target_semaphore(%arg34 : memref<!tpu.dma_semaphore, #tpu.memory_space<semaphore_mem>>)
        %mul3A_77 = arith.constant 800 : i32
        %mul3A_78 = arith.muli %add3A_69, %mul3A_77 : i32
        %dma_start3A_79 = tpu.memref_slice %arg7[%mul3A_78] : memref<2000000xi32, #tpu.memory_space<hbm>> -> memref<800xi32, #tpu.memory_space<hbm>>
        %dma_start3A_80 = tpu.memref_slice %arg7[%mul3A_78] : memref<2000000xi32, #tpu.memory_space<hbm>> -> memref<800xi32, #tpu.memory_space<hbm>>
        tpu.enqueue_dma source(%dma_start3A_80 : memref<800xi32, #tpu.memory_space<hbm>>) target(%arg14 : memref<800xi32, #tpu.memory_space<vmem>>) target_semaphore(%arg34 : memref<!tpu.dma_semaphore, #tpu.memory_space<semaphore_mem>>)
        %mul3A_81 = arith.constant 800 : i32
        %mul3A_82 = arith.muli %add3A_69, %mul3A_81 : i32
        %dma_start3A_83 = tpu.memref_slice %arg8[%mul3A_82] : memref<2000000xi32, #tpu.memory_space<hbm>> -> memref<800xi32, #tpu.memory_space<hbm>>
        %dma_start3A_84 = tpu.memref_slice %arg8[%mul3A_82] : memref<2000000xi32, #tpu.memory_space<hbm>> -> memref<800xi32, #tpu.memory_space<hbm>>
        tpu.enqueue_dma source(%dma_start3A_84 : memref<800xi32, #tpu.memory_space<hbm>>) target(%arg15 : memref<800xi32, #tpu.memory_space<vmem>>) target_semaphore(%arg34 : memref<!tpu.dma_semaphore, #tpu.memory_space<semaphore_mem>>)
        %mul3A_85 = arith.constant 800 : i32
        %mul3A_86 = arith.muli %add3A_69, %mul3A_85 : i32
        %dma_wait3A = tpu.memref_slice %arg5[%mul3A_86] : memref<2000000xi32, #tpu.memory_space<hbm>> -> memref<800xi32, #tpu.memory_space<hbm>>
        %dma_wait3A_87 = tpu.memref_slice %arg5[%mul3A_86] : memref<2000000xi32, #tpu.memory_space<hbm>> -> memref<800xi32, #tpu.memory_space<hbm>>
        tpu.wait_dma2 semaphore(%arg34 : memref<!tpu.dma_semaphore, #tpu.memory_space<semaphore_mem>>) src(%dma_wait3A_87 : memref<800xi32, #tpu.memory_space<hbm>>) dst(%arg12 : memref<800xi32, #tpu.memory_space<vmem>>)
        %mul3A_88 = arith.constant 800 : i32
        %mul3A_89 = arith.muli %add3A_69, %mul3A_88 : i32
        %dma_wait3A_90 = tpu.memref_slice %arg6[%mul3A_89] : memref<2000000xi32, #tpu.memory_space<hbm>> -> memref<800xi32, #tpu.memory_space<hbm>>
        %dma_wait3A_91 = tpu.memref_slice %arg6[%mul3A_89] : memref<2000000xi32, #tpu.memory_space<hbm>> -> memref<800xi32, #tpu.memory_space<hbm>>
        tpu.wait_dma2 semaphore(%arg34 : memref<!tpu.dma_semaphore, #tpu.memory_space<semaphore_mem>>) src(%dma_wait3A_91 : memref<800xi32, #tpu.memory_space<hbm>>) dst(%arg13 : memref<800xi32, #tpu.memory_space<vmem>>)
        %mul3A_92 = arith.constant 800 : i32
        %mul3A_93 = arith.muli %add3A_69, %mul3A_92 : i32
        %dma_wait3A_94 = tpu.memref_slice %arg7[%mul3A_93] : memref<2000000xi32, #tpu.memory_space<hbm>> -> memref<800xi32, #tpu.memory_space<hbm>>
        %dma_wait3A_95 = tpu.memref_slice %arg7[%mul3A_93] : memref<2000000xi32, #tpu.memory_space<hbm>> -> memref<800xi32, #tpu.memory_space<hbm>>
        tpu.wait_dma2 semaphore(%arg34 : memref<!tpu.dma_semaphore, #tpu.memory_space<semaphore_mem>>) src(%dma_wait3A_95 : memref<800xi32, #tpu.memory_space<hbm>>) dst(%arg14 : memref<800xi32, #tpu.memory_space<vmem>>)
        %mul3A_96 = arith.constant 800 : i32
        %mul3A_97 = arith.muli %add3A_69, %mul3A_96 : i32
        %dma_wait3A_98 = tpu.memref_slice %arg8[%mul3A_97] : memref<2000000xi32, #tpu.memory_space<hbm>> -> memref<800xi32, #tpu.memory_space<hbm>>
        %dma_wait3A_99 = tpu.memref_slice %arg8[%mul3A_97] : memref<2000000xi32, #tpu.memory_space<hbm>> -> memref<800xi32, #tpu.memory_space<hbm>>
        tpu.wait_dma2 semaphore(%arg34 : memref<!tpu.dma_semaphore, #tpu.memory_space<semaphore_mem>>) src(%dma_wait3A_99 : memref<800xi32, #tpu.memory_space<hbm>>) dst(%arg15 : memref<800xi32, #tpu.memory_space<vmem>>)
        %dma_start3A_100 = arith.constant 0 : i32
        %dma_start3A_101 = arith.constant 0 : i32
        %dma_start3A_102 = tpu.memref_slice %arg10[%dma_start3A_100, %dma_start3A_101] : memref<500000x16xf32, #tpu.memory_space<hbm>> -> memref<500000x16xf32, #tpu.memory_space<hbm>>
        tpu.enqueue_indirect_dma source(%dma_start3A_102 : memref<500000x16xf32, #tpu.memory_space<hbm>>) target(%arg20 : memref<800x16xf32, #tpu.memory_space<vmem>>) offsets(%arg12 : memref<800xi32, #tpu.memory_space<vmem>>) semaphore(%arg36 : memref<!tpu.dma_semaphore, #tpu.memory_space<semaphore_mem>>)
        %dma_start3A_103 = arith.constant 0 : i32
        %dma_start3A_104 = arith.constant 0 : i32
        %dma_start3A_105 = tpu.memref_slice %arg10[%dma_start3A_103, %dma_start3A_104] : memref<500000x16xf32, #tpu.memory_space<hbm>> -> memref<500000x16xf32, #tpu.memory_space<hbm>>
        tpu.enqueue_indirect_dma source(%dma_start3A_105 : memref<500000x16xf32, #tpu.memory_space<hbm>>) target(%arg21 : memref<800x16xf32, #tpu.memory_space<vmem>>) offsets(%arg13 : memref<800xi32, #tpu.memory_space<vmem>>) semaphore(%arg36 : memref<!tpu.dma_semaphore, #tpu.memory_space<semaphore_mem>>)
        %dma_start3A_106 = arith.constant 0 : i32
        %dma_start3A_107 = arith.constant 0 : i32
        %dma_start3A_108 = tpu.memref_slice %arg10[%dma_start3A_106, %dma_start3A_107] : memref<500000x16xf32, #tpu.memory_space<hbm>> -> memref<500000x16xf32, #tpu.memory_space<hbm>>
        tpu.enqueue_indirect_dma source(%dma_start3A_108 : memref<500000x16xf32, #tpu.memory_space<hbm>>) target(%arg22 : memref<800x16xf32, #tpu.memory_space<vmem>>) offsets(%arg14 : memref<800xi32, #tpu.memory_space<vmem>>) semaphore(%arg36 : memref<!tpu.dma_semaphore, #tpu.memory_space<semaphore_mem>>)
        %dma_start3A_109 = arith.constant 0 : i32
        %dma_start3A_110 = arith.constant 0 : i32
        %dma_start3A_111 = tpu.memref_slice %arg10[%dma_start3A_109, %dma_start3A_110] : memref<500000x16xf32, #tpu.memory_space<hbm>> -> memref<500000x16xf32, #tpu.memory_space<hbm>>
        tpu.enqueue_indirect_dma source(%dma_start3A_111 : memref<500000x16xf32, #tpu.memory_space<hbm>>) target(%arg23 : memref<800x16xf32, #tpu.memory_space<vmem>>) offsets(%arg15 : memref<800xi32, #tpu.memory_space<vmem>>) semaphore(%arg36 : memref<!tpu.dma_semaphore, #tpu.memory_space<semaphore_mem>>)
      } else {
      }
      %add3A_29 = arith.constant 1 : i32
      %add3A_30 = arith.addi %select_n3A, %add3A_29 : i32
      %jit3A_31 = arith.constant 2 : i32
      %div3A = arith.divsi %add3A_30, %jit3A_31 : i32
      %sign3A = arith.constant 0 : i32
      %sign3A_32 = arith.cmpi sgt, %add3A_30, %sign3A : i32
      %sign3A_33 = arith.extui %sign3A_32 : i1 to i32
      %sign3A_34 = arith.constant 0 : i32
      %sign3A_35 = arith.cmpi slt, %add3A_30, %sign3A_34 : i32
      %sign3A_36 = arith.extui %sign3A_35 : i1 to i32
      %sign3A_37 = arith.subi %sign3A_33, %sign3A_36 : i32
      %sign3A_38 = arith.constant 0 : i32
      %sign3A_39 = arith.cmpi sgt, %jit3A_31, %sign3A_38 : i32
      %sign3A_40 = arith.extui %sign3A_39 : i1 to i32
      %sign3A_41 = arith.constant 0 : i32
      %sign3A_42 = arith.cmpi slt, %jit3A_31, %sign3A_41 : i32
      %sign3A_43 = arith.extui %sign3A_42 : i1 to i32
      %sign3A_44 = arith.subi %sign3A_40, %sign3A_43 : i32
      %ne3A = arith.cmpi ne, %sign3A_37, %sign3A_44 : i32
      %rem3A = arith.remsi %add3A_30, %jit3A_31 : i32
      %ne3A_45 = arith.constant 0 : i32
      %ne3A_46 = arith.cmpi ne, %rem3A, %ne3A_45 : i32
      %and3A = arith.andi %ne3A, %ne3A_46 : i1
      %sub3A = arith.constant 1 : i32
      %sub3A_47 = arith.subi %div3A, %sub3A : i32
      %select_n3A_48 = arith.select %and3A, %sub3A_47, %div3A : i32
      %while3A = arith.constant 0 : i32
      %while3A_49 = arith.constant 0 : i32
      %while3A_50 = arith.subi %select_n3A_48, %while3A_49 : i32
      %while3A_51 = arith.addi %while3A_49, %while3A_50 : i32
      %while3A_52 = arith.constant 1 : i32
      %while3A_53 = arith.divsi %while3A_50, %while3A_52 : i32
      %while3A_54 = arith.muli %while3A_53, %while3A_52 : i32
      %while3A_55 = arith.addi %while3A_49, %while3A_54 : i32
      %while3A_56 = arith.constant 1 : i32
      scf.for %while3A_68 = %while3A_49 to %while3A_55 step %while3A_56  : i32 {
        %mul3A_69 = arith.constant 2 : i32
        %mul3A_70 = arith.muli %mul3A_69, %while3A_68 : i32
        %add3A_71 = arith.constant 1 : i32
        %add3A_72 = arith.addi %mul3A_70, %add3A_71 : i32
        %lt3A_73 = arith.cmpi slt, %add3A_72, %select_n3A : i32
        %convert_element_type3A_74 = arith.extui %lt3A_73 : i1 to i32
        %cond3A_75 = arith.constant 0 : i32
        %cond3A_76 = arith.cmpi ne, %convert_element_type3A_74, %cond3A_75 : i32
        scf.if %cond3A_76 {
          %mul3A_113 = arith.constant 32 : i32
          %mul3A_114 = arith.muli %add3A_72, %mul3A_113 : i32
          %add3A_115 = arith.addi %add3A, %mul3A_114 : i32
          %mul3A_116 = arith.constant 800 : i32
          %mul3A_117 = arith.muli %add3A_115, %mul3A_116 : i32
          %dma_start3A_118 = tpu.memref_slice %arg5[%mul3A_117] : memref<2000000xi32, #tpu.memory_space<hbm>> -> memref<800xi32, #tpu.memory_space<hbm>>
          %dma_start3A_119 = tpu.memref_slice %arg5[%mul3A_117] : memref<2000000xi32, #tpu.memory_space<hbm>> -> memref<800xi32, #tpu.memory_space<hbm>>
          tpu.enqueue_dma source(%dma_start3A_119 : memref<800xi32, #tpu.memory_space<hbm>>) target(%arg16 : memref<800xi32, #tpu.memory_space<vmem>>) target_semaphore(%arg35 : memref<!tpu.dma_semaphore, #tpu.memory_space<semaphore_mem>>)
          %mul3A_120 = arith.constant 800 : i32
          %mul3A_121 = arith.muli %add3A_115, %mul3A_120 : i32
          %dma_start3A_122 = tpu.memref_slice %arg6[%mul3A_121] : memref<2000000xi32, #tpu.memory_space<hbm>> -> memref<800xi32, #tpu.memory_space<hbm>>
          %dma_start3A_123 = tpu.memref_slice %arg6[%mul3A_121] : memref<2000000xi32, #tpu.memory_space<hbm>> -> memref<800xi32, #tpu.memory_space<hbm>>
          tpu.enqueue_dma source(%dma_start3A_123 : memref<800xi32, #tpu.memory_space<hbm>>) target(%arg17 : memref<800xi32, #tpu.memory_space<vmem>>) target_semaphore(%arg35 : memref<!tpu.dma_semaphore, #tpu.memory_space<semaphore_mem>>)
          %mul3A_124 = arith.constant 800 : i32
          %mul3A_125 = arith.muli %add3A_115, %mul3A_124 : i32
          %dma_start3A_126 = tpu.memref_slice %arg7[%mul3A_125] : memref<2000000xi32, #tpu.memory_space<hbm>> -> memref<800xi32, #tpu.memory_space<hbm>>
          %dma_start3A_127 = tpu.memref_slice %arg7[%mul3A_125] : memref<2000000xi32, #tpu.memory_space<hbm>> -> memref<800xi32, #tpu.memory_space<hbm>>
          tpu.enqueue_dma source(%dma_start3A_127 : memref<800xi32, #tpu.memory_space<hbm>>) target(%arg18 : memref<800xi32, #tpu.memory_space<vmem>>) target_semaphore(%arg35 : memref<!tpu.dma_semaphore, #tpu.memory_space<semaphore_mem>>)
          %mul3A_128 = arith.constant 800 : i32
          %mul3A_129 = arith.muli %add3A_115, %mul3A_128 : i32
          %dma_start3A_130 = tpu.memref_slice %arg8[%mul3A_129] : memref<2000000xi32, #tpu.memory_space<hbm>> -> memref<800xi32, #tpu.memory_space<hbm>>
          %dma_start3A_131 = tpu.memref_slice %arg8[%mul3A_129] : memref<2000000xi32, #tpu.memory_space<hbm>> -> memref<800xi32, #tpu.memory_space<hbm>>
          tpu.enqueue_dma source(%dma_start3A_131 : memref<800xi32, #tpu.memory_space<hbm>>) target(%arg19 : memref<800xi32, #tpu.memory_space<vmem>>) target_semaphore(%arg35 : memref<!tpu.dma_semaphore, #tpu.memory_space<semaphore_mem>>)
          %mul3A_132 = arith.constant 800 : i32
          %mul3A_133 = arith.muli %add3A_115, %mul3A_132 : i32
          %dma_wait3A_134 = tpu.memref_slice %arg5[%mul3A_133] : memref<2000000xi32, #tpu.memory_space<hbm>> -> memref<800xi32, #tpu.memory_space<hbm>>
          %dma_wait3A_135 = tpu.memref_slice %arg5[%mul3A_133] : memref<2000000xi32, #tpu.memory_space<hbm>> -> memref<800xi32, #tpu.memory_space<hbm>>
          tpu.wait_dma2 semaphore(%arg35 : memref<!tpu.dma_semaphore, #tpu.memory_space<semaphore_mem>>) src(%dma_wait3A_135 : memref<800xi32, #tpu.memory_space<hbm>>) dst(%arg16 : memref<800xi32, #tpu.memory_space<vmem>>)
          %mul3A_136 = arith.constant 800 : i32
          %mul3A_137 = arith.muli %add3A_115, %mul3A_136 : i32
          %dma_wait3A_138 = tpu.memref_slice %arg6[%mul3A_137] : memref<2000000xi32, #tpu.memory_space<hbm>> -> memref<800xi32, #tpu.memory_space<hbm>>
          %dma_wait3A_139 = tpu.memref_slice %arg6[%mul3A_137] : memref<2000000xi32, #tpu.memory_space<hbm>> -> memref<800xi32, #tpu.memory_space<hbm>>
          tpu.wait_dma2 semaphore(%arg35 : memref<!tpu.dma_semaphore, #tpu.memory_space<semaphore_mem>>) src(%dma_wait3A_139 : memref<800xi32, #tpu.memory_space<hbm>>) dst(%arg17 : memref<800xi32, #tpu.memory_space<vmem>>)
          %mul3A_140 = arith.constant 800 : i32
          %mul3A_141 = arith.muli %add3A_115, %mul3A_140 : i32
          %dma_wait3A_142 = tpu.memref_slice %arg7[%mul3A_141] : memref<2000000xi32, #tpu.memory_space<hbm>> -> memref<800xi32, #tpu.memory_space<hbm>>
          %dma_wait3A_143 = tpu.memref_slice %arg7[%mul3A_141] : memref<2000000xi32, #tpu.memory_space<hbm>> -> memref<800xi32, #tpu.memory_space<hbm>>
          tpu.wait_dma2 semaphore(%arg35 : memref<!tpu.dma_semaphore, #tpu.memory_space<semaphore_mem>>) src(%dma_wait3A_143 : memref<800xi32, #tpu.memory_space<hbm>>) dst(%arg18 : memref<800xi32, #tpu.memory_space<vmem>>)
          %mul3A_144 = arith.constant 800 : i32
          %mul3A_145 = arith.muli %add3A_115, %mul3A_144 : i32
          %dma_wait3A_146 = tpu.memref_slice %arg8[%mul3A_145] : memref<2000000xi32, #tpu.memory_space<hbm>> -> memref<800xi32, #tpu.memory_space<hbm>>
          %dma_wait3A_147 = tpu.memref_slice %arg8[%mul3A_145] : memref<2000000xi32, #tpu.memory_space<hbm>> -> memref<800xi32, #tpu.memory_space<hbm>>
          tpu.wait_dma2 semaphore(%arg35 : memref<!tpu.dma_semaphore, #tpu.memory_space<semaphore_mem>>) src(%dma_wait3A_147 : memref<800xi32, #tpu.memory_space<hbm>>) dst(%arg19 : memref<800xi32, #tpu.memory_space<vmem>>)
          %dma_start3A_148 = arith.constant 0 : i32
          %dma_start3A_149 = arith.constant 0 : i32
          %dma_start3A_150 = tpu.memref_slice %arg10[%dma_start3A_148, %dma_start3A_149] : memref<500000x16xf32, #tpu.memory_space<hbm>> -> memref<500000x16xf32, #tpu.memory_space<hbm>>
          tpu.enqueue_indirect_dma source(%dma_start3A_150 : memref<500000x16xf32, #tpu.memory_space<hbm>>) target(%arg24 : memref<800x16xf32, #tpu.memory_space<vmem>>) offsets(%arg16 : memref<800xi32, #tpu.memory_space<vmem>>) semaphore(%arg37 : memref<!tpu.dma_semaphore, #tpu.memory_space<semaphore_mem>>)
          %dma_start3A_151 = arith.constant 0 : i32
          %dma_start3A_152 = arith.constant 0 : i32
          %dma_start3A_153 = tpu.memref_slice %arg10[%dma_start3A_151, %dma_start3A_152] : memref<500000x16xf32, #tpu.memory_space<hbm>> -> memref<500000x16xf32, #tpu.memory_space<hbm>>
          tpu.enqueue_indirect_dma source(%dma_start3A_153 : memref<500000x16xf32, #tpu.memory_space<hbm>>) target(%arg25 : memref<800x16xf32, #tpu.memory_space<vmem>>) offsets(%arg17 : memref<800xi32, #tpu.memory_space<vmem>>) semaphore(%arg37 : memref<!tpu.dma_semaphore, #tpu.memory_space<semaphore_mem>>)
          %dma_start3A_154 = arith.constant 0 : i32
          %dma_start3A_155 = arith.constant 0 : i32
          %dma_start3A_156 = tpu.memref_slice %arg10[%dma_start3A_154, %dma_start3A_155] : memref<500000x16xf32, #tpu.memory_space<hbm>> -> memref<500000x16xf32, #tpu.memory_space<hbm>>
          tpu.enqueue_indirect_dma source(%dma_start3A_156 : memref<500000x16xf32, #tpu.memory_space<hbm>>) target(%arg26 : memref<800x16xf32, #tpu.memory_space<vmem>>) offsets(%arg18 : memref<800xi32, #tpu.memory_space<vmem>>) semaphore(%arg37 : memref<!tpu.dma_semaphore, #tpu.memory_space<semaphore_mem>>)
          %dma_start3A_157 = arith.constant 0 : i32
          %dma_start3A_158 = arith.constant 0 : i32
          %dma_start3A_159 = tpu.memref_slice %arg10[%dma_start3A_157, %dma_start3A_158] : memref<500000x16xf32, #tpu.memory_space<hbm>> -> memref<500000x16xf32, #tpu.memory_space<hbm>>
          tpu.enqueue_indirect_dma source(%dma_start3A_159 : memref<500000x16xf32, #tpu.memory_space<hbm>>) target(%arg27 : memref<800x16xf32, #tpu.memory_space<vmem>>) offsets(%arg19 : memref<800xi32, #tpu.memory_space<vmem>>) semaphore(%arg37 : memref<!tpu.dma_semaphore, #tpu.memory_space<semaphore_mem>>)
        } else {
        }
        %mul3A_77 = arith.constant 32 : i32
        %mul3A_78 = arith.muli %mul3A_70, %mul3A_77 : i32
        %add3A_79 = arith.addi %add3A, %mul3A_78 : i32
        %dma_wait3A = arith.constant 0 : i32
        %dma_wait3A_80 = arith.constant 0 : i32
        %dma_wait3A_81 = tpu.memref_slice %arg10[%dma_wait3A, %dma_wait3A_80] : memref<500000x16xf32, #tpu.memory_space<hbm>> -> memref<500000x16xf32, #tpu.memory_space<hbm>>
        tpu.wait_indirect_dma semaphore(%arg36 : memref<!tpu.dma_semaphore, #tpu.memory_space<semaphore_mem>>) src(%dma_wait3A_81 : memref<500000x16xf32, #tpu.memory_space<hbm>>) dst(%arg20 : memref<800x16xf32, #tpu.memory_space<vmem>>)
        %dma_wait3A_82 = arith.constant 0 : i32
        %dma_wait3A_83 = arith.constant 0 : i32
        %dma_wait3A_84 = tpu.memref_slice %arg10[%dma_wait3A_82, %dma_wait3A_83] : memref<500000x16xf32, #tpu.memory_space<hbm>> -> memref<500000x16xf32, #tpu.memory_space<hbm>>
        tpu.wait_indirect_dma semaphore(%arg36 : memref<!tpu.dma_semaphore, #tpu.memory_space<semaphore_mem>>) src(%dma_wait3A_84 : memref<500000x16xf32, #tpu.memory_space<hbm>>) dst(%arg21 : memref<800x16xf32, #tpu.memory_space<vmem>>)
        %dma_wait3A_85 = arith.constant 0 : i32
        %dma_wait3A_86 = arith.constant 0 : i32
        %dma_wait3A_87 = tpu.memref_slice %arg10[%dma_wait3A_85, %dma_wait3A_86] : memref<500000x16xf32, #tpu.memory_space<hbm>> -> memref<500000x16xf32, #tpu.memory_space<hbm>>
        tpu.wait_indirect_dma semaphore(%arg36 : memref<!tpu.dma_semaphore, #tpu.memory_space<semaphore_mem>>) src(%dma_wait3A_87 : memref<500000x16xf32, #tpu.memory_space<hbm>>) dst(%arg22 : memref<800x16xf32, #tpu.memory_space<vmem>>)
        %dma_wait3A_88 = arith.constant 0 : i32
        %dma_wait3A_89 = arith.constant 0 : i32
        %dma_wait3A_90 = tpu.memref_slice %arg10[%dma_wait3A_88, %dma_wait3A_89] : memref<500000x16xf32, #tpu.memory_space<hbm>> -> memref<500000x16xf32, #tpu.memory_space<hbm>>
        tpu.wait_indirect_dma semaphore(%arg36 : memref<!tpu.dma_semaphore, #tpu.memory_space<semaphore_mem>>) src(%dma_wait3A_90 : memref<500000x16xf32, #tpu.memory_space<hbm>>) dst(%arg23 : memref<800x16xf32, #tpu.memory_space<vmem>>)
        %ge3A = arith.constant 2 : i32
        %ge3A_91 = arith.cmpi sge, %mul3A_70, %ge3A : i32
        %convert_element_type3A_92 = arith.extui %ge3A_91 : i1 to i32
        %cond3A_93 = arith.constant 0 : i32
        %cond3A_94 = arith.cmpi ne, %convert_element_type3A_92, %cond3A_93 : i32
        scf.if %cond3A_94 {
          %sub3A_113 = arith.constant 2 : i32
          %sub3A_114 = arith.subi %mul3A_70, %sub3A_113 : i32
          %mul3A_115 = arith.constant 32 : i32
          %mul3A_116 = arith.muli %sub3A_114, %mul3A_115 : i32
          %add3A_117 = arith.addi %add3A, %mul3A_116 : i32
          %mul3A_118 = arith.constant 800 : i32
          %mul3A_119 = arith.muli %add3A_117, %mul3A_118 : i32
          %dma_wait3A_120 = tpu.memref_slice %arg9[%mul3A_119] : memref<2000000xf32, #tpu.memory_space<hbm>> -> memref<800xf32, #tpu.memory_space<hbm>>
          %dma_wait3A_121 = tpu.memref_slice %arg9[%mul3A_119] : memref<2000000xf32, #tpu.memory_space<hbm>> -> memref<800xf32, #tpu.memory_space<hbm>>
          tpu.wait_dma2 semaphore(%arg38 : memref<!tpu.dma_semaphore, #tpu.memory_space<semaphore_mem>>) src(%arg28 : memref<800xf32, #tpu.memory_space<vmem>>) dst(%dma_wait3A_121 : memref<800xf32, #tpu.memory_space<hbm>>)
        } else {
        }
        %scan3A = arith.constant 0 : i32
        %scan3A_95 = arith.constant 0 : i32
        %scan3A_96 = arith.constant 50 : i32
        %scan3A_97 = arith.addi %scan3A_95, %scan3A_96 : i32
        %scan3A_98 = arith.constant 1 : i32
        scf.for %scan3A_113 = %scan3A_95 to %scan3A_97 step %scan3A_98  : i32 {
          %mul3A_114 = arith.constant 16 : i32
          %mul3A_115 = arith.muli %scan3A_113, %mul3A_114 : i32
          %mul3A_116 = arith.constant 16 : i32
          %mul3A_117 = arith.muli %scan3A_113, %mul3A_116 : i32
          %add3A_118 = vector.broadcast %mul3A_117 : i32 to vector<16xi32>
          %add3A_119 = arith.addi %add3A_118, %iota3A : vector<16xi32>
          %gather3A = tpu.vector_load_idx %arg20[%add3A_119, %broadcast_in_dim3A_3] : memref<800x16xf32, #tpu.memory_space<vmem>>[vector<16xi32>, vector<16xi32>], vector<16xf32>,
          %gather3A_120 = tpu.vector_load_idx %arg20[%add3A_119, %broadcast_in_dim3A_5] : memref<800x16xf32, #tpu.memory_space<vmem>>[vector<16xi32>, vector<16xi32>], vector<16xf32>,
          %gather3A_121 = tpu.vector_load_idx %arg20[%add3A_119, %broadcast_in_dim3A_7] : memref<800x16xf32, #tpu.memory_space<vmem>>[vector<16xi32>, vector<16xi32>], vector<16xf32>,
          %gather3A_122 = tpu.vector_load_idx %arg21[%add3A_119, %broadcast_in_dim3A_3] : memref<800x16xf32, #tpu.memory_space<vmem>>[vector<16xi32>, vector<16xi32>], vector<16xf32>,
          %gather3A_123 = tpu.vector_load_idx %arg21[%add3A_119, %broadcast_in_dim3A_5] : memref<800x16xf32, #tpu.memory_space<vmem>>[vector<16xi32>, vector<16xi32>], vector<16xf32>,
          %gather3A_124 = tpu.vector_load_idx %arg21[%add3A_119, %broadcast_in_dim3A_7] : memref<800x16xf32, #tpu.memory_space<vmem>>[vector<16xi32>, vector<16xi32>], vector<16xf32>,
          %gather3A_125 = tpu.vector_load_idx %arg22[%add3A_119, %broadcast_in_dim3A_3] : memref<800x16xf32, #tpu.memory_space<vmem>>[vector<16xi32>, vector<16xi32>], vector<16xf32>,
          %gather3A_126 = tpu.vector_load_idx %arg22[%add3A_119, %broadcast_in_dim3A_5] : memref<800x16xf32, #tpu.memory_space<vmem>>[vector<16xi32>, vector<16xi32>], vector<16xf32>,
          %gather3A_127 = tpu.vector_load_idx %arg22[%add3A_119, %broadcast_in_dim3A_7] : memref<800x16xf32, #tpu.memory_space<vmem>>[vector<16xi32>, vector<16xi32>], vector<16xf32>,
          %gather3A_128 = tpu.vector_load_idx %arg23[%add3A_119, %broadcast_in_dim3A_3] : memref<800x16xf32, #tpu.memory_space<vmem>>[vector<16xi32>, vector<16xi32>], vector<16xf32>,
          %gather3A_129 = tpu.vector_load_idx %arg23[%add3A_119, %broadcast_in_dim3A_5] : memref<800x16xf32, #tpu.memory_space<vmem>>[vector<16xi32>, vector<16xi32>], vector<16xf32>,
          %gather3A_130 = tpu.vector_load_idx %arg23[%add3A_119, %broadcast_in_dim3A_7] : memref<800x16xf32, #tpu.memory_space<vmem>>[vector<16xi32>, vector<16xi32>], vector<16xf32>,
          %sub3A_131 = arith.subf %gather3A_122, %gather3A : vector<16xf32>
          %sub3A_132 = arith.subf %gather3A_123, %gather3A_120 : vector<16xf32>
          %sub3A_133 = arith.subf %gather3A_124, %gather3A_121 : vector<16xf32>
          %sub3A_134 = arith.subf %gather3A_125, %gather3A_122 : vector<16xf32>
          %sub3A_135 = arith.subf %gather3A_126, %gather3A_123 : vector<16xf32>
          %sub3A_136 = arith.subf %gather3A_127, %gather3A_124 : vector<16xf32>
          %sub3A_137 = arith.subf %gather3A_128, %gather3A_125 : vector<16xf32>
          %sub3A_138 = arith.subf %gather3A_129, %gather3A_126 : vector<16xf32>
          %sub3A_139 = arith.subf %gather3A_130, %gather3A_127 : vector<16xf32>
          %mul3A_140 = arith.mulf %sub3A_132, %sub3A_136 : vector<16xf32>
          %mul3A_141 = arith.mulf %sub3A_133, %sub3A_135 : vector<16xf32>
          %sub3A_142 = arith.subf %mul3A_140, %mul3A_141 : vector<16xf32>
          %mul3A_143 = arith.mulf %sub3A_133, %sub3A_134 : vector<16xf32>
          %mul3A_144 = arith.mulf %sub3A_131, %sub3A_136 : vector<16xf32>
          %sub3A_145 = arith.subf %mul3A_143, %mul3A_144 : vector<16xf32>
          %mul3A_146 = arith.mulf %sub3A_131, %sub3A_135 : vector<16xf32>
          %mul3A_147 = arith.mulf %sub3A_132, %sub3A_134 : vector<16xf32>
          %sub3A_148 = arith.subf %mul3A_146, %mul3A_147 : vector<16xf32>
          %mul3A_149 = arith.mulf %sub3A_135, %sub3A_139 : vector<16xf32>
          %mul3A_150 = arith.mulf %sub3A_136, %sub3A_138 : vector<16xf32>
          %sub3A_151 = arith.subf %mul3A_149, %mul3A_150 : vector<16xf32>
          %mul3A_152 = arith.mulf %sub3A_136, %sub3A_137 : vector<16xf32>
          %mul3A_153 = arith.mulf %sub3A_134, %sub3A_139 : vector<16xf32>
          %sub3A_154 = arith.subf %mul3A_152, %mul3A_153 : vector<16xf32>
          %mul3A_155 = arith.mulf %sub3A_134, %sub3A_138 : vector<16xf32>
          %mul3A_156 = arith.mulf %sub3A_135, %sub3A_137 : vector<16xf32>
          %sub3A_157 = arith.subf %mul3A_155, %mul3A_156 : vector<16xf32>
          %mul3A_158 = arith.mulf %sub3A_142, %sub3A_151 : vector<16xf32>
          %mul3A_159 = arith.mulf %sub3A_145, %sub3A_154 : vector<16xf32>
          %add3A_160 = arith.addf %mul3A_158, %mul3A_159 : vector<16xf32>
          %mul3A_161 = arith.mulf %sub3A_148, %sub3A_157 : vector<16xf32>
          %add3A_162 = arith.addf %add3A_160, %mul3A_161 : vector<16xf32>
          %mul3A_163 = arith.mulf %sub3A_142, %sub3A_142 : vector<16xf32>
          %mul3A_164 = arith.mulf %sub3A_145, %sub3A_145 : vector<16xf32>
          %add3A_165 = arith.addf %mul3A_163, %mul3A_164 : vector<16xf32>
          %mul3A_166 = arith.mulf %sub3A_148, %sub3A_148 : vector<16xf32>
          %add3A_167 = arith.addf %add3A_165, %mul3A_166 : vector<16xf32>
          %mul3A_168 = arith.mulf %sub3A_151, %sub3A_151 : vector<16xf32>
          %mul3A_169 = arith.mulf %sub3A_154, %sub3A_154 : vector<16xf32>
          %add3A_170 = arith.addf %mul3A_168, %mul3A_169 : vector<16xf32>
          %mul3A_171 = arith.mulf %sub3A_157, %sub3A_157 : vector<16xf32>
          %add3A_172 = arith.addf %add3A_170, %mul3A_171 : vector<16xf32>
          %mul3A_173 = arith.mulf %add3A_167, %add3A_172 : vector<16xf32>
          %bitcast3A = vector.bitcast %mul3A_173 : vector<16xf32> to vector<16xi32>
          %shift_right_arithmetic3A = arith.constant 1 : i32
          %shift_right_arithmetic3A_174 = vector.broadcast %shift_right_arithmetic3A : i32 to vector<16xi32>
          %shift_right_arithmetic3A_175 = arith.shrsi %bitcast3A, %shift_right_arithmetic3A_174 : vector<16xi32>
          %sub3A_176 = arith.constant 1597463007 : i32
          %sub3A_177 = vector.broadcast %sub3A_176 : i32 to vector<16xi32>
          %sub3A_178 = arith.subi %sub3A_177, %shift_right_arithmetic3A_175 : vector<16xi32>
          %bitcast3A_179 = vector.bitcast %sub3A_178 : vector<16xi32> to vector<16xf32>
          %mul3A_180 = arith.constant 5.000000e-01 : f32
          %mul3A_181 = vector.broadcast %mul3A_180 : f32 to vector<16xf32>
          %mul3A_182 = arith.mulf %mul3A_181, %mul3A_173 : vector<16xf32>
          %mul3A_183 = arith.mulf %mul3A_182, %bitcast3A_179 : vector<16xf32>
          %mul3A_184 = arith.mulf %mul3A_183, %bitcast3A_179 : vector<16xf32>
          %sub3A_185 = arith.constant 1.500000e+00 : f32
          %sub3A_186 = vector.broadcast %sub3A_185 : f32 to vector<16xf32>
          %sub3A_187 = arith.subf %sub3A_186, %mul3A_184 : vector<16xf32>
          %mul3A_188 = arith.mulf %bitcast3A_179, %sub3A_187 : vector<16xf32>
          %mul3A_189 = arith.constant 5.000000e-01 : f32
          %mul3A_190 = vector.broadcast %mul3A_189 : f32 to vector<16xf32>
          %mul3A_191 = arith.mulf %mul3A_190, %mul3A_173 : vector<16xf32>
          %mul3A_192 = arith.mulf %mul3A_191, %mul3A_188 : vector<16xf32>
          %mul3A_193 = arith.mulf %mul3A_192, %mul3A_188 : vector<16xf32>
          %sub3A_194 = arith.constant 1.500000e+00 : f32
          %sub3A_195 = vector.broadcast %sub3A_194 : f32 to vector<16xf32>
          %sub3A_196 = arith.subf %sub3A_195, %mul3A_193 : vector<16xf32>
          %mul3A_197 = arith.mulf %mul3A_188, %sub3A_196 : vector<16xf32>
          %mul3A_198 = arith.constant 5.000000e-01 : f32
          %mul3A_199 = vector.broadcast %mul3A_198 : f32 to vector<16xf32>
          %mul3A_200 = arith.mulf %mul3A_199, %mul3A_173 : vector<16xf32>
          %mul3A_201 = arith.mulf %mul3A_200, %mul3A_197 : vector<16xf32>
          %mul3A_202 = arith.mulf %mul3A_201, %mul3A_197 : vector<16xf32>
          %sub3A_203 = arith.constant 1.500000e+00 : f32
          %sub3A_204 = vector.broadcast %sub3A_203 : f32 to vector<16xf32>
          %sub3A_205 = arith.subf %sub3A_204, %mul3A_202 : vector<16xf32>
          %mul3A_206 = arith.mulf %mul3A_197, %sub3A_205 : vector<16xf32>
          %mul3A_207 = arith.mulf %add3A_162, %mul3A_206 : vector<16xf32>
          %jit3A_208 = arith.constant -1.000000e+00 : f32
          %jit3A_209 = arith.constant 1.000000e+00 : f32
          %max3A = vector.broadcast %jit3A_208 : f32 to vector<16xf32>
          %max3A_210 = arith.maximumf %max3A, %mul3A_207 : vector<16xf32>
          %min3A = vector.broadcast %jit3A_209 : f32 to vector<16xf32>
          %min3A_211 = arith.minimumf %min3A, %max3A_210 : vector<16xf32>
          %gt3A_212 = arith.constant 0.000000e+00 : f32
          %gt3A_213 = vector.broadcast %gt3A_212 : f32 to vector<16xf32>
          %gt3A_214 = arith.cmpf ogt, %mul3A_173, %gt3A_213 : vector<16xf32>
          %jit3A_215 = arith.constant 0x7FC00000 : f32
          %broadcast_in_dim3A_216 = vector.broadcast %jit3A_215 : f32 to vector<16xf32>
          %select_n3A_217 = arith.select %gt3A_214, %min3A_211, %broadcast_in_dim3A_216 : vector<16xi1>, vector<16xf32>
          %abs3A = math.absf %select_n3A_217 : vector<16xf32>
          %sub3A_218 = arith.constant 1.000000e+00 : f32
          %sub3A_219 = vector.broadcast %sub3A_218 : f32 to vector<16xf32>
          %sub3A_220 = arith.subf %sub3A_219, %abs3A : vector<16xf32>
          %max3A_221 = arith.constant 1.000000e-30 : f32
          %max3A_222 = vector.broadcast %max3A_221 : f32 to vector<16xf32>
          %max3A_223 = arith.maximumf %sub3A_220, %max3A_222 : vector<16xf32>
          %bitcast3A_224 = vector.bitcast %max3A_223 : vector<16xf32> to vector<16xi32>
          %shift_right_arithmetic3A_225 = arith.constant 1 : i32
          %shift_right_arithmetic3A_226 = vector.broadcast %shift_right_arithmetic3A_225 : i32 to vector<16xi32>
          %shift_right_arithmetic3A_227 = arith.shrsi %bitcast3A_224, %shift_right_arithmetic3A_226 : vector<16xi32>
          %sub3A_228 = arith.constant 1597463007 : i32
          %sub3A_229 = vector.broadcast %sub3A_228 : i32 to vector<16xi32>
          %sub3A_230 = arith.subi %sub3A_229, %shift_right_arithmetic3A_227 : vector<16xi32>
          %bitcast3A_231 = vector.bitcast %sub3A_230 : vector<16xi32> to vector<16xf32>
          %mul3A_232 = arith.constant 5.000000e-01 : f32
          %mul3A_233 = vector.broadcast %mul3A_232 : f32 to vector<16xf32>
          %mul3A_234 = arith.mulf %mul3A_233, %max3A_223 : vector<16xf32>
          %mul3A_235 = arith.mulf %mul3A_234, %bitcast3A_231 : vector<16xf32>
          %mul3A_236 = arith.mulf %mul3A_235, %bitcast3A_231 : vector<16xf32>
          %sub3A_237 = arith.constant 1.500000e+00 : f32
          %sub3A_238 = vector.broadcast %sub3A_237 : f32 to vector<16xf32>
          %sub3A_239 = arith.subf %sub3A_238, %mul3A_236 : vector<16xf32>
          %mul3A_240 = arith.mulf %bitcast3A_231, %sub3A_239 : vector<16xf32>
          %mul3A_241 = arith.constant 5.000000e-01 : f32
          %mul3A_242 = vector.broadcast %mul3A_241 : f32 to vector<16xf32>
          %mul3A_243 = arith.mulf %mul3A_242, %max3A_223 : vector<16xf32>
          %mul3A_244 = arith.mulf %mul3A_243, %mul3A_240 : vector<16xf32>
          %mul3A_245 = arith.mulf %mul3A_244, %mul3A_240 : vector<16xf32>
          %sub3A_246 = arith.constant 1.500000e+00 : f32
          %sub3A_247 = vector.broadcast %sub3A_246 : f32 to vector<16xf32>
          %sub3A_248 = arith.subf %sub3A_247, %mul3A_245 : vector<16xf32>
          %mul3A_249 = arith.mulf %mul3A_240, %sub3A_248 : vector<16xf32>
          %mul3A_250 = arith.constant 5.000000e-01 : f32
          %mul3A_251 = vector.broadcast %mul3A_250 : f32 to vector<16xf32>
          %mul3A_252 = arith.mulf %mul3A_251, %max3A_223 : vector<16xf32>
          %mul3A_253 = arith.mulf %mul3A_252, %mul3A_249 : vector<16xf32>
          %mul3A_254 = arith.mulf %mul3A_253, %mul3A_249 : vector<16xf32>
          %sub3A_255 = arith.constant 1.500000e+00 : f32
          %sub3A_256 = vector.broadcast %sub3A_255 : f32 to vector<16xf32>
          %sub3A_257 = arith.subf %sub3A_256, %mul3A_254 : vector<16xf32>
          %mul3A_258 = arith.mulf %mul3A_249, %sub3A_257 : vector<16xf32>
          %mul3A_259 = arith.mulf %sub3A_220, %mul3A_258 : vector<16xf32>
          %broadcast_in_dim3A_260 = arith.constant -0.0012624911 : f32
          %broadcast_in_dim3A_261 = vector.broadcast %broadcast_in_dim3A_260 : f32 to vector<16xf32>
          %mul3A_262 = arith.mulf %broadcast_in_dim3A_261, %abs3A : vector<16xf32>
          %add3A_263 = arith.constant 6.670090e-03 : f32
          %add3A_264 = vector.broadcast %add3A_263 : f32 to vector<16xf32>
          %add3A_265 = arith.addf %mul3A_262, %add3A_264 : vector<16xf32>
          %mul3A_266 = arith.mulf %add3A_265, %abs3A : vector<16xf32>
          %add3A_267 = arith.constant -0.0170881264 : f32
          %add3A_268 = vector.broadcast %add3A_267 : f32 to vector<16xf32>
          %add3A_269 = arith.addf %mul3A_266, %add3A_268 : vector<16xf32>
          %mul3A_270 = arith.mulf %add3A_269, %abs3A : vector<16xf32>
          %add3A_271 = arith.constant 0.0308918804 : f32
          %add3A_272 = vector.broadcast %add3A_271 : f32 to vector<16xf32>
          %add3A_273 = arith.addf %mul3A_270, %add3A_272 : vector<16xf32>
          %mul3A_274 = arith.mulf %add3A_273, %abs3A : vector<16xf32>
          %add3A_275 = arith.constant -0.0501743034 : f32
          %add3A_276 = vector.broadcast %add3A_275 : f32 to vector<16xf32>
          %add3A_277 = arith.addf %mul3A_274, %add3A_276 : vector<16xf32>
          %mul3A_278 = arith.mulf %add3A_277, %abs3A : vector<16xf32>
          %add3A_279 = arith.constant 0.0889789909 : f32
          %add3A_280 = vector.broadcast %add3A_279 : f32 to vector<16xf32>
          %add3A_281 = arith.addf %mul3A_278, %add3A_280 : vector<16xf32>
          %mul3A_282 = arith.mulf %add3A_281, %abs3A : vector<16xf32>
          %add3A_283 = arith.constant -0.214598805 : f32
          %add3A_284 = vector.broadcast %add3A_283 : f32 to vector<16xf32>
          %add3A_285 = arith.addf %mul3A_282, %add3A_284 : vector<16xf32>
          %mul3A_286 = arith.mulf %add3A_285, %abs3A : vector<16xf32>
          %add3A_287 = arith.constant 1.57079625 : f32
          %add3A_288 = vector.broadcast %add3A_287 : f32 to vector<16xf32>
          %add3A_289 = arith.addf %mul3A_286, %add3A_288 : vector<16xf32>
          %mul3A_290 = arith.mulf %mul3A_259, %add3A_289 : vector<16xf32>
          %lt3A_291 = arith.constant 0.000000e+00 : f32
          %lt3A_292 = vector.broadcast %lt3A_291 : f32 to vector<16xf32>
          %lt3A_293 = arith.cmpf olt, %select_n3A_217, %lt3A_292 : vector<16xf32>
          %sub3A_294 = arith.constant 3.14159274 : f32
          %sub3A_295 = vector.broadcast %sub3A_294 : f32 to vector<16xf32>
          %sub3A_296 = arith.subf %sub3A_295, %mul3A_290 : vector<16xf32>
          %select_n3A_297 = arith.select %lt3A_293, %sub3A_296, %mul3A_290 : vector<16xi1>, vector<16xf32>
          %mul3A_298 = arith.mulf %sub3A_142, %sub3A_137 : vector<16xf32>
          %mul3A_299 = arith.mulf %sub3A_145, %sub3A_138 : vector<16xf32>
          %add3A_300 = arith.addf %mul3A_298, %mul3A_299 : vector<16xf32>
          %mul3A_301 = arith.mulf %sub3A_148, %sub3A_139 : vector<16xf32>
          %add3A_302 = arith.addf %add3A_300, %mul3A_301 : vector<16xf32>
          %gt3A_303 = arith.constant 0.000000e+00 : f32
          %gt3A_304 = vector.broadcast %gt3A_303 : f32 to vector<16xf32>
          %gt3A_305 = arith.cmpf ogt, %add3A_302, %gt3A_304 : vector<16xf32>
          %neg3A = arith.constant 0.000000e+00 : f32
          %neg3A_306 = vector.broadcast %neg3A : f32 to vector<16xf32>
          %neg3A_307 = arith.subf %neg3A_306, %select_n3A_297 : vector<16xf32>
          %select_n3A_308 = arith.select %gt3A_305, %select_n3A_297, %neg3A_307 : vector<16xi1>, vector<16xf32>
          %swap3A = arith.index_cast %mul3A_115 : i32 to index
          %swap3A_309 = tpu.vector_load %arg28[%swap3A] {strides = array<i32>} : memref<800xf32, #tpu.memory_space<vmem>>, vector<16xf32>,
          tpu.vector_store %arg28[%swap3A], %select_n3A_308 {strides = array<i32>} : memref<800xf32, #tpu.memory_space<vmem>>, vector<16xf32>,
        }
        %scan3A_99 = arith.constant 50 : i32
        %mul3A_100 = arith.constant 800 : i32
        %mul3A_101 = arith.muli %add3A_79, %mul3A_100 : i32
        %dma_start3A = tpu.memref_slice %arg9[%mul3A_101] : memref<2000000xf32, #tpu.memory_space<hbm>> -> memref<800xf32, #tpu.memory_space<hbm>>
        %dma_start3A_102 = tpu.memref_slice %arg9[%mul3A_101] : memref<2000000xf32, #tpu.memory_space<hbm>> -> memref<800xf32, #tpu.memory_space<hbm>>
        tpu.enqueue_dma source(%arg28 : memref<800xf32, #tpu.memory_space<vmem>>) target(%dma_start3A_102 : memref<800xf32, #tpu.memory_space<hbm>>) target_semaphore(%arg38 : memref<!tpu.dma_semaphore, #tpu.memory_space<semaphore_mem>>)
        %add3A_103 = arith.constant 1 : i32
        %add3A_104 = arith.addi %add3A_72, %add3A_103 : i32
        %lt3A_105 = arith.cmpi slt, %add3A_104, %select_n3A : i32
        %convert_element_type3A_106 = arith.extui %lt3A_105 : i1 to i32
        %cond3A_107 = arith.constant 0 : i32
        %cond3A_108 = arith.cmpi ne, %convert_element_type3A_106, %cond3A_107 : i32
        scf.if %cond3A_108 {
          %add3A_113 = arith.constant 1 : i32
          %add3A_114 = arith.addi %add3A_72, %add3A_113 : i32
          %mul3A_115 = arith.constant 32 : i32
          %mul3A_116 = arith.muli %add3A_114, %mul3A_115 : i32
          %add3A_117 = arith.addi %add3A, %mul3A_116 : i32
          %mul3A_118 = arith.constant 800 : i32
          %mul3A_119 = arith.muli %add3A_117, %mul3A_118 : i32
          %dma_start3A_120 = tpu.memref_slice %arg5[%mul3A_119] : memref<2000000xi32, #tpu.memory_space<hbm>> -> memref<800xi32, #tpu.memory_space<hbm>>
          %dma_start3A_121 = tpu.memref_slice %arg5[%mul3A_119] : memref<2000000xi32, #tpu.memory_space<hbm>> -> memref<800xi32, #tpu.memory_space<hbm>>
          tpu.enqueue_dma source(%dma_start3A_121 : memref<800xi32, #tpu.memory_space<hbm>>) target(%arg12 : memref<800xi32, #tpu.memory_space<vmem>>) target_semaphore(%arg34 : memref<!tpu.dma_semaphore, #tpu.memory_space<semaphore_mem>>)
          %mul3A_122 = arith.constant 800 : i32
          %mul3A_123 = arith.muli %add3A_117, %mul3A_122 : i32
          %dma_start3A_124 = tpu.memref_slice %arg6[%mul3A_123] : memref<2000000xi32, #tpu.memory_space<hbm>> -> memref<800xi32, #tpu.memory_space<hbm>>
          %dma_start3A_125 = tpu.memref_slice %arg6[%mul3A_123] : memref<2000000xi32, #tpu.memory_space<hbm>> -> memref<800xi32, #tpu.memory_space<hbm>>
          tpu.enqueue_dma source(%dma_start3A_125 : memref<800xi32, #tpu.memory_space<hbm>>) target(%arg13 : memref<800xi32, #tpu.memory_space<vmem>>) target_semaphore(%arg34 : memref<!tpu.dma_semaphore, #tpu.memory_space<semaphore_mem>>)
          %mul3A_126 = arith.constant 800 : i32
          %mul3A_127 = arith.muli %add3A_117, %mul3A_126 : i32
          %dma_start3A_128 = tpu.memref_slice %arg7[%mul3A_127] : memref<2000000xi32, #tpu.memory_space<hbm>> -> memref<800xi32, #tpu.memory_space<hbm>>
          %dma_start3A_129 = tpu.memref_slice %arg7[%mul3A_127] : memref<2000000xi32, #tpu.memory_space<hbm>> -> memref<800xi32, #tpu.memory_space<hbm>>
          tpu.enqueue_dma source(%dma_start3A_129 : memref<800xi32, #tpu.memory_space<hbm>>) target(%arg14 : memref<800xi32, #tpu.memory_space<vmem>>) target_semaphore(%arg34 : memref<!tpu.dma_semaphore, #tpu.memory_space<semaphore_mem>>)
          %mul3A_130 = arith.constant 800 : i32
          %mul3A_131 = arith.muli %add3A_117, %mul3A_130 : i32
          %dma_start3A_132 = tpu.memref_slice %arg8[%mul3A_131] : memref<2000000xi32, #tpu.memory_space<hbm>> -> memref<800xi32, #tpu.memory_space<hbm>>
          %dma_start3A_133 = tpu.memref_slice %arg8[%mul3A_131] : memref<2000000xi32, #tpu.memory_space<hbm>> -> memref<800xi32, #tpu.memory_space<hbm>>
          tpu.enqueue_dma source(%dma_start3A_133 : memref<800xi32, #tpu.memory_space<hbm>>) target(%arg15 : memref<800xi32, #tpu.memory_space<vmem>>) target_semaphore(%arg34 : memref<!tpu.dma_semaphore, #tpu.memory_space<semaphore_mem>>)
          %mul3A_134 = arith.constant 800 : i32
          %mul3A_135 = arith.muli %add3A_117, %mul3A_134 : i32
          %dma_wait3A_136 = tpu.memref_slice %arg5[%mul3A_135] : memref<2000000xi32, #tpu.memory_space<hbm>> -> memref<800xi32, #tpu.memory_space<hbm>>
          %dma_wait3A_137 = tpu.memref_slice %arg5[%mul3A_135] : memref<2000000xi32, #tpu.memory_space<hbm>> -> memref<800xi32, #tpu.memory_space<hbm>>
          tpu.wait_dma2 semaphore(%arg34 : memref<!tpu.dma_semaphore, #tpu.memory_space<semaphore_mem>>) src(%dma_wait3A_137 : memref<800xi32, #tpu.memory_space<hbm>>) dst(%arg12 : memref<800xi32, #tpu.memory_space<vmem>>)
          %mul3A_138 = arith.constant 800 : i32
          %mul3A_139 = arith.muli %add3A_117, %mul3A_138 : i32
          %dma_wait3A_140 = tpu.memref_slice %arg6[%mul3A_139] : memref<2000000xi32, #tpu.memory_space<hbm>> -> memref<800xi32, #tpu.memory_space<hbm>>
          %dma_wait3A_141 = tpu.memref_slice %arg6[%mul3A_139] : memref<2000000xi32, #tpu.memory_space<hbm>> -> memref<800xi32, #tpu.memory_space<hbm>>
          tpu.wait_dma2 semaphore(%arg34 : memref<!tpu.dma_semaphore, #tpu.memory_space<semaphore_mem>>) src(%dma_wait3A_141 : memref<800xi32, #tpu.memory_space<hbm>>) dst(%arg13 : memref<800xi32, #tpu.memory_space<vmem>>)
          %mul3A_142 = arith.constant 800 : i32
          %mul3A_143 = arith.muli %add3A_117, %mul3A_142 : i32
          %dma_wait3A_144 = tpu.memref_slice %arg7[%mul3A_143] : memref<2000000xi32, #tpu.memory_space<hbm>> -> memref<800xi32, #tpu.memory_space<hbm>>
          %dma_wait3A_145 = tpu.memref_slice %arg7[%mul3A_143] : memref<2000000xi32, #tpu.memory_space<hbm>> -> memref<800xi32, #tpu.memory_space<hbm>>
          tpu.wait_dma2 semaphore(%arg34 : memref<!tpu.dma_semaphore, #tpu.memory_space<semaphore_mem>>) src(%dma_wait3A_145 : memref<800xi32, #tpu.memory_space<hbm>>) dst(%arg14 : memref<800xi32, #tpu.memory_space<vmem>>)
          %mul3A_146 = arith.constant 800 : i32
          %mul3A_147 = arith.muli %add3A_117, %mul3A_146 : i32
          %dma_wait3A_148 = tpu.memref_slice %arg8[%mul3A_147] : memref<2000000xi32, #tpu.memory_space<hbm>> -> memref<800xi32, #tpu.memory_space<hbm>>
          %dma_wait3A_149 = tpu.memref_slice %arg8[%mul3A_147] : memref<2000000xi32, #tpu.memory_space<hbm>> -> memref<800xi32, #tpu.memory_space<hbm>>
          tpu.wait_dma2 semaphore(%arg34 : memref<!tpu.dma_semaphore, #tpu.memory_space<semaphore_mem>>) src(%dma_wait3A_149 : memref<800xi32, #tpu.memory_space<hbm>>) dst(%arg15 : memref<800xi32, #tpu.memory_space<vmem>>)
          %dma_start3A_150 = arith.constant 0 : i32
          %dma_start3A_151 = arith.constant 0 : i32
          %dma_start3A_152 = tpu.memref_slice %arg10[%dma_start3A_150, %dma_start3A_151] : memref<500000x16xf32, #tpu.memory_space<hbm>> -> memref<500000x16xf32, #tpu.memory_space<hbm>>
          tpu.enqueue_indirect_dma source(%dma_start3A_152 : memref<500000x16xf32, #tpu.memory_space<hbm>>) target(%arg20 : memref<800x16xf32, #tpu.memory_space<vmem>>) offsets(%arg12 : memref<800xi32, #tpu.memory_space<vmem>>) semaphore(%arg36 : memref<!tpu.dma_semaphore, #tpu.memory_space<semaphore_mem>>)
          %dma_start3A_153 = arith.constant 0 : i32
          %dma_start3A_154 = arith.constant 0 : i32
          %dma_start3A_155 = tpu.memref_slice %arg10[%dma_start3A_153, %dma_start3A_154] : memref<500000x16xf32, #tpu.memory_space<hbm>> -> memref<500000x16xf32, #tpu.memory_space<hbm>>
          tpu.enqueue_indirect_dma source(%dma_start3A_155 : memref<500000x16xf32, #tpu.memory_space<hbm>>) target(%arg21 : memref<800x16xf32, #tpu.memory_space<vmem>>) offsets(%arg13 : memref<800xi32, #tpu.memory_space<vmem>>) semaphore(%arg36 : memref<!tpu.dma_semaphore, #tpu.memory_space<semaphore_mem>>)
          %dma_start3A_156 = arith.constant 0 : i32
          %dma_start3A_157 = arith.constant 0 : i32
          %dma_start3A_158 = tpu.memref_slice %arg10[%dma_start3A_156, %dma_start3A_157] : memref<500000x16xf32, #tpu.memory_space<hbm>> -> memref<500000x16xf32, #tpu.memory_space<hbm>>
          tpu.enqueue_indirect_dma source(%dma_start3A_158 : memref<500000x16xf32, #tpu.memory_space<hbm>>) target(%arg22 : memref<800x16xf32, #tpu.memory_space<vmem>>) offsets(%arg14 : memref<800xi32, #tpu.memory_space<vmem>>) semaphore(%arg36 : memref<!tpu.dma_semaphore, #tpu.memory_space<semaphore_mem>>)
          %dma_start3A_159 = arith.constant 0 : i32
          %dma_start3A_160 = arith.constant 0 : i32
          %dma_start3A_161 = tpu.memref_slice %arg10[%dma_start3A_159, %dma_start3A_160] : memref<500000x16xf32, #tpu.memory_space<hbm>> -> memref<500000x16xf32, #tpu.memory_space<hbm>>
          tpu.enqueue_indirect_dma source(%dma_start3A_161 : memref<500000x16xf32, #tpu.memory_space<hbm>>) target(%arg23 : memref<800x16xf32, #tpu.memory_space<vmem>>) offsets(%arg15 : memref<800xi32, #tpu.memory_space<vmem>>) semaphore(%arg36 : memref<!tpu.dma_semaphore, #tpu.memory_space<semaphore_mem>>)
        } else {
        }
        %lt3A_109 = arith.cmpi slt, %add3A_72, %select_n3A : i32
        %convert_element_type3A_110 = arith.extui %lt3A_109 : i1 to i32
        %cond3A_111 = arith.constant 0 : i32
        %cond3A_112 = arith.cmpi ne, %convert_element_type3A_110, %cond3A_111 : i32
        scf.if %cond3A_112 {
          %mul3A_113 = arith.constant 32 : i32
          %mul3A_114 = arith.muli %add3A_72, %mul3A_113 : i32
          %add3A_115 = arith.addi %add3A, %mul3A_114 : i32
          %dma_wait3A_116 = arith.constant 0 : i32
          %dma_wait3A_117 = arith.constant 0 : i32
          %dma_wait3A_118 = tpu.memref_slice %arg10[%dma_wait3A_116, %dma_wait3A_117] : memref<500000x16xf32, #tpu.memory_space<hbm>> -> memref<500000x16xf32, #tpu.memory_space<hbm>>
          tpu.wait_indirect_dma semaphore(%arg37 : memref<!tpu.dma_semaphore, #tpu.memory_space<semaphore_mem>>) src(%dma_wait3A_118 : memref<500000x16xf32, #tpu.memory_space<hbm>>) dst(%arg24 : memref<800x16xf32, #tpu.memory_space<vmem>>)
          %dma_wait3A_119 = arith.constant 0 : i32
          %dma_wait3A_120 = arith.constant 0 : i32
          %dma_wait3A_121 = tpu.memref_slice %arg10[%dma_wait3A_119, %dma_wait3A_120] : memref<500000x16xf32, #tpu.memory_space<hbm>> -> memref<500000x16xf32, #tpu.memory_space<hbm>>
          tpu.wait_indirect_dma semaphore(%arg37 : memref<!tpu.dma_semaphore, #tpu.memory_space<semaphore_mem>>) src(%dma_wait3A_121 : memref<500000x16xf32, #tpu.memory_space<hbm>>) dst(%arg25 : memref<800x16xf32, #tpu.memory_space<vmem>>)
          %dma_wait3A_122 = arith.constant 0 : i32
          %dma_wait3A_123 = arith.constant 0 : i32
          %dma_wait3A_124 = tpu.memref_slice %arg10[%dma_wait3A_122, %dma_wait3A_123] : memref<500000x16xf32, #tpu.memory_space<hbm>> -> memref<500000x16xf32, #tpu.memory_space<hbm>>
          tpu.wait_indirect_dma semaphore(%arg37 : memref<!tpu.dma_semaphore, #tpu.memory_space<semaphore_mem>>) src(%dma_wait3A_124 : memref<500000x16xf32, #tpu.memory_space<hbm>>) dst(%arg26 : memref<800x16xf32, #tpu.memory_space<vmem>>)
          %dma_wait3A_125 = arith.constant 0 : i32
          %dma_wait3A_126 = arith.constant 0 : i32
          %dma_wait3A_127 = tpu.memref_slice %arg10[%dma_wait3A_125, %dma_wait3A_126] : memref<500000x16xf32, #tpu.memory_space<hbm>> -> memref<500000x16xf32, #tpu.memory_space<hbm>>
          tpu.wait_indirect_dma semaphore(%arg37 : memref<!tpu.dma_semaphore, #tpu.memory_space<semaphore_mem>>) src(%dma_wait3A_127 : memref<500000x16xf32, #tpu.memory_space<hbm>>) dst(%arg27 : memref<800x16xf32, #tpu.memory_space<vmem>>)
          %ge3A_128 = arith.constant 2 : i32
          %ge3A_129 = arith.cmpi sge, %add3A_72, %ge3A_128 : i32
          %convert_element_type3A_130 = arith.extui %ge3A_129 : i1 to i32
          %cond3A_131 = arith.constant 0 : i32
          %cond3A_132 = arith.cmpi ne, %convert_element_type3A_130, %cond3A_131 : i32
          scf.if %cond3A_132 {
            %sub3A_143 = arith.constant 2 : i32
            %sub3A_144 = arith.subi %add3A_72, %sub3A_143 : i32
            %mul3A_145 = arith.constant 32 : i32
            %mul3A_146 = arith.muli %sub3A_144, %mul3A_145 : i32
            %add3A_147 = arith.addi %add3A, %mul3A_146 : i32
            %mul3A_148 = arith.constant 800 : i32
            %mul3A_149 = arith.muli %add3A_147, %mul3A_148 : i32
            %dma_wait3A_150 = tpu.memref_slice %arg9[%mul3A_149] : memref<2000000xf32, #tpu.memory_space<hbm>> -> memref<800xf32, #tpu.memory_space<hbm>>
            %dma_wait3A_151 = tpu.memref_slice %arg9[%mul3A_149] : memref<2000000xf32, #tpu.memory_space<hbm>> -> memref<800xf32, #tpu.memory_space<hbm>>
            tpu.wait_dma2 semaphore(%arg39 : memref<!tpu.dma_semaphore, #tpu.memory_space<semaphore_mem>>) src(%arg29 : memref<800xf32, #tpu.memory_space<vmem>>) dst(%dma_wait3A_151 : memref<800xf32, #tpu.memory_space<hbm>>)
          } else {
          }
          %scan3A_133 = arith.constant 0 : i32
          %scan3A_134 = arith.constant 0 : i32
          %scan3A_135 = arith.constant 50 : i32
          %scan3A_136 = arith.addi %scan3A_134, %scan3A_135 : i32
          %scan3A_137 = arith.constant 1 : i32
          scf.for %scan3A_143 = %scan3A_134 to %scan3A_136 step %scan3A_137  : i32 {
            %mul3A_144 = arith.constant 16 : i32
            %mul3A_145 = arith.muli %scan3A_143, %mul3A_144 : i32
            %mul3A_146 = arith.constant 16 : i32
            %mul3A_147 = arith.muli %scan3A_143, %mul3A_146 : i32
            %add3A_148 = vector.broadcast %mul3A_147 : i32 to vector<16xi32>
            %add3A_149 = arith.addi %add3A_148, %iota3A : vector<16xi32>
            %gather3A = tpu.vector_load_idx %arg24[%add3A_149, %broadcast_in_dim3A_3] : memref<800x16xf32, #tpu.memory_space<vmem>>[vector<16xi32>, vector<16xi32>], vector<16xf32>,
            %gather3A_150 = tpu.vector_load_idx %arg24[%add3A_149, %broadcast_in_dim3A_5] : memref<800x16xf32, #tpu.memory_space<vmem>>[vector<16xi32>, vector<16xi32>], vector<16xf32>,
            %gather3A_151 = tpu.vector_load_idx %arg24[%add3A_149, %broadcast_in_dim3A_7] : memref<800x16xf32, #tpu.memory_space<vmem>>[vector<16xi32>, vector<16xi32>], vector<16xf32>,
            %gather3A_152 = tpu.vector_load_idx %arg25[%add3A_149, %broadcast_in_dim3A_3] : memref<800x16xf32, #tpu.memory_space<vmem>>[vector<16xi32>, vector<16xi32>], vector<16xf32>,
            %gather3A_153 = tpu.vector_load_idx %arg25[%add3A_149, %broadcast_in_dim3A_5] : memref<800x16xf32, #tpu.memory_space<vmem>>[vector<16xi32>, vector<16xi32>], vector<16xf32>,
            %gather3A_154 = tpu.vector_load_idx %arg25[%add3A_149, %broadcast_in_dim3A_7] : memref<800x16xf32, #tpu.memory_space<vmem>>[vector<16xi32>, vector<16xi32>], vector<16xf32>,
            %gather3A_155 = tpu.vector_load_idx %arg26[%add3A_149, %broadcast_in_dim3A_3] : memref<800x16xf32, #tpu.memory_space<vmem>>[vector<16xi32>, vector<16xi32>], vector<16xf32>,
            %gather3A_156 = tpu.vector_load_idx %arg26[%add3A_149, %broadcast_in_dim3A_5] : memref<800x16xf32, #tpu.memory_space<vmem>>[vector<16xi32>, vector<16xi32>], vector<16xf32>,
            %gather3A_157 = tpu.vector_load_idx %arg26[%add3A_149, %broadcast_in_dim3A_7] : memref<800x16xf32, #tpu.memory_space<vmem>>[vector<16xi32>, vector<16xi32>], vector<16xf32>,
            %gather3A_158 = tpu.vector_load_idx %arg27[%add3A_149, %broadcast_in_dim3A_3] : memref<800x16xf32, #tpu.memory_space<vmem>>[vector<16xi32>, vector<16xi32>], vector<16xf32>,
            %gather3A_159 = tpu.vector_load_idx %arg27[%add3A_149, %broadcast_in_dim3A_5] : memref<800x16xf32, #tpu.memory_space<vmem>>[vector<16xi32>, vector<16xi32>], vector<16xf32>,
            %gather3A_160 = tpu.vector_load_idx %arg27[%add3A_149, %broadcast_in_dim3A_7] : memref<800x16xf32, #tpu.memory_space<vmem>>[vector<16xi32>, vector<16xi32>], vector<16xf32>,
            %sub3A_161 = arith.subf %gather3A_152, %gather3A : vector<16xf32>
            %sub3A_162 = arith.subf %gather3A_153, %gather3A_150 : vector<16xf32>
            %sub3A_163 = arith.subf %gather3A_154, %gather3A_151 : vector<16xf32>
            %sub3A_164 = arith.subf %gather3A_155, %gather3A_152 : vector<16xf32>
            %sub3A_165 = arith.subf %gather3A_156, %gather3A_153 : vector<16xf32>
            %sub3A_166 = arith.subf %gather3A_157, %gather3A_154 : vector<16xf32>
            %sub3A_167 = arith.subf %gather3A_158, %gather3A_155 : vector<16xf32>
            %sub3A_168 = arith.subf %gather3A_159, %gather3A_156 : vector<16xf32>
            %sub3A_169 = arith.subf %gather3A_160, %gather3A_157 : vector<16xf32>
            %mul3A_170 = arith.mulf %sub3A_162, %sub3A_166 : vector<16xf32>
            %mul3A_171 = arith.mulf %sub3A_163, %sub3A_165 : vector<16xf32>
            %sub3A_172 = arith.subf %mul3A_170, %mul3A_171 : vector<16xf32>
            %mul3A_173 = arith.mulf %sub3A_163, %sub3A_164 : vector<16xf32>
            %mul3A_174 = arith.mulf %sub3A_161, %sub3A_166 : vector<16xf32>
            %sub3A_175 = arith.subf %mul3A_173, %mul3A_174 : vector<16xf32>
            %mul3A_176 = arith.mulf %sub3A_161, %sub3A_165 : vector<16xf32>
            %mul3A_177 = arith.mulf %sub3A_162, %sub3A_164 : vector<16xf32>
            %sub3A_178 = arith.subf %mul3A_176, %mul3A_177 : vector<16xf32>
            %mul3A_179 = arith.mulf %sub3A_165, %sub3A_169 : vector<16xf32>
            %mul3A_180 = arith.mulf %sub3A_166, %sub3A_168 : vector<16xf32>
            %sub3A_181 = arith.subf %mul3A_179, %mul3A_180 : vector<16xf32>
            %mul3A_182 = arith.mulf %sub3A_166, %sub3A_167 : vector<16xf32>
            %mul3A_183 = arith.mulf %sub3A_164, %sub3A_169 : vector<16xf32>
            %sub3A_184 = arith.subf %mul3A_182, %mul3A_183 : vector<16xf32>
            %mul3A_185 = arith.mulf %sub3A_164, %sub3A_168 : vector<16xf32>
            %mul3A_186 = arith.mulf %sub3A_165, %sub3A_167 : vector<16xf32>
            %sub3A_187 = arith.subf %mul3A_185, %mul3A_186 : vector<16xf32>
            %mul3A_188 = arith.mulf %sub3A_172, %sub3A_181 : vector<16xf32>
            %mul3A_189 = arith.mulf %sub3A_175, %sub3A_184 : vector<16xf32>
            %add3A_190 = arith.addf %mul3A_188, %mul3A_189 : vector<16xf32>
            %mul3A_191 = arith.mulf %sub3A_178, %sub3A_187 : vector<16xf32>
            %add3A_192 = arith.addf %add3A_190, %mul3A_191 : vector<16xf32>
            %mul3A_193 = arith.mulf %sub3A_172, %sub3A_172 : vector<16xf32>
            %mul3A_194 = arith.mulf %sub3A_175, %sub3A_175 : vector<16xf32>
            %add3A_195 = arith.addf %mul3A_193, %mul3A_194 : vector<16xf32>
            %mul3A_196 = arith.mulf %sub3A_178, %sub3A_178 : vector<16xf32>
            %add3A_197 = arith.addf %add3A_195, %mul3A_196 : vector<16xf32>
            %mul3A_198 = arith.mulf %sub3A_181, %sub3A_181 : vector<16xf32>
            %mul3A_199 = arith.mulf %sub3A_184, %sub3A_184 : vector<16xf32>
            %add3A_200 = arith.addf %mul3A_198, %mul3A_199 : vector<16xf32>
            %mul3A_201 = arith.mulf %sub3A_187, %sub3A_187 : vector<16xf32>
            %add3A_202 = arith.addf %add3A_200, %mul3A_201 : vector<16xf32>
            %mul3A_203 = arith.mulf %add3A_197, %add3A_202 : vector<16xf32>
            %bitcast3A = vector.bitcast %mul3A_203 : vector<16xf32> to vector<16xi32>
            %shift_right_arithmetic3A = arith.constant 1 : i32
            %shift_right_arithmetic3A_204 = vector.broadcast %shift_right_arithmetic3A : i32 to vector<16xi32>
            %shift_right_arithmetic3A_205 = arith.shrsi %bitcast3A, %shift_right_arithmetic3A_204 : vector<16xi32>
            %sub3A_206 = arith.constant 1597463007 : i32
            %sub3A_207 = vector.broadcast %sub3A_206 : i32 to vector<16xi32>
            %sub3A_208 = arith.subi %sub3A_207, %shift_right_arithmetic3A_205 : vector<16xi32>
            %bitcast3A_209 = vector.bitcast %sub3A_208 : vector<16xi32> to vector<16xf32>
            %mul3A_210 = arith.constant 5.000000e-01 : f32
            %mul3A_211 = vector.broadcast %mul3A_210 : f32 to vector<16xf32>
            %mul3A_212 = arith.mulf %mul3A_211, %mul3A_203 : vector<16xf32>
            %mul3A_213 = arith.mulf %mul3A_212, %bitcast3A_209 : vector<16xf32>
            %mul3A_214 = arith.mulf %mul3A_213, %bitcast3A_209 : vector<16xf32>
            %sub3A_215 = arith.constant 1.500000e+00 : f32
            %sub3A_216 = vector.broadcast %sub3A_215 : f32 to vector<16xf32>
            %sub3A_217 = arith.subf %sub3A_216, %mul3A_214 : vector<16xf32>
            %mul3A_218 = arith.mulf %bitcast3A_209, %sub3A_217 : vector<16xf32>
            %mul3A_219 = arith.constant 5.000000e-01 : f32
            %mul3A_220 = vector.broadcast %mul3A_219 : f32 to vector<16xf32>
            %mul3A_221 = arith.mulf %mul3A_220, %mul3A_203 : vector<16xf32>
            %mul3A_222 = arith.mulf %mul3A_221, %mul3A_218 : vector<16xf32>
            %mul3A_223 = arith.mulf %mul3A_222, %mul3A_218 : vector<16xf32>
            %sub3A_224 = arith.constant 1.500000e+00 : f32
            %sub3A_225 = vector.broadcast %sub3A_224 : f32 to vector<16xf32>
            %sub3A_226 = arith.subf %sub3A_225, %mul3A_223 : vector<16xf32>
            %mul3A_227 = arith.mulf %mul3A_218, %sub3A_226 : vector<16xf32>
            %mul3A_228 = arith.constant 5.000000e-01 : f32
            %mul3A_229 = vector.broadcast %mul3A_228 : f32 to vector<16xf32>
            %mul3A_230 = arith.mulf %mul3A_229, %mul3A_203 : vector<16xf32>
            %mul3A_231 = arith.mulf %mul3A_230, %mul3A_227 : vector<16xf32>
            %mul3A_232 = arith.mulf %mul3A_231, %mul3A_227 : vector<16xf32>
            %sub3A_233 = arith.constant 1.500000e+00 : f32
            %sub3A_234 = vector.broadcast %sub3A_233 : f32 to vector<16xf32>
            %sub3A_235 = arith.subf %sub3A_234, %mul3A_232 : vector<16xf32>
            %mul3A_236 = arith.mulf %mul3A_227, %sub3A_235 : vector<16xf32>
            %mul3A_237 = arith.mulf %add3A_192, %mul3A_236 : vector<16xf32>
            %jit3A_238 = arith.constant -1.000000e+00 : f32
            %jit3A_239 = arith.constant 1.000000e+00 : f32
            %max3A = vector.broadcast %jit3A_238 : f32 to vector<16xf32>
            %max3A_240 = arith.maximumf %max3A, %mul3A_237 : vector<16xf32>
            %min3A = vector.broadcast %jit3A_239 : f32 to vector<16xf32>
            %min3A_241 = arith.minimumf %min3A, %max3A_240 : vector<16xf32>
            %gt3A_242 = arith.constant 0.000000e+00 : f32
            %gt3A_243 = vector.broadcast %gt3A_242 : f32 to vector<16xf32>
            %gt3A_244 = arith.cmpf ogt, %mul3A_203, %gt3A_243 : vector<16xf32>
            %jit3A_245 = arith.constant 0x7FC00000 : f32
            %broadcast_in_dim3A_246 = vector.broadcast %jit3A_245 : f32 to vector<16xf32>
            %select_n3A_247 = arith.select %gt3A_244, %min3A_241, %broadcast_in_dim3A_246 : vector<16xi1>, vector<16xf32>
            %abs3A = math.absf %select_n3A_247 : vector<16xf32>
            %sub3A_248 = arith.constant 1.000000e+00 : f32
            %sub3A_249 = vector.broadcast %sub3A_248 : f32 to vector<16xf32>
            %sub3A_250 = arith.subf %sub3A_249, %abs3A : vector<16xf32>
            %max3A_251 = arith.constant 1.000000e-30 : f32
            %max3A_252 = vector.broadcast %max3A_251 : f32 to vector<16xf32>
            %max3A_253 = arith.maximumf %sub3A_250, %max3A_252 : vector<16xf32>
            %bitcast3A_254 = vector.bitcast %max3A_253 : vector<16xf32> to vector<16xi32>
            %shift_right_arithmetic3A_255 = arith.constant 1 : i32
            %shift_right_arithmetic3A_256 = vector.broadcast %shift_right_arithmetic3A_255 : i32 to vector<16xi32>
            %shift_right_arithmetic3A_257 = arith.shrsi %bitcast3A_254, %shift_right_arithmetic3A_256 : vector<16xi32>
            %sub3A_258 = arith.constant 1597463007 : i32
            %sub3A_259 = vector.broadcast %sub3A_258 : i32 to vector<16xi32>
            %sub3A_260 = arith.subi %sub3A_259, %shift_right_arithmetic3A_257 : vector<16xi32>
            %bitcast3A_261 = vector.bitcast %sub3A_260 : vector<16xi32> to vector<16xf32>
            %mul3A_262 = arith.constant 5.000000e-01 : f32
            %mul3A_263 = vector.broadcast %mul3A_262 : f32 to vector<16xf32>
            %mul3A_264 = arith.mulf %mul3A_263, %max3A_253 : vector<16xf32>
            %mul3A_265 = arith.mulf %mul3A_264, %bitcast3A_261 : vector<16xf32>
            %mul3A_266 = arith.mulf %mul3A_265, %bitcast3A_261 : vector<16xf32>
            %sub3A_267 = arith.constant 1.500000e+00 : f32
            %sub3A_268 = vector.broadcast %sub3A_267 : f32 to vector<16xf32>
            %sub3A_269 = arith.subf %sub3A_268, %mul3A_266 : vector<16xf32>
            %mul3A_270 = arith.mulf %bitcast3A_261, %sub3A_269 : vector<16xf32>
            %mul3A_271 = arith.constant 5.000000e-01 : f32
            %mul3A_272 = vector.broadcast %mul3A_271 : f32 to vector<16xf32>
            %mul3A_273 = arith.mulf %mul3A_272, %max3A_253 : vector<16xf32>
            %mul3A_274 = arith.mulf %mul3A_273, %mul3A_270 : vector<16xf32>
            %mul3A_275 = arith.mulf %mul3A_274, %mul3A_270 : vector<16xf32>
            %sub3A_276 = arith.constant 1.500000e+00 : f32
            %sub3A_277 = vector.broadcast %sub3A_276 : f32 to vector<16xf32>
            %sub3A_278 = arith.subf %sub3A_277, %mul3A_275 : vector<16xf32>
            %mul3A_279 = arith.mulf %mul3A_270, %sub3A_278 : vector<16xf32>
            %mul3A_280 = arith.constant 5.000000e-01 : f32
            %mul3A_281 = vector.broadcast %mul3A_280 : f32 to vector<16xf32>
            %mul3A_282 = arith.mulf %mul3A_281, %max3A_253 : vector<16xf32>
            %mul3A_283 = arith.mulf %mul3A_282, %mul3A_279 : vector<16xf32>
            %mul3A_284 = arith.mulf %mul3A_283, %mul3A_279 : vector<16xf32>
            %sub3A_285 = arith.constant 1.500000e+00 : f32
            %sub3A_286 = vector.broadcast %sub3A_285 : f32 to vector<16xf32>
            %sub3A_287 = arith.subf %sub3A_286, %mul3A_284 : vector<16xf32>
            %mul3A_288 = arith.mulf %mul3A_279, %sub3A_287 : vector<16xf32>
            %mul3A_289 = arith.mulf %sub3A_250, %mul3A_288 : vector<16xf32>
            %broadcast_in_dim3A_290 = arith.constant -0.0012624911 : f32
            %broadcast_in_dim3A_291 = vector.broadcast %broadcast_in_dim3A_290 : f32 to vector<16xf32>
            %mul3A_292 = arith.mulf %broadcast_in_dim3A_291, %abs3A : vector<16xf32>
            %add3A_293 = arith.constant 6.670090e-03 : f32
            %add3A_294 = vector.broadcast %add3A_293 : f32 to vector<16xf32>
            %add3A_295 = arith.addf %mul3A_292, %add3A_294 : vector<16xf32>
            %mul3A_296 = arith.mulf %add3A_295, %abs3A : vector<16xf32>
            %add3A_297 = arith.constant -0.0170881264 : f32
            %add3A_298 = vector.broadcast %add3A_297 : f32 to vector<16xf32>
            %add3A_299 = arith.addf %mul3A_296, %add3A_298 : vector<16xf32>
            %mul3A_300 = arith.mulf %add3A_299, %abs3A : vector<16xf32>
            %add3A_301 = arith.constant 0.0308918804 : f32
            %add3A_302 = vector.broadcast %add3A_301 : f32 to vector<16xf32>
            %add3A_303 = arith.addf %mul3A_300, %add3A_302 : vector<16xf32>
            %mul3A_304 = arith.mulf %add3A_303, %abs3A : vector<16xf32>
            %add3A_305 = arith.constant -0.0501743034 : f32
            %add3A_306 = vector.broadcast %add3A_305 : f32 to vector<16xf32>
            %add3A_307 = arith.addf %mul3A_304, %add3A_306 : vector<16xf32>
            %mul3A_308 = arith.mulf %add3A_307, %abs3A : vector<16xf32>
            %add3A_309 = arith.constant 0.0889789909 : f32
            %add3A_310 = vector.broadcast %add3A_309 : f32 to vector<16xf32>
            %add3A_311 = arith.addf %mul3A_308, %add3A_310 : vector<16xf32>
            %mul3A_312 = arith.mulf %add3A_311, %abs3A : vector<16xf32>
            %add3A_313 = arith.constant -0.214598805 : f32
            %add3A_314 = vector.broadcast %add3A_313 : f32 to vector<16xf32>
            %add3A_315 = arith.addf %mul3A_312, %add3A_314 : vector<16xf32>
            %mul3A_316 = arith.mulf %add3A_315, %abs3A : vector<16xf32>
            %add3A_317 = arith.constant 1.57079625 : f32
            %add3A_318 = vector.broadcast %add3A_317 : f32 to vector<16xf32>
            %add3A_319 = arith.addf %mul3A_316, %add3A_318 : vector<16xf32>
            %mul3A_320 = arith.mulf %mul3A_289, %add3A_319 : vector<16xf32>
            %lt3A_321 = arith.constant 0.000000e+00 : f32
            %lt3A_322 = vector.broadcast %lt3A_321 : f32 to vector<16xf32>
            %lt3A_323 = arith.cmpf olt, %select_n3A_247, %lt3A_322 : vector<16xf32>
            %sub3A_324 = arith.constant 3.14159274 : f32
            %sub3A_325 = vector.broadcast %sub3A_324 : f32 to vector<16xf32>
            %sub3A_326 = arith.subf %sub3A_325, %mul3A_320 : vector<16xf32>
            %select_n3A_327 = arith.select %lt3A_323, %sub3A_326, %mul3A_320 : vector<16xi1>, vector<16xf32>
            %mul3A_328 = arith.mulf %sub3A_172, %sub3A_167 : vector<16xf32>
            %mul3A_329 = arith.mulf %sub3A_175, %sub3A_168 : vector<16xf32>
            %add3A_330 = arith.addf %mul3A_328, %mul3A_329 : vector<16xf32>
            %mul3A_331 = arith.mulf %sub3A_178, %sub3A_169 : vector<16xf32>
            %add3A_332 = arith.addf %add3A_330, %mul3A_331 : vector<16xf32>
            %gt3A_333 = arith.constant 0.000000e+00 : f32
            %gt3A_334 = vector.broadcast %gt3A_333 : f32 to vector<16xf32>
            %gt3A_335 = arith.cmpf ogt, %add3A_332, %gt3A_334 : vector<16xf32>
            %neg3A = arith.constant 0.000000e+00 : f32
            %neg3A_336 = vector.broadcast %neg3A : f32 to vector<16xf32>
            %neg3A_337 = arith.subf %neg3A_336, %select_n3A_327 : vector<16xf32>
            %select_n3A_338 = arith.select %gt3A_335, %select_n3A_327, %neg3A_337 : vector<16xi1>, vector<16xf32>
            %swap3A = arith.index_cast %mul3A_145 : i32 to index
            %swap3A_339 = tpu.vector_load %arg29[%swap3A] {strides = array<i32>} : memref<800xf32, #tpu.memory_space<vmem>>, vector<16xf32>,
            tpu.vector_store %arg29[%swap3A], %select_n3A_338 {strides = array<i32>} : memref<800xf32, #tpu.memory_space<vmem>>, vector<16xf32>,
          }
          %scan3A_138 = arith.constant 50 : i32
          %mul3A_139 = arith.constant 800 : i32
          %mul3A_140 = arith.muli %add3A_115, %mul3A_139 : i32
          %dma_start3A_141 = tpu.memref_slice %arg9[%mul3A_140] : memref<2000000xf32, #tpu.memory_space<hbm>> -> memref<800xf32, #tpu.memory_space<hbm>>
          %dma_start3A_142 = tpu.memref_slice %arg9[%mul3A_140] : memref<2000000xf32, #tpu.memory_space<hbm>> -> memref<800xf32, #tpu.memory_space<hbm>>
          tpu.enqueue_dma source(%arg29 : memref<800xf32, #tpu.memory_space<vmem>>) target(%dma_start3A_142 : memref<800xf32, #tpu.memory_space<hbm>>) target_semaphore(%arg39 : memref<!tpu.dma_semaphore, #tpu.memory_space<semaphore_mem>>)
        } else {
        }
      }
      %while3A_57 = arith.constant 1 : i32
      scf.for %while3A_68 = %while3A_55 to %while3A_51 step %while3A_57  : i32 {
        %mul3A_69 = arith.constant 2 : i32
        %mul3A_70 = arith.muli %mul3A_69, %while3A_68 : i32
        %add3A_71 = arith.constant 1 : i32
        %add3A_72 = arith.addi %mul3A_70, %add3A_71 : i32
        %lt3A_73 = arith.cmpi slt, %add3A_72, %select_n3A : i32
        %convert_element_type3A_74 = arith.extui %lt3A_73 : i1 to i32
        %cond3A_75 = arith.constant 0 : i32
        %cond3A_76 = arith.cmpi ne, %convert_element_type3A_74, %cond3A_75 : i32
        scf.if %cond3A_76 {
          %mul3A_113 = arith.constant 32 : i32
          %mul3A_114 = arith.muli %add3A_72, %mul3A_113 : i32
          %add3A_115 = arith.addi %add3A, %mul3A_114 : i32
          %mul3A_116 = arith.constant 800 : i32
          %mul3A_117 = arith.muli %add3A_115, %mul3A_116 : i32
          %dma_start3A_118 = tpu.memref_slice %arg5[%mul3A_117] : memref<2000000xi32, #tpu.memory_space<hbm>> -> memref<800xi32, #tpu.memory_space<hbm>>
          %dma_start3A_119 = tpu.memref_slice %arg5[%mul3A_117] : memref<2000000xi32, #tpu.memory_space<hbm>> -> memref<800xi32, #tpu.memory_space<hbm>>
          tpu.enqueue_dma source(%dma_start3A_119 : memref<800xi32, #tpu.memory_space<hbm>>) target(%arg16 : memref<800xi32, #tpu.memory_space<vmem>>) target_semaphore(%arg35 : memref<!tpu.dma_semaphore, #tpu.memory_space<semaphore_mem>>)
          %mul3A_120 = arith.constant 800 : i32
          %mul3A_121 = arith.muli %add3A_115, %mul3A_120 : i32
          %dma_start3A_122 = tpu.memref_slice %arg6[%mul3A_121] : memref<2000000xi32, #tpu.memory_space<hbm>> -> memref<800xi32, #tpu.memory_space<hbm>>
          %dma_start3A_123 = tpu.memref_slice %arg6[%mul3A_121] : memref<2000000xi32, #tpu.memory_space<hbm>> -> memref<800xi32, #tpu.memory_space<hbm>>
          tpu.enqueue_dma source(%dma_start3A_123 : memref<800xi32, #tpu.memory_space<hbm>>) target(%arg17 : memref<800xi32, #tpu.memory_space<vmem>>) target_semaphore(%arg35 : memref<!tpu.dma_semaphore, #tpu.memory_space<semaphore_mem>>)
          %mul3A_124 = arith.constant 800 : i32
          %mul3A_125 = arith.muli %add3A_115, %mul3A_124 : i32
          %dma_start3A_126 = tpu.memref_slice %arg7[%mul3A_125] : memref<2000000xi32, #tpu.memory_space<hbm>> -> memref<800xi32, #tpu.memory_space<hbm>>
          %dma_start3A_127 = tpu.memref_slice %arg7[%mul3A_125] : memref<2000000xi32, #tpu.memory_space<hbm>> -> memref<800xi32, #tpu.memory_space<hbm>>
          tpu.enqueue_dma source(%dma_start3A_127 : memref<800xi32, #tpu.memory_space<hbm>>) target(%arg18 : memref<800xi32, #tpu.memory_space<vmem>>) target_semaphore(%arg35 : memref<!tpu.dma_semaphore, #tpu.memory_space<semaphore_mem>>)
          %mul3A_128 = arith.constant 800 : i32
          %mul3A_129 = arith.muli %add3A_115, %mul3A_128 : i32
          %dma_start3A_130 = tpu.memref_slice %arg8[%mul3A_129] : memref<2000000xi32, #tpu.memory_space<hbm>> -> memref<800xi32, #tpu.memory_space<hbm>>
          %dma_start3A_131 = tpu.memref_slice %arg8[%mul3A_129] : memref<2000000xi32, #tpu.memory_space<hbm>> -> memref<800xi32, #tpu.memory_space<hbm>>
          tpu.enqueue_dma source(%dma_start3A_131 : memref<800xi32, #tpu.memory_space<hbm>>) target(%arg19 : memref<800xi32, #tpu.memory_space<vmem>>) target_semaphore(%arg35 : memref<!tpu.dma_semaphore, #tpu.memory_space<semaphore_mem>>)
          %mul3A_132 = arith.constant 800 : i32
          %mul3A_133 = arith.muli %add3A_115, %mul3A_132 : i32
          %dma_wait3A_134 = tpu.memref_slice %arg5[%mul3A_133] : memref<2000000xi32, #tpu.memory_space<hbm>> -> memref<800xi32, #tpu.memory_space<hbm>>
          %dma_wait3A_135 = tpu.memref_slice %arg5[%mul3A_133] : memref<2000000xi32, #tpu.memory_space<hbm>> -> memref<800xi32, #tpu.memory_space<hbm>>
          tpu.wait_dma2 semaphore(%arg35 : memref<!tpu.dma_semaphore, #tpu.memory_space<semaphore_mem>>) src(%dma_wait3A_135 : memref<800xi32, #tpu.memory_space<hbm>>) dst(%arg16 : memref<800xi32, #tpu.memory_space<vmem>>)
          %mul3A_136 = arith.constant 800 : i32
          %mul3A_137 = arith.muli %add3A_115, %mul3A_136 : i32
          %dma_wait3A_138 = tpu.memref_slice %arg6[%mul3A_137] : memref<2000000xi32, #tpu.memory_space<hbm>> -> memref<800xi32, #tpu.memory_space<hbm>>
          %dma_wait3A_139 = tpu.memref_slice %arg6[%mul3A_137] : memref<2000000xi32, #tpu.memory_space<hbm>> -> memref<800xi32, #tpu.memory_space<hbm>>
          tpu.wait_dma2 semaphore(%arg35 : memref<!tpu.dma_semaphore, #tpu.memory_space<semaphore_mem>>) src(%dma_wait3A_139 : memref<800xi32, #tpu.memory_space<hbm>>) dst(%arg17 : memref<800xi32, #tpu.memory_space<vmem>>)
          %mul3A_140 = arith.constant 800 : i32
          %mul3A_141 = arith.muli %add3A_115, %mul3A_140 : i32
          %dma_wait3A_142 = tpu.memref_slice %arg7[%mul3A_141] : memref<2000000xi32, #tpu.memory_space<hbm>> -> memref<800xi32, #tpu.memory_space<hbm>>
          %dma_wait3A_143 = tpu.memref_slice %arg7[%mul3A_141] : memref<2000000xi32, #tpu.memory_space<hbm>> -> memref<800xi32, #tpu.memory_space<hbm>>
          tpu.wait_dma2 semaphore(%arg35 : memref<!tpu.dma_semaphore, #tpu.memory_space<semaphore_mem>>) src(%dma_wait3A_143 : memref<800xi32, #tpu.memory_space<hbm>>) dst(%arg18 : memref<800xi32, #tpu.memory_space<vmem>>)
          %mul3A_144 = arith.constant 800 : i32
          %mul3A_145 = arith.muli %add3A_115, %mul3A_144 : i32
          %dma_wait3A_146 = tpu.memref_slice %arg8[%mul3A_145] : memref<2000000xi32, #tpu.memory_space<hbm>> -> memref<800xi32, #tpu.memory_space<hbm>>
          %dma_wait3A_147 = tpu.memref_slice %arg8[%mul3A_145] : memref<2000000xi32, #tpu.memory_space<hbm>> -> memref<800xi32, #tpu.memory_space<hbm>>
          tpu.wait_dma2 semaphore(%arg35 : memref<!tpu.dma_semaphore, #tpu.memory_space<semaphore_mem>>) src(%dma_wait3A_147 : memref<800xi32, #tpu.memory_space<hbm>>) dst(%arg19 : memref<800xi32, #tpu.memory_space<vmem>>)
          %dma_start3A_148 = arith.constant 0 : i32
          %dma_start3A_149 = arith.constant 0 : i32
          %dma_start3A_150 = tpu.memref_slice %arg10[%dma_start3A_148, %dma_start3A_149] : memref<500000x16xf32, #tpu.memory_space<hbm>> -> memref<500000x16xf32, #tpu.memory_space<hbm>>
          tpu.enqueue_indirect_dma source(%dma_start3A_150 : memref<500000x16xf32, #tpu.memory_space<hbm>>) target(%arg24 : memref<800x16xf32, #tpu.memory_space<vmem>>) offsets(%arg16 : memref<800xi32, #tpu.memory_space<vmem>>) semaphore(%arg37 : memref<!tpu.dma_semaphore, #tpu.memory_space<semaphore_mem>>)
          %dma_start3A_151 = arith.constant 0 : i32
          %dma_start3A_152 = arith.constant 0 : i32
          %dma_start3A_153 = tpu.memref_slice %arg10[%dma_start3A_151, %dma_start3A_152] : memref<500000x16xf32, #tpu.memory_space<hbm>> -> memref<500000x16xf32, #tpu.memory_space<hbm>>
          tpu.enqueue_indirect_dma source(%dma_start3A_153 : memref<500000x16xf32, #tpu.memory_space<hbm>>) target(%arg25 : memref<800x16xf32, #tpu.memory_space<vmem>>) offsets(%arg17 : memref<800xi32, #tpu.memory_space<vmem>>) semaphore(%arg37 : memref<!tpu.dma_semaphore, #tpu.memory_space<semaphore_mem>>)
          %dma_start3A_154 = arith.constant 0 : i32
          %dma_start3A_155 = arith.constant 0 : i32
          %dma_start3A_156 = tpu.memref_slice %arg10[%dma_start3A_154, %dma_start3A_155] : memref<500000x16xf32, #tpu.memory_space<hbm>> -> memref<500000x16xf32, #tpu.memory_space<hbm>>
          tpu.enqueue_indirect_dma source(%dma_start3A_156 : memref<500000x16xf32, #tpu.memory_space<hbm>>) target(%arg26 : memref<800x16xf32, #tpu.memory_space<vmem>>) offsets(%arg18 : memref<800xi32, #tpu.memory_space<vmem>>) semaphore(%arg37 : memref<!tpu.dma_semaphore, #tpu.memory_space<semaphore_mem>>)
          %dma_start3A_157 = arith.constant 0 : i32
          %dma_start3A_158 = arith.constant 0 : i32
          %dma_start3A_159 = tpu.memref_slice %arg10[%dma_start3A_157, %dma_start3A_158] : memref<500000x16xf32, #tpu.memory_space<hbm>> -> memref<500000x16xf32, #tpu.memory_space<hbm>>
          tpu.enqueue_indirect_dma source(%dma_start3A_159 : memref<500000x16xf32, #tpu.memory_space<hbm>>) target(%arg27 : memref<800x16xf32, #tpu.memory_space<vmem>>) offsets(%arg19 : memref<800xi32, #tpu.memory_space<vmem>>) semaphore(%arg37 : memref<!tpu.dma_semaphore, #tpu.memory_space<semaphore_mem>>)
        } else {
        }
        %mul3A_77 = arith.constant 32 : i32
        %mul3A_78 = arith.muli %mul3A_70, %mul3A_77 : i32
        %add3A_79 = arith.addi %add3A, %mul3A_78 : i32
        %dma_wait3A = arith.constant 0 : i32
        %dma_wait3A_80 = arith.constant 0 : i32
        %dma_wait3A_81 = tpu.memref_slice %arg10[%dma_wait3A, %dma_wait3A_80] : memref<500000x16xf32, #tpu.memory_space<hbm>> -> memref<500000x16xf32, #tpu.memory_space<hbm>>
        tpu.wait_indirect_dma semaphore(%arg36 : memref<!tpu.dma_semaphore, #tpu.memory_space<semaphore_mem>>) src(%dma_wait3A_81 : memref<500000x16xf32, #tpu.memory_space<hbm>>) dst(%arg20 : memref<800x16xf32, #tpu.memory_space<vmem>>)
        %dma_wait3A_82 = arith.constant 0 : i32
        %dma_wait3A_83 = arith.constant 0 : i32
        %dma_wait3A_84 = tpu.memref_slice %arg10[%dma_wait3A_82, %dma_wait3A_83] : memref<500000x16xf32, #tpu.memory_space<hbm>> -> memref<500000x16xf32, #tpu.memory_space<hbm>>
        tpu.wait_indirect_dma semaphore(%arg36 : memref<!tpu.dma_semaphore, #tpu.memory_space<semaphore_mem>>) src(%dma_wait3A_84 : memref<500000x16xf32, #tpu.memory_space<hbm>>) dst(%arg21 : memref<800x16xf32, #tpu.memory_space<vmem>>)
        %dma_wait3A_85 = arith.constant 0 : i32
        %dma_wait3A_86 = arith.constant 0 : i32
        %dma_wait3A_87 = tpu.memref_slice %arg10[%dma_wait3A_85, %dma_wait3A_86] : memref<500000x16xf32, #tpu.memory_space<hbm>> -> memref<500000x16xf32, #tpu.memory_space<hbm>>
        tpu.wait_indirect_dma semaphore(%arg36 : memref<!tpu.dma_semaphore, #tpu.memory_space<semaphore_mem>>) src(%dma_wait3A_87 : memref<500000x16xf32, #tpu.memory_space<hbm>>) dst(%arg22 : memref<800x16xf32, #tpu.memory_space<vmem>>)
        %dma_wait3A_88 = arith.constant 0 : i32
        %dma_wait3A_89 = arith.constant 0 : i32
        %dma_wait3A_90 = tpu.memref_slice %arg10[%dma_wait3A_88, %dma_wait3A_89] : memref<500000x16xf32, #tpu.memory_space<hbm>> -> memref<500000x16xf32, #tpu.memory_space<hbm>>
        tpu.wait_indirect_dma semaphore(%arg36 : memref<!tpu.dma_semaphore, #tpu.memory_space<semaphore_mem>>) src(%dma_wait3A_90 : memref<500000x16xf32, #tpu.memory_space<hbm>>) dst(%arg23 : memref<800x16xf32, #tpu.memory_space<vmem>>)
        %ge3A = arith.constant 2 : i32
        %ge3A_91 = arith.cmpi sge, %mul3A_70, %ge3A : i32
        %convert_element_type3A_92 = arith.extui %ge3A_91 : i1 to i32
        %cond3A_93 = arith.constant 0 : i32
        %cond3A_94 = arith.cmpi ne, %convert_element_type3A_92, %cond3A_93 : i32
        scf.if %cond3A_94 {
          %sub3A_113 = arith.constant 2 : i32
          %sub3A_114 = arith.subi %mul3A_70, %sub3A_113 : i32
          %mul3A_115 = arith.constant 32 : i32
          %mul3A_116 = arith.muli %sub3A_114, %mul3A_115 : i32
          %add3A_117 = arith.addi %add3A, %mul3A_116 : i32
          %mul3A_118 = arith.constant 800 : i32
          %mul3A_119 = arith.muli %add3A_117, %mul3A_118 : i32
          %dma_wait3A_120 = tpu.memref_slice %arg9[%mul3A_119] : memref<2000000xf32, #tpu.memory_space<hbm>> -> memref<800xf32, #tpu.memory_space<hbm>>
          %dma_wait3A_121 = tpu.memref_slice %arg9[%mul3A_119] : memref<2000000xf32, #tpu.memory_space<hbm>> -> memref<800xf32, #tpu.memory_space<hbm>>
          tpu.wait_dma2 semaphore(%arg38 : memref<!tpu.dma_semaphore, #tpu.memory_space<semaphore_mem>>) src(%arg28 : memref<800xf32, #tpu.memory_space<vmem>>) dst(%dma_wait3A_121 : memref<800xf32, #tpu.memory_space<hbm>>)
        } else {
        }
        %scan3A = arith.constant 0 : i32
        %scan3A_95 = arith.constant 0 : i32
        %scan3A_96 = arith.constant 50 : i32
        %scan3A_97 = arith.addi %scan3A_95, %scan3A_96 : i32
        %scan3A_98 = arith.constant 1 : i32
        scf.for %scan3A_113 = %scan3A_95 to %scan3A_97 step %scan3A_98  : i32 {
          %mul3A_114 = arith.constant 16 : i32
          %mul3A_115 = arith.muli %scan3A_113, %mul3A_114 : i32
          %mul3A_116 = arith.constant 16 : i32
          %mul3A_117 = arith.muli %scan3A_113, %mul3A_116 : i32
          %add3A_118 = vector.broadcast %mul3A_117 : i32 to vector<16xi32>
          %add3A_119 = arith.addi %add3A_118, %iota3A : vector<16xi32>
          %gather3A = tpu.vector_load_idx %arg20[%add3A_119, %broadcast_in_dim3A_3] : memref<800x16xf32, #tpu.memory_space<vmem>>[vector<16xi32>, vector<16xi32>], vector<16xf32>,
          %gather3A_120 = tpu.vector_load_idx %arg20[%add3A_119, %broadcast_in_dim3A_5] : memref<800x16xf32, #tpu.memory_space<vmem>>[vector<16xi32>, vector<16xi32>], vector<16xf32>,
          %gather3A_121 = tpu.vector_load_idx %arg20[%add3A_119, %broadcast_in_dim3A_7] : memref<800x16xf32, #tpu.memory_space<vmem>>[vector<16xi32>, vector<16xi32>], vector<16xf32>,
          %gather3A_122 = tpu.vector_load_idx %arg21[%add3A_119, %broadcast_in_dim3A_3] : memref<800x16xf32, #tpu.memory_space<vmem>>[vector<16xi32>, vector<16xi32>], vector<16xf32>,
          %gather3A_123 = tpu.vector_load_idx %arg21[%add3A_119, %broadcast_in_dim3A_5] : memref<800x16xf32, #tpu.memory_space<vmem>>[vector<16xi32>, vector<16xi32>], vector<16xf32>,
          %gather3A_124 = tpu.vector_load_idx %arg21[%add3A_119, %broadcast_in_dim3A_7] : memref<800x16xf32, #tpu.memory_space<vmem>>[vector<16xi32>, vector<16xi32>], vector<16xf32>,
          %gather3A_125 = tpu.vector_load_idx %arg22[%add3A_119, %broadcast_in_dim3A_3] : memref<800x16xf32, #tpu.memory_space<vmem>>[vector<16xi32>, vector<16xi32>], vector<16xf32>,
          %gather3A_126 = tpu.vector_load_idx %arg22[%add3A_119, %broadcast_in_dim3A_5] : memref<800x16xf32, #tpu.memory_space<vmem>>[vector<16xi32>, vector<16xi32>], vector<16xf32>,
          %gather3A_127 = tpu.vector_load_idx %arg22[%add3A_119, %broadcast_in_dim3A_7] : memref<800x16xf32, #tpu.memory_space<vmem>>[vector<16xi32>, vector<16xi32>], vector<16xf32>,
          %gather3A_128 = tpu.vector_load_idx %arg23[%add3A_119, %broadcast_in_dim3A_3] : memref<800x16xf32, #tpu.memory_space<vmem>>[vector<16xi32>, vector<16xi32>], vector<16xf32>,
          %gather3A_129 = tpu.vector_load_idx %arg23[%add3A_119, %broadcast_in_dim3A_5] : memref<800x16xf32, #tpu.memory_space<vmem>>[vector<16xi32>, vector<16xi32>], vector<16xf32>,
          %gather3A_130 = tpu.vector_load_idx %arg23[%add3A_119, %broadcast_in_dim3A_7] : memref<800x16xf32, #tpu.memory_space<vmem>>[vector<16xi32>, vector<16xi32>], vector<16xf32>,
          %sub3A_131 = arith.subf %gather3A_122, %gather3A : vector<16xf32>
          %sub3A_132 = arith.subf %gather3A_123, %gather3A_120 : vector<16xf32>
          %sub3A_133 = arith.subf %gather3A_124, %gather3A_121 : vector<16xf32>
          %sub3A_134 = arith.subf %gather3A_125, %gather3A_122 : vector<16xf32>
          %sub3A_135 = arith.subf %gather3A_126, %gather3A_123 : vector<16xf32>
          %sub3A_136 = arith.subf %gather3A_127, %gather3A_124 : vector<16xf32>
          %sub3A_137 = arith.subf %gather3A_128, %gather3A_125 : vector<16xf32>
          %sub3A_138 = arith.subf %gather3A_129, %gather3A_126 : vector<16xf32>
          %sub3A_139 = arith.subf %gather3A_130, %gather3A_127 : vector<16xf32>
          %mul3A_140 = arith.mulf %sub3A_132, %sub3A_136 : vector<16xf32>
          %mul3A_141 = arith.mulf %sub3A_133, %sub3A_135 : vector<16xf32>
          %sub3A_142 = arith.subf %mul3A_140, %mul3A_141 : vector<16xf32>
          %mul3A_143 = arith.mulf %sub3A_133, %sub3A_134 : vector<16xf32>
          %mul3A_144 = arith.mulf %sub3A_131, %sub3A_136 : vector<16xf32>
          %sub3A_145 = arith.subf %mul3A_143, %mul3A_144 : vector<16xf32>
          %mul3A_146 = arith.mulf %sub3A_131, %sub3A_135 : vector<16xf32>
          %mul3A_147 = arith.mulf %sub3A_132, %sub3A_134 : vector<16xf32>
          %sub3A_148 = arith.subf %mul3A_146, %mul3A_147 : vector<16xf32>
          %mul3A_149 = arith.mulf %sub3A_135, %sub3A_139 : vector<16xf32>
          %mul3A_150 = arith.mulf %sub3A_136, %sub3A_138 : vector<16xf32>
          %sub3A_151 = arith.subf %mul3A_149, %mul3A_150 : vector<16xf32>
          %mul3A_152 = arith.mulf %sub3A_136, %sub3A_137 : vector<16xf32>
          %mul3A_153 = arith.mulf %sub3A_134, %sub3A_139 : vector<16xf32>
          %sub3A_154 = arith.subf %mul3A_152, %mul3A_153 : vector<16xf32>
          %mul3A_155 = arith.mulf %sub3A_134, %sub3A_138 : vector<16xf32>
          %mul3A_156 = arith.mulf %sub3A_135, %sub3A_137 : vector<16xf32>
          %sub3A_157 = arith.subf %mul3A_155, %mul3A_156 : vector<16xf32>
          %mul3A_158 = arith.mulf %sub3A_142, %sub3A_151 : vector<16xf32>
          %mul3A_159 = arith.mulf %sub3A_145, %sub3A_154 : vector<16xf32>
          %add3A_160 = arith.addf %mul3A_158, %mul3A_159 : vector<16xf32>
          %mul3A_161 = arith.mulf %sub3A_148, %sub3A_157 : vector<16xf32>
          %add3A_162 = arith.addf %add3A_160, %mul3A_161 : vector<16xf32>
          %mul3A_163 = arith.mulf %sub3A_142, %sub3A_142 : vector<16xf32>
          %mul3A_164 = arith.mulf %sub3A_145, %sub3A_145 : vector<16xf32>
          %add3A_165 = arith.addf %mul3A_163, %mul3A_164 : vector<16xf32>
          %mul3A_166 = arith.mulf %sub3A_148, %sub3A_148 : vector<16xf32>
          %add3A_167 = arith.addf %add3A_165, %mul3A_166 : vector<16xf32>
          %mul3A_168 = arith.mulf %sub3A_151, %sub3A_151 : vector<16xf32>
          %mul3A_169 = arith.mulf %sub3A_154, %sub3A_154 : vector<16xf32>
          %add3A_170 = arith.addf %mul3A_168, %mul3A_169 : vector<16xf32>
          %mul3A_171 = arith.mulf %sub3A_157, %sub3A_157 : vector<16xf32>
          %add3A_172 = arith.addf %add3A_170, %mul3A_171 : vector<16xf32>
          %mul3A_173 = arith.mulf %add3A_167, %add3A_172 : vector<16xf32>
          %bitcast3A = vector.bitcast %mul3A_173 : vector<16xf32> to vector<16xi32>
          %shift_right_arithmetic3A = arith.constant 1 : i32
          %shift_right_arithmetic3A_174 = vector.broadcast %shift_right_arithmetic3A : i32 to vector<16xi32>
          %shift_right_arithmetic3A_175 = arith.shrsi %bitcast3A, %shift_right_arithmetic3A_174 : vector<16xi32>
          %sub3A_176 = arith.constant 1597463007 : i32
          %sub3A_177 = vector.broadcast %sub3A_176 : i32 to vector<16xi32>
          %sub3A_178 = arith.subi %sub3A_177, %shift_right_arithmetic3A_175 : vector<16xi32>
          %bitcast3A_179 = vector.bitcast %sub3A_178 : vector<16xi32> to vector<16xf32>
          %mul3A_180 = arith.constant 5.000000e-01 : f32
          %mul3A_181 = vector.broadcast %mul3A_180 : f32 to vector<16xf32>
          %mul3A_182 = arith.mulf %mul3A_181, %mul3A_173 : vector<16xf32>
          %mul3A_183 = arith.mulf %mul3A_182, %bitcast3A_179 : vector<16xf32>
          %mul3A_184 = arith.mulf %mul3A_183, %bitcast3A_179 : vector<16xf32>
          %sub3A_185 = arith.constant 1.500000e+00 : f32
          %sub3A_186 = vector.broadcast %sub3A_185 : f32 to vector<16xf32>
          %sub3A_187 = arith.subf %sub3A_186, %mul3A_184 : vector<16xf32>
          %mul3A_188 = arith.mulf %bitcast3A_179, %sub3A_187 : vector<16xf32>
          %mul3A_189 = arith.constant 5.000000e-01 : f32
          %mul3A_190 = vector.broadcast %mul3A_189 : f32 to vector<16xf32>
          %mul3A_191 = arith.mulf %mul3A_190, %mul3A_173 : vector<16xf32>
          %mul3A_192 = arith.mulf %mul3A_191, %mul3A_188 : vector<16xf32>
          %mul3A_193 = arith.mulf %mul3A_192, %mul3A_188 : vector<16xf32>
          %sub3A_194 = arith.constant 1.500000e+00 : f32
          %sub3A_195 = vector.broadcast %sub3A_194 : f32 to vector<16xf32>
          %sub3A_196 = arith.subf %sub3A_195, %mul3A_193 : vector<16xf32>
          %mul3A_197 = arith.mulf %mul3A_188, %sub3A_196 : vector<16xf32>
          %mul3A_198 = arith.constant 5.000000e-01 : f32
          %mul3A_199 = vector.broadcast %mul3A_198 : f32 to vector<16xf32>
          %mul3A_200 = arith.mulf %mul3A_199, %mul3A_173 : vector<16xf32>
          %mul3A_201 = arith.mulf %mul3A_200, %mul3A_197 : vector<16xf32>
          %mul3A_202 = arith.mulf %mul3A_201, %mul3A_197 : vector<16xf32>
          %sub3A_203 = arith.constant 1.500000e+00 : f32
          %sub3A_204 = vector.broadcast %sub3A_203 : f32 to vector<16xf32>
          %sub3A_205 = arith.subf %sub3A_204, %mul3A_202 : vector<16xf32>
          %mul3A_206 = arith.mulf %mul3A_197, %sub3A_205 : vector<16xf32>
          %mul3A_207 = arith.mulf %add3A_162, %mul3A_206 : vector<16xf32>
          %jit3A_208 = arith.constant -1.000000e+00 : f32
          %jit3A_209 = arith.constant 1.000000e+00 : f32
          %max3A = vector.broadcast %jit3A_208 : f32 to vector<16xf32>
          %max3A_210 = arith.maximumf %max3A, %mul3A_207 : vector<16xf32>
          %min3A = vector.broadcast %jit3A_209 : f32 to vector<16xf32>
          %min3A_211 = arith.minimumf %min3A, %max3A_210 : vector<16xf32>
          %gt3A_212 = arith.constant 0.000000e+00 : f32
          %gt3A_213 = vector.broadcast %gt3A_212 : f32 to vector<16xf32>
          %gt3A_214 = arith.cmpf ogt, %mul3A_173, %gt3A_213 : vector<16xf32>
          %jit3A_215 = arith.constant 0x7FC00000 : f32
          %broadcast_in_dim3A_216 = vector.broadcast %jit3A_215 : f32 to vector<16xf32>
          %select_n3A_217 = arith.select %gt3A_214, %min3A_211, %broadcast_in_dim3A_216 : vector<16xi1>, vector<16xf32>
          %abs3A = math.absf %select_n3A_217 : vector<16xf32>
          %sub3A_218 = arith.constant 1.000000e+00 : f32
          %sub3A_219 = vector.broadcast %sub3A_218 : f32 to vector<16xf32>
          %sub3A_220 = arith.subf %sub3A_219, %abs3A : vector<16xf32>
          %max3A_221 = arith.constant 1.000000e-30 : f32
          %max3A_222 = vector.broadcast %max3A_221 : f32 to vector<16xf32>
          %max3A_223 = arith.maximumf %sub3A_220, %max3A_222 : vector<16xf32>
          %bitcast3A_224 = vector.bitcast %max3A_223 : vector<16xf32> to vector<16xi32>
          %shift_right_arithmetic3A_225 = arith.constant 1 : i32
          %shift_right_arithmetic3A_226 = vector.broadcast %shift_right_arithmetic3A_225 : i32 to vector<16xi32>
          %shift_right_arithmetic3A_227 = arith.shrsi %bitcast3A_224, %shift_right_arithmetic3A_226 : vector<16xi32>
          %sub3A_228 = arith.constant 1597463007 : i32
          %sub3A_229 = vector.broadcast %sub3A_228 : i32 to vector<16xi32>
          %sub3A_230 = arith.subi %sub3A_229, %shift_right_arithmetic3A_227 : vector<16xi32>
          %bitcast3A_231 = vector.bitcast %sub3A_230 : vector<16xi32> to vector<16xf32>
          %mul3A_232 = arith.constant 5.000000e-01 : f32
          %mul3A_233 = vector.broadcast %mul3A_232 : f32 to vector<16xf32>
          %mul3A_234 = arith.mulf %mul3A_233, %max3A_223 : vector<16xf32>
          %mul3A_235 = arith.mulf %mul3A_234, %bitcast3A_231 : vector<16xf32>
          %mul3A_236 = arith.mulf %mul3A_235, %bitcast3A_231 : vector<16xf32>
          %sub3A_237 = arith.constant 1.500000e+00 : f32
          %sub3A_238 = vector.broadcast %sub3A_237 : f32 to vector<16xf32>
          %sub3A_239 = arith.subf %sub3A_238, %mul3A_236 : vector<16xf32>
          %mul3A_240 = arith.mulf %bitcast3A_231, %sub3A_239 : vector<16xf32>
          %mul3A_241 = arith.constant 5.000000e-01 : f32
          %mul3A_242 = vector.broadcast %mul3A_241 : f32 to vector<16xf32>
          %mul3A_243 = arith.mulf %mul3A_242, %max3A_223 : vector<16xf32>
          %mul3A_244 = arith.mulf %mul3A_243, %mul3A_240 : vector<16xf32>
          %mul3A_245 = arith.mulf %mul3A_244, %mul3A_240 : vector<16xf32>
          %sub3A_246 = arith.constant 1.500000e+00 : f32
          %sub3A_247 = vector.broadcast %sub3A_246 : f32 to vector<16xf32>
          %sub3A_248 = arith.subf %sub3A_247, %mul3A_245 : vector<16xf32>
          %mul3A_249 = arith.mulf %mul3A_240, %sub3A_248 : vector<16xf32>
          %mul3A_250 = arith.constant 5.000000e-01 : f32
          %mul3A_251 = vector.broadcast %mul3A_250 : f32 to vector<16xf32>
          %mul3A_252 = arith.mulf %mul3A_251, %max3A_223 : vector<16xf32>
          %mul3A_253 = arith.mulf %mul3A_252, %mul3A_249 : vector<16xf32>
          %mul3A_254 = arith.mulf %mul3A_253, %mul3A_249 : vector<16xf32>
          %sub3A_255 = arith.constant 1.500000e+00 : f32
          %sub3A_256 = vector.broadcast %sub3A_255 : f32 to vector<16xf32>
          %sub3A_257 = arith.subf %sub3A_256, %mul3A_254 : vector<16xf32>
          %mul3A_258 = arith.mulf %mul3A_249, %sub3A_257 : vector<16xf32>
          %mul3A_259 = arith.mulf %sub3A_220, %mul3A_258 : vector<16xf32>
          %broadcast_in_dim3A_260 = arith.constant -0.0012624911 : f32
          %broadcast_in_dim3A_261 = vector.broadcast %broadcast_in_dim3A_260 : f32 to vector<16xf32>
          %mul3A_262 = arith.mulf %broadcast_in_dim3A_261, %abs3A : vector<16xf32>
          %add3A_263 = arith.constant 6.670090e-03 : f32
          %add3A_264 = vector.broadcast %add3A_263 : f32 to vector<16xf32>
          %add3A_265 = arith.addf %mul3A_262, %add3A_264 : vector<16xf32>
          %mul3A_266 = arith.mulf %add3A_265, %abs3A : vector<16xf32>
          %add3A_267 = arith.constant -0.0170881264 : f32
          %add3A_268 = vector.broadcast %add3A_267 : f32 to vector<16xf32>
          %add3A_269 = arith.addf %mul3A_266, %add3A_268 : vector<16xf32>
          %mul3A_270 = arith.mulf %add3A_269, %abs3A : vector<16xf32>
          %add3A_271 = arith.constant 0.0308918804 : f32
          %add3A_272 = vector.broadcast %add3A_271 : f32 to vector<16xf32>
          %add3A_273 = arith.addf %mul3A_270, %add3A_272 : vector<16xf32>
          %mul3A_274 = arith.mulf %add3A_273, %abs3A : vector<16xf32>
          %add3A_275 = arith.constant -0.0501743034 : f32
          %add3A_276 = vector.broadcast %add3A_275 : f32 to vector<16xf32>
          %add3A_277 = arith.addf %mul3A_274, %add3A_276 : vector<16xf32>
          %mul3A_278 = arith.mulf %add3A_277, %abs3A : vector<16xf32>
          %add3A_279 = arith.constant 0.0889789909 : f32
          %add3A_280 = vector.broadcast %add3A_279 : f32 to vector<16xf32>
          %add3A_281 = arith.addf %mul3A_278, %add3A_280 : vector<16xf32>
          %mul3A_282 = arith.mulf %add3A_281, %abs3A : vector<16xf32>
          %add3A_283 = arith.constant -0.214598805 : f32
          %add3A_284 = vector.broadcast %add3A_283 : f32 to vector<16xf32>
          %add3A_285 = arith.addf %mul3A_282, %add3A_284 : vector<16xf32>
          %mul3A_286 = arith.mulf %add3A_285, %abs3A : vector<16xf32>
          %add3A_287 = arith.constant 1.57079625 : f32
          %add3A_288 = vector.broadcast %add3A_287 : f32 to vector<16xf32>
          %add3A_289 = arith.addf %mul3A_286, %add3A_288 : vector<16xf32>
          %mul3A_290 = arith.mulf %mul3A_259, %add3A_289 : vector<16xf32>
          %lt3A_291 = arith.constant 0.000000e+00 : f32
          %lt3A_292 = vector.broadcast %lt3A_291 : f32 to vector<16xf32>
          %lt3A_293 = arith.cmpf olt, %select_n3A_217, %lt3A_292 : vector<16xf32>
          %sub3A_294 = arith.constant 3.14159274 : f32
          %sub3A_295 = vector.broadcast %sub3A_294 : f32 to vector<16xf32>
          %sub3A_296 = arith.subf %sub3A_295, %mul3A_290 : vector<16xf32>
          %select_n3A_297 = arith.select %lt3A_293, %sub3A_296, %mul3A_290 : vector<16xi1>, vector<16xf32>
          %mul3A_298 = arith.mulf %sub3A_142, %sub3A_137 : vector<16xf32>
          %mul3A_299 = arith.mulf %sub3A_145, %sub3A_138 : vector<16xf32>
          %add3A_300 = arith.addf %mul3A_298, %mul3A_299 : vector<16xf32>
          %mul3A_301 = arith.mulf %sub3A_148, %sub3A_139 : vector<16xf32>
          %add3A_302 = arith.addf %add3A_300, %mul3A_301 : vector<16xf32>
          %gt3A_303 = arith.constant 0.000000e+00 : f32
          %gt3A_304 = vector.broadcast %gt3A_303 : f32 to vector<16xf32>
          %gt3A_305 = arith.cmpf ogt, %add3A_302, %gt3A_304 : vector<16xf32>
          %neg3A = arith.constant 0.000000e+00 : f32
          %neg3A_306 = vector.broadcast %neg3A : f32 to vector<16xf32>
          %neg3A_307 = arith.subf %neg3A_306, %select_n3A_297 : vector<16xf32>
          %select_n3A_308 = arith.select %gt3A_305, %select_n3A_297, %neg3A_307 : vector<16xi1>, vector<16xf32>
          %swap3A = arith.index_cast %mul3A_115 : i32 to index
          %swap3A_309 = tpu.vector_load %arg28[%swap3A] {strides = array<i32>} : memref<800xf32, #tpu.memory_space<vmem>>, vector<16xf32>,
          tpu.vector_store %arg28[%swap3A], %select_n3A_308 {strides = array<i32>} : memref<800xf32, #tpu.memory_space<vmem>>, vector<16xf32>,
        }
        %scan3A_99 = arith.constant 50 : i32
        %mul3A_100 = arith.constant 800 : i32
        %mul3A_101 = arith.muli %add3A_79, %mul3A_100 : i32
        %dma_start3A = tpu.memref_slice %arg9[%mul3A_101] : memref<2000000xf32, #tpu.memory_space<hbm>> -> memref<800xf32, #tpu.memory_space<hbm>>
        %dma_start3A_102 = tpu.memref_slice %arg9[%mul3A_101] : memref<2000000xf32, #tpu.memory_space<hbm>> -> memref<800xf32, #tpu.memory_space<hbm>>
        tpu.enqueue_dma source(%arg28 : memref<800xf32, #tpu.memory_space<vmem>>) target(%dma_start3A_102 : memref<800xf32, #tpu.memory_space<hbm>>) target_semaphore(%arg38 : memref<!tpu.dma_semaphore, #tpu.memory_space<semaphore_mem>>)
        %add3A_103 = arith.constant 1 : i32
        %add3A_104 = arith.addi %add3A_72, %add3A_103 : i32
        %lt3A_105 = arith.cmpi slt, %add3A_104, %select_n3A : i32
        %convert_element_type3A_106 = arith.extui %lt3A_105 : i1 to i32
        %cond3A_107 = arith.constant 0 : i32
        %cond3A_108 = arith.cmpi ne, %convert_element_type3A_106, %cond3A_107 : i32
        scf.if %cond3A_108 {
          %add3A_113 = arith.constant 1 : i32
          %add3A_114 = arith.addi %add3A_72, %add3A_113 : i32
          %mul3A_115 = arith.constant 32 : i32
          %mul3A_116 = arith.muli %add3A_114, %mul3A_115 : i32
          %add3A_117 = arith.addi %add3A, %mul3A_116 : i32
          %mul3A_118 = arith.constant 800 : i32
          %mul3A_119 = arith.muli %add3A_117, %mul3A_118 : i32
          %dma_start3A_120 = tpu.memref_slice %arg5[%mul3A_119] : memref<2000000xi32, #tpu.memory_space<hbm>> -> memref<800xi32, #tpu.memory_space<hbm>>
          %dma_start3A_121 = tpu.memref_slice %arg5[%mul3A_119] : memref<2000000xi32, #tpu.memory_space<hbm>> -> memref<800xi32, #tpu.memory_space<hbm>>
          tpu.enqueue_dma source(%dma_start3A_121 : memref<800xi32, #tpu.memory_space<hbm>>) target(%arg12 : memref<800xi32, #tpu.memory_space<vmem>>) target_semaphore(%arg34 : memref<!tpu.dma_semaphore, #tpu.memory_space<semaphore_mem>>)
          %mul3A_122 = arith.constant 800 : i32
          %mul3A_123 = arith.muli %add3A_117, %mul3A_122 : i32
          %dma_start3A_124 = tpu.memref_slice %arg6[%mul3A_123] : memref<2000000xi32, #tpu.memory_space<hbm>> -> memref<800xi32, #tpu.memory_space<hbm>>
          %dma_start3A_125 = tpu.memref_slice %arg6[%mul3A_123] : memref<2000000xi32, #tpu.memory_space<hbm>> -> memref<800xi32, #tpu.memory_space<hbm>>
          tpu.enqueue_dma source(%dma_start3A_125 : memref<800xi32, #tpu.memory_space<hbm>>) target(%arg13 : memref<800xi32, #tpu.memory_space<vmem>>) target_semaphore(%arg34 : memref<!tpu.dma_semaphore, #tpu.memory_space<semaphore_mem>>)
          %mul3A_126 = arith.constant 800 : i32
          %mul3A_127 = arith.muli %add3A_117, %mul3A_126 : i32
          %dma_start3A_128 = tpu.memref_slice %arg7[%mul3A_127] : memref<2000000xi32, #tpu.memory_space<hbm>> -> memref<800xi32, #tpu.memory_space<hbm>>
          %dma_start3A_129 = tpu.memref_slice %arg7[%mul3A_127] : memref<2000000xi32, #tpu.memory_space<hbm>> -> memref<800xi32, #tpu.memory_space<hbm>>
          tpu.enqueue_dma source(%dma_start3A_129 : memref<800xi32, #tpu.memory_space<hbm>>) target(%arg14 : memref<800xi32, #tpu.memory_space<vmem>>) target_semaphore(%arg34 : memref<!tpu.dma_semaphore, #tpu.memory_space<semaphore_mem>>)
          %mul3A_130 = arith.constant 800 : i32
          %mul3A_131 = arith.muli %add3A_117, %mul3A_130 : i32
          %dma_start3A_132 = tpu.memref_slice %arg8[%mul3A_131] : memref<2000000xi32, #tpu.memory_space<hbm>> -> memref<800xi32, #tpu.memory_space<hbm>>
          %dma_start3A_133 = tpu.memref_slice %arg8[%mul3A_131] : memref<2000000xi32, #tpu.memory_space<hbm>> -> memref<800xi32, #tpu.memory_space<hbm>>
          tpu.enqueue_dma source(%dma_start3A_133 : memref<800xi32, #tpu.memory_space<hbm>>) target(%arg15 : memref<800xi32, #tpu.memory_space<vmem>>) target_semaphore(%arg34 : memref<!tpu.dma_semaphore, #tpu.memory_space<semaphore_mem>>)
          %mul3A_134 = arith.constant 800 : i32
          %mul3A_135 = arith.muli %add3A_117, %mul3A_134 : i32
          %dma_wait3A_136 = tpu.memref_slice %arg5[%mul3A_135] : memref<2000000xi32, #tpu.memory_space<hbm>> -> memref<800xi32, #tpu.memory_space<hbm>>
          %dma_wait3A_137 = tpu.memref_slice %arg5[%mul3A_135] : memref<2000000xi32, #tpu.memory_space<hbm>> -> memref<800xi32, #tpu.memory_space<hbm>>
          tpu.wait_dma2 semaphore(%arg34 : memref<!tpu.dma_semaphore, #tpu.memory_space<semaphore_mem>>) src(%dma_wait3A_137 : memref<800xi32, #tpu.memory_space<hbm>>) dst(%arg12 : memref<800xi32, #tpu.memory_space<vmem>>)
          %mul3A_138 = arith.constant 800 : i32
          %mul3A_139 = arith.muli %add3A_117, %mul3A_138 : i32
          %dma_wait3A_140 = tpu.memref_slice %arg6[%mul3A_139] : memref<2000000xi32, #tpu.memory_space<hbm>> -> memref<800xi32, #tpu.memory_space<hbm>>
          %dma_wait3A_141 = tpu.memref_slice %arg6[%mul3A_139] : memref<2000000xi32, #tpu.memory_space<hbm>> -> memref<800xi32, #tpu.memory_space<hbm>>
          tpu.wait_dma2 semaphore(%arg34 : memref<!tpu.dma_semaphore, #tpu.memory_space<semaphore_mem>>) src(%dma_wait3A_141 : memref<800xi32, #tpu.memory_space<hbm>>) dst(%arg13 : memref<800xi32, #tpu.memory_space<vmem>>)
          %mul3A_142 = arith.constant 800 : i32
          %mul3A_143 = arith.muli %add3A_117, %mul3A_142 : i32
          %dma_wait3A_144 = tpu.memref_slice %arg7[%mul3A_143] : memref<2000000xi32, #tpu.memory_space<hbm>> -> memref<800xi32, #tpu.memory_space<hbm>>
          %dma_wait3A_145 = tpu.memref_slice %arg7[%mul3A_143] : memref<2000000xi32, #tpu.memory_space<hbm>> -> memref<800xi32, #tpu.memory_space<hbm>>
          tpu.wait_dma2 semaphore(%arg34 : memref<!tpu.dma_semaphore, #tpu.memory_space<semaphore_mem>>) src(%dma_wait3A_145 : memref<800xi32, #tpu.memory_space<hbm>>) dst(%arg14 : memref<800xi32, #tpu.memory_space<vmem>>)
          %mul3A_146 = arith.constant 800 : i32
          %mul3A_147 = arith.muli %add3A_117, %mul3A_146 : i32
          %dma_wait3A_148 = tpu.memref_slice %arg8[%mul3A_147] : memref<2000000xi32, #tpu.memory_space<hbm>> -> memref<800xi32, #tpu.memory_space<hbm>>
          %dma_wait3A_149 = tpu.memref_slice %arg8[%mul3A_147] : memref<2000000xi32, #tpu.memory_space<hbm>> -> memref<800xi32, #tpu.memory_space<hbm>>
          tpu.wait_dma2 semaphore(%arg34 : memref<!tpu.dma_semaphore, #tpu.memory_space<semaphore_mem>>) src(%dma_wait3A_149 : memref<800xi32, #tpu.memory_space<hbm>>) dst(%arg15 : memref<800xi32, #tpu.memory_space<vmem>>)
          %dma_start3A_150 = arith.constant 0 : i32
          %dma_start3A_151 = arith.constant 0 : i32
          %dma_start3A_152 = tpu.memref_slice %arg10[%dma_start3A_150, %dma_start3A_151] : memref<500000x16xf32, #tpu.memory_space<hbm>> -> memref<500000x16xf32, #tpu.memory_space<hbm>>
          tpu.enqueue_indirect_dma source(%dma_start3A_152 : memref<500000x16xf32, #tpu.memory_space<hbm>>) target(%arg20 : memref<800x16xf32, #tpu.memory_space<vmem>>) offsets(%arg12 : memref<800xi32, #tpu.memory_space<vmem>>) semaphore(%arg36 : memref<!tpu.dma_semaphore, #tpu.memory_space<semaphore_mem>>)
          %dma_start3A_153 = arith.constant 0 : i32
          %dma_start3A_154 = arith.constant 0 : i32
          %dma_start3A_155 = tpu.memref_slice %arg10[%dma_start3A_153, %dma_start3A_154] : memref<500000x16xf32, #tpu.memory_space<hbm>> -> memref<500000x16xf32, #tpu.memory_space<hbm>>
          tpu.enqueue_indirect_dma source(%dma_start3A_155 : memref<500000x16xf32, #tpu.memory_space<hbm>>) target(%arg21 : memref<800x16xf32, #tpu.memory_space<vmem>>) offsets(%arg13 : memref<800xi32, #tpu.memory_space<vmem>>) semaphore(%arg36 : memref<!tpu.dma_semaphore, #tpu.memory_space<semaphore_mem>>)
          %dma_start3A_156 = arith.constant 0 : i32
          %dma_start3A_157 = arith.constant 0 : i32
          %dma_start3A_158 = tpu.memref_slice %arg10[%dma_start3A_156, %dma_start3A_157] : memref<500000x16xf32, #tpu.memory_space<hbm>> -> memref<500000x16xf32, #tpu.memory_space<hbm>>
          tpu.enqueue_indirect_dma source(%dma_start3A_158 : memref<500000x16xf32, #tpu.memory_space<hbm>>) target(%arg22 : memref<800x16xf32, #tpu.memory_space<vmem>>) offsets(%arg14 : memref<800xi32, #tpu.memory_space<vmem>>) semaphore(%arg36 : memref<!tpu.dma_semaphore, #tpu.memory_space<semaphore_mem>>)
          %dma_start3A_159 = arith.constant 0 : i32
          %dma_start3A_160 = arith.constant 0 : i32
          %dma_start3A_161 = tpu.memref_slice %arg10[%dma_start3A_159, %dma_start3A_160] : memref<500000x16xf32, #tpu.memory_space<hbm>> -> memref<500000x16xf32, #tpu.memory_space<hbm>>
          tpu.enqueue_indirect_dma source(%dma_start3A_161 : memref<500000x16xf32, #tpu.memory_space<hbm>>) target(%arg23 : memref<800x16xf32, #tpu.memory_space<vmem>>) offsets(%arg15 : memref<800xi32, #tpu.memory_space<vmem>>) semaphore(%arg36 : memref<!tpu.dma_semaphore, #tpu.memory_space<semaphore_mem>>)
        } else {
        }
        %lt3A_109 = arith.cmpi slt, %add3A_72, %select_n3A : i32
        %convert_element_type3A_110 = arith.extui %lt3A_109 : i1 to i32
        %cond3A_111 = arith.constant 0 : i32
        %cond3A_112 = arith.cmpi ne, %convert_element_type3A_110, %cond3A_111 : i32
        scf.if %cond3A_112 {
          %mul3A_113 = arith.constant 32 : i32
          %mul3A_114 = arith.muli %add3A_72, %mul3A_113 : i32
          %add3A_115 = arith.addi %add3A, %mul3A_114 : i32
          %dma_wait3A_116 = arith.constant 0 : i32
          %dma_wait3A_117 = arith.constant 0 : i32
          %dma_wait3A_118 = tpu.memref_slice %arg10[%dma_wait3A_116, %dma_wait3A_117] : memref<500000x16xf32, #tpu.memory_space<hbm>> -> memref<500000x16xf32, #tpu.memory_space<hbm>>
          tpu.wait_indirect_dma semaphore(%arg37 : memref<!tpu.dma_semaphore, #tpu.memory_space<semaphore_mem>>) src(%dma_wait3A_118 : memref<500000x16xf32, #tpu.memory_space<hbm>>) dst(%arg24 : memref<800x16xf32, #tpu.memory_space<vmem>>)
          %dma_wait3A_119 = arith.constant 0 : i32
          %dma_wait3A_120 = arith.constant 0 : i32
          %dma_wait3A_121 = tpu.memref_slice %arg10[%dma_wait3A_119, %dma_wait3A_120] : memref<500000x16xf32, #tpu.memory_space<hbm>> -> memref<500000x16xf32, #tpu.memory_space<hbm>>
          tpu.wait_indirect_dma semaphore(%arg37 : memref<!tpu.dma_semaphore, #tpu.memory_space<semaphore_mem>>) src(%dma_wait3A_121 : memref<500000x16xf32, #tpu.memory_space<hbm>>) dst(%arg25 : memref<800x16xf32, #tpu.memory_space<vmem>>)
          %dma_wait3A_122 = arith.constant 0 : i32
          %dma_wait3A_123 = arith.constant 0 : i32
          %dma_wait3A_124 = tpu.memref_slice %arg10[%dma_wait3A_122, %dma_wait3A_123] : memref<500000x16xf32, #tpu.memory_space<hbm>> -> memref<500000x16xf32, #tpu.memory_space<hbm>>
          tpu.wait_indirect_dma semaphore(%arg37 : memref<!tpu.dma_semaphore, #tpu.memory_space<semaphore_mem>>) src(%dma_wait3A_124 : memref<500000x16xf32, #tpu.memory_space<hbm>>) dst(%arg26 : memref<800x16xf32, #tpu.memory_space<vmem>>)
          %dma_wait3A_125 = arith.constant 0 : i32
          %dma_wait3A_126 = arith.constant 0 : i32
          %dma_wait3A_127 = tpu.memref_slice %arg10[%dma_wait3A_125, %dma_wait3A_126] : memref<500000x16xf32, #tpu.memory_space<hbm>> -> memref<500000x16xf32, #tpu.memory_space<hbm>>
          tpu.wait_indirect_dma semaphore(%arg37 : memref<!tpu.dma_semaphore, #tpu.memory_space<semaphore_mem>>) src(%dma_wait3A_127 : memref<500000x16xf32, #tpu.memory_space<hbm>>) dst(%arg27 : memref<800x16xf32, #tpu.memory_space<vmem>>)
          %ge3A_128 = arith.constant 2 : i32
          %ge3A_129 = arith.cmpi sge, %add3A_72, %ge3A_128 : i32
          %convert_element_type3A_130 = arith.extui %ge3A_129 : i1 to i32
          %cond3A_131 = arith.constant 0 : i32
          %cond3A_132 = arith.cmpi ne, %convert_element_type3A_130, %cond3A_131 : i32
          scf.if %cond3A_132 {
            %sub3A_143 = arith.constant 2 : i32
            %sub3A_144 = arith.subi %add3A_72, %sub3A_143 : i32
            %mul3A_145 = arith.constant 32 : i32
            %mul3A_146 = arith.muli %sub3A_144, %mul3A_145 : i32
            %add3A_147 = arith.addi %add3A, %mul3A_146 : i32
            %mul3A_148 = arith.constant 800 : i32
            %mul3A_149 = arith.muli %add3A_147, %mul3A_148 : i32
            %dma_wait3A_150 = tpu.memref_slice %arg9[%mul3A_149] : memref<2000000xf32, #tpu.memory_space<hbm>> -> memref<800xf32, #tpu.memory_space<hbm>>
            %dma_wait3A_151 = tpu.memref_slice %arg9[%mul3A_149] : memref<2000000xf32, #tpu.memory_space<hbm>> -> memref<800xf32, #tpu.memory_space<hbm>>
            tpu.wait_dma2 semaphore(%arg39 : memref<!tpu.dma_semaphore, #tpu.memory_space<semaphore_mem>>) src(%arg29 : memref<800xf32, #tpu.memory_space<vmem>>) dst(%dma_wait3A_151 : memref<800xf32, #tpu.memory_space<hbm>>)
          } else {
          }
          %scan3A_133 = arith.constant 0 : i32
          %scan3A_134 = arith.constant 0 : i32
          %scan3A_135 = arith.constant 50 : i32
          %scan3A_136 = arith.addi %scan3A_134, %scan3A_135 : i32
          %scan3A_137 = arith.constant 1 : i32
          scf.for %scan3A_143 = %scan3A_134 to %scan3A_136 step %scan3A_137  : i32 {
            %mul3A_144 = arith.constant 16 : i32
            %mul3A_145 = arith.muli %scan3A_143, %mul3A_144 : i32
            %mul3A_146 = arith.constant 16 : i32
            %mul3A_147 = arith.muli %scan3A_143, %mul3A_146 : i32
            %add3A_148 = vector.broadcast %mul3A_147 : i32 to vector<16xi32>
            %add3A_149 = arith.addi %add3A_148, %iota3A : vector<16xi32>
            %gather3A = tpu.vector_load_idx %arg24[%add3A_149, %broadcast_in_dim3A_3] : memref<800x16xf32, #tpu.memory_space<vmem>>[vector<16xi32>, vector<16xi32>], vector<16xf32>,
            %gather3A_150 = tpu.vector_load_idx %arg24[%add3A_149, %broadcast_in_dim3A_5] : memref<800x16xf32, #tpu.memory_space<vmem>>[vector<16xi32>, vector<16xi32>], vector<16xf32>,
            %gather3A_151 = tpu.vector_load_idx %arg24[%add3A_149, %broadcast_in_dim3A_7] : memref<800x16xf32, #tpu.memory_space<vmem>>[vector<16xi32>, vector<16xi32>], vector<16xf32>,
            %gather3A_152 = tpu.vector_load_idx %arg25[%add3A_149, %broadcast_in_dim3A_3] : memref<800x16xf32, #tpu.memory_space<vmem>>[vector<16xi32>, vector<16xi32>], vector<16xf32>,
            %gather3A_153 = tpu.vector_load_idx %arg25[%add3A_149, %broadcast_in_dim3A_5] : memref<800x16xf32, #tpu.memory_space<vmem>>[vector<16xi32>, vector<16xi32>], vector<16xf32>,
            %gather3A_154 = tpu.vector_load_idx %arg25[%add3A_149, %broadcast_in_dim3A_7] : memref<800x16xf32, #tpu.memory_space<vmem>>[vector<16xi32>, vector<16xi32>], vector<16xf32>,
            %gather3A_155 = tpu.vector_load_idx %arg26[%add3A_149, %broadcast_in_dim3A_3] : memref<800x16xf32, #tpu.memory_space<vmem>>[vector<16xi32>, vector<16xi32>], vector<16xf32>,
            %gather3A_156 = tpu.vector_load_idx %arg26[%add3A_149, %broadcast_in_dim3A_5] : memref<800x16xf32, #tpu.memory_space<vmem>>[vector<16xi32>, vector<16xi32>], vector<16xf32>,
            %gather3A_157 = tpu.vector_load_idx %arg26[%add3A_149, %broadcast_in_dim3A_7] : memref<800x16xf32, #tpu.memory_space<vmem>>[vector<16xi32>, vector<16xi32>], vector<16xf32>,
            %gather3A_158 = tpu.vector_load_idx %arg27[%add3A_149, %broadcast_in_dim3A_3] : memref<800x16xf32, #tpu.memory_space<vmem>>[vector<16xi32>, vector<16xi32>], vector<16xf32>,
            %gather3A_159 = tpu.vector_load_idx %arg27[%add3A_149, %broadcast_in_dim3A_5] : memref<800x16xf32, #tpu.memory_space<vmem>>[vector<16xi32>, vector<16xi32>], vector<16xf32>,
            %gather3A_160 = tpu.vector_load_idx %arg27[%add3A_149, %broadcast_in_dim3A_7] : memref<800x16xf32, #tpu.memory_space<vmem>>[vector<16xi32>, vector<16xi32>], vector<16xf32>,
            %sub3A_161 = arith.subf %gather3A_152, %gather3A : vector<16xf32>
            %sub3A_162 = arith.subf %gather3A_153, %gather3A_150 : vector<16xf32>
            %sub3A_163 = arith.subf %gather3A_154, %gather3A_151 : vector<16xf32>
            %sub3A_164 = arith.subf %gather3A_155, %gather3A_152 : vector<16xf32>
            %sub3A_165 = arith.subf %gather3A_156, %gather3A_153 : vector<16xf32>
            %sub3A_166 = arith.subf %gather3A_157, %gather3A_154 : vector<16xf32>
            %sub3A_167 = arith.subf %gather3A_158, %gather3A_155 : vector<16xf32>
            %sub3A_168 = arith.subf %gather3A_159, %gather3A_156 : vector<16xf32>
            %sub3A_169 = arith.subf %gather3A_160, %gather3A_157 : vector<16xf32>
            %mul3A_170 = arith.mulf %sub3A_162, %sub3A_166 : vector<16xf32>
            %mul3A_171 = arith.mulf %sub3A_163, %sub3A_165 : vector<16xf32>
            %sub3A_172 = arith.subf %mul3A_170, %mul3A_171 : vector<16xf32>
            %mul3A_173 = arith.mulf %sub3A_163, %sub3A_164 : vector<16xf32>
            %mul3A_174 = arith.mulf %sub3A_161, %sub3A_166 : vector<16xf32>
            %sub3A_175 = arith.subf %mul3A_173, %mul3A_174 : vector<16xf32>
            %mul3A_176 = arith.mulf %sub3A_161, %sub3A_165 : vector<16xf32>
            %mul3A_177 = arith.mulf %sub3A_162, %sub3A_164 : vector<16xf32>
            %sub3A_178 = arith.subf %mul3A_176, %mul3A_177 : vector<16xf32>
            %mul3A_179 = arith.mulf %sub3A_165, %sub3A_169 : vector<16xf32>
            %mul3A_180 = arith.mulf %sub3A_166, %sub3A_168 : vector<16xf32>
            %sub3A_181 = arith.subf %mul3A_179, %mul3A_180 : vector<16xf32>
            %mul3A_182 = arith.mulf %sub3A_166, %sub3A_167 : vector<16xf32>
            %mul3A_183 = arith.mulf %sub3A_164, %sub3A_169 : vector<16xf32>
            %sub3A_184 = arith.subf %mul3A_182, %mul3A_183 : vector<16xf32>
            %mul3A_185 = arith.mulf %sub3A_164, %sub3A_168 : vector<16xf32>
            %mul3A_186 = arith.mulf %sub3A_165, %sub3A_167 : vector<16xf32>
            %sub3A_187 = arith.subf %mul3A_185, %mul3A_186 : vector<16xf32>
            %mul3A_188 = arith.mulf %sub3A_172, %sub3A_181 : vector<16xf32>
            %mul3A_189 = arith.mulf %sub3A_175, %sub3A_184 : vector<16xf32>
            %add3A_190 = arith.addf %mul3A_188, %mul3A_189 : vector<16xf32>
            %mul3A_191 = arith.mulf %sub3A_178, %sub3A_187 : vector<16xf32>
            %add3A_192 = arith.addf %add3A_190, %mul3A_191 : vector<16xf32>
            %mul3A_193 = arith.mulf %sub3A_172, %sub3A_172 : vector<16xf32>
            %mul3A_194 = arith.mulf %sub3A_175, %sub3A_175 : vector<16xf32>
            %add3A_195 = arith.addf %mul3A_193, %mul3A_194 : vector<16xf32>
            %mul3A_196 = arith.mulf %sub3A_178, %sub3A_178 : vector<16xf32>
            %add3A_197 = arith.addf %add3A_195, %mul3A_196 : vector<16xf32>
            %mul3A_198 = arith.mulf %sub3A_181, %sub3A_181 : vector<16xf32>
            %mul3A_199 = arith.mulf %sub3A_184, %sub3A_184 : vector<16xf32>
            %add3A_200 = arith.addf %mul3A_198, %mul3A_199 : vector<16xf32>
            %mul3A_201 = arith.mulf %sub3A_187, %sub3A_187 : vector<16xf32>
            %add3A_202 = arith.addf %add3A_200, %mul3A_201 : vector<16xf32>
            %mul3A_203 = arith.mulf %add3A_197, %add3A_202 : vector<16xf32>
            %bitcast3A = vector.bitcast %mul3A_203 : vector<16xf32> to vector<16xi32>
            %shift_right_arithmetic3A = arith.constant 1 : i32
            %shift_right_arithmetic3A_204 = vector.broadcast %shift_right_arithmetic3A : i32 to vector<16xi32>
            %shift_right_arithmetic3A_205 = arith.shrsi %bitcast3A, %shift_right_arithmetic3A_204 : vector<16xi32>
            %sub3A_206 = arith.constant 1597463007 : i32
            %sub3A_207 = vector.broadcast %sub3A_206 : i32 to vector<16xi32>
            %sub3A_208 = arith.subi %sub3A_207, %shift_right_arithmetic3A_205 : vector<16xi32>
            %bitcast3A_209 = vector.bitcast %sub3A_208 : vector<16xi32> to vector<16xf32>
            %mul3A_210 = arith.constant 5.000000e-01 : f32
            %mul3A_211 = vector.broadcast %mul3A_210 : f32 to vector<16xf32>
            %mul3A_212 = arith.mulf %mul3A_211, %mul3A_203 : vector<16xf32>
            %mul3A_213 = arith.mulf %mul3A_212, %bitcast3A_209 : vector<16xf32>
            %mul3A_214 = arith.mulf %mul3A_213, %bitcast3A_209 : vector<16xf32>
            %sub3A_215 = arith.constant 1.500000e+00 : f32
            %sub3A_216 = vector.broadcast %sub3A_215 : f32 to vector<16xf32>
            %sub3A_217 = arith.subf %sub3A_216, %mul3A_214 : vector<16xf32>
            %mul3A_218 = arith.mulf %bitcast3A_209, %sub3A_217 : vector<16xf32>
            %mul3A_219 = arith.constant 5.000000e-01 : f32
            %mul3A_220 = vector.broadcast %mul3A_219 : f32 to vector<16xf32>
            %mul3A_221 = arith.mulf %mul3A_220, %mul3A_203 : vector<16xf32>
            %mul3A_222 = arith.mulf %mul3A_221, %mul3A_218 : vector<16xf32>
            %mul3A_223 = arith.mulf %mul3A_222, %mul3A_218 : vector<16xf32>
            %sub3A_224 = arith.constant 1.500000e+00 : f32
            %sub3A_225 = vector.broadcast %sub3A_224 : f32 to vector<16xf32>
            %sub3A_226 = arith.subf %sub3A_225, %mul3A_223 : vector<16xf32>
            %mul3A_227 = arith.mulf %mul3A_218, %sub3A_226 : vector<16xf32>
            %mul3A_228 = arith.constant 5.000000e-01 : f32
            %mul3A_229 = vector.broadcast %mul3A_228 : f32 to vector<16xf32>
            %mul3A_230 = arith.mulf %mul3A_229, %mul3A_203 : vector<16xf32>
            %mul3A_231 = arith.mulf %mul3A_230, %mul3A_227 : vector<16xf32>
            %mul3A_232 = arith.mulf %mul3A_231, %mul3A_227 : vector<16xf32>
            %sub3A_233 = arith.constant 1.500000e+00 : f32
            %sub3A_234 = vector.broadcast %sub3A_233 : f32 to vector<16xf32>
            %sub3A_235 = arith.subf %sub3A_234, %mul3A_232 : vector<16xf32>
            %mul3A_236 = arith.mulf %mul3A_227, %sub3A_235 : vector<16xf32>
            %mul3A_237 = arith.mulf %add3A_192, %mul3A_236 : vector<16xf32>
            %jit3A_238 = arith.constant -1.000000e+00 : f32
            %jit3A_239 = arith.constant 1.000000e+00 : f32
            %max3A = vector.broadcast %jit3A_238 : f32 to vector<16xf32>
            %max3A_240 = arith.maximumf %max3A, %mul3A_237 : vector<16xf32>
            %min3A = vector.broadcast %jit3A_239 : f32 to vector<16xf32>
            %min3A_241 = arith.minimumf %min3A, %max3A_240 : vector<16xf32>
            %gt3A_242 = arith.constant 0.000000e+00 : f32
            %gt3A_243 = vector.broadcast %gt3A_242 : f32 to vector<16xf32>
            %gt3A_244 = arith.cmpf ogt, %mul3A_203, %gt3A_243 : vector<16xf32>
            %jit3A_245 = arith.constant 0x7FC00000 : f32
            %broadcast_in_dim3A_246 = vector.broadcast %jit3A_245 : f32 to vector<16xf32>
            %select_n3A_247 = arith.select %gt3A_244, %min3A_241, %broadcast_in_dim3A_246 : vector<16xi1>, vector<16xf32>
            %abs3A = math.absf %select_n3A_247 : vector<16xf32>
            %sub3A_248 = arith.constant 1.000000e+00 : f32
            %sub3A_249 = vector.broadcast %sub3A_248 : f32 to vector<16xf32>
            %sub3A_250 = arith.subf %sub3A_249, %abs3A : vector<16xf32>
            %max3A_251 = arith.constant 1.000000e-30 : f32
            %max3A_252 = vector.broadcast %max3A_251 : f32 to vector<16xf32>
            %max3A_253 = arith.maximumf %sub3A_250, %max3A_252 : vector<16xf32>
            %bitcast3A_254 = vector.bitcast %max3A_253 : vector<16xf32> to vector<16xi32>
            %shift_right_arithmetic3A_255 = arith.constant 1 : i32
            %shift_right_arithmetic3A_256 = vector.broadcast %shift_right_arithmetic3A_255 : i32 to vector<16xi32>
            %shift_right_arithmetic3A_257 = arith.shrsi %bitcast3A_254, %shift_right_arithmetic3A_256 : vector<16xi32>
            %sub3A_258 = arith.constant 1597463007 : i32
            %sub3A_259 = vector.broadcast %sub3A_258 : i32 to vector<16xi32>
            %sub3A_260 = arith.subi %sub3A_259, %shift_right_arithmetic3A_257 : vector<16xi32>
            %bitcast3A_261 = vector.bitcast %sub3A_260 : vector<16xi32> to vector<16xf32>
            %mul3A_262 = arith.constant 5.000000e-01 : f32
            %mul3A_263 = vector.broadcast %mul3A_262 : f32 to vector<16xf32>
            %mul3A_264 = arith.mulf %mul3A_263, %max3A_253 : vector<16xf32>
            %mul3A_265 = arith.mulf %mul3A_264, %bitcast3A_261 : vector<16xf32>
            %mul3A_266 = arith.mulf %mul3A_265, %bitcast3A_261 : vector<16xf32>
            %sub3A_267 = arith.constant 1.500000e+00 : f32
            %sub3A_268 = vector.broadcast %sub3A_267 : f32 to vector<16xf32>
            %sub3A_269 = arith.subf %sub3A_268, %mul3A_266 : vector<16xf32>
            %mul3A_270 = arith.mulf %bitcast3A_261, %sub3A_269 : vector<16xf32>
            %mul3A_271 = arith.constant 5.000000e-01 : f32
            %mul3A_272 = vector.broadcast %mul3A_271 : f32 to vector<16xf32>
            %mul3A_273 = arith.mulf %mul3A_272, %max3A_253 : vector<16xf32>
            %mul3A_274 = arith.mulf %mul3A_273, %mul3A_270 : vector<16xf32>
            %mul3A_275 = arith.mulf %mul3A_274, %mul3A_270 : vector<16xf32>
            %sub3A_276 = arith.constant 1.500000e+00 : f32
            %sub3A_277 = vector.broadcast %sub3A_276 : f32 to vector<16xf32>
            %sub3A_278 = arith.subf %sub3A_277, %mul3A_275 : vector<16xf32>
            %mul3A_279 = arith.mulf %mul3A_270, %sub3A_278 : vector<16xf32>
            %mul3A_280 = arith.constant 5.000000e-01 : f32
            %mul3A_281 = vector.broadcast %mul3A_280 : f32 to vector<16xf32>
            %mul3A_282 = arith.mulf %mul3A_281, %max3A_253 : vector<16xf32>
            %mul3A_283 = arith.mulf %mul3A_282, %mul3A_279 : vector<16xf32>
            %mul3A_284 = arith.mulf %mul3A_283, %mul3A_279 : vector<16xf32>
            %sub3A_285 = arith.constant 1.500000e+00 : f32
            %sub3A_286 = vector.broadcast %sub3A_285 : f32 to vector<16xf32>
            %sub3A_287 = arith.subf %sub3A_286, %mul3A_284 : vector<16xf32>
            %mul3A_288 = arith.mulf %mul3A_279, %sub3A_287 : vector<16xf32>
            %mul3A_289 = arith.mulf %sub3A_250, %mul3A_288 : vector<16xf32>
            %broadcast_in_dim3A_290 = arith.constant -0.0012624911 : f32
            %broadcast_in_dim3A_291 = vector.broadcast %broadcast_in_dim3A_290 : f32 to vector<16xf32>
            %mul3A_292 = arith.mulf %broadcast_in_dim3A_291, %abs3A : vector<16xf32>
            %add3A_293 = arith.constant 6.670090e-03 : f32
            %add3A_294 = vector.broadcast %add3A_293 : f32 to vector<16xf32>
            %add3A_295 = arith.addf %mul3A_292, %add3A_294 : vector<16xf32>
            %mul3A_296 = arith.mulf %add3A_295, %abs3A : vector<16xf32>
            %add3A_297 = arith.constant -0.0170881264 : f32
            %add3A_298 = vector.broadcast %add3A_297 : f32 to vector<16xf32>
            %add3A_299 = arith.addf %mul3A_296, %add3A_298 : vector<16xf32>
            %mul3A_300 = arith.mulf %add3A_299, %abs3A : vector<16xf32>
            %add3A_301 = arith.constant 0.0308918804 : f32
            %add3A_302 = vector.broadcast %add3A_301 : f32 to vector<16xf32>
            %add3A_303 = arith.addf %mul3A_300, %add3A_302 : vector<16xf32>
            %mul3A_304 = arith.mulf %add3A_303, %abs3A : vector<16xf32>
            %add3A_305 = arith.constant -0.0501743034 : f32
            %add3A_306 = vector.broadcast %add3A_305 : f32 to vector<16xf32>
            %add3A_307 = arith.addf %mul3A_304, %add3A_306 : vector<16xf32>
            %mul3A_308 = arith.mulf %add3A_307, %abs3A : vector<16xf32>
            %add3A_309 = arith.constant 0.0889789909 : f32
            %add3A_310 = vector.broadcast %add3A_309 : f32 to vector<16xf32>
            %add3A_311 = arith.addf %mul3A_308, %add3A_310 : vector<16xf32>
            %mul3A_312 = arith.mulf %add3A_311, %abs3A : vector<16xf32>
            %add3A_313 = arith.constant -0.214598805 : f32
            %add3A_314 = vector.broadcast %add3A_313 : f32 to vector<16xf32>
            %add3A_315 = arith.addf %mul3A_312, %add3A_314 : vector<16xf32>
            %mul3A_316 = arith.mulf %add3A_315, %abs3A : vector<16xf32>
            %add3A_317 = arith.constant 1.57079625 : f32
            %add3A_318 = vector.broadcast %add3A_317 : f32 to vector<16xf32>
            %add3A_319 = arith.addf %mul3A_316, %add3A_318 : vector<16xf32>
            %mul3A_320 = arith.mulf %mul3A_289, %add3A_319 : vector<16xf32>
            %lt3A_321 = arith.constant 0.000000e+00 : f32
            %lt3A_322 = vector.broadcast %lt3A_321 : f32 to vector<16xf32>
            %lt3A_323 = arith.cmpf olt, %select_n3A_247, %lt3A_322 : vector<16xf32>
            %sub3A_324 = arith.constant 3.14159274 : f32
            %sub3A_325 = vector.broadcast %sub3A_324 : f32 to vector<16xf32>
            %sub3A_326 = arith.subf %sub3A_325, %mul3A_320 : vector<16xf32>
            %select_n3A_327 = arith.select %lt3A_323, %sub3A_326, %mul3A_320 : vector<16xi1>, vector<16xf32>
            %mul3A_328 = arith.mulf %sub3A_172, %sub3A_167 : vector<16xf32>
            %mul3A_329 = arith.mulf %sub3A_175, %sub3A_168 : vector<16xf32>
            %add3A_330 = arith.addf %mul3A_328, %mul3A_329 : vector<16xf32>
            %mul3A_331 = arith.mulf %sub3A_178, %sub3A_169 : vector<16xf32>
            %add3A_332 = arith.addf %add3A_330, %mul3A_331 : vector<16xf32>
            %gt3A_333 = arith.constant 0.000000e+00 : f32
            %gt3A_334 = vector.broadcast %gt3A_333 : f32 to vector<16xf32>
            %gt3A_335 = arith.cmpf ogt, %add3A_332, %gt3A_334 : vector<16xf32>
            %neg3A = arith.constant 0.000000e+00 : f32
            %neg3A_336 = vector.broadcast %neg3A : f32 to vector<16xf32>
            %neg3A_337 = arith.subf %neg3A_336, %select_n3A_327 : vector<16xf32>
            %select_n3A_338 = arith.select %gt3A_335, %select_n3A_327, %neg3A_337 : vector<16xi1>, vector<16xf32>
            %swap3A = arith.index_cast %mul3A_145 : i32 to index
            %swap3A_339 = tpu.vector_load %arg29[%swap3A] {strides = array<i32>} : memref<800xf32, #tpu.memory_space<vmem>>, vector<16xf32>,
            tpu.vector_store %arg29[%swap3A], %select_n3A_338 {strides = array<i32>} : memref<800xf32, #tpu.memory_space<vmem>>, vector<16xf32>,
          }
          %scan3A_138 = arith.constant 50 : i32
          %mul3A_139 = arith.constant 800 : i32
          %mul3A_140 = arith.muli %add3A_115, %mul3A_139 : i32
          %dma_start3A_141 = tpu.memref_slice %arg9[%mul3A_140] : memref<2000000xf32, #tpu.memory_space<hbm>> -> memref<800xf32, #tpu.memory_space<hbm>>
          %dma_start3A_142 = tpu.memref_slice %arg9[%mul3A_140] : memref<2000000xf32, #tpu.memory_space<hbm>> -> memref<800xf32, #tpu.memory_space<hbm>>
          tpu.enqueue_dma source(%arg29 : memref<800xf32, #tpu.memory_space<vmem>>) target(%dma_start3A_142 : memref<800xf32, #tpu.memory_space<hbm>>) target_semaphore(%arg39 : memref<!tpu.dma_semaphore, #tpu.memory_space<semaphore_mem>>)
        } else {
        }
      }
      %gt3A_58 = arith.constant 0 : i32
      %gt3A_59 = arith.cmpi sgt, %select_n3A, %gt3A_58 : i32
      %convert_element_type3A_60 = arith.extui %gt3A_59 : i1 to i32
      %cond3A_61 = arith.constant 0 : i32
      %cond3A_62 = arith.cmpi ne, %convert_element_type3A_60, %cond3A_61 : i32
      scf.if %cond3A_62 {
        %sub3A_68 = arith.constant 1 : i32
        %sub3A_69 = arith.subi %select_n3A, %sub3A_68 : i32
        %sub3A_70 = arith.constant 1 : i32
        %sub3A_71 = arith.subi %select_n3A, %sub3A_70 : i32
        %sub3A_72 = arith.constant 0 : i32
        %sub3A_73 = arith.subi %sub3A_71, %sub3A_72 : i32
        %jit3A_74 = arith.constant 2 : i32
        %eq3A_75 = arith.constant 0 : i32
        %eq3A_76 = arith.cmpi eq, %jit3A_74, %eq3A_75 : i32
        %jit3A_77 = arith.constant 1 : i32
        %select_n3A_78 = arith.select %eq3A_76, %jit3A_77, %jit3A_74 : i32
        %rem3A_79 = arith.remsi %sub3A_73, %select_n3A_78 : i32
        %ne3A_80 = arith.constant 0 : i32
        %ne3A_81 = arith.cmpi ne, %rem3A_79, %ne3A_80 : i32
        %lt3A_82 = arith.constant 0 : i32
        %lt3A_83 = arith.cmpi slt, %rem3A_79, %lt3A_82 : i32
        %lt3A_84 = arith.constant 0 : i32
        %lt3A_85 = arith.cmpi slt, %select_n3A_78, %lt3A_84 : i32
        %ne3A_86 = arith.xori %lt3A_83, %lt3A_85 : i1
        %and3A_87 = arith.andi %ne3A_86, %ne3A_81 : i1
        %add3A_88 = arith.addi %rem3A_79, %select_n3A_78 : i32
        %select_n3A_89 = arith.select %and3A_87, %add3A_88, %rem3A_79 : i32
        %sub3A_90 = arith.subi %sub3A_69, %select_n3A_89 : i32
        %mul3A_91 = arith.constant 32 : i32
        %mul3A_92 = arith.muli %sub3A_90, %mul3A_91 : i32
        %add3A_93 = arith.addi %add3A, %mul3A_92 : i32
        %mul3A_94 = arith.constant 800 : i32
        %mul3A_95 = arith.muli %add3A_93, %mul3A_94 : i32
        %dma_wait3A = tpu.memref_slice %arg9[%mul3A_95] : memref<2000000xf32, #tpu.memory_space<hbm>> -> memref<800xf32, #tpu.memory_space<hbm>>
        %dma_wait3A_96 = tpu.memref_slice %arg9[%mul3A_95] : memref<2000000xf32, #tpu.memory_space<hbm>> -> memref<800xf32, #tpu.memory_space<hbm>>
        tpu.wait_dma2 semaphore(%arg38 : memref<!tpu.dma_semaphore, #tpu.memory_space<semaphore_mem>>) src(%arg28 : memref<800xf32, #tpu.memory_space<vmem>>) dst(%dma_wait3A_96 : memref<800xf32, #tpu.memory_space<hbm>>)
      } else {
      }
      %gt3A_63 = arith.constant 1 : i32
      %gt3A_64 = arith.cmpi sgt, %select_n3A, %gt3A_63 : i32
      %convert_element_type3A_65 = arith.extui %gt3A_64 : i1 to i32
      %cond3A_66 = arith.constant 0 : i32
      %cond3A_67 = arith.cmpi ne, %convert_element_type3A_65, %cond3A_66 : i32
      scf.if %cond3A_67 {
        %sub3A_68 = arith.constant 1 : i32
        %sub3A_69 = arith.subi %select_n3A, %sub3A_68 : i32
        %sub3A_70 = arith.constant 1 : i32
        %sub3A_71 = arith.subi %select_n3A, %sub3A_70 : i32
        %sub3A_72 = arith.constant 1 : i32
        %sub3A_73 = arith.subi %sub3A_71, %sub3A_72 : i32
        %jit3A_74 = arith.constant 2 : i32
        %eq3A_75 = arith.constant 0 : i32
        %eq3A_76 = arith.cmpi eq, %jit3A_74, %eq3A_75 : i32
        %jit3A_77 = arith.constant 1 : i32
        %select_n3A_78 = arith.select %eq3A_76, %jit3A_77, %jit3A_74 : i32
        %rem3A_79 = arith.remsi %sub3A_73, %select_n3A_78 : i32
        %ne3A_80 = arith.constant 0 : i32
        %ne3A_81 = arith.cmpi ne, %rem3A_79, %ne3A_80 : i32
        %lt3A_82 = arith.constant 0 : i32
        %lt3A_83 = arith.cmpi slt, %rem3A_79, %lt3A_82 : i32
        %lt3A_84 = arith.constant 0 : i32
        %lt3A_85 = arith.cmpi slt, %select_n3A_78, %lt3A_84 : i32
        %ne3A_86 = arith.xori %lt3A_83, %lt3A_85 : i1
        %and3A_87 = arith.andi %ne3A_86, %ne3A_81 : i1
        %add3A_88 = arith.addi %rem3A_79, %select_n3A_78 : i32
        %select_n3A_89 = arith.select %and3A_87, %add3A_88, %rem3A_79 : i32
        %sub3A_90 = arith.subi %sub3A_69, %select_n3A_89 : i32
        %mul3A_91 = arith.constant 32 : i32
        %mul3A_92 = arith.muli %sub3A_90, %mul3A_91 : i32
        %add3A_93 = arith.addi %add3A, %mul3A_92 : i32
        %mul3A_94 = arith.constant 800 : i32
        %mul3A_95 = arith.muli %add3A_93, %mul3A_94 : i32
        %dma_wait3A = tpu.memref_slice %arg9[%mul3A_95] : memref<2000000xf32, #tpu.memory_space<hbm>> -> memref<800xf32, #tpu.memory_space<hbm>>
        %dma_wait3A_96 = tpu.memref_slice %arg9[%mul3A_95] : memref<2000000xf32, #tpu.memory_space<hbm>> -> memref<800xf32, #tpu.memory_space<hbm>>
        tpu.wait_dma2 semaphore(%arg39 : memref<!tpu.dma_semaphore, #tpu.memory_space<semaphore_mem>>) src(%arg29 : memref<800xf32, #tpu.memory_space<vmem>>) dst(%dma_wait3A_96 : memref<800xf32, #tpu.memory_space<hbm>>)
      } else {
      }
    } else {
    }
    %eq3A_20 = arith.constant 1 : i32
    %eq3A_21 = arith.cmpi eq, %arg0, %eq3A_20 : i32
    %convert_element_type3A_22 = arith.extui %eq3A_21 : i1 to i32
    %cond3A_23 = arith.constant 0 : i32
    %cond3A_24 = arith.cmpi ne, %convert_element_type3A_22, %cond3A_23 : i32
    scf.if %cond3A_24 {
      %gt3A = arith.constant 0 : i32
      %gt3A_25 = arith.cmpi sgt, %select_n3A, %gt3A : i32
      %convert_element_type3A_26 = arith.extui %gt3A_25 : i1 to i32
      %cond3A_27 = arith.constant 0 : i32
      %cond3A_28 = arith.cmpi ne, %convert_element_type3A_26, %cond3A_27 : i32
      scf.if %cond3A_28 {
        %add3A_68 = arith.constant 0 : i32
        %add3A_69 = arith.addi %add3A, %add3A_68 : i32
        %mul3A_70 = arith.constant 800 : i32
        %mul3A_71 = arith.muli %add3A_69, %mul3A_70 : i32
        %dma_start3A = tpu.memref_slice %arg5[%mul3A_71] : memref<2000000xi32, #tpu.memory_space<hbm>> -> memref<800xi32, #tpu.memory_space<hbm>>
        %dma_start3A_72 = tpu.memref_slice %arg5[%mul3A_71] : memref<2000000xi32, #tpu.memory_space<hbm>> -> memref<800xi32, #tpu.memory_space<hbm>>
        tpu.enqueue_dma source(%dma_start3A_72 : memref<800xi32, #tpu.memory_space<hbm>>) target(%arg12 : memref<800xi32, #tpu.memory_space<vmem>>) target_semaphore(%arg34 : memref<!tpu.dma_semaphore, #tpu.memory_space<semaphore_mem>>)
        %mul3A_73 = arith.constant 800 : i32
        %mul3A_74 = arith.muli %add3A_69, %mul3A_73 : i32
        %dma_start3A_75 = tpu.memref_slice %arg6[%mul3A_74] : memref<2000000xi32, #tpu.memory_space<hbm>> -> memref<800xi32, #tpu.memory_space<hbm>>
        %dma_start3A_76 = tpu.memref_slice %arg6[%mul3A_74] : memref<2000000xi32, #tpu.memory_space<hbm>> -> memref<800xi32, #tpu.memory_space<hbm>>
        tpu.enqueue_dma source(%dma_start3A_76 : memref<800xi32, #tpu.memory_space<hbm>>) target(%arg13 : memref<800xi32, #tpu.memory_space<vmem>>) target_semaphore(%arg34 : memref<!tpu.dma_semaphore, #tpu.memory_space<semaphore_mem>>)
        %mul3A_77 = arith.constant 800 : i32
        %mul3A_78 = arith.muli %add3A_69, %mul3A_77 : i32
        %dma_start3A_79 = tpu.memref_slice %arg7[%mul3A_78] : memref<2000000xi32, #tpu.memory_space<hbm>> -> memref<800xi32, #tpu.memory_space<hbm>>
        %dma_start3A_80 = tpu.memref_slice %arg7[%mul3A_78] : memref<2000000xi32, #tpu.memory_space<hbm>> -> memref<800xi32, #tpu.memory_space<hbm>>
        tpu.enqueue_dma source(%dma_start3A_80 : memref<800xi32, #tpu.memory_space<hbm>>) target(%arg14 : memref<800xi32, #tpu.memory_space<vmem>>) target_semaphore(%arg34 : memref<!tpu.dma_semaphore, #tpu.memory_space<semaphore_mem>>)
        %mul3A_81 = arith.constant 800 : i32
        %mul3A_82 = arith.muli %add3A_69, %mul3A_81 : i32
        %dma_start3A_83 = tpu.memref_slice %arg8[%mul3A_82] : memref<2000000xi32, #tpu.memory_space<hbm>> -> memref<800xi32, #tpu.memory_space<hbm>>
        %dma_start3A_84 = tpu.memref_slice %arg8[%mul3A_82] : memref<2000000xi32, #tpu.memory_space<hbm>> -> memref<800xi32, #tpu.memory_space<hbm>>
        tpu.enqueue_dma source(%dma_start3A_84 : memref<800xi32, #tpu.memory_space<hbm>>) target(%arg15 : memref<800xi32, #tpu.memory_space<vmem>>) target_semaphore(%arg34 : memref<!tpu.dma_semaphore, #tpu.memory_space<semaphore_mem>>)
        %mul3A_85 = arith.constant 800 : i32
        %mul3A_86 = arith.muli %add3A_69, %mul3A_85 : i32
        %dma_wait3A = tpu.memref_slice %arg5[%mul3A_86] : memref<2000000xi32, #tpu.memory_space<hbm>> -> memref<800xi32, #tpu.memory_space<hbm>>
        %dma_wait3A_87 = tpu.memref_slice %arg5[%mul3A_86] : memref<2000000xi32, #tpu.memory_space<hbm>> -> memref<800xi32, #tpu.memory_space<hbm>>
        tpu.wait_dma2 semaphore(%arg34 : memref<!tpu.dma_semaphore, #tpu.memory_space<semaphore_mem>>) src(%dma_wait3A_87 : memref<800xi32, #tpu.memory_space<hbm>>) dst(%arg12 : memref<800xi32, #tpu.memory_space<vmem>>)
        %mul3A_88 = arith.constant 800 : i32
        %mul3A_89 = arith.muli %add3A_69, %mul3A_88 : i32
        %dma_wait3A_90 = tpu.memref_slice %arg6[%mul3A_89] : memref<2000000xi32, #tpu.memory_space<hbm>> -> memref<800xi32, #tpu.memory_space<hbm>>
        %dma_wait3A_91 = tpu.memref_slice %arg6[%mul3A_89] : memref<2000000xi32, #tpu.memory_space<hbm>> -> memref<800xi32, #tpu.memory_space<hbm>>
        tpu.wait_dma2 semaphore(%arg34 : memref<!tpu.dma_semaphore, #tpu.memory_space<semaphore_mem>>) src(%dma_wait3A_91 : memref<800xi32, #tpu.memory_space<hbm>>) dst(%arg13 : memref<800xi32, #tpu.memory_space<vmem>>)
        %mul3A_92 = arith.constant 800 : i32
        %mul3A_93 = arith.muli %add3A_69, %mul3A_92 : i32
        %dma_wait3A_94 = tpu.memref_slice %arg7[%mul3A_93] : memref<2000000xi32, #tpu.memory_space<hbm>> -> memref<800xi32, #tpu.memory_space<hbm>>
        %dma_wait3A_95 = tpu.memref_slice %arg7[%mul3A_93] : memref<2000000xi32, #tpu.memory_space<hbm>> -> memref<800xi32, #tpu.memory_space<hbm>>
        tpu.wait_dma2 semaphore(%arg34 : memref<!tpu.dma_semaphore, #tpu.memory_space<semaphore_mem>>) src(%dma_wait3A_95 : memref<800xi32, #tpu.memory_space<hbm>>) dst(%arg14 : memref<800xi32, #tpu.memory_space<vmem>>)
        %mul3A_96 = arith.constant 800 : i32
        %mul3A_97 = arith.muli %add3A_69, %mul3A_96 : i32
        %dma_wait3A_98 = tpu.memref_slice %arg8[%mul3A_97] : memref<2000000xi32, #tpu.memory_space<hbm>> -> memref<800xi32, #tpu.memory_space<hbm>>
        %dma_wait3A_99 = tpu.memref_slice %arg8[%mul3A_97] : memref<2000000xi32, #tpu.memory_space<hbm>> -> memref<800xi32, #tpu.memory_space<hbm>>
        tpu.wait_dma2 semaphore(%arg34 : memref<!tpu.dma_semaphore, #tpu.memory_space<semaphore_mem>>) src(%dma_wait3A_99 : memref<800xi32, #tpu.memory_space<hbm>>) dst(%arg15 : memref<800xi32, #tpu.memory_space<vmem>>)
        %dma_start3A_100 = arith.constant 0 : i32
        %dma_start3A_101 = arith.constant 0 : i32
        %dma_start3A_102 = tpu.memref_slice %arg11[%dma_start3A_100, %dma_start3A_101] : memref<500000x16xf32, #tpu.memory_space<hbm>> -> memref<500000x16xf32, #tpu.memory_space<hbm>>
        tpu.enqueue_indirect_dma source(%dma_start3A_102 : memref<500000x16xf32, #tpu.memory_space<hbm>>) target(%arg20 : memref<800x16xf32, #tpu.memory_space<vmem>>) offsets(%arg12 : memref<800xi32, #tpu.memory_space<vmem>>) semaphore(%arg36 : memref<!tpu.dma_semaphore, #tpu.memory_space<semaphore_mem>>)
        %dma_start3A_103 = arith.constant 0 : i32
        %dma_start3A_104 = arith.constant 0 : i32
        %dma_start3A_105 = tpu.memref_slice %arg11[%dma_start3A_103, %dma_start3A_104] : memref<500000x16xf32, #tpu.memory_space<hbm>> -> memref<500000x16xf32, #tpu.memory_space<hbm>>
        tpu.enqueue_indirect_dma source(%dma_start3A_105 : memref<500000x16xf32, #tpu.memory_space<hbm>>) target(%arg21 : memref<800x16xf32, #tpu.memory_space<vmem>>) offsets(%arg13 : memref<800xi32, #tpu.memory_space<vmem>>) semaphore(%arg36 : memref<!tpu.dma_semaphore, #tpu.memory_space<semaphore_mem>>)
        %dma_start3A_106 = arith.constant 0 : i32
        %dma_start3A_107 = arith.constant 0 : i32
        %dma_start3A_108 = tpu.memref_slice %arg11[%dma_start3A_106, %dma_start3A_107] : memref<500000x16xf32, #tpu.memory_space<hbm>> -> memref<500000x16xf32, #tpu.memory_space<hbm>>
        tpu.enqueue_indirect_dma source(%dma_start3A_108 : memref<500000x16xf32, #tpu.memory_space<hbm>>) target(%arg22 : memref<800x16xf32, #tpu.memory_space<vmem>>) offsets(%arg14 : memref<800xi32, #tpu.memory_space<vmem>>) semaphore(%arg36 : memref<!tpu.dma_semaphore, #tpu.memory_space<semaphore_mem>>)
        %dma_start3A_109 = arith.constant 0 : i32
        %dma_start3A_110 = arith.constant 0 : i32
        %dma_start3A_111 = tpu.memref_slice %arg11[%dma_start3A_109, %dma_start3A_110] : memref<500000x16xf32, #tpu.memory_space<hbm>> -> memref<500000x16xf32, #tpu.memory_space<hbm>>
        tpu.enqueue_indirect_dma source(%dma_start3A_111 : memref<500000x16xf32, #tpu.memory_space<hbm>>) target(%arg23 : memref<800x16xf32, #tpu.memory_space<vmem>>) offsets(%arg15 : memref<800xi32, #tpu.memory_space<vmem>>) semaphore(%arg36 : memref<!tpu.dma_semaphore, #tpu.memory_space<semaphore_mem>>)
      } else {
      }
      %add3A_29 = arith.constant 1 : i32
      %add3A_30 = arith.addi %select_n3A, %add3A_29 : i32
      %jit3A_31 = arith.constant 2 : i32
      %div3A = arith.divsi %add3A_30, %jit3A_31 : i32
      %sign3A = arith.constant 0 : i32
      %sign3A_32 = arith.cmpi sgt, %add3A_30, %sign3A : i32
      %sign3A_33 = arith.extui %sign3A_32 : i1 to i32
      %sign3A_34 = arith.constant 0 : i32
      %sign3A_35 = arith.cmpi slt, %add3A_30, %sign3A_34 : i32
      %sign3A_36 = arith.extui %sign3A_35 : i1 to i32
      %sign3A_37 = arith.subi %sign3A_33, %sign3A_36 : i32
      %sign3A_38 = arith.constant 0 : i32
      %sign3A_39 = arith.cmpi sgt, %jit3A_31, %sign3A_38 : i32
      %sign3A_40 = arith.extui %sign3A_39 : i1 to i32
      %sign3A_41 = arith.constant 0 : i32
      %sign3A_42 = arith.cmpi slt, %jit3A_31, %sign3A_41 : i32
      %sign3A_43 = arith.extui %sign3A_42 : i1 to i32
      %sign3A_44 = arith.subi %sign3A_40, %sign3A_43 : i32
      %ne3A = arith.cmpi ne, %sign3A_37, %sign3A_44 : i32
      %rem3A = arith.remsi %add3A_30, %jit3A_31 : i32
      %ne3A_45 = arith.constant 0 : i32
      %ne3A_46 = arith.cmpi ne, %rem3A, %ne3A_45 : i32
      %and3A = arith.andi %ne3A, %ne3A_46 : i1
      %sub3A = arith.constant 1 : i32
      %sub3A_47 = arith.subi %div3A, %sub3A : i32
      %select_n3A_48 = arith.select %and3A, %sub3A_47, %div3A : i32
      %while3A = arith.constant 0 : i32
      %while3A_49 = arith.constant 0 : i32
      %while3A_50 = arith.subi %select_n3A_48, %while3A_49 : i32
      %while3A_51 = arith.addi %while3A_49, %while3A_50 : i32
      %while3A_52 = arith.constant 1 : i32
      %while3A_53 = arith.divsi %while3A_50, %while3A_52 : i32
      %while3A_54 = arith.muli %while3A_53, %while3A_52 : i32
      %while3A_55 = arith.addi %while3A_49, %while3A_54 : i32
      %while3A_56 = arith.constant 1 : i32
      scf.for %while3A_68 = %while3A_49 to %while3A_55 step %while3A_56  : i32 {
        %mul3A_69 = arith.constant 2 : i32
        %mul3A_70 = arith.muli %mul3A_69, %while3A_68 : i32
        %add3A_71 = arith.constant 1 : i32
        %add3A_72 = arith.addi %mul3A_70, %add3A_71 : i32
        %lt3A_73 = arith.cmpi slt, %add3A_72, %select_n3A : i32
        %convert_element_type3A_74 = arith.extui %lt3A_73 : i1 to i32
        %cond3A_75 = arith.constant 0 : i32
        %cond3A_76 = arith.cmpi ne, %convert_element_type3A_74, %cond3A_75 : i32
        scf.if %cond3A_76 {
          %mul3A_113 = arith.constant 32 : i32
          %mul3A_114 = arith.muli %add3A_72, %mul3A_113 : i32
          %add3A_115 = arith.addi %add3A, %mul3A_114 : i32
          %mul3A_116 = arith.constant 800 : i32
          %mul3A_117 = arith.muli %add3A_115, %mul3A_116 : i32
          %dma_start3A_118 = tpu.memref_slice %arg5[%mul3A_117] : memref<2000000xi32, #tpu.memory_space<hbm>> -> memref<800xi32, #tpu.memory_space<hbm>>
          %dma_start3A_119 = tpu.memref_slice %arg5[%mul3A_117] : memref<2000000xi32, #tpu.memory_space<hbm>> -> memref<800xi32, #tpu.memory_space<hbm>>
          tpu.enqueue_dma source(%dma_start3A_119 : memref<800xi32, #tpu.memory_space<hbm>>) target(%arg16 : memref<800xi32, #tpu.memory_space<vmem>>) target_semaphore(%arg35 : memref<!tpu.dma_semaphore, #tpu.memory_space<semaphore_mem>>)
          %mul3A_120 = arith.constant 800 : i32
          %mul3A_121 = arith.muli %add3A_115, %mul3A_120 : i32
          %dma_start3A_122 = tpu.memref_slice %arg6[%mul3A_121] : memref<2000000xi32, #tpu.memory_space<hbm>> -> memref<800xi32, #tpu.memory_space<hbm>>
          %dma_start3A_123 = tpu.memref_slice %arg6[%mul3A_121] : memref<2000000xi32, #tpu.memory_space<hbm>> -> memref<800xi32, #tpu.memory_space<hbm>>
          tpu.enqueue_dma source(%dma_start3A_123 : memref<800xi32, #tpu.memory_space<hbm>>) target(%arg17 : memref<800xi32, #tpu.memory_space<vmem>>) target_semaphore(%arg35 : memref<!tpu.dma_semaphore, #tpu.memory_space<semaphore_mem>>)
          %mul3A_124 = arith.constant 800 : i32
          %mul3A_125 = arith.muli %add3A_115, %mul3A_124 : i32
          %dma_start3A_126 = tpu.memref_slice %arg7[%mul3A_125] : memref<2000000xi32, #tpu.memory_space<hbm>> -> memref<800xi32, #tpu.memory_space<hbm>>
          %dma_start3A_127 = tpu.memref_slice %arg7[%mul3A_125] : memref<2000000xi32, #tpu.memory_space<hbm>> -> memref<800xi32, #tpu.memory_space<hbm>>
          tpu.enqueue_dma source(%dma_start3A_127 : memref<800xi32, #tpu.memory_space<hbm>>) target(%arg18 : memref<800xi32, #tpu.memory_space<vmem>>) target_semaphore(%arg35 : memref<!tpu.dma_semaphore, #tpu.memory_space<semaphore_mem>>)
          %mul3A_128 = arith.constant 800 : i32
          %mul3A_129 = arith.muli %add3A_115, %mul3A_128 : i32
          %dma_start3A_130 = tpu.memref_slice %arg8[%mul3A_129] : memref<2000000xi32, #tpu.memory_space<hbm>> -> memref<800xi32, #tpu.memory_space<hbm>>
          %dma_start3A_131 = tpu.memref_slice %arg8[%mul3A_129] : memref<2000000xi32, #tpu.memory_space<hbm>> -> memref<800xi32, #tpu.memory_space<hbm>>
          tpu.enqueue_dma source(%dma_start3A_131 : memref<800xi32, #tpu.memory_space<hbm>>) target(%arg19 : memref<800xi32, #tpu.memory_space<vmem>>) target_semaphore(%arg35 : memref<!tpu.dma_semaphore, #tpu.memory_space<semaphore_mem>>)
          %mul3A_132 = arith.constant 800 : i32
          %mul3A_133 = arith.muli %add3A_115, %mul3A_132 : i32
          %dma_wait3A_134 = tpu.memref_slice %arg5[%mul3A_133] : memref<2000000xi32, #tpu.memory_space<hbm>> -> memref<800xi32, #tpu.memory_space<hbm>>
          %dma_wait3A_135 = tpu.memref_slice %arg5[%mul3A_133] : memref<2000000xi32, #tpu.memory_space<hbm>> -> memref<800xi32, #tpu.memory_space<hbm>>
          tpu.wait_dma2 semaphore(%arg35 : memref<!tpu.dma_semaphore, #tpu.memory_space<semaphore_mem>>) src(%dma_wait3A_135 : memref<800xi32, #tpu.memory_space<hbm>>) dst(%arg16 : memref<800xi32, #tpu.memory_space<vmem>>)
          %mul3A_136 = arith.constant 800 : i32
          %mul3A_137 = arith.muli %add3A_115, %mul3A_136 : i32
          %dma_wait3A_138 = tpu.memref_slice %arg6[%mul3A_137] : memref<2000000xi32, #tpu.memory_space<hbm>> -> memref<800xi32, #tpu.memory_space<hbm>>
          %dma_wait3A_139 = tpu.memref_slice %arg6[%mul3A_137] : memref<2000000xi32, #tpu.memory_space<hbm>> -> memref<800xi32, #tpu.memory_space<hbm>>
          tpu.wait_dma2 semaphore(%arg35 : memref<!tpu.dma_semaphore, #tpu.memory_space<semaphore_mem>>) src(%dma_wait3A_139 : memref<800xi32, #tpu.memory_space<hbm>>) dst(%arg17 : memref<800xi32, #tpu.memory_space<vmem>>)
          %mul3A_140 = arith.constant 800 : i32
          %mul3A_141 = arith.muli %add3A_115, %mul3A_140 : i32
          %dma_wait3A_142 = tpu.memref_slice %arg7[%mul3A_141] : memref<2000000xi32, #tpu.memory_space<hbm>> -> memref<800xi32, #tpu.memory_space<hbm>>
          %dma_wait3A_143 = tpu.memref_slice %arg7[%mul3A_141] : memref<2000000xi32, #tpu.memory_space<hbm>> -> memref<800xi32, #tpu.memory_space<hbm>>
          tpu.wait_dma2 semaphore(%arg35 : memref<!tpu.dma_semaphore, #tpu.memory_space<semaphore_mem>>) src(%dma_wait3A_143 : memref<800xi32, #tpu.memory_space<hbm>>) dst(%arg18 : memref<800xi32, #tpu.memory_space<vmem>>)
          %mul3A_144 = arith.constant 800 : i32
          %mul3A_145 = arith.muli %add3A_115, %mul3A_144 : i32
          %dma_wait3A_146 = tpu.memref_slice %arg8[%mul3A_145] : memref<2000000xi32, #tpu.memory_space<hbm>> -> memref<800xi32, #tpu.memory_space<hbm>>
          %dma_wait3A_147 = tpu.memref_slice %arg8[%mul3A_145] : memref<2000000xi32, #tpu.memory_space<hbm>> -> memref<800xi32, #tpu.memory_space<hbm>>
          tpu.wait_dma2 semaphore(%arg35 : memref<!tpu.dma_semaphore, #tpu.memory_space<semaphore_mem>>) src(%dma_wait3A_147 : memref<800xi32, #tpu.memory_space<hbm>>) dst(%arg19 : memref<800xi32, #tpu.memory_space<vmem>>)
          %dma_start3A_148 = arith.constant 0 : i32
          %dma_start3A_149 = arith.constant 0 : i32
          %dma_start3A_150 = tpu.memref_slice %arg11[%dma_start3A_148, %dma_start3A_149] : memref<500000x16xf32, #tpu.memory_space<hbm>> -> memref<500000x16xf32, #tpu.memory_space<hbm>>
          tpu.enqueue_indirect_dma source(%dma_start3A_150 : memref<500000x16xf32, #tpu.memory_space<hbm>>) target(%arg24 : memref<800x16xf32, #tpu.memory_space<vmem>>) offsets(%arg16 : memref<800xi32, #tpu.memory_space<vmem>>) semaphore(%arg37 : memref<!tpu.dma_semaphore, #tpu.memory_space<semaphore_mem>>)
          %dma_start3A_151 = arith.constant 0 : i32
          %dma_start3A_152 = arith.constant 0 : i32
          %dma_start3A_153 = tpu.memref_slice %arg11[%dma_start3A_151, %dma_start3A_152] : memref<500000x16xf32, #tpu.memory_space<hbm>> -> memref<500000x16xf32, #tpu.memory_space<hbm>>
          tpu.enqueue_indirect_dma source(%dma_start3A_153 : memref<500000x16xf32, #tpu.memory_space<hbm>>) target(%arg25 : memref<800x16xf32, #tpu.memory_space<vmem>>) offsets(%arg17 : memref<800xi32, #tpu.memory_space<vmem>>) semaphore(%arg37 : memref<!tpu.dma_semaphore, #tpu.memory_space<semaphore_mem>>)
          %dma_start3A_154 = arith.constant 0 : i32
          %dma_start3A_155 = arith.constant 0 : i32
          %dma_start3A_156 = tpu.memref_slice %arg11[%dma_start3A_154, %dma_start3A_155] : memref<500000x16xf32, #tpu.memory_space<hbm>> -> memref<500000x16xf32, #tpu.memory_space<hbm>>
          tpu.enqueue_indirect_dma source(%dma_start3A_156 : memref<500000x16xf32, #tpu.memory_space<hbm>>) target(%arg26 : memref<800x16xf32, #tpu.memory_space<vmem>>) offsets(%arg18 : memref<800xi32, #tpu.memory_space<vmem>>) semaphore(%arg37 : memref<!tpu.dma_semaphore, #tpu.memory_space<semaphore_mem>>)
          %dma_start3A_157 = arith.constant 0 : i32
          %dma_start3A_158 = arith.constant 0 : i32
          %dma_start3A_159 = tpu.memref_slice %arg11[%dma_start3A_157, %dma_start3A_158] : memref<500000x16xf32, #tpu.memory_space<hbm>> -> memref<500000x16xf32, #tpu.memory_space<hbm>>
          tpu.enqueue_indirect_dma source(%dma_start3A_159 : memref<500000x16xf32, #tpu.memory_space<hbm>>) target(%arg27 : memref<800x16xf32, #tpu.memory_space<vmem>>) offsets(%arg19 : memref<800xi32, #tpu.memory_space<vmem>>) semaphore(%arg37 : memref<!tpu.dma_semaphore, #tpu.memory_space<semaphore_mem>>)
        } else {
        }
        %mul3A_77 = arith.constant 32 : i32
        %mul3A_78 = arith.muli %mul3A_70, %mul3A_77 : i32
        %add3A_79 = arith.addi %add3A, %mul3A_78 : i32
        %dma_wait3A = arith.constant 0 : i32
        %dma_wait3A_80 = arith.constant 0 : i32
        %dma_wait3A_81 = tpu.memref_slice %arg11[%dma_wait3A, %dma_wait3A_80] : memref<500000x16xf32, #tpu.memory_space<hbm>> -> memref<500000x16xf32, #tpu.memory_space<hbm>>
        tpu.wait_indirect_dma semaphore(%arg36 : memref<!tpu.dma_semaphore, #tpu.memory_space<semaphore_mem>>) src(%dma_wait3A_81 : memref<500000x16xf32, #tpu.memory_space<hbm>>) dst(%arg20 : memref<800x16xf32, #tpu.memory_space<vmem>>)
        %dma_wait3A_82 = arith.constant 0 : i32
        %dma_wait3A_83 = arith.constant 0 : i32
        %dma_wait3A_84 = tpu.memref_slice %arg11[%dma_wait3A_82, %dma_wait3A_83] : memref<500000x16xf32, #tpu.memory_space<hbm>> -> memref<500000x16xf32, #tpu.memory_space<hbm>>
        tpu.wait_indirect_dma semaphore(%arg36 : memref<!tpu.dma_semaphore, #tpu.memory_space<semaphore_mem>>) src(%dma_wait3A_84 : memref<500000x16xf32, #tpu.memory_space<hbm>>) dst(%arg21 : memref<800x16xf32, #tpu.memory_space<vmem>>)
        %dma_wait3A_85 = arith.constant 0 : i32
        %dma_wait3A_86 = arith.constant 0 : i32
        %dma_wait3A_87 = tpu.memref_slice %arg11[%dma_wait3A_85, %dma_wait3A_86] : memref<500000x16xf32, #tpu.memory_space<hbm>> -> memref<500000x16xf32, #tpu.memory_space<hbm>>
        tpu.wait_indirect_dma semaphore(%arg36 : memref<!tpu.dma_semaphore, #tpu.memory_space<semaphore_mem>>) src(%dma_wait3A_87 : memref<500000x16xf32, #tpu.memory_space<hbm>>) dst(%arg22 : memref<800x16xf32, #tpu.memory_space<vmem>>)
        %dma_wait3A_88 = arith.constant 0 : i32
        %dma_wait3A_89 = arith.constant 0 : i32
        %dma_wait3A_90 = tpu.memref_slice %arg11[%dma_wait3A_88, %dma_wait3A_89] : memref<500000x16xf32, #tpu.memory_space<hbm>> -> memref<500000x16xf32, #tpu.memory_space<hbm>>
        tpu.wait_indirect_dma semaphore(%arg36 : memref<!tpu.dma_semaphore, #tpu.memory_space<semaphore_mem>>) src(%dma_wait3A_90 : memref<500000x16xf32, #tpu.memory_space<hbm>>) dst(%arg23 : memref<800x16xf32, #tpu.memory_space<vmem>>)
        %ge3A = arith.constant 2 : i32
        %ge3A_91 = arith.cmpi sge, %mul3A_70, %ge3A : i32
        %convert_element_type3A_92 = arith.extui %ge3A_91 : i1 to i32
        %cond3A_93 = arith.constant 0 : i32
        %cond3A_94 = arith.cmpi ne, %convert_element_type3A_92, %cond3A_93 : i32
        scf.if %cond3A_94 {
          %sub3A_113 = arith.constant 2 : i32
          %sub3A_114 = arith.subi %mul3A_70, %sub3A_113 : i32
          %mul3A_115 = arith.constant 32 : i32
          %mul3A_116 = arith.muli %sub3A_114, %mul3A_115 : i32
          %add3A_117 = arith.addi %add3A, %mul3A_116 : i32
          %mul3A_118 = arith.constant 800 : i32
          %mul3A_119 = arith.muli %add3A_117, %mul3A_118 : i32
          %dma_wait3A_120 = tpu.memref_slice %arg9[%mul3A_119] : memref<2000000xf32, #tpu.memory_space<hbm>> -> memref<800xf32, #tpu.memory_space<hbm>>
          %dma_wait3A_121 = tpu.memref_slice %arg9[%mul3A_119] : memref<2000000xf32, #tpu.memory_space<hbm>> -> memref<800xf32, #tpu.memory_space<hbm>>
          tpu.wait_dma2 semaphore(%arg38 : memref<!tpu.dma_semaphore, #tpu.memory_space<semaphore_mem>>) src(%arg28 : memref<800xf32, #tpu.memory_space<vmem>>) dst(%dma_wait3A_121 : memref<800xf32, #tpu.memory_space<hbm>>)
        } else {
        }
        %scan3A = arith.constant 0 : i32
        %scan3A_95 = arith.constant 0 : i32
        %scan3A_96 = arith.constant 50 : i32
        %scan3A_97 = arith.addi %scan3A_95, %scan3A_96 : i32
        %scan3A_98 = arith.constant 1 : i32
        scf.for %scan3A_113 = %scan3A_95 to %scan3A_97 step %scan3A_98  : i32 {
          %mul3A_114 = arith.constant 16 : i32
          %mul3A_115 = arith.muli %scan3A_113, %mul3A_114 : i32
          %mul3A_116 = arith.constant 16 : i32
          %mul3A_117 = arith.muli %scan3A_113, %mul3A_116 : i32
          %add3A_118 = vector.broadcast %mul3A_117 : i32 to vector<16xi32>
          %add3A_119 = arith.addi %add3A_118, %iota3A : vector<16xi32>
          %gather3A = tpu.vector_load_idx %arg20[%add3A_119, %broadcast_in_dim3A_3] : memref<800x16xf32, #tpu.memory_space<vmem>>[vector<16xi32>, vector<16xi32>], vector<16xf32>,
          %gather3A_120 = tpu.vector_load_idx %arg20[%add3A_119, %broadcast_in_dim3A_5] : memref<800x16xf32, #tpu.memory_space<vmem>>[vector<16xi32>, vector<16xi32>], vector<16xf32>,
          %gather3A_121 = tpu.vector_load_idx %arg20[%add3A_119, %broadcast_in_dim3A_7] : memref<800x16xf32, #tpu.memory_space<vmem>>[vector<16xi32>, vector<16xi32>], vector<16xf32>,
          %gather3A_122 = tpu.vector_load_idx %arg21[%add3A_119, %broadcast_in_dim3A_3] : memref<800x16xf32, #tpu.memory_space<vmem>>[vector<16xi32>, vector<16xi32>], vector<16xf32>,
          %gather3A_123 = tpu.vector_load_idx %arg21[%add3A_119, %broadcast_in_dim3A_5] : memref<800x16xf32, #tpu.memory_space<vmem>>[vector<16xi32>, vector<16xi32>], vector<16xf32>,
          %gather3A_124 = tpu.vector_load_idx %arg21[%add3A_119, %broadcast_in_dim3A_7] : memref<800x16xf32, #tpu.memory_space<vmem>>[vector<16xi32>, vector<16xi32>], vector<16xf32>,
          %gather3A_125 = tpu.vector_load_idx %arg22[%add3A_119, %broadcast_in_dim3A_3] : memref<800x16xf32, #tpu.memory_space<vmem>>[vector<16xi32>, vector<16xi32>], vector<16xf32>,
          %gather3A_126 = tpu.vector_load_idx %arg22[%add3A_119, %broadcast_in_dim3A_5] : memref<800x16xf32, #tpu.memory_space<vmem>>[vector<16xi32>, vector<16xi32>], vector<16xf32>,
          %gather3A_127 = tpu.vector_load_idx %arg22[%add3A_119, %broadcast_in_dim3A_7] : memref<800x16xf32, #tpu.memory_space<vmem>>[vector<16xi32>, vector<16xi32>], vector<16xf32>,
          %gather3A_128 = tpu.vector_load_idx %arg23[%add3A_119, %broadcast_in_dim3A_3] : memref<800x16xf32, #tpu.memory_space<vmem>>[vector<16xi32>, vector<16xi32>], vector<16xf32>,
          %gather3A_129 = tpu.vector_load_idx %arg23[%add3A_119, %broadcast_in_dim3A_5] : memref<800x16xf32, #tpu.memory_space<vmem>>[vector<16xi32>, vector<16xi32>], vector<16xf32>,
          %gather3A_130 = tpu.vector_load_idx %arg23[%add3A_119, %broadcast_in_dim3A_7] : memref<800x16xf32, #tpu.memory_space<vmem>>[vector<16xi32>, vector<16xi32>], vector<16xf32>,
          %sub3A_131 = arith.subf %gather3A_122, %gather3A : vector<16xf32>
          %sub3A_132 = arith.subf %gather3A_123, %gather3A_120 : vector<16xf32>
          %sub3A_133 = arith.subf %gather3A_124, %gather3A_121 : vector<16xf32>
          %sub3A_134 = arith.subf %gather3A_125, %gather3A_122 : vector<16xf32>
          %sub3A_135 = arith.subf %gather3A_126, %gather3A_123 : vector<16xf32>
          %sub3A_136 = arith.subf %gather3A_127, %gather3A_124 : vector<16xf32>
          %sub3A_137 = arith.subf %gather3A_128, %gather3A_125 : vector<16xf32>
          %sub3A_138 = arith.subf %gather3A_129, %gather3A_126 : vector<16xf32>
          %sub3A_139 = arith.subf %gather3A_130, %gather3A_127 : vector<16xf32>
          %mul3A_140 = arith.mulf %sub3A_132, %sub3A_136 : vector<16xf32>
          %mul3A_141 = arith.mulf %sub3A_133, %sub3A_135 : vector<16xf32>
          %sub3A_142 = arith.subf %mul3A_140, %mul3A_141 : vector<16xf32>
          %mul3A_143 = arith.mulf %sub3A_133, %sub3A_134 : vector<16xf32>
          %mul3A_144 = arith.mulf %sub3A_131, %sub3A_136 : vector<16xf32>
          %sub3A_145 = arith.subf %mul3A_143, %mul3A_144 : vector<16xf32>
          %mul3A_146 = arith.mulf %sub3A_131, %sub3A_135 : vector<16xf32>
          %mul3A_147 = arith.mulf %sub3A_132, %sub3A_134 : vector<16xf32>
          %sub3A_148 = arith.subf %mul3A_146, %mul3A_147 : vector<16xf32>
          %mul3A_149 = arith.mulf %sub3A_135, %sub3A_139 : vector<16xf32>
          %mul3A_150 = arith.mulf %sub3A_136, %sub3A_138 : vector<16xf32>
          %sub3A_151 = arith.subf %mul3A_149, %mul3A_150 : vector<16xf32>
          %mul3A_152 = arith.mulf %sub3A_136, %sub3A_137 : vector<16xf32>
          %mul3A_153 = arith.mulf %sub3A_134, %sub3A_139 : vector<16xf32>
          %sub3A_154 = arith.subf %mul3A_152, %mul3A_153 : vector<16xf32>
          %mul3A_155 = arith.mulf %sub3A_134, %sub3A_138 : vector<16xf32>
          %mul3A_156 = arith.mulf %sub3A_135, %sub3A_137 : vector<16xf32>
          %sub3A_157 = arith.subf %mul3A_155, %mul3A_156 : vector<16xf32>
          %mul3A_158 = arith.mulf %sub3A_142, %sub3A_151 : vector<16xf32>
          %mul3A_159 = arith.mulf %sub3A_145, %sub3A_154 : vector<16xf32>
          %add3A_160 = arith.addf %mul3A_158, %mul3A_159 : vector<16xf32>
          %mul3A_161 = arith.mulf %sub3A_148, %sub3A_157 : vector<16xf32>
          %add3A_162 = arith.addf %add3A_160, %mul3A_161 : vector<16xf32>
          %mul3A_163 = arith.mulf %sub3A_142, %sub3A_142 : vector<16xf32>
          %mul3A_164 = arith.mulf %sub3A_145, %sub3A_145 : vector<16xf32>
          %add3A_165 = arith.addf %mul3A_163, %mul3A_164 : vector<16xf32>
          %mul3A_166 = arith.mulf %sub3A_148, %sub3A_148 : vector<16xf32>
          %add3A_167 = arith.addf %add3A_165, %mul3A_166 : vector<16xf32>
          %mul3A_168 = arith.mulf %sub3A_151, %sub3A_151 : vector<16xf32>
          %mul3A_169 = arith.mulf %sub3A_154, %sub3A_154 : vector<16xf32>
          %add3A_170 = arith.addf %mul3A_168, %mul3A_169 : vector<16xf32>
          %mul3A_171 = arith.mulf %sub3A_157, %sub3A_157 : vector<16xf32>
          %add3A_172 = arith.addf %add3A_170, %mul3A_171 : vector<16xf32>
          %mul3A_173 = arith.mulf %add3A_167, %add3A_172 : vector<16xf32>
          %bitcast3A = vector.bitcast %mul3A_173 : vector<16xf32> to vector<16xi32>
          %shift_right_arithmetic3A = arith.constant 1 : i32
          %shift_right_arithmetic3A_174 = vector.broadcast %shift_right_arithmetic3A : i32 to vector<16xi32>
          %shift_right_arithmetic3A_175 = arith.shrsi %bitcast3A, %shift_right_arithmetic3A_174 : vector<16xi32>
          %sub3A_176 = arith.constant 1597463007 : i32
          %sub3A_177 = vector.broadcast %sub3A_176 : i32 to vector<16xi32>
          %sub3A_178 = arith.subi %sub3A_177, %shift_right_arithmetic3A_175 : vector<16xi32>
          %bitcast3A_179 = vector.bitcast %sub3A_178 : vector<16xi32> to vector<16xf32>
          %mul3A_180 = arith.constant 5.000000e-01 : f32
          %mul3A_181 = vector.broadcast %mul3A_180 : f32 to vector<16xf32>
          %mul3A_182 = arith.mulf %mul3A_181, %mul3A_173 : vector<16xf32>
          %mul3A_183 = arith.mulf %mul3A_182, %bitcast3A_179 : vector<16xf32>
          %mul3A_184 = arith.mulf %mul3A_183, %bitcast3A_179 : vector<16xf32>
          %sub3A_185 = arith.constant 1.500000e+00 : f32
          %sub3A_186 = vector.broadcast %sub3A_185 : f32 to vector<16xf32>
          %sub3A_187 = arith.subf %sub3A_186, %mul3A_184 : vector<16xf32>
          %mul3A_188 = arith.mulf %bitcast3A_179, %sub3A_187 : vector<16xf32>
          %mul3A_189 = arith.constant 5.000000e-01 : f32
          %mul3A_190 = vector.broadcast %mul3A_189 : f32 to vector<16xf32>
          %mul3A_191 = arith.mulf %mul3A_190, %mul3A_173 : vector<16xf32>
          %mul3A_192 = arith.mulf %mul3A_191, %mul3A_188 : vector<16xf32>
          %mul3A_193 = arith.mulf %mul3A_192, %mul3A_188 : vector<16xf32>
          %sub3A_194 = arith.constant 1.500000e+00 : f32
          %sub3A_195 = vector.broadcast %sub3A_194 : f32 to vector<16xf32>
          %sub3A_196 = arith.subf %sub3A_195, %mul3A_193 : vector<16xf32>
          %mul3A_197 = arith.mulf %mul3A_188, %sub3A_196 : vector<16xf32>
          %mul3A_198 = arith.constant 5.000000e-01 : f32
          %mul3A_199 = vector.broadcast %mul3A_198 : f32 to vector<16xf32>
          %mul3A_200 = arith.mulf %mul3A_199, %mul3A_173 : vector<16xf32>
          %mul3A_201 = arith.mulf %mul3A_200, %mul3A_197 : vector<16xf32>
          %mul3A_202 = arith.mulf %mul3A_201, %mul3A_197 : vector<16xf32>
          %sub3A_203 = arith.constant 1.500000e+00 : f32
          %sub3A_204 = vector.broadcast %sub3A_203 : f32 to vector<16xf32>
          %sub3A_205 = arith.subf %sub3A_204, %mul3A_202 : vector<16xf32>
          %mul3A_206 = arith.mulf %mul3A_197, %sub3A_205 : vector<16xf32>
          %mul3A_207 = arith.mulf %add3A_162, %mul3A_206 : vector<16xf32>
          %jit3A_208 = arith.constant -1.000000e+00 : f32
          %jit3A_209 = arith.constant 1.000000e+00 : f32
          %max3A = vector.broadcast %jit3A_208 : f32 to vector<16xf32>
          %max3A_210 = arith.maximumf %max3A, %mul3A_207 : vector<16xf32>
          %min3A = vector.broadcast %jit3A_209 : f32 to vector<16xf32>
          %min3A_211 = arith.minimumf %min3A, %max3A_210 : vector<16xf32>
          %gt3A_212 = arith.constant 0.000000e+00 : f32
          %gt3A_213 = vector.broadcast %gt3A_212 : f32 to vector<16xf32>
          %gt3A_214 = arith.cmpf ogt, %mul3A_173, %gt3A_213 : vector<16xf32>
          %jit3A_215 = arith.constant 0x7FC00000 : f32
          %broadcast_in_dim3A_216 = vector.broadcast %jit3A_215 : f32 to vector<16xf32>
          %select_n3A_217 = arith.select %gt3A_214, %min3A_211, %broadcast_in_dim3A_216 : vector<16xi1>, vector<16xf32>
          %abs3A = math.absf %select_n3A_217 : vector<16xf32>
          %sub3A_218 = arith.constant 1.000000e+00 : f32
          %sub3A_219 = vector.broadcast %sub3A_218 : f32 to vector<16xf32>
          %sub3A_220 = arith.subf %sub3A_219, %abs3A : vector<16xf32>
          %max3A_221 = arith.constant 1.000000e-30 : f32
          %max3A_222 = vector.broadcast %max3A_221 : f32 to vector<16xf32>
          %max3A_223 = arith.maximumf %sub3A_220, %max3A_222 : vector<16xf32>
          %bitcast3A_224 = vector.bitcast %max3A_223 : vector<16xf32> to vector<16xi32>
          %shift_right_arithmetic3A_225 = arith.constant 1 : i32
          %shift_right_arithmetic3A_226 = vector.broadcast %shift_right_arithmetic3A_225 : i32 to vector<16xi32>
          %shift_right_arithmetic3A_227 = arith.shrsi %bitcast3A_224, %shift_right_arithmetic3A_226 : vector<16xi32>
          %sub3A_228 = arith.constant 1597463007 : i32
          %sub3A_229 = vector.broadcast %sub3A_228 : i32 to vector<16xi32>
          %sub3A_230 = arith.subi %sub3A_229, %shift_right_arithmetic3A_227 : vector<16xi32>
          %bitcast3A_231 = vector.bitcast %sub3A_230 : vector<16xi32> to vector<16xf32>
          %mul3A_232 = arith.constant 5.000000e-01 : f32
          %mul3A_233 = vector.broadcast %mul3A_232 : f32 to vector<16xf32>
          %mul3A_234 = arith.mulf %mul3A_233, %max3A_223 : vector<16xf32>
          %mul3A_235 = arith.mulf %mul3A_234, %bitcast3A_231 : vector<16xf32>
          %mul3A_236 = arith.mulf %mul3A_235, %bitcast3A_231 : vector<16xf32>
          %sub3A_237 = arith.constant 1.500000e+00 : f32
          %sub3A_238 = vector.broadcast %sub3A_237 : f32 to vector<16xf32>
          %sub3A_239 = arith.subf %sub3A_238, %mul3A_236 : vector<16xf32>
          %mul3A_240 = arith.mulf %bitcast3A_231, %sub3A_239 : vector<16xf32>
          %mul3A_241 = arith.constant 5.000000e-01 : f32
          %mul3A_242 = vector.broadcast %mul3A_241 : f32 to vector<16xf32>
          %mul3A_243 = arith.mulf %mul3A_242, %max3A_223 : vector<16xf32>
          %mul3A_244 = arith.mulf %mul3A_243, %mul3A_240 : vector<16xf32>
          %mul3A_245 = arith.mulf %mul3A_244, %mul3A_240 : vector<16xf32>
          %sub3A_246 = arith.constant 1.500000e+00 : f32
          %sub3A_247 = vector.broadcast %sub3A_246 : f32 to vector<16xf32>
          %sub3A_248 = arith.subf %sub3A_247, %mul3A_245 : vector<16xf32>
          %mul3A_249 = arith.mulf %mul3A_240, %sub3A_248 : vector<16xf32>
          %mul3A_250 = arith.constant 5.000000e-01 : f32
          %mul3A_251 = vector.broadcast %mul3A_250 : f32 to vector<16xf32>
          %mul3A_252 = arith.mulf %mul3A_251, %max3A_223 : vector<16xf32>
          %mul3A_253 = arith.mulf %mul3A_252, %mul3A_249 : vector<16xf32>
          %mul3A_254 = arith.mulf %mul3A_253, %mul3A_249 : vector<16xf32>
          %sub3A_255 = arith.constant 1.500000e+00 : f32
          %sub3A_256 = vector.broadcast %sub3A_255 : f32 to vector<16xf32>
          %sub3A_257 = arith.subf %sub3A_256, %mul3A_254 : vector<16xf32>
          %mul3A_258 = arith.mulf %mul3A_249, %sub3A_257 : vector<16xf32>
          %mul3A_259 = arith.mulf %sub3A_220, %mul3A_258 : vector<16xf32>
          %broadcast_in_dim3A_260 = arith.constant -0.0012624911 : f32
          %broadcast_in_dim3A_261 = vector.broadcast %broadcast_in_dim3A_260 : f32 to vector<16xf32>
          %mul3A_262 = arith.mulf %broadcast_in_dim3A_261, %abs3A : vector<16xf32>
          %add3A_263 = arith.constant 6.670090e-03 : f32
          %add3A_264 = vector.broadcast %add3A_263 : f32 to vector<16xf32>
          %add3A_265 = arith.addf %mul3A_262, %add3A_264 : vector<16xf32>
          %mul3A_266 = arith.mulf %add3A_265, %abs3A : vector<16xf32>
          %add3A_267 = arith.constant -0.0170881264 : f32
          %add3A_268 = vector.broadcast %add3A_267 : f32 to vector<16xf32>
          %add3A_269 = arith.addf %mul3A_266, %add3A_268 : vector<16xf32>
          %mul3A_270 = arith.mulf %add3A_269, %abs3A : vector<16xf32>
          %add3A_271 = arith.constant 0.0308918804 : f32
          %add3A_272 = vector.broadcast %add3A_271 : f32 to vector<16xf32>
          %add3A_273 = arith.addf %mul3A_270, %add3A_272 : vector<16xf32>
          %mul3A_274 = arith.mulf %add3A_273, %abs3A : vector<16xf32>
          %add3A_275 = arith.constant -0.0501743034 : f32
          %add3A_276 = vector.broadcast %add3A_275 : f32 to vector<16xf32>
          %add3A_277 = arith.addf %mul3A_274, %add3A_276 : vector<16xf32>
          %mul3A_278 = arith.mulf %add3A_277, %abs3A : vector<16xf32>
          %add3A_279 = arith.constant 0.0889789909 : f32
          %add3A_280 = vector.broadcast %add3A_279 : f32 to vector<16xf32>
          %add3A_281 = arith.addf %mul3A_278, %add3A_280 : vector<16xf32>
          %mul3A_282 = arith.mulf %add3A_281, %abs3A : vector<16xf32>
          %add3A_283 = arith.constant -0.214598805 : f32
          %add3A_284 = vector.broadcast %add3A_283 : f32 to vector<16xf32>
          %add3A_285 = arith.addf %mul3A_282, %add3A_284 : vector<16xf32>
          %mul3A_286 = arith.mulf %add3A_285, %abs3A : vector<16xf32>
          %add3A_287 = arith.constant 1.57079625 : f32
          %add3A_288 = vector.broadcast %add3A_287 : f32 to vector<16xf32>
          %add3A_289 = arith.addf %mul3A_286, %add3A_288 : vector<16xf32>
          %mul3A_290 = arith.mulf %mul3A_259, %add3A_289 : vector<16xf32>
          %lt3A_291 = arith.constant 0.000000e+00 : f32
          %lt3A_292 = vector.broadcast %lt3A_291 : f32 to vector<16xf32>
          %lt3A_293 = arith.cmpf olt, %select_n3A_217, %lt3A_292 : vector<16xf32>
          %sub3A_294 = arith.constant 3.14159274 : f32
          %sub3A_295 = vector.broadcast %sub3A_294 : f32 to vector<16xf32>
          %sub3A_296 = arith.subf %sub3A_295, %mul3A_290 : vector<16xf32>
          %select_n3A_297 = arith.select %lt3A_293, %sub3A_296, %mul3A_290 : vector<16xi1>, vector<16xf32>
          %mul3A_298 = arith.mulf %sub3A_142, %sub3A_137 : vector<16xf32>
          %mul3A_299 = arith.mulf %sub3A_145, %sub3A_138 : vector<16xf32>
          %add3A_300 = arith.addf %mul3A_298, %mul3A_299 : vector<16xf32>
          %mul3A_301 = arith.mulf %sub3A_148, %sub3A_139 : vector<16xf32>
          %add3A_302 = arith.addf %add3A_300, %mul3A_301 : vector<16xf32>
          %gt3A_303 = arith.constant 0.000000e+00 : f32
          %gt3A_304 = vector.broadcast %gt3A_303 : f32 to vector<16xf32>
          %gt3A_305 = arith.cmpf ogt, %add3A_302, %gt3A_304 : vector<16xf32>
          %neg3A = arith.constant 0.000000e+00 : f32
          %neg3A_306 = vector.broadcast %neg3A : f32 to vector<16xf32>
          %neg3A_307 = arith.subf %neg3A_306, %select_n3A_297 : vector<16xf32>
          %select_n3A_308 = arith.select %gt3A_305, %select_n3A_297, %neg3A_307 : vector<16xi1>, vector<16xf32>
          %swap3A = arith.index_cast %mul3A_115 : i32 to index
          %swap3A_309 = tpu.vector_load %arg28[%swap3A] {strides = array<i32>} : memref<800xf32, #tpu.memory_space<vmem>>, vector<16xf32>,
          tpu.vector_store %arg28[%swap3A], %select_n3A_308 {strides = array<i32>} : memref<800xf32, #tpu.memory_space<vmem>>, vector<16xf32>,
        }
        %scan3A_99 = arith.constant 50 : i32
        %mul3A_100 = arith.constant 800 : i32
        %mul3A_101 = arith.muli %add3A_79, %mul3A_100 : i32
        %dma_start3A = tpu.memref_slice %arg9[%mul3A_101] : memref<2000000xf32, #tpu.memory_space<hbm>> -> memref<800xf32, #tpu.memory_space<hbm>>
        %dma_start3A_102 = tpu.memref_slice %arg9[%mul3A_101] : memref<2000000xf32, #tpu.memory_space<hbm>> -> memref<800xf32, #tpu.memory_space<hbm>>
        tpu.enqueue_dma source(%arg28 : memref<800xf32, #tpu.memory_space<vmem>>) target(%dma_start3A_102 : memref<800xf32, #tpu.memory_space<hbm>>) target_semaphore(%arg38 : memref<!tpu.dma_semaphore, #tpu.memory_space<semaphore_mem>>)
        %add3A_103 = arith.constant 1 : i32
        %add3A_104 = arith.addi %add3A_72, %add3A_103 : i32
        %lt3A_105 = arith.cmpi slt, %add3A_104, %select_n3A : i32
        %convert_element_type3A_106 = arith.extui %lt3A_105 : i1 to i32
        %cond3A_107 = arith.constant 0 : i32
        %cond3A_108 = arith.cmpi ne, %convert_element_type3A_106, %cond3A_107 : i32
        scf.if %cond3A_108 {
          %add3A_113 = arith.constant 1 : i32
          %add3A_114 = arith.addi %add3A_72, %add3A_113 : i32
          %mul3A_115 = arith.constant 32 : i32
          %mul3A_116 = arith.muli %add3A_114, %mul3A_115 : i32
          %add3A_117 = arith.addi %add3A, %mul3A_116 : i32
          %mul3A_118 = arith.constant 800 : i32
          %mul3A_119 = arith.muli %add3A_117, %mul3A_118 : i32
          %dma_start3A_120 = tpu.memref_slice %arg5[%mul3A_119] : memref<2000000xi32, #tpu.memory_space<hbm>> -> memref<800xi32, #tpu.memory_space<hbm>>
          %dma_start3A_121 = tpu.memref_slice %arg5[%mul3A_119] : memref<2000000xi32, #tpu.memory_space<hbm>> -> memref<800xi32, #tpu.memory_space<hbm>>
          tpu.enqueue_dma source(%dma_start3A_121 : memref<800xi32, #tpu.memory_space<hbm>>) target(%arg12 : memref<800xi32, #tpu.memory_space<vmem>>) target_semaphore(%arg34 : memref<!tpu.dma_semaphore, #tpu.memory_space<semaphore_mem>>)
          %mul3A_122 = arith.constant 800 : i32
          %mul3A_123 = arith.muli %add3A_117, %mul3A_122 : i32
          %dma_start3A_124 = tpu.memref_slice %arg6[%mul3A_123] : memref<2000000xi32, #tpu.memory_space<hbm>> -> memref<800xi32, #tpu.memory_space<hbm>>
          %dma_start3A_125 = tpu.memref_slice %arg6[%mul3A_123] : memref<2000000xi32, #tpu.memory_space<hbm>> -> memref<800xi32, #tpu.memory_space<hbm>>
          tpu.enqueue_dma source(%dma_start3A_125 : memref<800xi32, #tpu.memory_space<hbm>>) target(%arg13 : memref<800xi32, #tpu.memory_space<vmem>>) target_semaphore(%arg34 : memref<!tpu.dma_semaphore, #tpu.memory_space<semaphore_mem>>)
          %mul3A_126 = arith.constant 800 : i32
          %mul3A_127 = arith.muli %add3A_117, %mul3A_126 : i32
          %dma_start3A_128 = tpu.memref_slice %arg7[%mul3A_127] : memref<2000000xi32, #tpu.memory_space<hbm>> -> memref<800xi32, #tpu.memory_space<hbm>>
          %dma_start3A_129 = tpu.memref_slice %arg7[%mul3A_127] : memref<2000000xi32, #tpu.memory_space<hbm>> -> memref<800xi32, #tpu.memory_space<hbm>>
          tpu.enqueue_dma source(%dma_start3A_129 : memref<800xi32, #tpu.memory_space<hbm>>) target(%arg14 : memref<800xi32, #tpu.memory_space<vmem>>) target_semaphore(%arg34 : memref<!tpu.dma_semaphore, #tpu.memory_space<semaphore_mem>>)
          %mul3A_130 = arith.constant 800 : i32
          %mul3A_131 = arith.muli %add3A_117, %mul3A_130 : i32
          %dma_start3A_132 = tpu.memref_slice %arg8[%mul3A_131] : memref<2000000xi32, #tpu.memory_space<hbm>> -> memref<800xi32, #tpu.memory_space<hbm>>
          %dma_start3A_133 = tpu.memref_slice %arg8[%mul3A_131] : memref<2000000xi32, #tpu.memory_space<hbm>> -> memref<800xi32, #tpu.memory_space<hbm>>
          tpu.enqueue_dma source(%dma_start3A_133 : memref<800xi32, #tpu.memory_space<hbm>>) target(%arg15 : memref<800xi32, #tpu.memory_space<vmem>>) target_semaphore(%arg34 : memref<!tpu.dma_semaphore, #tpu.memory_space<semaphore_mem>>)
          %mul3A_134 = arith.constant 800 : i32
          %mul3A_135 = arith.muli %add3A_117, %mul3A_134 : i32
          %dma_wait3A_136 = tpu.memref_slice %arg5[%mul3A_135] : memref<2000000xi32, #tpu.memory_space<hbm>> -> memref<800xi32, #tpu.memory_space<hbm>>
          %dma_wait3A_137 = tpu.memref_slice %arg5[%mul3A_135] : memref<2000000xi32, #tpu.memory_space<hbm>> -> memref<800xi32, #tpu.memory_space<hbm>>
          tpu.wait_dma2 semaphore(%arg34 : memref<!tpu.dma_semaphore, #tpu.memory_space<semaphore_mem>>) src(%dma_wait3A_137 : memref<800xi32, #tpu.memory_space<hbm>>) dst(%arg12 : memref<800xi32, #tpu.memory_space<vmem>>)
          %mul3A_138 = arith.constant 800 : i32
          %mul3A_139 = arith.muli %add3A_117, %mul3A_138 : i32
          %dma_wait3A_140 = tpu.memref_slice %arg6[%mul3A_139] : memref<2000000xi32, #tpu.memory_space<hbm>> -> memref<800xi32, #tpu.memory_space<hbm>>
          %dma_wait3A_141 = tpu.memref_slice %arg6[%mul3A_139] : memref<2000000xi32, #tpu.memory_space<hbm>> -> memref<800xi32, #tpu.memory_space<hbm>>
          tpu.wait_dma2 semaphore(%arg34 : memref<!tpu.dma_semaphore, #tpu.memory_space<semaphore_mem>>) src(%dma_wait3A_141 : memref<800xi32, #tpu.memory_space<hbm>>) dst(%arg13 : memref<800xi32, #tpu.memory_space<vmem>>)
          %mul3A_142 = arith.constant 800 : i32
          %mul3A_143 = arith.muli %add3A_117, %mul3A_142 : i32
          %dma_wait3A_144 = tpu.memref_slice %arg7[%mul3A_143] : memref<2000000xi32, #tpu.memory_space<hbm>> -> memref<800xi32, #tpu.memory_space<hbm>>
          %dma_wait3A_145 = tpu.memref_slice %arg7[%mul3A_143] : memref<2000000xi32, #tpu.memory_space<hbm>> -> memref<800xi32, #tpu.memory_space<hbm>>
          tpu.wait_dma2 semaphore(%arg34 : memref<!tpu.dma_semaphore, #tpu.memory_space<semaphore_mem>>) src(%dma_wait3A_145 : memref<800xi32, #tpu.memory_space<hbm>>) dst(%arg14 : memref<800xi32, #tpu.memory_space<vmem>>)
          %mul3A_146 = arith.constant 800 : i32
          %mul3A_147 = arith.muli %add3A_117, %mul3A_146 : i32
          %dma_wait3A_148 = tpu.memref_slice %arg8[%mul3A_147] : memref<2000000xi32, #tpu.memory_space<hbm>> -> memref<800xi32, #tpu.memory_space<hbm>>
          %dma_wait3A_149 = tpu.memref_slice %arg8[%mul3A_147] : memref<2000000xi32, #tpu.memory_space<hbm>> -> memref<800xi32, #tpu.memory_space<hbm>>
          tpu.wait_dma2 semaphore(%arg34 : memref<!tpu.dma_semaphore, #tpu.memory_space<semaphore_mem>>) src(%dma_wait3A_149 : memref<800xi32, #tpu.memory_space<hbm>>) dst(%arg15 : memref<800xi32, #tpu.memory_space<vmem>>)
          %dma_start3A_150 = arith.constant 0 : i32
          %dma_start3A_151 = arith.constant 0 : i32
          %dma_start3A_152 = tpu.memref_slice %arg11[%dma_start3A_150, %dma_start3A_151] : memref<500000x16xf32, #tpu.memory_space<hbm>> -> memref<500000x16xf32, #tpu.memory_space<hbm>>
          tpu.enqueue_indirect_dma source(%dma_start3A_152 : memref<500000x16xf32, #tpu.memory_space<hbm>>) target(%arg20 : memref<800x16xf32, #tpu.memory_space<vmem>>) offsets(%arg12 : memref<800xi32, #tpu.memory_space<vmem>>) semaphore(%arg36 : memref<!tpu.dma_semaphore, #tpu.memory_space<semaphore_mem>>)
          %dma_start3A_153 = arith.constant 0 : i32
          %dma_start3A_154 = arith.constant 0 : i32
          %dma_start3A_155 = tpu.memref_slice %arg11[%dma_start3A_153, %dma_start3A_154] : memref<500000x16xf32, #tpu.memory_space<hbm>> -> memref<500000x16xf32, #tpu.memory_space<hbm>>
          tpu.enqueue_indirect_dma source(%dma_start3A_155 : memref<500000x16xf32, #tpu.memory_space<hbm>>) target(%arg21 : memref<800x16xf32, #tpu.memory_space<vmem>>) offsets(%arg13 : memref<800xi32, #tpu.memory_space<vmem>>) semaphore(%arg36 : memref<!tpu.dma_semaphore, #tpu.memory_space<semaphore_mem>>)
          %dma_start3A_156 = arith.constant 0 : i32
          %dma_start3A_157 = arith.constant 0 : i32
          %dma_start3A_158 = tpu.memref_slice %arg11[%dma_start3A_156, %dma_start3A_157] : memref<500000x16xf32, #tpu.memory_space<hbm>> -> memref<500000x16xf32, #tpu.memory_space<hbm>>
          tpu.enqueue_indirect_dma source(%dma_start3A_158 : memref<500000x16xf32, #tpu.memory_space<hbm>>) target(%arg22 : memref<800x16xf32, #tpu.memory_space<vmem>>) offsets(%arg14 : memref<800xi32, #tpu.memory_space<vmem>>) semaphore(%arg36 : memref<!tpu.dma_semaphore, #tpu.memory_space<semaphore_mem>>)
          %dma_start3A_159 = arith.constant 0 : i32
          %dma_start3A_160 = arith.constant 0 : i32
          %dma_start3A_161 = tpu.memref_slice %arg11[%dma_start3A_159, %dma_start3A_160] : memref<500000x16xf32, #tpu.memory_space<hbm>> -> memref<500000x16xf32, #tpu.memory_space<hbm>>
          tpu.enqueue_indirect_dma source(%dma_start3A_161 : memref<500000x16xf32, #tpu.memory_space<hbm>>) target(%arg23 : memref<800x16xf32, #tpu.memory_space<vmem>>) offsets(%arg15 : memref<800xi32, #tpu.memory_space<vmem>>) semaphore(%arg36 : memref<!tpu.dma_semaphore, #tpu.memory_space<semaphore_mem>>)
        } else {
        }
        %lt3A_109 = arith.cmpi slt, %add3A_72, %select_n3A : i32
        %convert_element_type3A_110 = arith.extui %lt3A_109 : i1 to i32
        %cond3A_111 = arith.constant 0 : i32
        %cond3A_112 = arith.cmpi ne, %convert_element_type3A_110, %cond3A_111 : i32
        scf.if %cond3A_112 {
          %mul3A_113 = arith.constant 32 : i32
          %mul3A_114 = arith.muli %add3A_72, %mul3A_113 : i32
          %add3A_115 = arith.addi %add3A, %mul3A_114 : i32
          %dma_wait3A_116 = arith.constant 0 : i32
          %dma_wait3A_117 = arith.constant 0 : i32
          %dma_wait3A_118 = tpu.memref_slice %arg11[%dma_wait3A_116, %dma_wait3A_117] : memref<500000x16xf32, #tpu.memory_space<hbm>> -> memref<500000x16xf32, #tpu.memory_space<hbm>>
          tpu.wait_indirect_dma semaphore(%arg37 : memref<!tpu.dma_semaphore, #tpu.memory_space<semaphore_mem>>) src(%dma_wait3A_118 : memref<500000x16xf32, #tpu.memory_space<hbm>>) dst(%arg24 : memref<800x16xf32, #tpu.memory_space<vmem>>)
          %dma_wait3A_119 = arith.constant 0 : i32
          %dma_wait3A_120 = arith.constant 0 : i32
          %dma_wait3A_121 = tpu.memref_slice %arg11[%dma_wait3A_119, %dma_wait3A_120] : memref<500000x16xf32, #tpu.memory_space<hbm>> -> memref<500000x16xf32, #tpu.memory_space<hbm>>
          tpu.wait_indirect_dma semaphore(%arg37 : memref<!tpu.dma_semaphore, #tpu.memory_space<semaphore_mem>>) src(%dma_wait3A_121 : memref<500000x16xf32, #tpu.memory_space<hbm>>) dst(%arg25 : memref<800x16xf32, #tpu.memory_space<vmem>>)
          %dma_wait3A_122 = arith.constant 0 : i32
          %dma_wait3A_123 = arith.constant 0 : i32
          %dma_wait3A_124 = tpu.memref_slice %arg11[%dma_wait3A_122, %dma_wait3A_123] : memref<500000x16xf32, #tpu.memory_space<hbm>> -> memref<500000x16xf32, #tpu.memory_space<hbm>>
          tpu.wait_indirect_dma semaphore(%arg37 : memref<!tpu.dma_semaphore, #tpu.memory_space<semaphore_mem>>) src(%dma_wait3A_124 : memref<500000x16xf32, #tpu.memory_space<hbm>>) dst(%arg26 : memref<800x16xf32, #tpu.memory_space<vmem>>)
          %dma_wait3A_125 = arith.constant 0 : i32
          %dma_wait3A_126 = arith.constant 0 : i32
          %dma_wait3A_127 = tpu.memref_slice %arg11[%dma_wait3A_125, %dma_wait3A_126] : memref<500000x16xf32, #tpu.memory_space<hbm>> -> memref<500000x16xf32, #tpu.memory_space<hbm>>
          tpu.wait_indirect_dma semaphore(%arg37 : memref<!tpu.dma_semaphore, #tpu.memory_space<semaphore_mem>>) src(%dma_wait3A_127 : memref<500000x16xf32, #tpu.memory_space<hbm>>) dst(%arg27 : memref<800x16xf32, #tpu.memory_space<vmem>>)
          %ge3A_128 = arith.constant 2 : i32
          %ge3A_129 = arith.cmpi sge, %add3A_72, %ge3A_128 : i32
          %convert_element_type3A_130 = arith.extui %ge3A_129 : i1 to i32
          %cond3A_131 = arith.constant 0 : i32
          %cond3A_132 = arith.cmpi ne, %convert_element_type3A_130, %cond3A_131 : i32
          scf.if %cond3A_132 {
            %sub3A_143 = arith.constant 2 : i32
            %sub3A_144 = arith.subi %add3A_72, %sub3A_143 : i32
            %mul3A_145 = arith.constant 32 : i32
            %mul3A_146 = arith.muli %sub3A_144, %mul3A_145 : i32
            %add3A_147 = arith.addi %add3A, %mul3A_146 : i32
            %mul3A_148 = arith.constant 800 : i32
            %mul3A_149 = arith.muli %add3A_147, %mul3A_148 : i32
            %dma_wait3A_150 = tpu.memref_slice %arg9[%mul3A_149] : memref<2000000xf32, #tpu.memory_space<hbm>> -> memref<800xf32, #tpu.memory_space<hbm>>
            %dma_wait3A_151 = tpu.memref_slice %arg9[%mul3A_149] : memref<2000000xf32, #tpu.memory_space<hbm>> -> memref<800xf32, #tpu.memory_space<hbm>>
            tpu.wait_dma2 semaphore(%arg39 : memref<!tpu.dma_semaphore, #tpu.memory_space<semaphore_mem>>) src(%arg29 : memref<800xf32, #tpu.memory_space<vmem>>) dst(%dma_wait3A_151 : memref<800xf32, #tpu.memory_space<hbm>>)
          } else {
          }
          %scan3A_133 = arith.constant 0 : i32
          %scan3A_134 = arith.constant 0 : i32
          %scan3A_135 = arith.constant 50 : i32
          %scan3A_136 = arith.addi %scan3A_134, %scan3A_135 : i32
          %scan3A_137 = arith.constant 1 : i32
          scf.for %scan3A_143 = %scan3A_134 to %scan3A_136 step %scan3A_137  : i32 {
            %mul3A_144 = arith.constant 16 : i32
            %mul3A_145 = arith.muli %scan3A_143, %mul3A_144 : i32
            %mul3A_146 = arith.constant 16 : i32
            %mul3A_147 = arith.muli %scan3A_143, %mul3A_146 : i32
            %add3A_148 = vector.broadcast %mul3A_147 : i32 to vector<16xi32>
            %add3A_149 = arith.addi %add3A_148, %iota3A : vector<16xi32>
            %gather3A = tpu.vector_load_idx %arg24[%add3A_149, %broadcast_in_dim3A_3] : memref<800x16xf32, #tpu.memory_space<vmem>>[vector<16xi32>, vector<16xi32>], vector<16xf32>,
            %gather3A_150 = tpu.vector_load_idx %arg24[%add3A_149, %broadcast_in_dim3A_5] : memref<800x16xf32, #tpu.memory_space<vmem>>[vector<16xi32>, vector<16xi32>], vector<16xf32>,
            %gather3A_151 = tpu.vector_load_idx %arg24[%add3A_149, %broadcast_in_dim3A_7] : memref<800x16xf32, #tpu.memory_space<vmem>>[vector<16xi32>, vector<16xi32>], vector<16xf32>,
            %gather3A_152 = tpu.vector_load_idx %arg25[%add3A_149, %broadcast_in_dim3A_3] : memref<800x16xf32, #tpu.memory_space<vmem>>[vector<16xi32>, vector<16xi32>], vector<16xf32>,
            %gather3A_153 = tpu.vector_load_idx %arg25[%add3A_149, %broadcast_in_dim3A_5] : memref<800x16xf32, #tpu.memory_space<vmem>>[vector<16xi32>, vector<16xi32>], vector<16xf32>,
            %gather3A_154 = tpu.vector_load_idx %arg25[%add3A_149, %broadcast_in_dim3A_7] : memref<800x16xf32, #tpu.memory_space<vmem>>[vector<16xi32>, vector<16xi32>], vector<16xf32>,
            %gather3A_155 = tpu.vector_load_idx %arg26[%add3A_149, %broadcast_in_dim3A_3] : memref<800x16xf32, #tpu.memory_space<vmem>>[vector<16xi32>, vector<16xi32>], vector<16xf32>,
            %gather3A_156 = tpu.vector_load_idx %arg26[%add3A_149, %broadcast_in_dim3A_5] : memref<800x16xf32, #tpu.memory_space<vmem>>[vector<16xi32>, vector<16xi32>], vector<16xf32>,
            %gather3A_157 = tpu.vector_load_idx %arg26[%add3A_149, %broadcast_in_dim3A_7] : memref<800x16xf32, #tpu.memory_space<vmem>>[vector<16xi32>, vector<16xi32>], vector<16xf32>,
            %gather3A_158 = tpu.vector_load_idx %arg27[%add3A_149, %broadcast_in_dim3A_3] : memref<800x16xf32, #tpu.memory_space<vmem>>[vector<16xi32>, vector<16xi32>], vector<16xf32>,
            %gather3A_159 = tpu.vector_load_idx %arg27[%add3A_149, %broadcast_in_dim3A_5] : memref<800x16xf32, #tpu.memory_space<vmem>>[vector<16xi32>, vector<16xi32>], vector<16xf32>,
            %gather3A_160 = tpu.vector_load_idx %arg27[%add3A_149, %broadcast_in_dim3A_7] : memref<800x16xf32, #tpu.memory_space<vmem>>[vector<16xi32>, vector<16xi32>], vector<16xf32>,
            %sub3A_161 = arith.subf %gather3A_152, %gather3A : vector<16xf32>
            %sub3A_162 = arith.subf %gather3A_153, %gather3A_150 : vector<16xf32>
            %sub3A_163 = arith.subf %gather3A_154, %gather3A_151 : vector<16xf32>
            %sub3A_164 = arith.subf %gather3A_155, %gather3A_152 : vector<16xf32>
            %sub3A_165 = arith.subf %gather3A_156, %gather3A_153 : vector<16xf32>
            %sub3A_166 = arith.subf %gather3A_157, %gather3A_154 : vector<16xf32>
            %sub3A_167 = arith.subf %gather3A_158, %gather3A_155 : vector<16xf32>
            %sub3A_168 = arith.subf %gather3A_159, %gather3A_156 : vector<16xf32>
            %sub3A_169 = arith.subf %gather3A_160, %gather3A_157 : vector<16xf32>
            %mul3A_170 = arith.mulf %sub3A_162, %sub3A_166 : vector<16xf32>
            %mul3A_171 = arith.mulf %sub3A_163, %sub3A_165 : vector<16xf32>
            %sub3A_172 = arith.subf %mul3A_170, %mul3A_171 : vector<16xf32>
            %mul3A_173 = arith.mulf %sub3A_163, %sub3A_164 : vector<16xf32>
            %mul3A_174 = arith.mulf %sub3A_161, %sub3A_166 : vector<16xf32>
            %sub3A_175 = arith.subf %mul3A_173, %mul3A_174 : vector<16xf32>
            %mul3A_176 = arith.mulf %sub3A_161, %sub3A_165 : vector<16xf32>
            %mul3A_177 = arith.mulf %sub3A_162, %sub3A_164 : vector<16xf32>
            %sub3A_178 = arith.subf %mul3A_176, %mul3A_177 : vector<16xf32>
            %mul3A_179 = arith.mulf %sub3A_165, %sub3A_169 : vector<16xf32>
            %mul3A_180 = arith.mulf %sub3A_166, %sub3A_168 : vector<16xf32>
            %sub3A_181 = arith.subf %mul3A_179, %mul3A_180 : vector<16xf32>
            %mul3A_182 = arith.mulf %sub3A_166, %sub3A_167 : vector<16xf32>
            %mul3A_183 = arith.mulf %sub3A_164, %sub3A_169 : vector<16xf32>
            %sub3A_184 = arith.subf %mul3A_182, %mul3A_183 : vector<16xf32>
            %mul3A_185 = arith.mulf %sub3A_164, %sub3A_168 : vector<16xf32>
            %mul3A_186 = arith.mulf %sub3A_165, %sub3A_167 : vector<16xf32>
            %sub3A_187 = arith.subf %mul3A_185, %mul3A_186 : vector<16xf32>
            %mul3A_188 = arith.mulf %sub3A_172, %sub3A_181 : vector<16xf32>
            %mul3A_189 = arith.mulf %sub3A_175, %sub3A_184 : vector<16xf32>
            %add3A_190 = arith.addf %mul3A_188, %mul3A_189 : vector<16xf32>
            %mul3A_191 = arith.mulf %sub3A_178, %sub3A_187 : vector<16xf32>
            %add3A_192 = arith.addf %add3A_190, %mul3A_191 : vector<16xf32>
            %mul3A_193 = arith.mulf %sub3A_172, %sub3A_172 : vector<16xf32>
            %mul3A_194 = arith.mulf %sub3A_175, %sub3A_175 : vector<16xf32>
            %add3A_195 = arith.addf %mul3A_193, %mul3A_194 : vector<16xf32>
            %mul3A_196 = arith.mulf %sub3A_178, %sub3A_178 : vector<16xf32>
            %add3A_197 = arith.addf %add3A_195, %mul3A_196 : vector<16xf32>
            %mul3A_198 = arith.mulf %sub3A_181, %sub3A_181 : vector<16xf32>
            %mul3A_199 = arith.mulf %sub3A_184, %sub3A_184 : vector<16xf32>
            %add3A_200 = arith.addf %mul3A_198, %mul3A_199 : vector<16xf32>
            %mul3A_201 = arith.mulf %sub3A_187, %sub3A_187 : vector<16xf32>
            %add3A_202 = arith.addf %add3A_200, %mul3A_201 : vector<16xf32>
            %mul3A_203 = arith.mulf %add3A_197, %add3A_202 : vector<16xf32>
            %bitcast3A = vector.bitcast %mul3A_203 : vector<16xf32> to vector<16xi32>
            %shift_right_arithmetic3A = arith.constant 1 : i32
            %shift_right_arithmetic3A_204 = vector.broadcast %shift_right_arithmetic3A : i32 to vector<16xi32>
            %shift_right_arithmetic3A_205 = arith.shrsi %bitcast3A, %shift_right_arithmetic3A_204 : vector<16xi32>
            %sub3A_206 = arith.constant 1597463007 : i32
            %sub3A_207 = vector.broadcast %sub3A_206 : i32 to vector<16xi32>
            %sub3A_208 = arith.subi %sub3A_207, %shift_right_arithmetic3A_205 : vector<16xi32>
            %bitcast3A_209 = vector.bitcast %sub3A_208 : vector<16xi32> to vector<16xf32>
            %mul3A_210 = arith.constant 5.000000e-01 : f32
            %mul3A_211 = vector.broadcast %mul3A_210 : f32 to vector<16xf32>
            %mul3A_212 = arith.mulf %mul3A_211, %mul3A_203 : vector<16xf32>
            %mul3A_213 = arith.mulf %mul3A_212, %bitcast3A_209 : vector<16xf32>
            %mul3A_214 = arith.mulf %mul3A_213, %bitcast3A_209 : vector<16xf32>
            %sub3A_215 = arith.constant 1.500000e+00 : f32
            %sub3A_216 = vector.broadcast %sub3A_215 : f32 to vector<16xf32>
            %sub3A_217 = arith.subf %sub3A_216, %mul3A_214 : vector<16xf32>
            %mul3A_218 = arith.mulf %bitcast3A_209, %sub3A_217 : vector<16xf32>
            %mul3A_219 = arith.constant 5.000000e-01 : f32
            %mul3A_220 = vector.broadcast %mul3A_219 : f32 to vector<16xf32>
            %mul3A_221 = arith.mulf %mul3A_220, %mul3A_203 : vector<16xf32>
            %mul3A_222 = arith.mulf %mul3A_221, %mul3A_218 : vector<16xf32>
            %mul3A_223 = arith.mulf %mul3A_222, %mul3A_218 : vector<16xf32>
            %sub3A_224 = arith.constant 1.500000e+00 : f32
            %sub3A_225 = vector.broadcast %sub3A_224 : f32 to vector<16xf32>
            %sub3A_226 = arith.subf %sub3A_225, %mul3A_223 : vector<16xf32>
            %mul3A_227 = arith.mulf %mul3A_218, %sub3A_226 : vector<16xf32>
            %mul3A_228 = arith.constant 5.000000e-01 : f32
            %mul3A_229 = vector.broadcast %mul3A_228 : f32 to vector<16xf32>
            %mul3A_230 = arith.mulf %mul3A_229, %mul3A_203 : vector<16xf32>
            %mul3A_231 = arith.mulf %mul3A_230, %mul3A_227 : vector<16xf32>
            %mul3A_232 = arith.mulf %mul3A_231, %mul3A_227 : vector<16xf32>
            %sub3A_233 = arith.constant 1.500000e+00 : f32
            %sub3A_234 = vector.broadcast %sub3A_233 : f32 to vector<16xf32>
            %sub3A_235 = arith.subf %sub3A_234, %mul3A_232 : vector<16xf32>
            %mul3A_236 = arith.mulf %mul3A_227, %sub3A_235 : vector<16xf32>
            %mul3A_237 = arith.mulf %add3A_192, %mul3A_236 : vector<16xf32>
            %jit3A_238 = arith.constant -1.000000e+00 : f32
            %jit3A_239 = arith.constant 1.000000e+00 : f32
            %max3A = vector.broadcast %jit3A_238 : f32 to vector<16xf32>
            %max3A_240 = arith.maximumf %max3A, %mul3A_237 : vector<16xf32>
            %min3A = vector.broadcast %jit3A_239 : f32 to vector<16xf32>
            %min3A_241 = arith.minimumf %min3A, %max3A_240 : vector<16xf32>
            %gt3A_242 = arith.constant 0.000000e+00 : f32
            %gt3A_243 = vector.broadcast %gt3A_242 : f32 to vector<16xf32>
            %gt3A_244 = arith.cmpf ogt, %mul3A_203, %gt3A_243 : vector<16xf32>
            %jit3A_245 = arith.constant 0x7FC00000 : f32
            %broadcast_in_dim3A_246 = vector.broadcast %jit3A_245 : f32 to vector<16xf32>
            %select_n3A_247 = arith.select %gt3A_244, %min3A_241, %broadcast_in_dim3A_246 : vector<16xi1>, vector<16xf32>
            %abs3A = math.absf %select_n3A_247 : vector<16xf32>
            %sub3A_248 = arith.constant 1.000000e+00 : f32
            %sub3A_249 = vector.broadcast %sub3A_248 : f32 to vector<16xf32>
            %sub3A_250 = arith.subf %sub3A_249, %abs3A : vector<16xf32>
            %max3A_251 = arith.constant 1.000000e-30 : f32
            %max3A_252 = vector.broadcast %max3A_251 : f32 to vector<16xf32>
            %max3A_253 = arith.maximumf %sub3A_250, %max3A_252 : vector<16xf32>
            %bitcast3A_254 = vector.bitcast %max3A_253 : vector<16xf32> to vector<16xi32>
            %shift_right_arithmetic3A_255 = arith.constant 1 : i32
            %shift_right_arithmetic3A_256 = vector.broadcast %shift_right_arithmetic3A_255 : i32 to vector<16xi32>
            %shift_right_arithmetic3A_257 = arith.shrsi %bitcast3A_254, %shift_right_arithmetic3A_256 : vector<16xi32>
            %sub3A_258 = arith.constant 1597463007 : i32
            %sub3A_259 = vector.broadcast %sub3A_258 : i32 to vector<16xi32>
            %sub3A_260 = arith.subi %sub3A_259, %shift_right_arithmetic3A_257 : vector<16xi32>
            %bitcast3A_261 = vector.bitcast %sub3A_260 : vector<16xi32> to vector<16xf32>
            %mul3A_262 = arith.constant 5.000000e-01 : f32
            %mul3A_263 = vector.broadcast %mul3A_262 : f32 to vector<16xf32>
            %mul3A_264 = arith.mulf %mul3A_263, %max3A_253 : vector<16xf32>
            %mul3A_265 = arith.mulf %mul3A_264, %bitcast3A_261 : vector<16xf32>
            %mul3A_266 = arith.mulf %mul3A_265, %bitcast3A_261 : vector<16xf32>
            %sub3A_267 = arith.constant 1.500000e+00 : f32
            %sub3A_268 = vector.broadcast %sub3A_267 : f32 to vector<16xf32>
            %sub3A_269 = arith.subf %sub3A_268, %mul3A_266 : vector<16xf32>
            %mul3A_270 = arith.mulf %bitcast3A_261, %sub3A_269 : vector<16xf32>
            %mul3A_271 = arith.constant 5.000000e-01 : f32
            %mul3A_272 = vector.broadcast %mul3A_271 : f32 to vector<16xf32>
            %mul3A_273 = arith.mulf %mul3A_272, %max3A_253 : vector<16xf32>
            %mul3A_274 = arith.mulf %mul3A_273, %mul3A_270 : vector<16xf32>
            %mul3A_275 = arith.mulf %mul3A_274, %mul3A_270 : vector<16xf32>
            %sub3A_276 = arith.constant 1.500000e+00 : f32
            %sub3A_277 = vector.broadcast %sub3A_276 : f32 to vector<16xf32>
            %sub3A_278 = arith.subf %sub3A_277, %mul3A_275 : vector<16xf32>
            %mul3A_279 = arith.mulf %mul3A_270, %sub3A_278 : vector<16xf32>
            %mul3A_280 = arith.constant 5.000000e-01 : f32
            %mul3A_281 = vector.broadcast %mul3A_280 : f32 to vector<16xf32>
            %mul3A_282 = arith.mulf %mul3A_281, %max3A_253 : vector<16xf32>
            %mul3A_283 = arith.mulf %mul3A_282, %mul3A_279 : vector<16xf32>
            %mul3A_284 = arith.mulf %mul3A_283, %mul3A_279 : vector<16xf32>
            %sub3A_285 = arith.constant 1.500000e+00 : f32
            %sub3A_286 = vector.broadcast %sub3A_285 : f32 to vector<16xf32>
            %sub3A_287 = arith.subf %sub3A_286, %mul3A_284 : vector<16xf32>
            %mul3A_288 = arith.mulf %mul3A_279, %sub3A_287 : vector<16xf32>
            %mul3A_289 = arith.mulf %sub3A_250, %mul3A_288 : vector<16xf32>
            %broadcast_in_dim3A_290 = arith.constant -0.0012624911 : f32
            %broadcast_in_dim3A_291 = vector.broadcast %broadcast_in_dim3A_290 : f32 to vector<16xf32>
            %mul3A_292 = arith.mulf %broadcast_in_dim3A_291, %abs3A : vector<16xf32>
            %add3A_293 = arith.constant 6.670090e-03 : f32
            %add3A_294 = vector.broadcast %add3A_293 : f32 to vector<16xf32>
            %add3A_295 = arith.addf %mul3A_292, %add3A_294 : vector<16xf32>
            %mul3A_296 = arith.mulf %add3A_295, %abs3A : vector<16xf32>
            %add3A_297 = arith.constant -0.0170881264 : f32
            %add3A_298 = vector.broadcast %add3A_297 : f32 to vector<16xf32>
            %add3A_299 = arith.addf %mul3A_296, %add3A_298 : vector<16xf32>
            %mul3A_300 = arith.mulf %add3A_299, %abs3A : vector<16xf32>
            %add3A_301 = arith.constant 0.0308918804 : f32
            %add3A_302 = vector.broadcast %add3A_301 : f32 to vector<16xf32>
            %add3A_303 = arith.addf %mul3A_300, %add3A_302 : vector<16xf32>
            %mul3A_304 = arith.mulf %add3A_303, %abs3A : vector<16xf32>
            %add3A_305 = arith.constant -0.0501743034 : f32
            %add3A_306 = vector.broadcast %add3A_305 : f32 to vector<16xf32>
            %add3A_307 = arith.addf %mul3A_304, %add3A_306 : vector<16xf32>
            %mul3A_308 = arith.mulf %add3A_307, %abs3A : vector<16xf32>
            %add3A_309 = arith.constant 0.0889789909 : f32
            %add3A_310 = vector.broadcast %add3A_309 : f32 to vector<16xf32>
            %add3A_311 = arith.addf %mul3A_308, %add3A_310 : vector<16xf32>
            %mul3A_312 = arith.mulf %add3A_311, %abs3A : vector<16xf32>
            %add3A_313 = arith.constant -0.214598805 : f32
            %add3A_314 = vector.broadcast %add3A_313 : f32 to vector<16xf32>
            %add3A_315 = arith.addf %mul3A_312, %add3A_314 : vector<16xf32>
            %mul3A_316 = arith.mulf %add3A_315, %abs3A : vector<16xf32>
            %add3A_317 = arith.constant 1.57079625 : f32
            %add3A_318 = vector.broadcast %add3A_317 : f32 to vector<16xf32>
            %add3A_319 = arith.addf %mul3A_316, %add3A_318 : vector<16xf32>
            %mul3A_320 = arith.mulf %mul3A_289, %add3A_319 : vector<16xf32>
            %lt3A_321 = arith.constant 0.000000e+00 : f32
            %lt3A_322 = vector.broadcast %lt3A_321 : f32 to vector<16xf32>
            %lt3A_323 = arith.cmpf olt, %select_n3A_247, %lt3A_322 : vector<16xf32>
            %sub3A_324 = arith.constant 3.14159274 : f32
            %sub3A_325 = vector.broadcast %sub3A_324 : f32 to vector<16xf32>
            %sub3A_326 = arith.subf %sub3A_325, %mul3A_320 : vector<16xf32>
            %select_n3A_327 = arith.select %lt3A_323, %sub3A_326, %mul3A_320 : vector<16xi1>, vector<16xf32>
            %mul3A_328 = arith.mulf %sub3A_172, %sub3A_167 : vector<16xf32>
            %mul3A_329 = arith.mulf %sub3A_175, %sub3A_168 : vector<16xf32>
            %add3A_330 = arith.addf %mul3A_328, %mul3A_329 : vector<16xf32>
            %mul3A_331 = arith.mulf %sub3A_178, %sub3A_169 : vector<16xf32>
            %add3A_332 = arith.addf %add3A_330, %mul3A_331 : vector<16xf32>
            %gt3A_333 = arith.constant 0.000000e+00 : f32
            %gt3A_334 = vector.broadcast %gt3A_333 : f32 to vector<16xf32>
            %gt3A_335 = arith.cmpf ogt, %add3A_332, %gt3A_334 : vector<16xf32>
            %neg3A = arith.constant 0.000000e+00 : f32
            %neg3A_336 = vector.broadcast %neg3A : f32 to vector<16xf32>
            %neg3A_337 = arith.subf %neg3A_336, %select_n3A_327 : vector<16xf32>
            %select_n3A_338 = arith.select %gt3A_335, %select_n3A_327, %neg3A_337 : vector<16xi1>, vector<16xf32>
            %swap3A = arith.index_cast %mul3A_145 : i32 to index
            %swap3A_339 = tpu.vector_load %arg29[%swap3A] {strides = array<i32>} : memref<800xf32, #tpu.memory_space<vmem>>, vector<16xf32>,
            tpu.vector_store %arg29[%swap3A], %select_n3A_338 {strides = array<i32>} : memref<800xf32, #tpu.memory_space<vmem>>, vector<16xf32>,
          }
          %scan3A_138 = arith.constant 50 : i32
          %mul3A_139 = arith.constant 800 : i32
          %mul3A_140 = arith.muli %add3A_115, %mul3A_139 : i32
          %dma_start3A_141 = tpu.memref_slice %arg9[%mul3A_140] : memref<2000000xf32, #tpu.memory_space<hbm>> -> memref<800xf32, #tpu.memory_space<hbm>>
          %dma_start3A_142 = tpu.memref_slice %arg9[%mul3A_140] : memref<2000000xf32, #tpu.memory_space<hbm>> -> memref<800xf32, #tpu.memory_space<hbm>>
          tpu.enqueue_dma source(%arg29 : memref<800xf32, #tpu.memory_space<vmem>>) target(%dma_start3A_142 : memref<800xf32, #tpu.memory_space<hbm>>) target_semaphore(%arg39 : memref<!tpu.dma_semaphore, #tpu.memory_space<semaphore_mem>>)
        } else {
        }
      }
      %while3A_57 = arith.constant 1 : i32
      scf.for %while3A_68 = %while3A_55 to %while3A_51 step %while3A_57  : i32 {
        %mul3A_69 = arith.constant 2 : i32
        %mul3A_70 = arith.muli %mul3A_69, %while3A_68 : i32
        %add3A_71 = arith.constant 1 : i32
        %add3A_72 = arith.addi %mul3A_70, %add3A_71 : i32
        %lt3A_73 = arith.cmpi slt, %add3A_72, %select_n3A : i32
        %convert_element_type3A_74 = arith.extui %lt3A_73 : i1 to i32
        %cond3A_75 = arith.constant 0 : i32
        %cond3A_76 = arith.cmpi ne, %convert_element_type3A_74, %cond3A_75 : i32
        scf.if %cond3A_76 {
          %mul3A_113 = arith.constant 32 : i32
          %mul3A_114 = arith.muli %add3A_72, %mul3A_113 : i32
          %add3A_115 = arith.addi %add3A, %mul3A_114 : i32
          %mul3A_116 = arith.constant 800 : i32
          %mul3A_117 = arith.muli %add3A_115, %mul3A_116 : i32
          %dma_start3A_118 = tpu.memref_slice %arg5[%mul3A_117] : memref<2000000xi32, #tpu.memory_space<hbm>> -> memref<800xi32, #tpu.memory_space<hbm>>
          %dma_start3A_119 = tpu.memref_slice %arg5[%mul3A_117] : memref<2000000xi32, #tpu.memory_space<hbm>> -> memref<800xi32, #tpu.memory_space<hbm>>
          tpu.enqueue_dma source(%dma_start3A_119 : memref<800xi32, #tpu.memory_space<hbm>>) target(%arg16 : memref<800xi32, #tpu.memory_space<vmem>>) target_semaphore(%arg35 : memref<!tpu.dma_semaphore, #tpu.memory_space<semaphore_mem>>)
          %mul3A_120 = arith.constant 800 : i32
          %mul3A_121 = arith.muli %add3A_115, %mul3A_120 : i32
          %dma_start3A_122 = tpu.memref_slice %arg6[%mul3A_121] : memref<2000000xi32, #tpu.memory_space<hbm>> -> memref<800xi32, #tpu.memory_space<hbm>>
          %dma_start3A_123 = tpu.memref_slice %arg6[%mul3A_121] : memref<2000000xi32, #tpu.memory_space<hbm>> -> memref<800xi32, #tpu.memory_space<hbm>>
          tpu.enqueue_dma source(%dma_start3A_123 : memref<800xi32, #tpu.memory_space<hbm>>) target(%arg17 : memref<800xi32, #tpu.memory_space<vmem>>) target_semaphore(%arg35 : memref<!tpu.dma_semaphore, #tpu.memory_space<semaphore_mem>>)
          %mul3A_124 = arith.constant 800 : i32
          %mul3A_125 = arith.muli %add3A_115, %mul3A_124 : i32
          %dma_start3A_126 = tpu.memref_slice %arg7[%mul3A_125] : memref<2000000xi32, #tpu.memory_space<hbm>> -> memref<800xi32, #tpu.memory_space<hbm>>
          %dma_start3A_127 = tpu.memref_slice %arg7[%mul3A_125] : memref<2000000xi32, #tpu.memory_space<hbm>> -> memref<800xi32, #tpu.memory_space<hbm>>
          tpu.enqueue_dma source(%dma_start3A_127 : memref<800xi32, #tpu.memory_space<hbm>>) target(%arg18 : memref<800xi32, #tpu.memory_space<vmem>>) target_semaphore(%arg35 : memref<!tpu.dma_semaphore, #tpu.memory_space<semaphore_mem>>)
          %mul3A_128 = arith.constant 800 : i32
          %mul3A_129 = arith.muli %add3A_115, %mul3A_128 : i32
          %dma_start3A_130 = tpu.memref_slice %arg8[%mul3A_129] : memref<2000000xi32, #tpu.memory_space<hbm>> -> memref<800xi32, #tpu.memory_space<hbm>>
          %dma_start3A_131 = tpu.memref_slice %arg8[%mul3A_129] : memref<2000000xi32, #tpu.memory_space<hbm>> -> memref<800xi32, #tpu.memory_space<hbm>>
          tpu.enqueue_dma source(%dma_start3A_131 : memref<800xi32, #tpu.memory_space<hbm>>) target(%arg19 : memref<800xi32, #tpu.memory_space<vmem>>) target_semaphore(%arg35 : memref<!tpu.dma_semaphore, #tpu.memory_space<semaphore_mem>>)
          %mul3A_132 = arith.constant 800 : i32
          %mul3A_133 = arith.muli %add3A_115, %mul3A_132 : i32
          %dma_wait3A_134 = tpu.memref_slice %arg5[%mul3A_133] : memref<2000000xi32, #tpu.memory_space<hbm>> -> memref<800xi32, #tpu.memory_space<hbm>>
          %dma_wait3A_135 = tpu.memref_slice %arg5[%mul3A_133] : memref<2000000xi32, #tpu.memory_space<hbm>> -> memref<800xi32, #tpu.memory_space<hbm>>
          tpu.wait_dma2 semaphore(%arg35 : memref<!tpu.dma_semaphore, #tpu.memory_space<semaphore_mem>>) src(%dma_wait3A_135 : memref<800xi32, #tpu.memory_space<hbm>>) dst(%arg16 : memref<800xi32, #tpu.memory_space<vmem>>)
          %mul3A_136 = arith.constant 800 : i32
          %mul3A_137 = arith.muli %add3A_115, %mul3A_136 : i32
          %dma_wait3A_138 = tpu.memref_slice %arg6[%mul3A_137] : memref<2000000xi32, #tpu.memory_space<hbm>> -> memref<800xi32, #tpu.memory_space<hbm>>
          %dma_wait3A_139 = tpu.memref_slice %arg6[%mul3A_137] : memref<2000000xi32, #tpu.memory_space<hbm>> -> memref<800xi32, #tpu.memory_space<hbm>>
          tpu.wait_dma2 semaphore(%arg35 : memref<!tpu.dma_semaphore, #tpu.memory_space<semaphore_mem>>) src(%dma_wait3A_139 : memref<800xi32, #tpu.memory_space<hbm>>) dst(%arg17 : memref<800xi32, #tpu.memory_space<vmem>>)
          %mul3A_140 = arith.constant 800 : i32
          %mul3A_141 = arith.muli %add3A_115, %mul3A_140 : i32
          %dma_wait3A_142 = tpu.memref_slice %arg7[%mul3A_141] : memref<2000000xi32, #tpu.memory_space<hbm>> -> memref<800xi32, #tpu.memory_space<hbm>>
          %dma_wait3A_143 = tpu.memref_slice %arg7[%mul3A_141] : memref<2000000xi32, #tpu.memory_space<hbm>> -> memref<800xi32, #tpu.memory_space<hbm>>
          tpu.wait_dma2 semaphore(%arg35 : memref<!tpu.dma_semaphore, #tpu.memory_space<semaphore_mem>>) src(%dma_wait3A_143 : memref<800xi32, #tpu.memory_space<hbm>>) dst(%arg18 : memref<800xi32, #tpu.memory_space<vmem>>)
          %mul3A_144 = arith.constant 800 : i32
          %mul3A_145 = arith.muli %add3A_115, %mul3A_144 : i32
          %dma_wait3A_146 = tpu.memref_slice %arg8[%mul3A_145] : memref<2000000xi32, #tpu.memory_space<hbm>> -> memref<800xi32, #tpu.memory_space<hbm>>
          %dma_wait3A_147 = tpu.memref_slice %arg8[%mul3A_145] : memref<2000000xi32, #tpu.memory_space<hbm>> -> memref<800xi32, #tpu.memory_space<hbm>>
          tpu.wait_dma2 semaphore(%arg35 : memref<!tpu.dma_semaphore, #tpu.memory_space<semaphore_mem>>) src(%dma_wait3A_147 : memref<800xi32, #tpu.memory_space<hbm>>) dst(%arg19 : memref<800xi32, #tpu.memory_space<vmem>>)
          %dma_start3A_148 = arith.constant 0 : i32
          %dma_start3A_149 = arith.constant 0 : i32
          %dma_start3A_150 = tpu.memref_slice %arg11[%dma_start3A_148, %dma_start3A_149] : memref<500000x16xf32, #tpu.memory_space<hbm>> -> memref<500000x16xf32, #tpu.memory_space<hbm>>
          tpu.enqueue_indirect_dma source(%dma_start3A_150 : memref<500000x16xf32, #tpu.memory_space<hbm>>) target(%arg24 : memref<800x16xf32, #tpu.memory_space<vmem>>) offsets(%arg16 : memref<800xi32, #tpu.memory_space<vmem>>) semaphore(%arg37 : memref<!tpu.dma_semaphore, #tpu.memory_space<semaphore_mem>>)
          %dma_start3A_151 = arith.constant 0 : i32
          %dma_start3A_152 = arith.constant 0 : i32
          %dma_start3A_153 = tpu.memref_slice %arg11[%dma_start3A_151, %dma_start3A_152] : memref<500000x16xf32, #tpu.memory_space<hbm>> -> memref<500000x16xf32, #tpu.memory_space<hbm>>
          tpu.enqueue_indirect_dma source(%dma_start3A_153 : memref<500000x16xf32, #tpu.memory_space<hbm>>) target(%arg25 : memref<800x16xf32, #tpu.memory_space<vmem>>) offsets(%arg17 : memref<800xi32, #tpu.memory_space<vmem>>) semaphore(%arg37 : memref<!tpu.dma_semaphore, #tpu.memory_space<semaphore_mem>>)
          %dma_start3A_154 = arith.constant 0 : i32
          %dma_start3A_155 = arith.constant 0 : i32
          %dma_start3A_156 = tpu.memref_slice %arg11[%dma_start3A_154, %dma_start3A_155] : memref<500000x16xf32, #tpu.memory_space<hbm>> -> memref<500000x16xf32, #tpu.memory_space<hbm>>
          tpu.enqueue_indirect_dma source(%dma_start3A_156 : memref<500000x16xf32, #tpu.memory_space<hbm>>) target(%arg26 : memref<800x16xf32, #tpu.memory_space<vmem>>) offsets(%arg18 : memref<800xi32, #tpu.memory_space<vmem>>) semaphore(%arg37 : memref<!tpu.dma_semaphore, #tpu.memory_space<semaphore_mem>>)
          %dma_start3A_157 = arith.constant 0 : i32
          %dma_start3A_158 = arith.constant 0 : i32
          %dma_start3A_159 = tpu.memref_slice %arg11[%dma_start3A_157, %dma_start3A_158] : memref<500000x16xf32, #tpu.memory_space<hbm>> -> memref<500000x16xf32, #tpu.memory_space<hbm>>
          tpu.enqueue_indirect_dma source(%dma_start3A_159 : memref<500000x16xf32, #tpu.memory_space<hbm>>) target(%arg27 : memref<800x16xf32, #tpu.memory_space<vmem>>) offsets(%arg19 : memref<800xi32, #tpu.memory_space<vmem>>) semaphore(%arg37 : memref<!tpu.dma_semaphore, #tpu.memory_space<semaphore_mem>>)
        } else {
        }
        %mul3A_77 = arith.constant 32 : i32
        %mul3A_78 = arith.muli %mul3A_70, %mul3A_77 : i32
        %add3A_79 = arith.addi %add3A, %mul3A_78 : i32
        %dma_wait3A = arith.constant 0 : i32
        %dma_wait3A_80 = arith.constant 0 : i32
        %dma_wait3A_81 = tpu.memref_slice %arg11[%dma_wait3A, %dma_wait3A_80] : memref<500000x16xf32, #tpu.memory_space<hbm>> -> memref<500000x16xf32, #tpu.memory_space<hbm>>
        tpu.wait_indirect_dma semaphore(%arg36 : memref<!tpu.dma_semaphore, #tpu.memory_space<semaphore_mem>>) src(%dma_wait3A_81 : memref<500000x16xf32, #tpu.memory_space<hbm>>) dst(%arg20 : memref<800x16xf32, #tpu.memory_space<vmem>>)
        %dma_wait3A_82 = arith.constant 0 : i32
        %dma_wait3A_83 = arith.constant 0 : i32
        %dma_wait3A_84 = tpu.memref_slice %arg11[%dma_wait3A_82, %dma_wait3A_83] : memref<500000x16xf32, #tpu.memory_space<hbm>> -> memref<500000x16xf32, #tpu.memory_space<hbm>>
        tpu.wait_indirect_dma semaphore(%arg36 : memref<!tpu.dma_semaphore, #tpu.memory_space<semaphore_mem>>) src(%dma_wait3A_84 : memref<500000x16xf32, #tpu.memory_space<hbm>>) dst(%arg21 : memref<800x16xf32, #tpu.memory_space<vmem>>)
        %dma_wait3A_85 = arith.constant 0 : i32
        %dma_wait3A_86 = arith.constant 0 : i32
        %dma_wait3A_87 = tpu.memref_slice %arg11[%dma_wait3A_85, %dma_wait3A_86] : memref<500000x16xf32, #tpu.memory_space<hbm>> -> memref<500000x16xf32, #tpu.memory_space<hbm>>
        tpu.wait_indirect_dma semaphore(%arg36 : memref<!tpu.dma_semaphore, #tpu.memory_space<semaphore_mem>>) src(%dma_wait3A_87 : memref<500000x16xf32, #tpu.memory_space<hbm>>) dst(%arg22 : memref<800x16xf32, #tpu.memory_space<vmem>>)
        %dma_wait3A_88 = arith.constant 0 : i32
        %dma_wait3A_89 = arith.constant 0 : i32
        %dma_wait3A_90 = tpu.memref_slice %arg11[%dma_wait3A_88, %dma_wait3A_89] : memref<500000x16xf32, #tpu.memory_space<hbm>> -> memref<500000x16xf32, #tpu.memory_space<hbm>>
        tpu.wait_indirect_dma semaphore(%arg36 : memref<!tpu.dma_semaphore, #tpu.memory_space<semaphore_mem>>) src(%dma_wait3A_90 : memref<500000x16xf32, #tpu.memory_space<hbm>>) dst(%arg23 : memref<800x16xf32, #tpu.memory_space<vmem>>)
        %ge3A = arith.constant 2 : i32
        %ge3A_91 = arith.cmpi sge, %mul3A_70, %ge3A : i32
        %convert_element_type3A_92 = arith.extui %ge3A_91 : i1 to i32
        %cond3A_93 = arith.constant 0 : i32
        %cond3A_94 = arith.cmpi ne, %convert_element_type3A_92, %cond3A_93 : i32
        scf.if %cond3A_94 {
          %sub3A_113 = arith.constant 2 : i32
          %sub3A_114 = arith.subi %mul3A_70, %sub3A_113 : i32
          %mul3A_115 = arith.constant 32 : i32
          %mul3A_116 = arith.muli %sub3A_114, %mul3A_115 : i32
          %add3A_117 = arith.addi %add3A, %mul3A_116 : i32
          %mul3A_118 = arith.constant 800 : i32
          %mul3A_119 = arith.muli %add3A_117, %mul3A_118 : i32
          %dma_wait3A_120 = tpu.memref_slice %arg9[%mul3A_119] : memref<2000000xf32, #tpu.memory_space<hbm>> -> memref<800xf32, #tpu.memory_space<hbm>>
          %dma_wait3A_121 = tpu.memref_slice %arg9[%mul3A_119] : memref<2000000xf32, #tpu.memory_space<hbm>> -> memref<800xf32, #tpu.memory_space<hbm>>
          tpu.wait_dma2 semaphore(%arg38 : memref<!tpu.dma_semaphore, #tpu.memory_space<semaphore_mem>>) src(%arg28 : memref<800xf32, #tpu.memory_space<vmem>>) dst(%dma_wait3A_121 : memref<800xf32, #tpu.memory_space<hbm>>)
        } else {
        }
        %scan3A = arith.constant 0 : i32
        %scan3A_95 = arith.constant 0 : i32
        %scan3A_96 = arith.constant 50 : i32
        %scan3A_97 = arith.addi %scan3A_95, %scan3A_96 : i32
        %scan3A_98 = arith.constant 1 : i32
        scf.for %scan3A_113 = %scan3A_95 to %scan3A_97 step %scan3A_98  : i32 {
          %mul3A_114 = arith.constant 16 : i32
          %mul3A_115 = arith.muli %scan3A_113, %mul3A_114 : i32
          %mul3A_116 = arith.constant 16 : i32
          %mul3A_117 = arith.muli %scan3A_113, %mul3A_116 : i32
          %add3A_118 = vector.broadcast %mul3A_117 : i32 to vector<16xi32>
          %add3A_119 = arith.addi %add3A_118, %iota3A : vector<16xi32>
          %gather3A = tpu.vector_load_idx %arg20[%add3A_119, %broadcast_in_dim3A_3] : memref<800x16xf32, #tpu.memory_space<vmem>>[vector<16xi32>, vector<16xi32>], vector<16xf32>,
          %gather3A_120 = tpu.vector_load_idx %arg20[%add3A_119, %broadcast_in_dim3A_5] : memref<800x16xf32, #tpu.memory_space<vmem>>[vector<16xi32>, vector<16xi32>], vector<16xf32>,
          %gather3A_121 = tpu.vector_load_idx %arg20[%add3A_119, %broadcast_in_dim3A_7] : memref<800x16xf32, #tpu.memory_space<vmem>>[vector<16xi32>, vector<16xi32>], vector<16xf32>,
          %gather3A_122 = tpu.vector_load_idx %arg21[%add3A_119, %broadcast_in_dim3A_3] : memref<800x16xf32, #tpu.memory_space<vmem>>[vector<16xi32>, vector<16xi32>], vector<16xf32>,
          %gather3A_123 = tpu.vector_load_idx %arg21[%add3A_119, %broadcast_in_dim3A_5] : memref<800x16xf32, #tpu.memory_space<vmem>>[vector<16xi32>, vector<16xi32>], vector<16xf32>,
          %gather3A_124 = tpu.vector_load_idx %arg21[%add3A_119, %broadcast_in_dim3A_7] : memref<800x16xf32, #tpu.memory_space<vmem>>[vector<16xi32>, vector<16xi32>], vector<16xf32>,
          %gather3A_125 = tpu.vector_load_idx %arg22[%add3A_119, %broadcast_in_dim3A_3] : memref<800x16xf32, #tpu.memory_space<vmem>>[vector<16xi32>, vector<16xi32>], vector<16xf32>,
          %gather3A_126 = tpu.vector_load_idx %arg22[%add3A_119, %broadcast_in_dim3A_5] : memref<800x16xf32, #tpu.memory_space<vmem>>[vector<16xi32>, vector<16xi32>], vector<16xf32>,
          %gather3A_127 = tpu.vector_load_idx %arg22[%add3A_119, %broadcast_in_dim3A_7] : memref<800x16xf32, #tpu.memory_space<vmem>>[vector<16xi32>, vector<16xi32>], vector<16xf32>,
          %gather3A_128 = tpu.vector_load_idx %arg23[%add3A_119, %broadcast_in_dim3A_3] : memref<800x16xf32, #tpu.memory_space<vmem>>[vector<16xi32>, vector<16xi32>], vector<16xf32>,
          %gather3A_129 = tpu.vector_load_idx %arg23[%add3A_119, %broadcast_in_dim3A_5] : memref<800x16xf32, #tpu.memory_space<vmem>>[vector<16xi32>, vector<16xi32>], vector<16xf32>,
          %gather3A_130 = tpu.vector_load_idx %arg23[%add3A_119, %broadcast_in_dim3A_7] : memref<800x16xf32, #tpu.memory_space<vmem>>[vector<16xi32>, vector<16xi32>], vector<16xf32>,
          %sub3A_131 = arith.subf %gather3A_122, %gather3A : vector<16xf32>
          %sub3A_132 = arith.subf %gather3A_123, %gather3A_120 : vector<16xf32>
          %sub3A_133 = arith.subf %gather3A_124, %gather3A_121 : vector<16xf32>
          %sub3A_134 = arith.subf %gather3A_125, %gather3A_122 : vector<16xf32>
          %sub3A_135 = arith.subf %gather3A_126, %gather3A_123 : vector<16xf32>
          %sub3A_136 = arith.subf %gather3A_127, %gather3A_124 : vector<16xf32>
          %sub3A_137 = arith.subf %gather3A_128, %gather3A_125 : vector<16xf32>
          %sub3A_138 = arith.subf %gather3A_129, %gather3A_126 : vector<16xf32>
          %sub3A_139 = arith.subf %gather3A_130, %gather3A_127 : vector<16xf32>
          %mul3A_140 = arith.mulf %sub3A_132, %sub3A_136 : vector<16xf32>
          %mul3A_141 = arith.mulf %sub3A_133, %sub3A_135 : vector<16xf32>
          %sub3A_142 = arith.subf %mul3A_140, %mul3A_141 : vector<16xf32>
          %mul3A_143 = arith.mulf %sub3A_133, %sub3A_134 : vector<16xf32>
          %mul3A_144 = arith.mulf %sub3A_131, %sub3A_136 : vector<16xf32>
          %sub3A_145 = arith.subf %mul3A_143, %mul3A_144 : vector<16xf32>
          %mul3A_146 = arith.mulf %sub3A_131, %sub3A_135 : vector<16xf32>
          %mul3A_147 = arith.mulf %sub3A_132, %sub3A_134 : vector<16xf32>
          %sub3A_148 = arith.subf %mul3A_146, %mul3A_147 : vector<16xf32>
          %mul3A_149 = arith.mulf %sub3A_135, %sub3A_139 : vector<16xf32>
          %mul3A_150 = arith.mulf %sub3A_136, %sub3A_138 : vector<16xf32>
          %sub3A_151 = arith.subf %mul3A_149, %mul3A_150 : vector<16xf32>
          %mul3A_152 = arith.mulf %sub3A_136, %sub3A_137 : vector<16xf32>
          %mul3A_153 = arith.mulf %sub3A_134, %sub3A_139 : vector<16xf32>
          %sub3A_154 = arith.subf %mul3A_152, %mul3A_153 : vector<16xf32>
          %mul3A_155 = arith.mulf %sub3A_134, %sub3A_138 : vector<16xf32>
          %mul3A_156 = arith.mulf %sub3A_135, %sub3A_137 : vector<16xf32>
          %sub3A_157 = arith.subf %mul3A_155, %mul3A_156 : vector<16xf32>
          %mul3A_158 = arith.mulf %sub3A_142, %sub3A_151 : vector<16xf32>
          %mul3A_159 = arith.mulf %sub3A_145, %sub3A_154 : vector<16xf32>
          %add3A_160 = arith.addf %mul3A_158, %mul3A_159 : vector<16xf32>
          %mul3A_161 = arith.mulf %sub3A_148, %sub3A_157 : vector<16xf32>
          %add3A_162 = arith.addf %add3A_160, %mul3A_161 : vector<16xf32>
          %mul3A_163 = arith.mulf %sub3A_142, %sub3A_142 : vector<16xf32>
          %mul3A_164 = arith.mulf %sub3A_145, %sub3A_145 : vector<16xf32>
          %add3A_165 = arith.addf %mul3A_163, %mul3A_164 : vector<16xf32>
          %mul3A_166 = arith.mulf %sub3A_148, %sub3A_148 : vector<16xf32>
          %add3A_167 = arith.addf %add3A_165, %mul3A_166 : vector<16xf32>
          %mul3A_168 = arith.mulf %sub3A_151, %sub3A_151 : vector<16xf32>
          %mul3A_169 = arith.mulf %sub3A_154, %sub3A_154 : vector<16xf32>
          %add3A_170 = arith.addf %mul3A_168, %mul3A_169 : vector<16xf32>
          %mul3A_171 = arith.mulf %sub3A_157, %sub3A_157 : vector<16xf32>
          %add3A_172 = arith.addf %add3A_170, %mul3A_171 : vector<16xf32>
          %mul3A_173 = arith.mulf %add3A_167, %add3A_172 : vector<16xf32>
          %bitcast3A = vector.bitcast %mul3A_173 : vector<16xf32> to vector<16xi32>
          %shift_right_arithmetic3A = arith.constant 1 : i32
          %shift_right_arithmetic3A_174 = vector.broadcast %shift_right_arithmetic3A : i32 to vector<16xi32>
          %shift_right_arithmetic3A_175 = arith.shrsi %bitcast3A, %shift_right_arithmetic3A_174 : vector<16xi32>
          %sub3A_176 = arith.constant 1597463007 : i32
          %sub3A_177 = vector.broadcast %sub3A_176 : i32 to vector<16xi32>
          %sub3A_178 = arith.subi %sub3A_177, %shift_right_arithmetic3A_175 : vector<16xi32>
          %bitcast3A_179 = vector.bitcast %sub3A_178 : vector<16xi32> to vector<16xf32>
          %mul3A_180 = arith.constant 5.000000e-01 : f32
          %mul3A_181 = vector.broadcast %mul3A_180 : f32 to vector<16xf32>
          %mul3A_182 = arith.mulf %mul3A_181, %mul3A_173 : vector<16xf32>
          %mul3A_183 = arith.mulf %mul3A_182, %bitcast3A_179 : vector<16xf32>
          %mul3A_184 = arith.mulf %mul3A_183, %bitcast3A_179 : vector<16xf32>
          %sub3A_185 = arith.constant 1.500000e+00 : f32
          %sub3A_186 = vector.broadcast %sub3A_185 : f32 to vector<16xf32>
          %sub3A_187 = arith.subf %sub3A_186, %mul3A_184 : vector<16xf32>
          %mul3A_188 = arith.mulf %bitcast3A_179, %sub3A_187 : vector<16xf32>
          %mul3A_189 = arith.constant 5.000000e-01 : f32
          %mul3A_190 = vector.broadcast %mul3A_189 : f32 to vector<16xf32>
          %mul3A_191 = arith.mulf %mul3A_190, %mul3A_173 : vector<16xf32>
          %mul3A_192 = arith.mulf %mul3A_191, %mul3A_188 : vector<16xf32>
          %mul3A_193 = arith.mulf %mul3A_192, %mul3A_188 : vector<16xf32>
          %sub3A_194 = arith.constant 1.500000e+00 : f32
          %sub3A_195 = vector.broadcast %sub3A_194 : f32 to vector<16xf32>
          %sub3A_196 = arith.subf %sub3A_195, %mul3A_193 : vector<16xf32>
          %mul3A_197 = arith.mulf %mul3A_188, %sub3A_196 : vector<16xf32>
          %mul3A_198 = arith.constant 5.000000e-01 : f32
          %mul3A_199 = vector.broadcast %mul3A_198 : f32 to vector<16xf32>
          %mul3A_200 = arith.mulf %mul3A_199, %mul3A_173 : vector<16xf32>
          %mul3A_201 = arith.mulf %mul3A_200, %mul3A_197 : vector<16xf32>
          %mul3A_202 = arith.mulf %mul3A_201, %mul3A_197 : vector<16xf32>
          %sub3A_203 = arith.constant 1.500000e+00 : f32
          %sub3A_204 = vector.broadcast %sub3A_203 : f32 to vector<16xf32>
          %sub3A_205 = arith.subf %sub3A_204, %mul3A_202 : vector<16xf32>
          %mul3A_206 = arith.mulf %mul3A_197, %sub3A_205 : vector<16xf32>
          %mul3A_207 = arith.mulf %add3A_162, %mul3A_206 : vector<16xf32>
          %jit3A_208 = arith.constant -1.000000e+00 : f32
          %jit3A_209 = arith.constant 1.000000e+00 : f32
          %max3A = vector.broadcast %jit3A_208 : f32 to vector<16xf32>
          %max3A_210 = arith.maximumf %max3A, %mul3A_207 : vector<16xf32>
          %min3A = vector.broadcast %jit3A_209 : f32 to vector<16xf32>
          %min3A_211 = arith.minimumf %min3A, %max3A_210 : vector<16xf32>
          %gt3A_212 = arith.constant 0.000000e+00 : f32
          %gt3A_213 = vector.broadcast %gt3A_212 : f32 to vector<16xf32>
          %gt3A_214 = arith.cmpf ogt, %mul3A_173, %gt3A_213 : vector<16xf32>
          %jit3A_215 = arith.constant 0x7FC00000 : f32
          %broadcast_in_dim3A_216 = vector.broadcast %jit3A_215 : f32 to vector<16xf32>
          %select_n3A_217 = arith.select %gt3A_214, %min3A_211, %broadcast_in_dim3A_216 : vector<16xi1>, vector<16xf32>
          %abs3A = math.absf %select_n3A_217 : vector<16xf32>
          %sub3A_218 = arith.constant 1.000000e+00 : f32
          %sub3A_219 = vector.broadcast %sub3A_218 : f32 to vector<16xf32>
          %sub3A_220 = arith.subf %sub3A_219, %abs3A : vector<16xf32>
          %max3A_221 = arith.constant 1.000000e-30 : f32
          %max3A_222 = vector.broadcast %max3A_221 : f32 to vector<16xf32>
          %max3A_223 = arith.maximumf %sub3A_220, %max3A_222 : vector<16xf32>
          %bitcast3A_224 = vector.bitcast %max3A_223 : vector<16xf32> to vector<16xi32>
          %shift_right_arithmetic3A_225 = arith.constant 1 : i32
          %shift_right_arithmetic3A_226 = vector.broadcast %shift_right_arithmetic3A_225 : i32 to vector<16xi32>
          %shift_right_arithmetic3A_227 = arith.shrsi %bitcast3A_224, %shift_right_arithmetic3A_226 : vector<16xi32>
          %sub3A_228 = arith.constant 1597463007 : i32
          %sub3A_229 = vector.broadcast %sub3A_228 : i32 to vector<16xi32>
          %sub3A_230 = arith.subi %sub3A_229, %shift_right_arithmetic3A_227 : vector<16xi32>
          %bitcast3A_231 = vector.bitcast %sub3A_230 : vector<16xi32> to vector<16xf32>
          %mul3A_232 = arith.constant 5.000000e-01 : f32
          %mul3A_233 = vector.broadcast %mul3A_232 : f32 to vector<16xf32>
          %mul3A_234 = arith.mulf %mul3A_233, %max3A_223 : vector<16xf32>
          %mul3A_235 = arith.mulf %mul3A_234, %bitcast3A_231 : vector<16xf32>
          %mul3A_236 = arith.mulf %mul3A_235, %bitcast3A_231 : vector<16xf32>
          %sub3A_237 = arith.constant 1.500000e+00 : f32
          %sub3A_238 = vector.broadcast %sub3A_237 : f32 to vector<16xf32>
          %sub3A_239 = arith.subf %sub3A_238, %mul3A_236 : vector<16xf32>
          %mul3A_240 = arith.mulf %bitcast3A_231, %sub3A_239 : vector<16xf32>
          %mul3A_241 = arith.constant 5.000000e-01 : f32
          %mul3A_242 = vector.broadcast %mul3A_241 : f32 to vector<16xf32>
          %mul3A_243 = arith.mulf %mul3A_242, %max3A_223 : vector<16xf32>
          %mul3A_244 = arith.mulf %mul3A_243, %mul3A_240 : vector<16xf32>
          %mul3A_245 = arith.mulf %mul3A_244, %mul3A_240 : vector<16xf32>
          %sub3A_246 = arith.constant 1.500000e+00 : f32
          %sub3A_247 = vector.broadcast %sub3A_246 : f32 to vector<16xf32>
          %sub3A_248 = arith.subf %sub3A_247, %mul3A_245 : vector<16xf32>
          %mul3A_249 = arith.mulf %mul3A_240, %sub3A_248 : vector<16xf32>
          %mul3A_250 = arith.constant 5.000000e-01 : f32
          %mul3A_251 = vector.broadcast %mul3A_250 : f32 to vector<16xf32>
          %mul3A_252 = arith.mulf %mul3A_251, %max3A_223 : vector<16xf32>
          %mul3A_253 = arith.mulf %mul3A_252, %mul3A_249 : vector<16xf32>
          %mul3A_254 = arith.mulf %mul3A_253, %mul3A_249 : vector<16xf32>
          %sub3A_255 = arith.constant 1.500000e+00 : f32
          %sub3A_256 = vector.broadcast %sub3A_255 : f32 to vector<16xf32>
          %sub3A_257 = arith.subf %sub3A_256, %mul3A_254 : vector<16xf32>
          %mul3A_258 = arith.mulf %mul3A_249, %sub3A_257 : vector<16xf32>
          %mul3A_259 = arith.mulf %sub3A_220, %mul3A_258 : vector<16xf32>
          %broadcast_in_dim3A_260 = arith.constant -0.0012624911 : f32
          %broadcast_in_dim3A_261 = vector.broadcast %broadcast_in_dim3A_260 : f32 to vector<16xf32>
          %mul3A_262 = arith.mulf %broadcast_in_dim3A_261, %abs3A : vector<16xf32>
          %add3A_263 = arith.constant 6.670090e-03 : f32
          %add3A_264 = vector.broadcast %add3A_263 : f32 to vector<16xf32>
          %add3A_265 = arith.addf %mul3A_262, %add3A_264 : vector<16xf32>
          %mul3A_266 = arith.mulf %add3A_265, %abs3A : vector<16xf32>
          %add3A_267 = arith.constant -0.0170881264 : f32
          %add3A_268 = vector.broadcast %add3A_267 : f32 to vector<16xf32>
          %add3A_269 = arith.addf %mul3A_266, %add3A_268 : vector<16xf32>
          %mul3A_270 = arith.mulf %add3A_269, %abs3A : vector<16xf32>
          %add3A_271 = arith.constant 0.0308918804 : f32
          %add3A_272 = vector.broadcast %add3A_271 : f32 to vector<16xf32>
          %add3A_273 = arith.addf %mul3A_270, %add3A_272 : vector<16xf32>
          %mul3A_274 = arith.mulf %add3A_273, %abs3A : vector<16xf32>
          %add3A_275 = arith.constant -0.0501743034 : f32
          %add3A_276 = vector.broadcast %add3A_275 : f32 to vector<16xf32>
          %add3A_277 = arith.addf %mul3A_274, %add3A_276 : vector<16xf32>
          %mul3A_278 = arith.mulf %add3A_277, %abs3A : vector<16xf32>
          %add3A_279 = arith.constant 0.0889789909 : f32
          %add3A_280 = vector.broadcast %add3A_279 : f32 to vector<16xf32>
          %add3A_281 = arith.addf %mul3A_278, %add3A_280 : vector<16xf32>
          %mul3A_282 = arith.mulf %add3A_281, %abs3A : vector<16xf32>
          %add3A_283 = arith.constant -0.214598805 : f32
          %add3A_284 = vector.broadcast %add3A_283 : f32 to vector<16xf32>
          %add3A_285 = arith.addf %mul3A_282, %add3A_284 : vector<16xf32>
          %mul3A_286 = arith.mulf %add3A_285, %abs3A : vector<16xf32>
          %add3A_287 = arith.constant 1.57079625 : f32
          %add3A_288 = vector.broadcast %add3A_287 : f32 to vector<16xf32>
          %add3A_289 = arith.addf %mul3A_286, %add3A_288 : vector<16xf32>
          %mul3A_290 = arith.mulf %mul3A_259, %add3A_289 : vector<16xf32>
          %lt3A_291 = arith.constant 0.000000e+00 : f32
          %lt3A_292 = vector.broadcast %lt3A_291 : f32 to vector<16xf32>
          %lt3A_293 = arith.cmpf olt, %select_n3A_217, %lt3A_292 : vector<16xf32>
          %sub3A_294 = arith.constant 3.14159274 : f32
          %sub3A_295 = vector.broadcast %sub3A_294 : f32 to vector<16xf32>
          %sub3A_296 = arith.subf %sub3A_295, %mul3A_290 : vector<16xf32>
          %select_n3A_297 = arith.select %lt3A_293, %sub3A_296, %mul3A_290 : vector<16xi1>, vector<16xf32>
          %mul3A_298 = arith.mulf %sub3A_142, %sub3A_137 : vector<16xf32>
          %mul3A_299 = arith.mulf %sub3A_145, %sub3A_138 : vector<16xf32>
          %add3A_300 = arith.addf %mul3A_298, %mul3A_299 : vector<16xf32>
          %mul3A_301 = arith.mulf %sub3A_148, %sub3A_139 : vector<16xf32>
          %add3A_302 = arith.addf %add3A_300, %mul3A_301 : vector<16xf32>
          %gt3A_303 = arith.constant 0.000000e+00 : f32
          %gt3A_304 = vector.broadcast %gt3A_303 : f32 to vector<16xf32>
          %gt3A_305 = arith.cmpf ogt, %add3A_302, %gt3A_304 : vector<16xf32>
          %neg3A = arith.constant 0.000000e+00 : f32
          %neg3A_306 = vector.broadcast %neg3A : f32 to vector<16xf32>
          %neg3A_307 = arith.subf %neg3A_306, %select_n3A_297 : vector<16xf32>
          %select_n3A_308 = arith.select %gt3A_305, %select_n3A_297, %neg3A_307 : vector<16xi1>, vector<16xf32>
          %swap3A = arith.index_cast %mul3A_115 : i32 to index
          %swap3A_309 = tpu.vector_load %arg28[%swap3A] {strides = array<i32>} : memref<800xf32, #tpu.memory_space<vmem>>, vector<16xf32>,
          tpu.vector_store %arg28[%swap3A], %select_n3A_308 {strides = array<i32>} : memref<800xf32, #tpu.memory_space<vmem>>, vector<16xf32>,
        }
        %scan3A_99 = arith.constant 50 : i32
        %mul3A_100 = arith.constant 800 : i32
        %mul3A_101 = arith.muli %add3A_79, %mul3A_100 : i32
        %dma_start3A = tpu.memref_slice %arg9[%mul3A_101] : memref<2000000xf32, #tpu.memory_space<hbm>> -> memref<800xf32, #tpu.memory_space<hbm>>
        %dma_start3A_102 = tpu.memref_slice %arg9[%mul3A_101] : memref<2000000xf32, #tpu.memory_space<hbm>> -> memref<800xf32, #tpu.memory_space<hbm>>
        tpu.enqueue_dma source(%arg28 : memref<800xf32, #tpu.memory_space<vmem>>) target(%dma_start3A_102 : memref<800xf32, #tpu.memory_space<hbm>>) target_semaphore(%arg38 : memref<!tpu.dma_semaphore, #tpu.memory_space<semaphore_mem>>)
        %add3A_103 = arith.constant 1 : i32
        %add3A_104 = arith.addi %add3A_72, %add3A_103 : i32
        %lt3A_105 = arith.cmpi slt, %add3A_104, %select_n3A : i32
        %convert_element_type3A_106 = arith.extui %lt3A_105 : i1 to i32
        %cond3A_107 = arith.constant 0 : i32
        %cond3A_108 = arith.cmpi ne, %convert_element_type3A_106, %cond3A_107 : i32
        scf.if %cond3A_108 {
          %add3A_113 = arith.constant 1 : i32
          %add3A_114 = arith.addi %add3A_72, %add3A_113 : i32
          %mul3A_115 = arith.constant 32 : i32
          %mul3A_116 = arith.muli %add3A_114, %mul3A_115 : i32
          %add3A_117 = arith.addi %add3A, %mul3A_116 : i32
          %mul3A_118 = arith.constant 800 : i32
          %mul3A_119 = arith.muli %add3A_117, %mul3A_118 : i32
          %dma_start3A_120 = tpu.memref_slice %arg5[%mul3A_119] : memref<2000000xi32, #tpu.memory_space<hbm>> -> memref<800xi32, #tpu.memory_space<hbm>>
          %dma_start3A_121 = tpu.memref_slice %arg5[%mul3A_119] : memref<2000000xi32, #tpu.memory_space<hbm>> -> memref<800xi32, #tpu.memory_space<hbm>>
          tpu.enqueue_dma source(%dma_start3A_121 : memref<800xi32, #tpu.memory_space<hbm>>) target(%arg12 : memref<800xi32, #tpu.memory_space<vmem>>) target_semaphore(%arg34 : memref<!tpu.dma_semaphore, #tpu.memory_space<semaphore_mem>>)
          %mul3A_122 = arith.constant 800 : i32
          %mul3A_123 = arith.muli %add3A_117, %mul3A_122 : i32
          %dma_start3A_124 = tpu.memref_slice %arg6[%mul3A_123] : memref<2000000xi32, #tpu.memory_space<hbm>> -> memref<800xi32, #tpu.memory_space<hbm>>
          %dma_start3A_125 = tpu.memref_slice %arg6[%mul3A_123] : memref<2000000xi32, #tpu.memory_space<hbm>> -> memref<800xi32, #tpu.memory_space<hbm>>
          tpu.enqueue_dma source(%dma_start3A_125 : memref<800xi32, #tpu.memory_space<hbm>>) target(%arg13 : memref<800xi32, #tpu.memory_space<vmem>>) target_semaphore(%arg34 : memref<!tpu.dma_semaphore, #tpu.memory_space<semaphore_mem>>)
          %mul3A_126 = arith.constant 800 : i32
          %mul3A_127 = arith.muli %add3A_117, %mul3A_126 : i32
          %dma_start3A_128 = tpu.memref_slice %arg7[%mul3A_127] : memref<2000000xi32, #tpu.memory_space<hbm>> -> memref<800xi32, #tpu.memory_space<hbm>>
          %dma_start3A_129 = tpu.memref_slice %arg7[%mul3A_127] : memref<2000000xi32, #tpu.memory_space<hbm>> -> memref<800xi32, #tpu.memory_space<hbm>>
          tpu.enqueue_dma source(%dma_start3A_129 : memref<800xi32, #tpu.memory_space<hbm>>) target(%arg14 : memref<800xi32, #tpu.memory_space<vmem>>) target_semaphore(%arg34 : memref<!tpu.dma_semaphore, #tpu.memory_space<semaphore_mem>>)
          %mul3A_130 = arith.constant 800 : i32
          %mul3A_131 = arith.muli %add3A_117, %mul3A_130 : i32
          %dma_start3A_132 = tpu.memref_slice %arg8[%mul3A_131] : memref<2000000xi32, #tpu.memory_space<hbm>> -> memref<800xi32, #tpu.memory_space<hbm>>
          %dma_start3A_133 = tpu.memref_slice %arg8[%mul3A_131] : memref<2000000xi32, #tpu.memory_space<hbm>> -> memref<800xi32, #tpu.memory_space<hbm>>
          tpu.enqueue_dma source(%dma_start3A_133 : memref<800xi32, #tpu.memory_space<hbm>>) target(%arg15 : memref<800xi32, #tpu.memory_space<vmem>>) target_semaphore(%arg34 : memref<!tpu.dma_semaphore, #tpu.memory_space<semaphore_mem>>)
          %mul3A_134 = arith.constant 800 : i32
          %mul3A_135 = arith.muli %add3A_117, %mul3A_134 : i32
          %dma_wait3A_136 = tpu.memref_slice %arg5[%mul3A_135] : memref<2000000xi32, #tpu.memory_space<hbm>> -> memref<800xi32, #tpu.memory_space<hbm>>
          %dma_wait3A_137 = tpu.memref_slice %arg5[%mul3A_135] : memref<2000000xi32, #tpu.memory_space<hbm>> -> memref<800xi32, #tpu.memory_space<hbm>>
          tpu.wait_dma2 semaphore(%arg34 : memref<!tpu.dma_semaphore, #tpu.memory_space<semaphore_mem>>) src(%dma_wait3A_137 : memref<800xi32, #tpu.memory_space<hbm>>) dst(%arg12 : memref<800xi32, #tpu.memory_space<vmem>>)
          %mul3A_138 = arith.constant 800 : i32
          %mul3A_139 = arith.muli %add3A_117, %mul3A_138 : i32
          %dma_wait3A_140 = tpu.memref_slice %arg6[%mul3A_139] : memref<2000000xi32, #tpu.memory_space<hbm>> -> memref<800xi32, #tpu.memory_space<hbm>>
          %dma_wait3A_141 = tpu.memref_slice %arg6[%mul3A_139] : memref<2000000xi32, #tpu.memory_space<hbm>> -> memref<800xi32, #tpu.memory_space<hbm>>
          tpu.wait_dma2 semaphore(%arg34 : memref<!tpu.dma_semaphore, #tpu.memory_space<semaphore_mem>>) src(%dma_wait3A_141 : memref<800xi32, #tpu.memory_space<hbm>>) dst(%arg13 : memref<800xi32, #tpu.memory_space<vmem>>)
          %mul3A_142 = arith.constant 800 : i32
          %mul3A_143 = arith.muli %add3A_117, %mul3A_142 : i32
          %dma_wait3A_144 = tpu.memref_slice %arg7[%mul3A_143] : memref<2000000xi32, #tpu.memory_space<hbm>> -> memref<800xi32, #tpu.memory_space<hbm>>
          %dma_wait3A_145 = tpu.memref_slice %arg7[%mul3A_143] : memref<2000000xi32, #tpu.memory_space<hbm>> -> memref<800xi32, #tpu.memory_space<hbm>>
          tpu.wait_dma2 semaphore(%arg34 : memref<!tpu.dma_semaphore, #tpu.memory_space<semaphore_mem>>) src(%dma_wait3A_145 : memref<800xi32, #tpu.memory_space<hbm>>) dst(%arg14 : memref<800xi32, #tpu.memory_space<vmem>>)
          %mul3A_146 = arith.constant 800 : i32
          %mul3A_147 = arith.muli %add3A_117, %mul3A_146 : i32
          %dma_wait3A_148 = tpu.memref_slice %arg8[%mul3A_147] : memref<2000000xi32, #tpu.memory_space<hbm>> -> memref<800xi32, #tpu.memory_space<hbm>>
          %dma_wait3A_149 = tpu.memref_slice %arg8[%mul3A_147] : memref<2000000xi32, #tpu.memory_space<hbm>> -> memref<800xi32, #tpu.memory_space<hbm>>
          tpu.wait_dma2 semaphore(%arg34 : memref<!tpu.dma_semaphore, #tpu.memory_space<semaphore_mem>>) src(%dma_wait3A_149 : memref<800xi32, #tpu.memory_space<hbm>>) dst(%arg15 : memref<800xi32, #tpu.memory_space<vmem>>)
          %dma_start3A_150 = arith.constant 0 : i32
          %dma_start3A_151 = arith.constant 0 : i32
          %dma_start3A_152 = tpu.memref_slice %arg11[%dma_start3A_150, %dma_start3A_151] : memref<500000x16xf32, #tpu.memory_space<hbm>> -> memref<500000x16xf32, #tpu.memory_space<hbm>>
          tpu.enqueue_indirect_dma source(%dma_start3A_152 : memref<500000x16xf32, #tpu.memory_space<hbm>>) target(%arg20 : memref<800x16xf32, #tpu.memory_space<vmem>>) offsets(%arg12 : memref<800xi32, #tpu.memory_space<vmem>>) semaphore(%arg36 : memref<!tpu.dma_semaphore, #tpu.memory_space<semaphore_mem>>)
          %dma_start3A_153 = arith.constant 0 : i32
          %dma_start3A_154 = arith.constant 0 : i32
          %dma_start3A_155 = tpu.memref_slice %arg11[%dma_start3A_153, %dma_start3A_154] : memref<500000x16xf32, #tpu.memory_space<hbm>> -> memref<500000x16xf32, #tpu.memory_space<hbm>>
          tpu.enqueue_indirect_dma source(%dma_start3A_155 : memref<500000x16xf32, #tpu.memory_space<hbm>>) target(%arg21 : memref<800x16xf32, #tpu.memory_space<vmem>>) offsets(%arg13 : memref<800xi32, #tpu.memory_space<vmem>>) semaphore(%arg36 : memref<!tpu.dma_semaphore, #tpu.memory_space<semaphore_mem>>)
          %dma_start3A_156 = arith.constant 0 : i32
          %dma_start3A_157 = arith.constant 0 : i32
          %dma_start3A_158 = tpu.memref_slice %arg11[%dma_start3A_156, %dma_start3A_157] : memref<500000x16xf32, #tpu.memory_space<hbm>> -> memref<500000x16xf32, #tpu.memory_space<hbm>>
          tpu.enqueue_indirect_dma source(%dma_start3A_158 : memref<500000x16xf32, #tpu.memory_space<hbm>>) target(%arg22 : memref<800x16xf32, #tpu.memory_space<vmem>>) offsets(%arg14 : memref<800xi32, #tpu.memory_space<vmem>>) semaphore(%arg36 : memref<!tpu.dma_semaphore, #tpu.memory_space<semaphore_mem>>)
          %dma_start3A_159 = arith.constant 0 : i32
          %dma_start3A_160 = arith.constant 0 : i32
          %dma_start3A_161 = tpu.memref_slice %arg11[%dma_start3A_159, %dma_start3A_160] : memref<500000x16xf32, #tpu.memory_space<hbm>> -> memref<500000x16xf32, #tpu.memory_space<hbm>>
          tpu.enqueue_indirect_dma source(%dma_start3A_161 : memref<500000x16xf32, #tpu.memory_space<hbm>>) target(%arg23 : memref<800x16xf32, #tpu.memory_space<vmem>>) offsets(%arg15 : memref<800xi32, #tpu.memory_space<vmem>>) semaphore(%arg36 : memref<!tpu.dma_semaphore, #tpu.memory_space<semaphore_mem>>)
        } else {
        }
        %lt3A_109 = arith.cmpi slt, %add3A_72, %select_n3A : i32
        %convert_element_type3A_110 = arith.extui %lt3A_109 : i1 to i32
        %cond3A_111 = arith.constant 0 : i32
        %cond3A_112 = arith.cmpi ne, %convert_element_type3A_110, %cond3A_111 : i32
        scf.if %cond3A_112 {
          %mul3A_113 = arith.constant 32 : i32
          %mul3A_114 = arith.muli %add3A_72, %mul3A_113 : i32
          %add3A_115 = arith.addi %add3A, %mul3A_114 : i32
          %dma_wait3A_116 = arith.constant 0 : i32
          %dma_wait3A_117 = arith.constant 0 : i32
          %dma_wait3A_118 = tpu.memref_slice %arg11[%dma_wait3A_116, %dma_wait3A_117] : memref<500000x16xf32, #tpu.memory_space<hbm>> -> memref<500000x16xf32, #tpu.memory_space<hbm>>
          tpu.wait_indirect_dma semaphore(%arg37 : memref<!tpu.dma_semaphore, #tpu.memory_space<semaphore_mem>>) src(%dma_wait3A_118 : memref<500000x16xf32, #tpu.memory_space<hbm>>) dst(%arg24 : memref<800x16xf32, #tpu.memory_space<vmem>>)
          %dma_wait3A_119 = arith.constant 0 : i32
          %dma_wait3A_120 = arith.constant 0 : i32
          %dma_wait3A_121 = tpu.memref_slice %arg11[%dma_wait3A_119, %dma_wait3A_120] : memref<500000x16xf32, #tpu.memory_space<hbm>> -> memref<500000x16xf32, #tpu.memory_space<hbm>>
          tpu.wait_indirect_dma semaphore(%arg37 : memref<!tpu.dma_semaphore, #tpu.memory_space<semaphore_mem>>) src(%dma_wait3A_121 : memref<500000x16xf32, #tpu.memory_space<hbm>>) dst(%arg25 : memref<800x16xf32, #tpu.memory_space<vmem>>)
          %dma_wait3A_122 = arith.constant 0 : i32
          %dma_wait3A_123 = arith.constant 0 : i32
          %dma_wait3A_124 = tpu.memref_slice %arg11[%dma_wait3A_122, %dma_wait3A_123] : memref<500000x16xf32, #tpu.memory_space<hbm>> -> memref<500000x16xf32, #tpu.memory_space<hbm>>
          tpu.wait_indirect_dma semaphore(%arg37 : memref<!tpu.dma_semaphore, #tpu.memory_space<semaphore_mem>>) src(%dma_wait3A_124 : memref<500000x16xf32, #tpu.memory_space<hbm>>) dst(%arg26 : memref<800x16xf32, #tpu.memory_space<vmem>>)
          %dma_wait3A_125 = arith.constant 0 : i32
          %dma_wait3A_126 = arith.constant 0 : i32
          %dma_wait3A_127 = tpu.memref_slice %arg11[%dma_wait3A_125, %dma_wait3A_126] : memref<500000x16xf32, #tpu.memory_space<hbm>> -> memref<500000x16xf32, #tpu.memory_space<hbm>>
          tpu.wait_indirect_dma semaphore(%arg37 : memref<!tpu.dma_semaphore, #tpu.memory_space<semaphore_mem>>) src(%dma_wait3A_127 : memref<500000x16xf32, #tpu.memory_space<hbm>>) dst(%arg27 : memref<800x16xf32, #tpu.memory_space<vmem>>)
          %ge3A_128 = arith.constant 2 : i32
          %ge3A_129 = arith.cmpi sge, %add3A_72, %ge3A_128 : i32
          %convert_element_type3A_130 = arith.extui %ge3A_129 : i1 to i32
          %cond3A_131 = arith.constant 0 : i32
          %cond3A_132 = arith.cmpi ne, %convert_element_type3A_130, %cond3A_131 : i32
          scf.if %cond3A_132 {
            %sub3A_143 = arith.constant 2 : i32
            %sub3A_144 = arith.subi %add3A_72, %sub3A_143 : i32
            %mul3A_145 = arith.constant 32 : i32
            %mul3A_146 = arith.muli %sub3A_144, %mul3A_145 : i32
            %add3A_147 = arith.addi %add3A, %mul3A_146 : i32
            %mul3A_148 = arith.constant 800 : i32
            %mul3A_149 = arith.muli %add3A_147, %mul3A_148 : i32
            %dma_wait3A_150 = tpu.memref_slice %arg9[%mul3A_149] : memref<2000000xf32, #tpu.memory_space<hbm>> -> memref<800xf32, #tpu.memory_space<hbm>>
            %dma_wait3A_151 = tpu.memref_slice %arg9[%mul3A_149] : memref<2000000xf32, #tpu.memory_space<hbm>> -> memref<800xf32, #tpu.memory_space<hbm>>
            tpu.wait_dma2 semaphore(%arg39 : memref<!tpu.dma_semaphore, #tpu.memory_space<semaphore_mem>>) src(%arg29 : memref<800xf32, #tpu.memory_space<vmem>>) dst(%dma_wait3A_151 : memref<800xf32, #tpu.memory_space<hbm>>)
          } else {
          }
          %scan3A_133 = arith.constant 0 : i32
          %scan3A_134 = arith.constant 0 : i32
          %scan3A_135 = arith.constant 50 : i32
          %scan3A_136 = arith.addi %scan3A_134, %scan3A_135 : i32
          %scan3A_137 = arith.constant 1 : i32
          scf.for %scan3A_143 = %scan3A_134 to %scan3A_136 step %scan3A_137  : i32 {
            %mul3A_144 = arith.constant 16 : i32
            %mul3A_145 = arith.muli %scan3A_143, %mul3A_144 : i32
            %mul3A_146 = arith.constant 16 : i32
            %mul3A_147 = arith.muli %scan3A_143, %mul3A_146 : i32
            %add3A_148 = vector.broadcast %mul3A_147 : i32 to vector<16xi32>
            %add3A_149 = arith.addi %add3A_148, %iota3A : vector<16xi32>
            %gather3A = tpu.vector_load_idx %arg24[%add3A_149, %broadcast_in_dim3A_3] : memref<800x16xf32, #tpu.memory_space<vmem>>[vector<16xi32>, vector<16xi32>], vector<16xf32>,
            %gather3A_150 = tpu.vector_load_idx %arg24[%add3A_149, %broadcast_in_dim3A_5] : memref<800x16xf32, #tpu.memory_space<vmem>>[vector<16xi32>, vector<16xi32>], vector<16xf32>,
            %gather3A_151 = tpu.vector_load_idx %arg24[%add3A_149, %broadcast_in_dim3A_7] : memref<800x16xf32, #tpu.memory_space<vmem>>[vector<16xi32>, vector<16xi32>], vector<16xf32>,
            %gather3A_152 = tpu.vector_load_idx %arg25[%add3A_149, %broadcast_in_dim3A_3] : memref<800x16xf32, #tpu.memory_space<vmem>>[vector<16xi32>, vector<16xi32>], vector<16xf32>,
            %gather3A_153 = tpu.vector_load_idx %arg25[%add3A_149, %broadcast_in_dim3A_5] : memref<800x16xf32, #tpu.memory_space<vmem>>[vector<16xi32>, vector<16xi32>], vector<16xf32>,
            %gather3A_154 = tpu.vector_load_idx %arg25[%add3A_149, %broadcast_in_dim3A_7] : memref<800x16xf32, #tpu.memory_space<vmem>>[vector<16xi32>, vector<16xi32>], vector<16xf32>,
            %gather3A_155 = tpu.vector_load_idx %arg26[%add3A_149, %broadcast_in_dim3A_3] : memref<800x16xf32, #tpu.memory_space<vmem>>[vector<16xi32>, vector<16xi32>], vector<16xf32>,
            %gather3A_156 = tpu.vector_load_idx %arg26[%add3A_149, %broadcast_in_dim3A_5] : memref<800x16xf32, #tpu.memory_space<vmem>>[vector<16xi32>, vector<16xi32>], vector<16xf32>,
            %gather3A_157 = tpu.vector_load_idx %arg26[%add3A_149, %broadcast_in_dim3A_7] : memref<800x16xf32, #tpu.memory_space<vmem>>[vector<16xi32>, vector<16xi32>], vector<16xf32>,
            %gather3A_158 = tpu.vector_load_idx %arg27[%add3A_149, %broadcast_in_dim3A_3] : memref<800x16xf32, #tpu.memory_space<vmem>>[vector<16xi32>, vector<16xi32>], vector<16xf32>,
            %gather3A_159 = tpu.vector_load_idx %arg27[%add3A_149, %broadcast_in_dim3A_5] : memref<800x16xf32, #tpu.memory_space<vmem>>[vector<16xi32>, vector<16xi32>], vector<16xf32>,
            %gather3A_160 = tpu.vector_load_idx %arg27[%add3A_149, %broadcast_in_dim3A_7] : memref<800x16xf32, #tpu.memory_space<vmem>>[vector<16xi32>, vector<16xi32>], vector<16xf32>,
            %sub3A_161 = arith.subf %gather3A_152, %gather3A : vector<16xf32>
            %sub3A_162 = arith.subf %gather3A_153, %gather3A_150 : vector<16xf32>
            %sub3A_163 = arith.subf %gather3A_154, %gather3A_151 : vector<16xf32>
            %sub3A_164 = arith.subf %gather3A_155, %gather3A_152 : vector<16xf32>
            %sub3A_165 = arith.subf %gather3A_156, %gather3A_153 : vector<16xf32>
            %sub3A_166 = arith.subf %gather3A_157, %gather3A_154 : vector<16xf32>
            %sub3A_167 = arith.subf %gather3A_158, %gather3A_155 : vector<16xf32>
            %sub3A_168 = arith.subf %gather3A_159, %gather3A_156 : vector<16xf32>
            %sub3A_169 = arith.subf %gather3A_160, %gather3A_157 : vector<16xf32>
            %mul3A_170 = arith.mulf %sub3A_162, %sub3A_166 : vector<16xf32>
            %mul3A_171 = arith.mulf %sub3A_163, %sub3A_165 : vector<16xf32>
            %sub3A_172 = arith.subf %mul3A_170, %mul3A_171 : vector<16xf32>
            %mul3A_173 = arith.mulf %sub3A_163, %sub3A_164 : vector<16xf32>
            %mul3A_174 = arith.mulf %sub3A_161, %sub3A_166 : vector<16xf32>
            %sub3A_175 = arith.subf %mul3A_173, %mul3A_174 : vector<16xf32>
            %mul3A_176 = arith.mulf %sub3A_161, %sub3A_165 : vector<16xf32>
            %mul3A_177 = arith.mulf %sub3A_162, %sub3A_164 : vector<16xf32>
            %sub3A_178 = arith.subf %mul3A_176, %mul3A_177 : vector<16xf32>
            %mul3A_179 = arith.mulf %sub3A_165, %sub3A_169 : vector<16xf32>
            %mul3A_180 = arith.mulf %sub3A_166, %sub3A_168 : vector<16xf32>
            %sub3A_181 = arith.subf %mul3A_179, %mul3A_180 : vector<16xf32>
            %mul3A_182 = arith.mulf %sub3A_166, %sub3A_167 : vector<16xf32>
            %mul3A_183 = arith.mulf %sub3A_164, %sub3A_169 : vector<16xf32>
            %sub3A_184 = arith.subf %mul3A_182, %mul3A_183 : vector<16xf32>
            %mul3A_185 = arith.mulf %sub3A_164, %sub3A_168 : vector<16xf32>
            %mul3A_186 = arith.mulf %sub3A_165, %sub3A_167 : vector<16xf32>
            %sub3A_187 = arith.subf %mul3A_185, %mul3A_186 : vector<16xf32>
            %mul3A_188 = arith.mulf %sub3A_172, %sub3A_181 : vector<16xf32>
            %mul3A_189 = arith.mulf %sub3A_175, %sub3A_184 : vector<16xf32>
            %add3A_190 = arith.addf %mul3A_188, %mul3A_189 : vector<16xf32>
            %mul3A_191 = arith.mulf %sub3A_178, %sub3A_187 : vector<16xf32>
            %add3A_192 = arith.addf %add3A_190, %mul3A_191 : vector<16xf32>
            %mul3A_193 = arith.mulf %sub3A_172, %sub3A_172 : vector<16xf32>
            %mul3A_194 = arith.mulf %sub3A_175, %sub3A_175 : vector<16xf32>
            %add3A_195 = arith.addf %mul3A_193, %mul3A_194 : vector<16xf32>
            %mul3A_196 = arith.mulf %sub3A_178, %sub3A_178 : vector<16xf32>
            %add3A_197 = arith.addf %add3A_195, %mul3A_196 : vector<16xf32>
            %mul3A_198 = arith.mulf %sub3A_181, %sub3A_181 : vector<16xf32>
            %mul3A_199 = arith.mulf %sub3A_184, %sub3A_184 : vector<16xf32>
            %add3A_200 = arith.addf %mul3A_198, %mul3A_199 : vector<16xf32>
            %mul3A_201 = arith.mulf %sub3A_187, %sub3A_187 : vector<16xf32>
            %add3A_202 = arith.addf %add3A_200, %mul3A_201 : vector<16xf32>
            %mul3A_203 = arith.mulf %add3A_197, %add3A_202 : vector<16xf32>
            %bitcast3A = vector.bitcast %mul3A_203 : vector<16xf32> to vector<16xi32>
            %shift_right_arithmetic3A = arith.constant 1 : i32
            %shift_right_arithmetic3A_204 = vector.broadcast %shift_right_arithmetic3A : i32 to vector<16xi32>
            %shift_right_arithmetic3A_205 = arith.shrsi %bitcast3A, %shift_right_arithmetic3A_204 : vector<16xi32>
            %sub3A_206 = arith.constant 1597463007 : i32
            %sub3A_207 = vector.broadcast %sub3A_206 : i32 to vector<16xi32>
            %sub3A_208 = arith.subi %sub3A_207, %shift_right_arithmetic3A_205 : vector<16xi32>
            %bitcast3A_209 = vector.bitcast %sub3A_208 : vector<16xi32> to vector<16xf32>
            %mul3A_210 = arith.constant 5.000000e-01 : f32
            %mul3A_211 = vector.broadcast %mul3A_210 : f32 to vector<16xf32>
            %mul3A_212 = arith.mulf %mul3A_211, %mul3A_203 : vector<16xf32>
            %mul3A_213 = arith.mulf %mul3A_212, %bitcast3A_209 : vector<16xf32>
            %mul3A_214 = arith.mulf %mul3A_213, %bitcast3A_209 : vector<16xf32>
            %sub3A_215 = arith.constant 1.500000e+00 : f32
            %sub3A_216 = vector.broadcast %sub3A_215 : f32 to vector<16xf32>
            %sub3A_217 = arith.subf %sub3A_216, %mul3A_214 : vector<16xf32>
            %mul3A_218 = arith.mulf %bitcast3A_209, %sub3A_217 : vector<16xf32>
            %mul3A_219 = arith.constant 5.000000e-01 : f32
            %mul3A_220 = vector.broadcast %mul3A_219 : f32 to vector<16xf32>
            %mul3A_221 = arith.mulf %mul3A_220, %mul3A_203 : vector<16xf32>
            %mul3A_222 = arith.mulf %mul3A_221, %mul3A_218 : vector<16xf32>
            %mul3A_223 = arith.mulf %mul3A_222, %mul3A_218 : vector<16xf32>
            %sub3A_224 = arith.constant 1.500000e+00 : f32
            %sub3A_225 = vector.broadcast %sub3A_224 : f32 to vector<16xf32>
            %sub3A_226 = arith.subf %sub3A_225, %mul3A_223 : vector<16xf32>
            %mul3A_227 = arith.mulf %mul3A_218, %sub3A_226 : vector<16xf32>
            %mul3A_228 = arith.constant 5.000000e-01 : f32
            %mul3A_229 = vector.broadcast %mul3A_228 : f32 to vector<16xf32>
            %mul3A_230 = arith.mulf %mul3A_229, %mul3A_203 : vector<16xf32>
            %mul3A_231 = arith.mulf %mul3A_230, %mul3A_227 : vector<16xf32>
            %mul3A_232 = arith.mulf %mul3A_231, %mul3A_227 : vector<16xf32>
            %sub3A_233 = arith.constant 1.500000e+00 : f32
            %sub3A_234 = vector.broadcast %sub3A_233 : f32 to vector<16xf32>
            %sub3A_235 = arith.subf %sub3A_234, %mul3A_232 : vector<16xf32>
            %mul3A_236 = arith.mulf %mul3A_227, %sub3A_235 : vector<16xf32>
            %mul3A_237 = arith.mulf %add3A_192, %mul3A_236 : vector<16xf32>
            %jit3A_238 = arith.constant -1.000000e+00 : f32
            %jit3A_239 = arith.constant 1.000000e+00 : f32
            %max3A = vector.broadcast %jit3A_238 : f32 to vector<16xf32>
            %max3A_240 = arith.maximumf %max3A, %mul3A_237 : vector<16xf32>
            %min3A = vector.broadcast %jit3A_239 : f32 to vector<16xf32>
            %min3A_241 = arith.minimumf %min3A, %max3A_240 : vector<16xf32>
            %gt3A_242 = arith.constant 0.000000e+00 : f32
            %gt3A_243 = vector.broadcast %gt3A_242 : f32 to vector<16xf32>
            %gt3A_244 = arith.cmpf ogt, %mul3A_203, %gt3A_243 : vector<16xf32>
            %jit3A_245 = arith.constant 0x7FC00000 : f32
            %broadcast_in_dim3A_246 = vector.broadcast %jit3A_245 : f32 to vector<16xf32>
            %select_n3A_247 = arith.select %gt3A_244, %min3A_241, %broadcast_in_dim3A_246 : vector<16xi1>, vector<16xf32>
            %abs3A = math.absf %select_n3A_247 : vector<16xf32>
            %sub3A_248 = arith.constant 1.000000e+00 : f32
            %sub3A_249 = vector.broadcast %sub3A_248 : f32 to vector<16xf32>
            %sub3A_250 = arith.subf %sub3A_249, %abs3A : vector<16xf32>
            %max3A_251 = arith.constant 1.000000e-30 : f32
            %max3A_252 = vector.broadcast %max3A_251 : f32 to vector<16xf32>
            %max3A_253 = arith.maximumf %sub3A_250, %max3A_252 : vector<16xf32>
            %bitcast3A_254 = vector.bitcast %max3A_253 : vector<16xf32> to vector<16xi32>
            %shift_right_arithmetic3A_255 = arith.constant 1 : i32
            %shift_right_arithmetic3A_256 = vector.broadcast %shift_right_arithmetic3A_255 : i32 to vector<16xi32>
            %shift_right_arithmetic3A_257 = arith.shrsi %bitcast3A_254, %shift_right_arithmetic3A_256 : vector<16xi32>
            %sub3A_258 = arith.constant 1597463007 : i32
            %sub3A_259 = vector.broadcast %sub3A_258 : i32 to vector<16xi32>
            %sub3A_260 = arith.subi %sub3A_259, %shift_right_arithmetic3A_257 : vector<16xi32>
            %bitcast3A_261 = vector.bitcast %sub3A_260 : vector<16xi32> to vector<16xf32>
            %mul3A_262 = arith.constant 5.000000e-01 : f32
            %mul3A_263 = vector.broadcast %mul3A_262 : f32 to vector<16xf32>
            %mul3A_264 = arith.mulf %mul3A_263, %max3A_253 : vector<16xf32>
            %mul3A_265 = arith.mulf %mul3A_264, %bitcast3A_261 : vector<16xf32>
            %mul3A_266 = arith.mulf %mul3A_265, %bitcast3A_261 : vector<16xf32>
            %sub3A_267 = arith.constant 1.500000e+00 : f32
            %sub3A_268 = vector.broadcast %sub3A_267 : f32 to vector<16xf32>
            %sub3A_269 = arith.subf %sub3A_268, %mul3A_266 : vector<16xf32>
            %mul3A_270 = arith.mulf %bitcast3A_261, %sub3A_269 : vector<16xf32>
            %mul3A_271 = arith.constant 5.000000e-01 : f32
            %mul3A_272 = vector.broadcast %mul3A_271 : f32 to vector<16xf32>
            %mul3A_273 = arith.mulf %mul3A_272, %max3A_253 : vector<16xf32>
            %mul3A_274 = arith.mulf %mul3A_273, %mul3A_270 : vector<16xf32>
            %mul3A_275 = arith.mulf %mul3A_274, %mul3A_270 : vector<16xf32>
            %sub3A_276 = arith.constant 1.500000e+00 : f32
            %sub3A_277 = vector.broadcast %sub3A_276 : f32 to vector<16xf32>
            %sub3A_278 = arith.subf %sub3A_277, %mul3A_275 : vector<16xf32>
            %mul3A_279 = arith.mulf %mul3A_270, %sub3A_278 : vector<16xf32>
            %mul3A_280 = arith.constant 5.000000e-01 : f32
            %mul3A_281 = vector.broadcast %mul3A_280 : f32 to vector<16xf32>
            %mul3A_282 = arith.mulf %mul3A_281, %max3A_253 : vector<16xf32>
            %mul3A_283 = arith.mulf %mul3A_282, %mul3A_279 : vector<16xf32>
            %mul3A_284 = arith.mulf %mul3A_283, %mul3A_279 : vector<16xf32>
            %sub3A_285 = arith.constant 1.500000e+00 : f32
            %sub3A_286 = vector.broadcast %sub3A_285 : f32 to vector<16xf32>
            %sub3A_287 = arith.subf %sub3A_286, %mul3A_284 : vector<16xf32>
            %mul3A_288 = arith.mulf %mul3A_279, %sub3A_287 : vector<16xf32>
            %mul3A_289 = arith.mulf %sub3A_250, %mul3A_288 : vector<16xf32>
            %broadcast_in_dim3A_290 = arith.constant -0.0012624911 : f32
            %broadcast_in_dim3A_291 = vector.broadcast %broadcast_in_dim3A_290 : f32 to vector<16xf32>
            %mul3A_292 = arith.mulf %broadcast_in_dim3A_291, %abs3A : vector<16xf32>
            %add3A_293 = arith.constant 6.670090e-03 : f32
            %add3A_294 = vector.broadcast %add3A_293 : f32 to vector<16xf32>
            %add3A_295 = arith.addf %mul3A_292, %add3A_294 : vector<16xf32>
            %mul3A_296 = arith.mulf %add3A_295, %abs3A : vector<16xf32>
            %add3A_297 = arith.constant -0.0170881264 : f32
            %add3A_298 = vector.broadcast %add3A_297 : f32 to vector<16xf32>
            %add3A_299 = arith.addf %mul3A_296, %add3A_298 : vector<16xf32>
            %mul3A_300 = arith.mulf %add3A_299, %abs3A : vector<16xf32>
            %add3A_301 = arith.constant 0.0308918804 : f32
            %add3A_302 = vector.broadcast %add3A_301 : f32 to vector<16xf32>
            %add3A_303 = arith.addf %mul3A_300, %add3A_302 : vector<16xf32>
            %mul3A_304 = arith.mulf %add3A_303, %abs3A : vector<16xf32>
            %add3A_305 = arith.constant -0.0501743034 : f32
            %add3A_306 = vector.broadcast %add3A_305 : f32 to vector<16xf32>
            %add3A_307 = arith.addf %mul3A_304, %add3A_306 : vector<16xf32>
            %mul3A_308 = arith.mulf %add3A_307, %abs3A : vector<16xf32>
            %add3A_309 = arith.constant 0.0889789909 : f32
            %add3A_310 = vector.broadcast %add3A_309 : f32 to vector<16xf32>
            %add3A_311 = arith.addf %mul3A_308, %add3A_310 : vector<16xf32>
            %mul3A_312 = arith.mulf %add3A_311, %abs3A : vector<16xf32>
            %add3A_313 = arith.constant -0.214598805 : f32
            %add3A_314 = vector.broadcast %add3A_313 : f32 to vector<16xf32>
            %add3A_315 = arith.addf %mul3A_312, %add3A_314 : vector<16xf32>
            %mul3A_316 = arith.mulf %add3A_315, %abs3A : vector<16xf32>
            %add3A_317 = arith.constant 1.57079625 : f32
            %add3A_318 = vector.broadcast %add3A_317 : f32 to vector<16xf32>
            %add3A_319 = arith.addf %mul3A_316, %add3A_318 : vector<16xf32>
            %mul3A_320 = arith.mulf %mul3A_289, %add3A_319 : vector<16xf32>
            %lt3A_321 = arith.constant 0.000000e+00 : f32
            %lt3A_322 = vector.broadcast %lt3A_321 : f32 to vector<16xf32>
            %lt3A_323 = arith.cmpf olt, %select_n3A_247, %lt3A_322 : vector<16xf32>
            %sub3A_324 = arith.constant 3.14159274 : f32
            %sub3A_325 = vector.broadcast %sub3A_324 : f32 to vector<16xf32>
            %sub3A_326 = arith.subf %sub3A_325, %mul3A_320 : vector<16xf32>
            %select_n3A_327 = arith.select %lt3A_323, %sub3A_326, %mul3A_320 : vector<16xi1>, vector<16xf32>
            %mul3A_328 = arith.mulf %sub3A_172, %sub3A_167 : vector<16xf32>
            %mul3A_329 = arith.mulf %sub3A_175, %sub3A_168 : vector<16xf32>
            %add3A_330 = arith.addf %mul3A_328, %mul3A_329 : vector<16xf32>
            %mul3A_331 = arith.mulf %sub3A_178, %sub3A_169 : vector<16xf32>
            %add3A_332 = arith.addf %add3A_330, %mul3A_331 : vector<16xf32>
            %gt3A_333 = arith.constant 0.000000e+00 : f32
            %gt3A_334 = vector.broadcast %gt3A_333 : f32 to vector<16xf32>
            %gt3A_335 = arith.cmpf ogt, %add3A_332, %gt3A_334 : vector<16xf32>
            %neg3A = arith.constant 0.000000e+00 : f32
            %neg3A_336 = vector.broadcast %neg3A : f32 to vector<16xf32>
            %neg3A_337 = arith.subf %neg3A_336, %select_n3A_327 : vector<16xf32>
            %select_n3A_338 = arith.select %gt3A_335, %select_n3A_327, %neg3A_337 : vector<16xi1>, vector<16xf32>
            %swap3A = arith.index_cast %mul3A_145 : i32 to index
            %swap3A_339 = tpu.vector_load %arg29[%swap3A] {strides = array<i32>} : memref<800xf32, #tpu.memory_space<vmem>>, vector<16xf32>,
            tpu.vector_store %arg29[%swap3A], %select_n3A_338 {strides = array<i32>} : memref<800xf32, #tpu.memory_space<vmem>>, vector<16xf32>,
          }
          %scan3A_138 = arith.constant 50 : i32
          %mul3A_139 = arith.constant 800 : i32
          %mul3A_140 = arith.muli %add3A_115, %mul3A_139 : i32
          %dma_start3A_141 = tpu.memref_slice %arg9[%mul3A_140] : memref<2000000xf32, #tpu.memory_space<hbm>> -> memref<800xf32, #tpu.memory_space<hbm>>
          %dma_start3A_142 = tpu.memref_slice %arg9[%mul3A_140] : memref<2000000xf32, #tpu.memory_space<hbm>> -> memref<800xf32, #tpu.memory_space<hbm>>
          tpu.enqueue_dma source(%arg29 : memref<800xf32, #tpu.memory_space<vmem>>) target(%dma_start3A_142 : memref<800xf32, #tpu.memory_space<hbm>>) target_semaphore(%arg39 : memref<!tpu.dma_semaphore, #tpu.memory_space<semaphore_mem>>)
        } else {
        }
      }
      %gt3A_58 = arith.constant 0 : i32
      %gt3A_59 = arith.cmpi sgt, %select_n3A, %gt3A_58 : i32
      %convert_element_type3A_60 = arith.extui %gt3A_59 : i1 to i32
      %cond3A_61 = arith.constant 0 : i32
      %cond3A_62 = arith.cmpi ne, %convert_element_type3A_60, %cond3A_61 : i32
      scf.if %cond3A_62 {
        %sub3A_68 = arith.constant 1 : i32
        %sub3A_69 = arith.subi %select_n3A, %sub3A_68 : i32
        %sub3A_70 = arith.constant 1 : i32
        %sub3A_71 = arith.subi %select_n3A, %sub3A_70 : i32
        %sub3A_72 = arith.constant 0 : i32
        %sub3A_73 = arith.subi %sub3A_71, %sub3A_72 : i32
        %jit3A_74 = arith.constant 2 : i32
        %eq3A_75 = arith.constant 0 : i32
        %eq3A_76 = arith.cmpi eq, %jit3A_74, %eq3A_75 : i32
        %jit3A_77 = arith.constant 1 : i32
        %select_n3A_78 = arith.select %eq3A_76, %jit3A_77, %jit3A_74 : i32
        %rem3A_79 = arith.remsi %sub3A_73, %select_n3A_78 : i32
        %ne3A_80 = arith.constant 0 : i32
        %ne3A_81 = arith.cmpi ne, %rem3A_79, %ne3A_80 : i32
        %lt3A_82 = arith.constant 0 : i32
        %lt3A_83 = arith.cmpi slt, %rem3A_79, %lt3A_82 : i32
        %lt3A_84 = arith.constant 0 : i32
        %lt3A_85 = arith.cmpi slt, %select_n3A_78, %lt3A_84 : i32
        %ne3A_86 = arith.xori %lt3A_83, %lt3A_85 : i1
        %and3A_87 = arith.andi %ne3A_86, %ne3A_81 : i1
        %add3A_88 = arith.addi %rem3A_79, %select_n3A_78 : i32
        %select_n3A_89 = arith.select %and3A_87, %add3A_88, %rem3A_79 : i32
        %sub3A_90 = arith.subi %sub3A_69, %select_n3A_89 : i32
        %mul3A_91 = arith.constant 32 : i32
        %mul3A_92 = arith.muli %sub3A_90, %mul3A_91 : i32
        %add3A_93 = arith.addi %add3A, %mul3A_92 : i32
        %mul3A_94 = arith.constant 800 : i32
        %mul3A_95 = arith.muli %add3A_93, %mul3A_94 : i32
        %dma_wait3A = tpu.memref_slice %arg9[%mul3A_95] : memref<2000000xf32, #tpu.memory_space<hbm>> -> memref<800xf32, #tpu.memory_space<hbm>>
        %dma_wait3A_96 = tpu.memref_slice %arg9[%mul3A_95] : memref<2000000xf32, #tpu.memory_space<hbm>> -> memref<800xf32, #tpu.memory_space<hbm>>
        tpu.wait_dma2 semaphore(%arg38 : memref<!tpu.dma_semaphore, #tpu.memory_space<semaphore_mem>>) src(%arg28 : memref<800xf32, #tpu.memory_space<vmem>>) dst(%dma_wait3A_96 : memref<800xf32, #tpu.memory_space<hbm>>)
      } else {
      }
      %gt3A_63 = arith.constant 1 : i32
      %gt3A_64 = arith.cmpi sgt, %select_n3A, %gt3A_63 : i32
      %convert_element_type3A_65 = arith.extui %gt3A_64 : i1 to i32
      %cond3A_66 = arith.constant 0 : i32
      %cond3A_67 = arith.cmpi ne, %convert_element_type3A_65, %cond3A_66 : i32
      scf.if %cond3A_67 {
        %sub3A_68 = arith.constant 1 : i32
        %sub3A_69 = arith.subi %select_n3A, %sub3A_68 : i32
        %sub3A_70 = arith.constant 1 : i32
        %sub3A_71 = arith.subi %select_n3A, %sub3A_70 : i32
        %sub3A_72 = arith.constant 1 : i32
        %sub3A_73 = arith.subi %sub3A_71, %sub3A_72 : i32
        %jit3A_74 = arith.constant 2 : i32
        %eq3A_75 = arith.constant 0 : i32
        %eq3A_76 = arith.cmpi eq, %jit3A_74, %eq3A_75 : i32
        %jit3A_77 = arith.constant 1 : i32
        %select_n3A_78 = arith.select %eq3A_76, %jit3A_77, %jit3A_74 : i32
        %rem3A_79 = arith.remsi %sub3A_73, %select_n3A_78 : i32
        %ne3A_80 = arith.constant 0 : i32
        %ne3A_81 = arith.cmpi ne, %rem3A_79, %ne3A_80 : i32
        %lt3A_82 = arith.constant 0 : i32
        %lt3A_83 = arith.cmpi slt, %rem3A_79, %lt3A_82 : i32
        %lt3A_84 = arith.constant 0 : i32
        %lt3A_85 = arith.cmpi slt, %select_n3A_78, %lt3A_84 : i32
        %ne3A_86 = arith.xori %lt3A_83, %lt3A_85 : i1
        %and3A_87 = arith.andi %ne3A_86, %ne3A_81 : i1
        %add3A_88 = arith.addi %rem3A_79, %select_n3A_78 : i32
        %select_n3A_89 = arith.select %and3A_87, %add3A_88, %rem3A_79 : i32
        %sub3A_90 = arith.subi %sub3A_69, %select_n3A_89 : i32
        %mul3A_91 = arith.constant 32 : i32
        %mul3A_92 = arith.muli %sub3A_90, %mul3A_91 : i32
        %add3A_93 = arith.addi %add3A, %mul3A_92 : i32
        %mul3A_94 = arith.constant 800 : i32
        %mul3A_95 = arith.muli %add3A_93, %mul3A_94 : i32
        %dma_wait3A = tpu.memref_slice %arg9[%mul3A_95] : memref<2000000xf32, #tpu.memory_space<hbm>> -> memref<800xf32, #tpu.memory_space<hbm>>
        %dma_wait3A_96 = tpu.memref_slice %arg9[%mul3A_95] : memref<2000000xf32, #tpu.memory_space<hbm>> -> memref<800xf32, #tpu.memory_space<hbm>>
        tpu.wait_dma2 semaphore(%arg39 : memref<!tpu.dma_semaphore, #tpu.memory_space<semaphore_mem>>) src(%arg29 : memref<800xf32, #tpu.memory_space<vmem>>) dst(%dma_wait3A_96 : memref<800xf32, #tpu.memory_space<hbm>>)
      } else {
      }
    } else {
    }
    return
  }
}

</mosaic_0001>

<sc_bundles>
// kernel: kernel.3.cloned.1.call-start
scs
__scs_entry_jumppad:
0x0: {  	(pc) =	sbr.rel $0x88, $3  }
0x1: {  	(tag) =	ssettag $0x0;
	lr =	simm.s32 $0x1  }
0x2: {  	[smem:$0x3F9F] =	sst lr;
	_ =	strace $0xD0000000  }
0x3: {  	_ = 	snop  }
0x4: {  	_ = 	snop  }
0x5: {  	_ = 	snop  }
0x6: {  	_ = 	snop  }
0x7: {  	_ = 	snop  }
__scs_overlays_trampoline_lowered:
0x8: {  	[smem:$0x3FAE] =	sst s0  }
0x9: {  	[smem:$0x3FAF] =	sst s1  }
0xa: {  	[smem:$0x3FB0] =	sst s2  }
0xb: {  	[smem:$0x3FB1] =	sst s3  }
0xc: {  	[smem:$0x3FB2] =	sst s4  }
0xd: {  	[smem:$0x3FB3] =	sst s5  }
0xe: {  	[smem:$0x3FB4] =	sst s6  }
0xf: {  	[smem:$0x3FB5] =	sst s7  }
0x10: {  	[smem:$0x3FB6] =	sst s8  }
0x11: {  	[smem:$0x3FB7] =	sst s9;
	s0 =	simm.s32 @!p0 $0x0  }
0x12: {  	s1 =	sld [smem:$0x3F9D];
	s0 =	simm.s32 @p0 $0x1  }
0x13: {  	[smem:$0x3FB8] =	sst s0;
	s0 =	simm.s32 @!p1 $0x0  }
0x14: {  	s2 =	sld [smem:$0x3F9C];
	s0 =	simm.s32 @p1 $0x1  }
0x15: {  	[smem:$0x3FB9] =	sst s0;
	s0 =	simm.s32 @!p2 $0x0  }
0x16: {  	s3 =	sld [smem:$0x3FDB];
	s0 =	simm.s32 @p2 $0x1  }
0x17: {  	s4 =	simm.s32 $0x1BF5;
	[smem:$0x3FBB] =	sst s0  }
0x18: {  	s0 =	sld [smem:$0x3F9E];
	_ =	swait.ge [sflag:s4], $0x0  }
0x19: {  	s7 =	sld [smem:$0x3F9F]  }
0x1a: {  	s8 =	sadd.s32 $0xFFFFE003, lr  }
0x1b: {  	s9 =	sadd.s32 $0xFFFFFEF7, lr;
	s5 =	simm.s32 $0xFFFFFFFF;
	p2 =	slt.u32 s8, $0xFFFFF086  }
0x1c: {  	p1 =	slt.u32 s9, $0xF7A;
	s5 =	simm.s32 @!p2 $0x0  }
0x1d: {  	s5 =	simm.s32 @p1 $0x1;
	p0 =	seq.s32 s7, s2  }
0x1e: {  	s7 =	smul.u32 @!p0 $0xF7A, s2;
	p2 =	seq.s32 @!p0 s5, $0x0  }
0x1f: {  	s9 =	smul.u32 $0xF7A, s1;
	s8 =	simm.s32 @!p0 $0x1BF5;
	p2 =	por !p2, p0  }
0x20: {  	[sflag:s8] =	ssyncset.s32 @!p0 $0xFFFFF086;
	s6 =	sadd.s32 @!p0 s3, s7;
	s7 =	simm.s32 @!p0 $0x108  }
0x21: {  	s3 =	sadd.s32 s3, s9;
	s6 =	sadd.s32 @!p0 $0x88, s6;
	s7 =	simm.s32 @p2 $0x1082  }
0x22: {  	[simem:s7], [sflag:s8] =	dma.local @!p0 [hbm:s6], $0xF7A  }
0x23: {  	s9 =	sor.u32 $0xD0000000, s2;
	s6 =	simm.s32 $0x108;
	_ =	swait.ge @!p0 [sflag:s8], $0x0  }
0x24: {  	s3 =	sadd.s32 $0x88, s3;
	s6 =	simm.s32 @!p1 $0x1082;
	[sflag:s4] =	ssyncset.s32 $0xFFFFF086  }
0x25: {  	[simem:s6], [sflag:s4] =	dma.local [hbm:s3], $0xF7A  }
0x26: {  	[smem:$0x3F9F] =	sst s1;
	(tag) =	ssettag s2;
	_ =	strace s9  }
0x27: {  	s1 =	sld [smem:$0x3FAF]  }
0x28: {  	s2 =	sld [smem:$0x3FB0]  }
0x29: {  	s4 =	sld [smem:$0x3FB2]  }
0x2a: {  	p0 =	seq.s32 s5, $0x0;
	s5 =	sld [smem:$0x3FB3]  }
0x2b: {  	s6 =	sld [smem:$0x3FB4]  }
0x2c: {  	s7 =	sld [smem:$0x3FB5]  }
0x2d: {  	s3 =	simm.s32 $0x108;
	s8 =	sld [smem:$0x3FB6]  }
0x2e: {  	s3 =	simm.s32 @!p0 $0x1082;
	s9 =	sld [smem:$0x3FB7]  }
0x2f: {  	lr =	sadd.s32 s0, s3;
	s0 =	sld [smem:$0x3FAE]  }
0x30: {  	s3 =	sld [smem:$0x3FB1]  }
0x31: {  	[smem:$0x3FBA] =	sst s10  }
0x32: {  	s10 =	sld [smem:$0x3FB8];
	_ =	sdelay $0x3  }
0x33: {  	p0 =	seq.s32 s10, $0x1;
	s10 =	sld [smem:$0x3FBA];
	_ =	sdelay $0x3  }
0x34: {  	[smem:$0x3FBA] =	sst s10  }
0x35: {  	s10 =	sld [smem:$0x3FB9];
	_ =	sdelay $0x3  }
0x36: {  	p1 =	seq.s32 s10, $0x1;
	s10 =	sld [smem:$0x3FBA];
	_ =	sdelay $0x3  }
0x37: {  	[smem:$0x3FBA] =	sst s10  }
0x38: {  	s10 =	sld [smem:$0x3FBB]  }
0x39: {  	_ = 	snop;
	(pc) =	sbr.ind lr, $3  }
0x3a: {  	_ = 	snop  }
0x3b: {  	_ = 	snop  }
0x3c: {  	p2 =	seq.s32 s10, $0x1;
	s10 =	sld [smem:$0x3FBA]  }
0x3d: {  	_ =	shalt  }
0x3e: {  	_ =	shalt  }
0x3f: {  	_ =	shalt  }
0x40: {  	_ =	shalt  }
0x41: {  	_ =	shalt  }
0x42: {  	_ =	shalt  }
0x43: {  	_ =	shalt  }
0x44: {  	_ =	shalt  }
0x45: {  	_ =	shalt  }
0x46: {  	_ =	shalt  }
0x47: {  	_ =	shalt  }
0x48: {  	_ =	shalt  }
0x49: {  	_ =	shalt  }
0x4a: {  	_ =	shalt  }
0x4b: {  	_ =	shalt  }
0x4c: {  	_ =	shalt  }
0x4d: {  	_ =	shalt  }
0x4e: {  	_ =	shalt  }
0x4f: {  	_ =	shalt  }
0x50: {  	_ =	shalt  }
0x51: {  	_ =	shalt  }
0x52: {  	_ =	shalt  }
0x53: {  	_ =	shalt  }
0x54: {  	_ =	shalt  }
0x55: {  	_ =	shalt  }
0x56: {  	_ =	shalt  }
0x57: {  	_ =	shalt  }
0x58: {  	_ =	shalt  }
0x59: {  	_ =	shalt  }
0x5a: {  	_ =	shalt  }
0x5b: {  	_ =	shalt  }
0x5c: {  	_ =	shalt  }
0x5d: {  	_ =	shalt  }
0x5e: {  	_ =	shalt  }
0x5f: {  	_ =	shalt  }
0x60: {  	_ =	shalt  }
0x61: {  	_ =	shalt  }
0x62: {  	_ =	shalt  }
0x63: {  	_ =	shalt  }
0x64: {  	_ =	shalt  }
0x65: {  	_ =	shalt  }
0x66: {  	_ =	shalt  }
0x67: {  	_ =	shalt  }
0x68: {  	_ =	shalt  }
0x69: {  	_ =	shalt  }
0x6a: {  	_ =	shalt  }
0x6b: {  	_ =	shalt  }
0x6c: {  	_ =	shalt  }
0x6d: {  	_ =	shalt  }
0x6e: {  	_ =	shalt  }
0x6f: {  	_ =	shalt  }
0x70: {  	_ =	shalt  }
0x71: {  	_ =	shalt  }
0x72: {  	_ =	shalt  }
0x73: {  	_ =	shalt  }
0x74: {  	_ =	shalt  }
0x75: {  	_ =	shalt  }
0x76: {  	_ =	shalt  }
0x77: {  	_ =	shalt  }
0x78: {  	_ =	shalt  }
0x79: {  	_ =	shalt  }
0x7a: {  	_ =	shalt  }
0x7b: {  	_ =	shalt  }
0x7c: {  	_ =	shalt  }
0x7d: {  	_ =	shalt  }
0x7e: {  	_ =	shalt  }
0x7f: {  	_ =	shalt  }
0x80: {  	_ =	shalt  }
0x81: {  	_ =	shalt  }
0x82: {  	_ =	shalt  }
0x83: {  	_ =	shalt  }
0x84: {  	_ =	shalt  }
0x85: {  	_ =	shalt  }
0x86: {  	_ =	shalt  }
0x87: {  	_ =	shalt  }
.Lfunc_end0:
.L_simem_size_0:
called_computation_lowered:
.L_overlay_start_0:
0x88: {  	s2 =	sld [smem:$0x3FD9]  }
0x89: {  	s3 =	sld [smem:$0x3FFE];
	_ =	sdelay $0x1  }
0x8a: {  	s1 =	srdreg.scid  }
0x8b: {  	s0 =	sand.u32 $0x1, s1  }
0x8c: {  	s17 =	sshll.u32 s0, $0xA;
	s2 =	sadd.s32 s3, s2  }
0x8d: {  	s2 =	sadd.s32 s2, s17  }
0x8e: {  	[smem:$0x3FC6] =	sst s2  }
0x8f: {  	_ = 	snop  }
0x90: {  	s2 =	sld [smem:$0x3FD0];
	(tm) =	ssettm $0x1  }
0x91: {  	s18 =	sld [smem:$0x3FFB];
	_ =	sdelay $0x3  }
0x92: {  	_ =	strace s18  }
0x93: {  	s3 =	sld [smem:$0x3FFC];
	_ =	sdelay $0x3  }
0x94: {  	_ =	strace s3  }
0x95: {  	s3 =	sld [smem:$0x3FFD];
	_ =	sdelay $0x3  }
0x96: {  	_ =	strace s3  }
0x97: {  	_ =	strace $0x8FFFFFFF  }
0x98: {  	s19 =	sld [smem:$0x3FDB];
	_ =	sdelay $0x1  }
0x99: {  	s4 =	simm.s32 $_scs_section_size  }
0x9a: {  	s5 =	simm.s32 $_size__tile_overlayer_lowered;
	s6 =	simm.s32 $_tile_overlayer_lowered  }
0x9b: {  	s22 =	simm.s32 $0x1BFF;
	s21 =	sshll.u32 s6, $0x1;
	s3 =	sadd.s32 s4, s19  }
0x9c: {  	s7 =	simm.s32 $0x0;
	s20 =	sshll.u32 s5, $0x1;
	s5 =	sadd.s32 s21, s3  }
0x9d: {  	[timem:s7], [sflag:s22] =	dma.local [hbm:s5], s20  }
0x9e: {  	_ =	swait.ge [sflag:s22], s20  }
0x9f: {  	s4 =	ssub.s32 $0x0, s20;
	[sflag:s22] =	ssyncset.done $0x0  }
0xa0: {  	[sflag:s22] =	ssyncadd.s32 s4;
	_ =	sdelay $0x1  }
0xa1: {  	s23 =	simm.s32 $0x1B8B  }
0xa2: {  	_ =	swait.ge [sflag:s23], $0x1  }
0xa3: {  	[sflag:s23] =	ssyncset.done $0x0  }
0xa4: {  	s25 =	simm.s32 $0x1B8E;
	s24 =	sld [smem:$0x3FFE];
	[sflag:s23] =	ssyncadd.s32 $0xFFFFFFFF  }
0xa5: {  	s26 =	simm.s32 $execute0_lowered;
	[smem:$0x3FD2] =	sst s25  }
0xa6: {  	s5 =	sshll.u32 s26, $0x1;
	_ =	strace $0x80000046;
	[dreg:$0x1] =	wrdreg $0xFFFFFFFF  }
0xa7: {  	s28 =	simm.s32 $_size_execute0_lowered;
	s3 =	sadd.s32 s3, s5;
	[dreg:$0x0] =	wrdreg $0x0  }
0xa8: {  	s5 =	sshll.u32 s28, $0x1;
	[dreg:$0x2] =	wrdreg s3  }
0xa9: {  	[dreg:$0x3] =	wrdreg s5  }
0xaa: {  	[dreg:$0x4] =	wrdreg $0xC0  }
0xab: {  	_ =	task [dreg:s7], $0x5FFFF  }
0xac: {  	[dreg:$0x1] =	wrdreg $0xFFFFFFFF  }
0xad: {  	[dreg:$0x0] =	wrdreg $0x60  }
0xae: {  	[dreg:$0x2] =	wrdreg s24  }
0xaf: {  	[dreg:$0x3] =	wrdreg s2  }
0xb0: {  	[dreg:$0x4] =	wrdreg $0x9  }
0xb1: {  	_ =	task.clear_ibuf [dreg:s7], $0x5FFFF;
	_ =	strace $0x90000046  }
0xb2: {  	s29 =	simm.s32 $0x9;
	_ =	strace $0x80000048  }
0xb3: {  	_ =	swait.ge [sflag:s29], $0x1  }
0xb4: {  	[sflag:s29] =	ssyncadd.s32 $0xFFFFFFFF  }
0xb5: {  	_ =	strace $0x90000048  }
0xb6: {  	_ =	sfence  }
0xb7: {  	s30 =	sld [smem:$0x0];
	_ =	sdelay $0x2  }
0xb8: {  	s31 =	sshll.u32 s1, $0xD;
	s1 =	sshrl.u32 s1, $0x2  }
0xb9: {  	s3 =	sand.u32 $0x4000, s31;
	s1 =	sadd.s32 s1, s30  }
0xba: {  	s0 =	sor.u32 s3, s0;
	s1 =	sshll.u32 s1, $0x11  }
0xbb: {  	s0 =	sor.u32 s1, s0  }
0xbc: {  	s0 =	sadd.s32 $0x8F2B, s0  }
0xbd: {  	[sflag:s0] =	ssyncadd.remote.s32 $0x1  }
0xbe: {  	_ =	sfence.sel $0xFFFF  }
0xbf: {  	[dreg:$0x0] =	wrdreg $0xFFFFFFFF;
	(pc) =	sbr.abs _section_cstart, $3  }
0xc0: {  	[dreg:$0x1] =	wrdreg $0xFFFFFFFF  }
0xc1: {  	_ =	task.clear_ibuf [dreg:s7], $0x2FFFF;
	_ =	strace $0x9FFFFFFF  }
0xc2: {  	(tm) =	ssettm $0x7FFFFFFF  }
0xc3: {  	_ =	shalt  }
tec
execute0_lowered:
.L_overlay_start_1:
0x0: {  	(tag) =	ssettag $0x1  }
0x1: {  	s1 =	rddreg [dreg:$0x0];
	s3 =	simm.s32 $0x0  }
0x2: {  	s13 =	srdreg.scid;
	s5 =	stileid.u32;
	s20 =	simm.s32 $0x28  }
0x3: {  	s28 =	simm.s32 $0x7;
	s29 =	simm.s32 $0x1AF40;
	s31 =	simm.s32 $0xE100  }
0x4: {  	s30 =	simm.s32 $0x17700;
	[smem:$0x7FF] =	sst s3;
	s0 =	sadd.s32 $0x113400, s1  }
0x5: {  	s12 =	sadd.s32 $0x103E00, s1;
	s2 =	sadd.s32 $0xF4800, s1;
	s8 =	sadd.s32 $0xB7600, s1  }
0x6: {  	s9 =	sadd.s32 $0x7A400, s1;
	_ =	strace $0x80000047;
	[dreg:$0x3] =	wrdreg s0  }
0x7: {  	s10 =	sadd.s32 $0x3D200, s1;
	s15 =	smul.u32 $0xC8, s5;
	[dreg:$0x4] =	wrdreg s12  }
0x8: {  	s11 =	sshll.u32 s5, $0x1;
	p0 =	slt.u32 s5, $0x2;
	[dreg:$0x5] =	wrdreg s2  }
0x9: {  	s0 =	sand.u32 $0x1, s13;
	s12 =	sadd.s32 $0x122A00, s1;
	s16 =	sadd.s32 s1, s15  }
0xa: {  	s14 =	ssub.s32 $0x2, s0;
	s6 =	sadd.s32 s8, s15;
	[dreg:$0x6] =	wrdreg s16  }
0xb: {  	s13 =	sor.u32 s0, s11;
	s18 =	sadd.s32 s9, s15;
	[dreg:$0x7] =	wrdreg s6  }
0xc: {  	s4 =	sshrl.u32 s14, $0x1;
	s17 =	smul.u32 $0x64, s13;
	[dreg:$0x8] =	wrdreg s18  }
0xd: {  	s18 =	simm.s32 $0x4B00;
	s2 =	ssub.s32 s14, s4;
	s14 =	simm.s32 $0x4F  }
0xe: {  	s4 =	sadd.s32 s10, s15;
	s15 =	smov.u32 s1;
	s14 =	simm.s32 @!p0 $0x4E  }
0xf: {  	p0 =	seq.s32 s5, $0x0;
	[dreg:$0x9] =	wrdreg s4;
	s22 =	sadd.s32 s1, s17  }
0x10: {  	s23 =	sadd.s32 s8, s17;
	s24 =	sadd.s32 s9, s17;
	[dreg:$0xb] =	wrdreg s22  }
0x11: {  	s25 =	sadd.s32 s10, s17;
	s26 =	smax.u32 s2, $0x1;
	[dreg:$0xc] =	wrdreg s23  }
0x12: {  	s17 =	simm.s32 $0x1900;
	s4 =	simm.s32 $0x0;
	[dreg:$0xd] =	wrdreg s24  }
.Ltmp0:
0x13: {  	s20 =	simm.s32 @!p0 $0x27;
	[dreg:$0xe] =	wrdreg s25;
	(pc) =	sbr.rel .LBB2_1-.Ltmp0, $4  }
0x14: {  	s19 =	sadd.s32 $0x1, s14;
	p0 =	sne.s32 s0, $0x0;
	[dreg:$0xf] =	wrdreg s26  }
0x15: {  	s26 =	sadd.s32 $0x216E00, s1;
	s22 =	simm.s32 $0x3;
	s24 =	simm.s32 $0x4  }
0x16: {  	v0 =	vlaneseq.u32;
	s0 =	simm.s32 $0x11300;
	s25 =	simm.s32 $0x14500;
	s21 =	sshrl.u32 s19, $0x1  }
0x17: {  	v0 =	vmul.u32 $0x10, v0;
	s19 =	simm.s32 $0x7D00;
	[dreg:$0xa] =	wrdreg s21;
	s21 =	simm.s32 $0xAF00  }
.LBB2_24:
0x18: {  	s1 =	simm.s32 $0x5  }
0x19: {  	_ =	swait.ge [sflag:s1], $0x320  }
0x1a: {  	[sflag:s1] =	ssyncset.done $0x0  }
0x1b: {  	s2 =	simm.s32 $0x6;
	[sflag:s1] =	ssyncadd.s32 $0xFFFFFCE0  }
0x1c: {  	_ =	swait.ge [sflag:s2], $0x320  }
0x1d: {  	s4 =	rddreg [dreg:$0x10]  }
0x1e: {  	s23 =	rddreg [dreg:$0xf];
	s4 =	sadd.s32 $0x1, s4  }
0x1f: {  	p1 =	sne.s32 s4, s23  }
.Ltmp1:
0x20: {  	_ = 	snop;
	(pc) =	sbr.rel @!p1 .LBB2_25-.Ltmp1, $3  }
0x21: {  	_ =	sdelay $0x1  }
0x22: {  	[sflag:s2] =	ssyncset.done $0x0  }
0x23: {  	[sflag:s2] =	ssyncadd.s32 $0xFFFFFCE0  }
.LBB2_1:
.Ltmp2:
0x24: {  	(pc) =	sbr.rel @p0 .LBB2_13-.Ltmp2, $3  }
0x25: {  	_ =	sdelay $0x1  }
0x26: {  	[dreg:$0x10] =	wrdreg s4  }
0x27: {  	s2 =	simm.s32 $0x0;
	s4 =	simm.s32 $0x0;
	s1 =	rddreg [dreg:$0x3]  }
.LBB2_2:
0x28: {  	s4 =	sshll.u32 s2, $0x4;
	s5 =	stileid.u32  }
0x29: {  	s4 =	sor.u32 s5, s4  }
0x2a: {  	s7 =	smul.u32 $0x64, s4;
	_ =	sdelay $0x1  }
0x2b: {  	s16 =	simm.s32 $0x0;
	s5 =	simm.s32 $0x1E140;
	s6 =	sadd.s32 s1, s7  }
0x2c: {  	[tilespmem:s5], [sflag:$0x7] =	stream.linear.gather [hbm4b:s6+s16], $0x320, $0x38;
	[tilespmem:$0x1EAA0] =	vst v63  }
0x2d: {  	_ =	swait.ge [sflag:s28], $0x320  }
0x2e: {  	[sflag:s28] =	ssyncset.done $0x0;
	s23 =	rddreg [dreg:$0x4]  }
0x2f: {  	s6 =	simm.s32 $0x1E460;
	[sflag:s28] =	ssyncadd.s32 $0xFFFFFCE0;
	s23 =	sadd.s32 s23, s7  }
0x30: {  	[tilespmem:s6], [sflag:$0x7] =	stream.linear.gather [hbm4b:s23+s16], $0x320, $0x38;
	[tilespmem:$0x1EAA0] =	vst v63  }
0x31: {  	_ =	swait.ge [sflag:s28], $0x320  }
0x32: {  	[sflag:s28] =	ssyncset.done $0x0;
	s23 =	rddreg [dreg:$0x5]  }
0x33: {  	[sflag:s28] =	ssyncadd.s32 $0xFFFFFCE0;
	s23 =	sadd.s32 s23, s7;
	s7 =	simm.s32 $0x1E780  }
0x34: {  	[tilespmem:s7], [sflag:$0x7] =	stream.linear.gather [hbm4b:s23+s16], $0x320, $0x38;
	[tilespmem:$0x1EAA0] =	vst v63  }
0x35: {  	_ =	swait.ge [sflag:s28], $0x320  }
0x36: {  	v1 =	vmov s16;
	[sflag:s28] =	ssyncset.done $0x0  }
0x37: {  	v1 =	vshll.u32 v1, $0x4;
	[sflag:s28] =	ssyncadd.s32 $0xFFFFFCE0  }
0x38: {  	v3 =	vor.u32 v0, v1;
	v2 =	vld [tilespmem:s5+$0x0];
	_ =	sdelay $0x4  }
0x39: {  	[tilespmem:v3+s29+$0x0] =	vst.idx.msk $0xffff, v2  }
0x3a: {  	v2 =	vor.u32 $0x1, v3;
	v1 =	vld [tilespmem:s6+$0x0];
	_ =	sdelay $0x4  }
0x3b: {  	[tilespmem:v2+s29+$0x0] =	vst.idx.msk $0xffff, v1  }
0x3c: {  	v2 =	vor.u32 $0x2, v3;
	v1 =	vld [tilespmem:s7+$0x0];
	_ =	sdelay $0x2  }
0x3d: {  	s23 =	simm.s32 $0x10  }
0x3e: {  	s16 =	simm.s32 $0x20;
	v3 =	vmov s23  }
.LBB2_3:
0x3f: {  	p1 =	sne.s32 s16, $0x310;
	v3 =	vshll.u32 v3, $0x4;
	[tilespmem:v2+s29+$0x0] =	vst.idx.msk $0xffff, v1;
	s5 =	sadd.s32 $0x10, s5  }
0x40: {  	v1 =	vld [tilespmem:s5+$0x0];
	v2 =	vor.u32 v0, v3;
	_ =	sdelay $0x4  }
0x41: {  	s6 =	sadd.s32 $0x10, s6;
	[tilespmem:v2+s29+$0x0] =	vst.idx.msk $0xffff, v1  }
0x42: {  	v3 =	vor.u32 $0x1, v2;
	v1 =	vld [tilespmem:s6+$0x0];
	_ =	sdelay $0x4  }
0x43: {  	s7 =	sadd.s32 $0x10, s7;
	[tilespmem:v3+s29+$0x0] =	vst.idx.msk $0xffff, v1  }
.Ltmp3:
0x44: {  	v2 =	vor.u32 $0x2, v2;
	v1 =	vld [tilespmem:s7+$0x0];
	(pc) =	sbr.rel @p1 .LBB2_3-.Ltmp3, $2  }
0x45: {  	_ =	sdelay $0x2  }
0x46: {  	v3 =	vmov s16;
	s16 =	sadd.s32 $0x10, s16  }
0x47: {  	_ =	sdelay $0x3  }
0x48: {  	v3 =	vshll.u32 v3, $0x4;
	[tilespmem:v2+s29+$0x0] =	vst.idx.msk $0xffff, v1;
	s5 =	sadd.s32 $0x10, s5  }
0x49: {  	v1 =	vld [tilespmem:s5+$0x0];
	v2 =	vor.u32 v0, v3;
	_ =	sdelay $0x4  }
0x4a: {  	s16 =	sadd.s32 $0x10, s6;
	[tilespmem:v2+s29+$0x0] =	vst.idx.msk $0xffff, v1  }
0x4b: {  	v3 =	vor.u32 $0x1, v2;
	v1 =	vld [tilespmem:s16+$0x0];
	_ =	sdelay $0x4  }
0x4c: {  	s23 =	sadd.s32 $0x10, s7;
	[tilespmem:v3+s29+$0x0] =	vst.idx.msk $0xffff, v1  }
0x4d: {  	v2 =	vor.u32 $0x2, v2;
	v1 =	vld [tilespmem:s23+$0x0];
	_ =	sdelay $0x2  }
0x4e: {  	s4 =	smul.u32 $0x640, s4;
	s2 =	sadd.s32 $0x1, s2  }
0x4f: {  	p1 =	sne.s32 s2, s20  }
.Ltmp4:
0x50: {  	s4 =	sadd.s32 s12, s4;
	[tilespmem:v2+s29+$0x0] =	vst.idx.msk $0xffff, v1;
	(pc) =	sbr.rel @p1 .LBB2_2-.Ltmp4, $4  }
0x51: {  	[hbm4b:s4+s3] =	stream.linear.scatter [tilespmem:s29], [sflag:$0x7], $0x3200, $0x38;
	[tilespmem:$0x1EAA0] =	vst v63  }
0x52: {  	_ =	swait.ge [sflag:s28], $0x3200  }
0x53: {  	[sflag:s28] =	ssyncset.done $0x0  }
0x54: {  	[sflag:s28] =	ssyncadd.s32 $0xFFFFCE00  }
0x55: {  	[bflag:$0x0] =	sbarrier.arrive $0xFFFF  }
0x56: {  	s6 =	simm.s32 $0x0;
	s1 =	rddreg [dreg:$0x6]  }
0x57: {  	[tilespmem:s6], [sflag:$0x1] =	stream.linear.gather [hbm4b:s1+s6], $0x320, $0x38;
	[tilespmem:$0x1EAA0] =	vst v63  }
0x58: {  	s2 =	simm.s32 $0x320;
	s5 =	rddreg [dreg:$0x7]  }
0x59: {  	[tilespmem:s2], [sflag:$0x1] =	stream.linear.gather [hbm4b:s5+s6], $0x320, $0x38;
	[tilespmem:$0x1EAA0] =	vst v63  }
0x5a: {  	s4 =	simm.s32 $0x640;
	s7 =	rddreg [dreg:$0x8]  }
0x5b: {  	[tilespmem:s4], [sflag:$0x1] =	stream.linear.gather [hbm4b:s7+s6], $0x320, $0x38;
	[tilespmem:$0x1EAA0] =	vst v63  }
0x5c: {  	s23 =	simm.s32 $0x1;
	s16 =	rddreg [dreg:$0x9];
	s5 =	simm.s32 $0x960  }
0x5d: {  	[tilespmem:s5], [sflag:$0x1] =	stream.linear.gather [hbm4b:s16+s6], $0x320, $0x38;
	[tilespmem:$0x1EAA0] =	vst v63  }
0x5e: {  	_ =	swait.ge [sflag:s23], $0x320  }
0x5f: {  	[sflag:s23] =	ssyncset.done $0x0  }
0x60: {  	[sflag:s23] =	ssyncadd.s32 $0xFFFFFCE0  }
0x61: {  	_ =	swait.ge [sflag:s23], $0x320  }
0x62: {  	[sflag:s23] =	ssyncset.done $0x0  }
0x63: {  	[sflag:s23] =	ssyncadd.s32 $0xFFFFFCE0  }
0x64: {  	_ =	swait.ge [sflag:s23], $0x320  }
0x65: {  	[sflag:s23] =	ssyncset.done $0x0  }
0x66: {  	[sflag:s23] =	ssyncadd.s32 $0xFFFFFCE0  }
0x67: {  	_ =	swait.ge [sflag:s23], $0x320  }
0x68: {  	[sflag:s23] =	ssyncset.done $0x0  }
0x69: {  	[sflag:s23] =	ssyncadd.s32 $0xFFFFFCE0  }
0x6a: {  	[tilespmem:s17], [sflag:$0x3] =	stream.indirect.gather [hbm4b:s12+s2], $0x10, s6, s2, $0xb8;
	[tilespmem:$0x1EAA0] =	vst v63  }
0x6b: {  	_ = 	snop  }
0x6c: {  	[tilespmem:s18], [sflag:$0x3] =	stream.indirect.gather [hbm4b:s12+s2], $0x10, s2, s2, $0xb8;
	[tilespmem:$0x1EAA0] =	vst v63  }
.Ltmp5:
0x6d: {  	_ = 	snop;
	(pc) =	sbr.rel .LBB2_6-.Ltmp5, $4  }
0x6e: {  	_ = 	snop  }
0x6f: {  	[tilespmem:s19], [sflag:$0x3] =	stream.indirect.gather [hbm4b:s12+s2], $0x10, s4, s2, $0xb8;
	[tilespmem:$0x1EAA0] =	vst v63  }
0x70: {  	s7 =	simm.s32 $0x0  }
0x71: {  	[tilespmem:s21], [sflag:$0x3] =	stream.indirect.gather [hbm4b:s12+s2], $0x10, s5, s2, $0xb8;
	[tilespmem:$0x1EAA0] =	vst v63  }
.LBB2_13:
0x72: {  	s2 =	sshll.u32 s4, $0x4;
	s5 =	stileid.u32  }
0x73: {  	s2 =	sor.u32 s5, s2  }
0x74: {  	s7 =	smul.u32 $0x64, s2;
	_ =	sdelay $0x1  }
0x75: {  	s16 =	simm.s32 $0x0;
	s5 =	simm.s32 $0x1E140;
	s6 =	sadd.s32 s1, s7  }
0x76: {  	[tilespmem:s5], [sflag:$0x7] =	stream.linear.gather [hbm4b:s6+s16], $0x320, $0x38;
	[tilespmem:$0x1EAA0] =	vst v63  }
0x77: {  	_ =	swait.ge [sflag:s28], $0x320  }
0x78: {  	[sflag:s28] =	ssyncset.done $0x0;
	s23 =	rddreg [dreg:$0x4]  }
0x79: {  	s6 =	simm.s32 $0x1E460;
	[sflag:s28] =	ssyncadd.s32 $0xFFFFFCE0;
	s23 =	sadd.s32 s23, s7  }
0x7a: {  	[tilespmem:s6], [sflag:$0x7] =	stream.linear.gather [hbm4b:s23+s16], $0x320, $0x38;
	[tilespmem:$0x1EAA0] =	vst v63  }
0x7b: {  	_ =	swait.ge [sflag:s28], $0x320  }
0x7c: {  	[sflag:s28] =	ssyncset.done $0x0;
	s23 =	rddreg [dreg:$0x5]  }
0x7d: {  	[sflag:s28] =	ssyncadd.s32 $0xFFFFFCE0;
	s23 =	sadd.s32 s23, s7;
	s7 =	simm.s32 $0x1E780  }
0x7e: {  	[tilespmem:s7], [sflag:$0x7] =	stream.linear.gather [hbm4b:s23+s16], $0x320, $0x38;
	[tilespmem:$0x1EAA0] =	vst v63  }
0x7f: {  	_ =	swait.ge [sflag:s28], $0x320  }
0x80: {  	v1 =	vmov s16;
	[sflag:s28] =	ssyncset.done $0x0  }
0x81: {  	v1 =	vshll.u32 v1, $0x4;
	[sflag:s28] =	ssyncadd.s32 $0xFFFFFCE0  }
0x82: {  	v3 =	vor.u32 v0, v1;
	v2 =	vld [tilespmem:s5+$0x0];
	_ =	sdelay $0x4  }
0x83: {  	[tilespmem:v3+s29+$0x0] =	vst.idx.msk $0xffff, v2  }
0x84: {  	v2 =	vor.u32 $0x1, v3;
	v1 =	vld [tilespmem:s6+$0x0];
	_ =	sdelay $0x4  }
0x85: {  	[tilespmem:v2+s29+$0x0] =	vst.idx.msk $0xffff, v1  }
0x86: {  	v2 =	vor.u32 $0x2, v3;
	v1 =	vld [tilespmem:s7+$0x0];
	_ =	sdelay $0x2  }
0x87: {  	s23 =	simm.s32 $0x10  }
0x88: {  	s16 =	simm.s32 $0x20;
	v3 =	vmov s23  }
.LBB2_14:
0x89: {  	p1 =	sne.s32 s16, $0x310;
	v3 =	vshll.u32 v3, $0x4;
	[tilespmem:v2+s29+$0x0] =	vst.idx.msk $0xffff, v1;
	s5 =	sadd.s32 $0x10, s5  }
0x8a: {  	v1 =	vld [tilespmem:s5+$0x0];
	v2 =	vor.u32 v0, v3;
	_ =	sdelay $0x4  }
0x8b: {  	s6 =	sadd.s32 $0x10, s6;
	[tilespmem:v2+s29+$0x0] =	vst.idx.msk $0xffff, v1  }
0x8c: {  	v3 =	vor.u32 $0x1, v2;
	v1 =	vld [tilespmem:s6+$0x0];
	_ =	sdelay $0x4  }
0x8d: {  	s7 =	sadd.s32 $0x10, s7;
	[tilespmem:v3+s29+$0x0] =	vst.idx.msk $0xffff, v1  }
.Ltmp6:
0x8e: {  	v2 =	vor.u32 $0x2, v2;
	v1 =	vld [tilespmem:s7+$0x0];
	(pc) =	sbr.rel @p1 .LBB2_14-.Ltmp6, $2  }
0x8f: {  	_ =	sdelay $0x2  }
0x90: {  	v3 =	vmov s16;
	s16 =	sadd.s32 $0x10, s16  }
0x91: {  	_ =	sdelay $0x3  }
0x92: {  	v3 =	vshll.u32 v3, $0x4;
	[tilespmem:v2+s29+$0x0] =	vst.idx.msk $0xffff, v1;
	s5 =	sadd.s32 $0x10, s5  }
0x93: {  	v1 =	vld [tilespmem:s5+$0x0];
	v2 =	vor.u32 v0, v3;
	_ =	sdelay $0x4  }
0x94: {  	s16 =	sadd.s32 $0x10, s6;
	[tilespmem:v2+s29+$0x0] =	vst.idx.msk $0xffff, v1  }
0x95: {  	v3 =	vor.u32 $0x1, v2;
	v1 =	vld [tilespmem:s16+$0x0];
	_ =	sdelay $0x4  }
0x96: {  	s23 =	sadd.s32 $0x10, s7;
	[tilespmem:v3+s29+$0x0] =	vst.idx.msk $0xffff, v1  }
0x97: {  	v2 =	vor.u32 $0x2, v2;
	v1 =	vld [tilespmem:s23+$0x0];
	_ =	sdelay $0x2  }
0x98: {  	s2 =	smul.u32 $0x640, s2;
	s4 =	sadd.s32 $0x1, s4  }
0x99: {  	p1 =	seq.s32 s4, s20  }
.Ltmp7:
0x9a: {  	s2 =	sadd.s32 s26, s2;
	[tilespmem:v2+s29+$0x0] =	vst.idx.msk $0xffff, v1;
	(pc) =	sbr.rel @!p1 .LBB2_13-.Ltmp7, $4  }
0x9b: {  	[hbm4b:s2+s3] =	stream.linear.scatter [tilespmem:s29], [sflag:$0x7], $0x3200, $0x38;
	[tilespmem:$0x1EAA0] =	vst v63  }
0x9c: {  	_ =	swait.ge [sflag:s28], $0x3200  }
0x9d: {  	[sflag:s28] =	ssyncset.done $0x0  }
0x9e: {  	[sflag:s28] =	ssyncadd.s32 $0xFFFFCE00  }
0x9f: {  	[bflag:$0x0] =	sbarrier.arrive $0xFFFF  }
0xa0: {  	s6 =	simm.s32 $0x0;
	s1 =	rddreg [dreg:$0xb]  }
0xa1: {  	[tilespmem:s6], [sflag:$0x1] =	stream.linear.gather [hbm4b:s1+s6], $0x320, $0x38;
	[tilespmem:$0x1EAA0] =	vst v63  }
0xa2: {  	s2 =	simm.s32 $0x320;
	s5 =	rddreg [dreg:$0xc]  }
0xa3: {  	[tilespmem:s2], [sflag:$0x1] =	stream.linear.gather [hbm4b:s5+s6], $0x320, $0x38;
	[tilespmem:$0x1EAA0] =	vst v63  }
0xa4: {  	s4 =	simm.s32 $0x640;
	s7 =	rddreg [dreg:$0xd]  }
0xa5: {  	[tilespmem:s4], [sflag:$0x1] =	stream.linear.gather [hbm4b:s7+s6], $0x320, $0x38;
	[tilespmem:$0x1EAA0] =	vst v63  }
0xa6: {  	s23 =	simm.s32 $0x1;
	s16 =	rddreg [dreg:$0xe];
	s5 =	simm.s32 $0x960  }
0xa7: {  	[tilespmem:s5], [sflag:$0x1] =	stream.linear.gather [hbm4b:s16+s6], $0x320, $0x38;
	[tilespmem:$0x1EAA0] =	vst v63  }
0xa8: {  	_ =	swait.ge [sflag:s23], $0x320  }
0xa9: {  	[sflag:s23] =	ssyncset.done $0x0  }
0xaa: {  	[sflag:s23] =	ssyncadd.s32 $0xFFFFFCE0  }
0xab: {  	_ =	swait.ge [sflag:s23], $0x320  }
0xac: {  	[sflag:s23] =	ssyncset.done $0x0  }
0xad: {  	[sflag:s23] =	ssyncadd.s32 $0xFFFFFCE0  }
0xae: {  	_ =	swait.ge [sflag:s23], $0x320  }
0xaf: {  	[sflag:s23] =	ssyncset.done $0x0  }
0xb0: {  	[sflag:s23] =	ssyncadd.s32 $0xFFFFFCE0  }
0xb1: {  	_ =	swait.ge [sflag:s23], $0x320  }
0xb2: {  	[sflag:s23] =	ssyncset.done $0x0  }
0xb3: {  	[sflag:s23] =	ssyncadd.s32 $0xFFFFFCE0  }
0xb4: {  	[tilespmem:s17], [sflag:$0x3] =	stream.indirect.gather [hbm4b:s26+s2], $0x10, s6, s2, $0xb8;
	[tilespmem:$0x1EAA0] =	vst v63  }
0xb5: {  	_ = 	snop  }
0xb6: {  	[tilespmem:s18], [sflag:$0x3] =	stream.indirect.gather [hbm4b:s26+s2], $0x10, s2, s2, $0xb8;
	[tilespmem:$0x1EAA0] =	vst v63  }
.Ltmp8:
0xb7: {  	_ = 	snop;
	(pc) =	sbr.rel .LBB2_17-.Ltmp8, $4  }
0xb8: {  	_ = 	snop  }
0xb9: {  	[tilespmem:s19], [sflag:$0x3] =	stream.indirect.gather [hbm4b:s26+s2], $0x10, s4, s2, $0xb8;
	[tilespmem:$0x1EAA0] =	vst v63  }
0xba: {  	s7 =	simm.s32 $0x0  }
0xbb: {  	[tilespmem:s21], [sflag:$0x3] =	stream.indirect.gather [hbm4b:s26+s2], $0x10, s5, s2, $0xb8;
	[tilespmem:$0x1EAA0] =	vst v63  }
.LBB2_12:
0xbc: {  	s7 =	sadd.s32 $0x1, s7;
	s1 =	rddreg [dreg:$0xa]  }
0xbd: {  	p1 =	seq.s32 s7, s1  }
.Ltmp9:
0xbe: {  	_ = 	snop;
	(pc) =	sbr.rel @p1 .LBB2_24-.Ltmp9, $1  }
0xbf: {  	_ =	sdelay $0x3  }
.LBB2_6:
0xc0: {  	s23 =	sshllo.u32 s7, $0x1  }
0xc1: {  	p1 =	sge.u32 s23, s14  }
0xc2: {  	s2 =	sshll.u32 @!p1 s23, $0x5  }
0xc3: {  	s2 =	sor.u32 @!p1 s11, s2  }
0xc4: {  	s2 =	smul.u32 @!p1 $0x64, s2;
	_ =	sdelay $0x1  }
0xc5: {  	s5 =	simm.s32 @!p1 $0x0;
	s6 =	simm.s32 @!p1 $0xC80;
	s4 =	sadd.s32 @!p1 s15, s2  }
0xc6: {  	[tilespmem:s6], [sflag:$0x2] =	stream.linear.gather @!p1 [hbm4b:s4+s5], $0x320, $0x38;
	[tilespmem:$0x1EAA0] =	vst v63  }
0xc7: {  	s16 =	simm.s32 @!p1 $0xFA0;
	s4 =	sadd.s32 @!p1 s8, s2  }
0xc8: {  	[tilespmem:s16], [sflag:$0x2] =	stream.linear.gather @!p1 [hbm4b:s4+s5], $0x320, $0x38;
	[tilespmem:$0x1EAA0] =	vst v63  }
0xc9: {  	s1 =	simm.s32 @!p1 $0x12C0;
	s4 =	sadd.s32 @!p1 s9, s2  }
0xca: {  	[tilespmem:s1], [sflag:$0x2] =	stream.linear.gather @!p1 [hbm4b:s4+s5], $0x320, $0x38;
	[tilespmem:$0x1EAA0] =	vst v63  }
0xcb: {  	s2 =	sadd.s32 @!p1 s10, s2;
	s4 =	simm.s32 @!p1 $0x15E0  }
0xcc: {  	[tilespmem:s4], [sflag:$0x2] =	stream.linear.gather @!p1 [hbm4b:s2+s5], $0x320, $0x38;
	[tilespmem:$0x1EAA0] =	vst v63  }
0xcd: {  	s2 =	simm.s32 @!p1 $0x2  }
0xce: {  	_ =	swait.ge @!p1 [sflag:s2], $0x320  }
0xcf: {  	[sflag:s2] =	ssyncset.done @!p1 $0x0  }
0xd0: {  	[sflag:s2] =	ssyncadd.s32 @!p1 $0xFFFFFCE0  }
0xd1: {  	_ =	swait.ge @!p1 [sflag:s2], $0x320  }
0xd2: {  	[sflag:s2] =	ssyncset.done @!p1 $0x0  }
0xd3: {  	[sflag:s2] =	ssyncadd.s32 @!p1 $0xFFFFFCE0  }
0xd4: {  	_ =	swait.ge @!p1 [sflag:s2], $0x320  }
0xd5: {  	[sflag:s2] =	ssyncset.done @!p1 $0x0  }
0xd6: {  	[sflag:s2] =	ssyncadd.s32 @!p1 $0xFFFFFCE0  }
0xd7: {  	_ =	swait.ge @!p1 [sflag:s2], $0x320  }
0xd8: {  	[sflag:s2] =	ssyncset.done @!p1 $0x0  }
0xd9: {  	s5 =	simm.s32 @!p1 $0xE100;
	[sflag:s2] =	ssyncadd.s32 @!p1 $0xFFFFFCE0;
	s2 =	simm.s32 @!p1 $0x320  }
0xda: {  	[tilespmem:s5], [sflag:$0x4] =	stream.indirect.gather @!p1 [hbm4b:s12+s2], $0x10, s6, s2, $0xb8;
	[tilespmem:$0x1EAA0] =	vst v63  }
0xdb: {  	s5 =	simm.s32 @!p1 $0x11300  }
0xdc: {  	[tilespmem:s5], [sflag:$0x4] =	stream.indirect.gather @!p1 [hbm4b:s12+s2], $0x10, s16, s2, $0xb8;
	[tilespmem:$0x1EAA0] =	vst v63  }
0xdd: {  	s5 =	simm.s32 @!p1 $0x14500  }
0xde: {  	[tilespmem:s5], [sflag:$0x4] =	stream.indirect.gather @!p1 [hbm4b:s12+s2], $0x10, s1, s2, $0xb8;
	[tilespmem:$0x1EAA0] =	vst v63  }
0xdf: {  	s1 =	simm.s32 @!p1 $0x17700  }
0xe0: {  	[tilespmem:s1], [sflag:$0x4] =	stream.indirect.gather @!p1 [hbm4b:s12+s2], $0x10, s4, s2, $0xb8;
	[tilespmem:$0x1EAA0] =	vst v63  }
0xe1: {  	_ =	swait.ge [sflag:s22], $0x3200  }
0xe2: {  	[sflag:s22] =	ssyncset.done $0x0  }
0xe3: {  	[sflag:s22] =	ssyncadd.s32 $0xFFFFCE00  }
0xe4: {  	_ =	swait.ge [sflag:s22], $0x3200  }
0xe5: {  	[sflag:s22] =	ssyncset.done $0x0  }
0xe6: {  	[sflag:s22] =	ssyncadd.s32 $0xFFFFCE00  }
0xe7: {  	_ =	swait.ge [sflag:s22], $0x3200  }
0xe8: {  	s6 =	simm.s32 $0x0;
	[sflag:s22] =	ssyncset.done $0x0  }
0xe9: {  	v1 =	vmov s6;
	[sflag:s22] =	ssyncadd.s32 $0xFFFFCE00  }
0xea: {  	v1 =	vshll.u32 v1, $0x4;
	_ =	swait.ge [sflag:s22], $0x3200  }
0xeb: {  	p2 =	seq.s32 s7, $0x0;
	v1 =	vor.u32 v0, v1;
	[sflag:s22] =	ssyncset.done $0x0  }
0xec: {  	s1 =	simm.s32 @!p2 $0x5;
	[sflag:s22] =	ssyncadd.s32 $0xFFFFCE00  }
0xed: {  	v2 =	vor.u32 $0x2, v1;
	_ =	swait.ge @!p2 [sflag:s1], $0x320  }
0xee: {  	v3 =	vor.u32 $0x1, v1;
	[sflag:s1] =	ssyncset.done @!p2 $0x0  }
0xef: {  	[sflag:s1] =	ssyncadd.s32 @!p2 $0xFFFFFCE0  }
0xf0: {  	v4 =	vld.idx.msk [tilespmem:v1+s17+$0x0], $0xffff  }
0xf1: {  	v5 =	vld.idx.msk [tilespmem:v1+s18+$0x0], $0xffff  }
0xf2: {  	v6 =	vld.idx.msk [tilespmem:v2+s21+$0x0], $0xffff  }
0xf3: {  	v7 =	vld.idx.msk [tilespmem:v3+s17+$0x0], $0xffff  }
0xf4: {  	v8 =	vld.idx.msk [tilespmem:v1+s19+$0x0], $0xffff  }
0xf5: {  	v9 =	vld.idx.msk [tilespmem:v2+s19+$0x0], $0xffff  }
0xf6: {  	v10 =	vld.idx.msk [tilespmem:v3+s18+$0x0], $0xffff  }
0xf7: {  	v11 =	vld.idx.msk [tilespmem:v2+s18+$0x0], $0xffff  }
0xf8: {  	v2 =	vld.idx.msk [tilespmem:v2+s17+$0x0], $0xffff  }
0xf9: {  	v12 =	vld.idx.msk [tilespmem:v3+s19+$0x0], $0xffff  }
0xfa: {  	v3 =	vld.idx.msk [tilespmem:v3+s21+$0x0], $0xffff  }
0xfb: {  	v1 =	vld.idx.msk [tilespmem:v1+s21+$0x0], $0xffff;
	v13 =	vsub.f32 v8, v5;
	v6 =	vsub.f32 v6, v9  }
0xfc: {  	v7 =	vsub.f32 v10, v7;
	v4 =	vsub.f32 v5, v4  }
0xfd: {  	v5 =	vsub.f32 v9, v11;
	v2 =	vsub.f32 v11, v2  }
0xfe: {  	v10 =	vsub.f32 v12, v10;
	v54 =	vmul.f32 v6, v13;
	v55 =	vmul.f32 v13, v7  }
0xff: {  	v12 =	vsub.f32 v3, v12;
	v7 =	vmul.f32 v5, v7;
	v14 =	vmul.f32 v5, v4  }
0x100: {  	v1 =	vsub.f32 v1, v8;
	v3 =	vmul.f32 v13, v2;
	v2 =	vmul.f32 v10, v2  }
0x101: {  	v8 =	vmul.f32 v6, v10;
	v15 =	vmul.f32 v12, v5  }
0x102: {  	v13 =	vmul.f32 v12, v13;
	v5 =	vmul.f32 v1, v5  }
0x103: {  	v14 =	vsub.f32 v3, v14;
	v3 =	vmul.f32 v1, v10;
	v7 =	vsub.f32 v7, v2  }
0x104: {  	v2 =	vmul.f32 v10, v4;
	v4 =	vsub.f32 v8, v15;
	v5 =	vsub.f32 v5, v54  }
0x105: {  	v3 =	vsub.f32 v13, v3;
	v8 =	vmul.f32 v7, v7;
	v56 =	vmul.f32 v14, v14  }
0x106: {  	v10 =	vsub.f32 v2, v55;
	v2 =	vmul.f32 v4, v4;
	v57 =	vmul.f32 v5, v5  }
0x107: {  	v8 =	vadd.f32 v56, v8  }
0x108: {  	v58 =	vmul.f32 v10, v10;
	v2 =	vadd.f32 v57, v2;
	v59 =	vmul.f32 v3, v3;
	_ =	sdelay $0x1  }
0x109: {  	v8 =	vadd.f32 v8, v58;
	v2 =	vadd.f32 v2, v59;
	_ =	sdelay $0x1  }
0x10a: {  	v2 =	vmul.f32 v2, v8;
	_ =	sdelay $0x1  }
0x10b: {  	v8 =	vshra.s32 v2, $0x1;
	v60 =	vmul.f32 $5.000000000e-01, v2  }
0x10c: {  	v8 =	vsub.s32 $0x5F3759DF, v8  }
0x10d: {  	v61 =	vmul.f32 v8, v60;
	_ =	sdelay $0x1  }
0x10e: {  	v11 =	vmul.f32 v8, v61;
	_ =	sdelay $0x1  }
0x10f: {  	v11 =	vsub.f32 $1.500000000e+00, v11;
	_ =	sdelay $0x1  }
0x110: {  	v8 =	vmul.f32 v8, v11;
	_ =	sdelay $0x1  }
0x111: {  	v11 =	vmul.f32 v8, v60;
	_ =	sdelay $0x1  }
0x112: {  	v11 =	vmul.f32 v11, v8;
	_ =	sdelay $0x1  }
0x113: {  	v11 =	vsub.f32 $1.500000000e+00, v11;
	_ =	sdelay $0x1  }
0x114: {  	v8 =	vmul.f32 v11, v8;
	_ =	sdelay $0x1  }
0x115: {  	v9 =	vmul.f32 v8, v60  }
0x116: {  	v4 =	vmul.f32 v4, v7  }
0x117: {  	v5 =	vmul.f32 v5, v14;
	v9 =	vmul.f32 v9, v8;
	_ =	sdelay $0x1  }
0x118: {  	v3 =	vmul.f32 v3, v10;
	v4 =	vadd.f32 v5, v4;
	v5 =	vsub.f32 $1.500000000e+00, v9;
	_ =	sdelay $0x1  }
0x119: {  	v3 =	vadd.f32 v4, v3;
	v4 =	vmul.f32 v5, v8;
	_ =	sdelay $0x1  }
0x11a: {  	v3 =	vmul.f32 v4, v3;
	_ =	sdelay $0x1  }
0x11b: {  	v3 =	vmax.f32 v3, $-1.000000000e+00  }
0x11c: {  	vm0 =	vgt.f32 v2, $0.0e+00;
	v3 =	vmin.f32 v3, $1.000000000e+00  }
0x11d: {  	v2 =	vnsel vm0, $0x7FC00000, v3  }
0x11e: {  	v4 =	vand.u32 $0x7FFFFFFF, v2  }
0x11f: {  	v3 =	vsub.f32 $1.000000000e+00, v4  }
0x120: {  	v5 =	vmul.f32 $-1.262491100e-03, v4  }
0x121: {  	v8 =	vmax.f32 v3, $1.000000000e-30  }
0x122: {  	v5 =	vadd.f32 $6.670089900e-03, v5;
	v62 =	vshra.s32 v8, $0x1;
	v8 =	vmul.f32 $5.000000000e-01, v8  }
0x123: {  	v9 =	vsub.s32 $0x5F3759DF, v62  }
0x124: {  	v5 =	vmul.f32 v5, v4;
	v63 =	vmul.f32 v9, v8;
	_ =	sdelay $0x1  }
0x125: {  	v5 =	vadd.f32 $-1.708812640e-02, v5;
	v11 =	vmul.f32 v9, v63;
	_ =	sdelay $0x1  }
0x126: {  	v5 =	vmul.f32 v5, v4;
	v11 =	vsub.f32 $1.500000000e+00, v11;
	_ =	sdelay $0x1  }
0x127: {  	v5 =	vadd.f32 $3.089188040e-02, v5;
	v9 =	vmul.f32 v9, v11;
	_ =	sdelay $0x1  }
0x128: {  	v5 =	vmul.f32 v5, v4;
	v11 =	vmul.f32 v9, v8;
	_ =	sdelay $0x1  }
0x129: {  	v5 =	vadd.f32 $-5.017430340e-02, v5;
	v11 =	vmul.f32 v11, v9;
	_ =	sdelay $0x1  }
0x12a: {  	v5 =	vmul.f32 v5, v4;
	v11 =	vsub.f32 $1.500000000e+00, v11  }
0x12b: {  	v12 =	vmul.f32 v12, v14  }
0x12c: {  	v1 =	vmul.f32 v7, v1;
	v7 =	vadd.f32 $8.897899090e-02, v5;
	v5 =	vmul.f32 v11, v9  }
0x12d: {  	v6 =	vmul.f32 v6, v10  }
0x12e: {  	s16 =	sshll.u32 s7, $0x6;
	v1 =	vadd.f32 v12, v1;
	v7 =	vmul.f32 v7, v4;
	v8 =	vmul.f32 v5, v8  }
0x12f: {  	s6 =	simm.s32 $0x10;
	s16 =	sor.u32 s11, s16  }
0x130: {  	s5 =	simm.s32 $0x1A900;
	s4 =	sshll.u32 s7, $0x1;
	s2 =	simm.s32 $0x1A900;
	v1 =	vadd.f32 v6, v1;
	v6 =	vadd.f32 $-2.145988050e-01, v7;
	v7 =	vmul.f32 v8, v5  }
.LBB2_7:
0x131: {  	p3 =	sne.s32 s6, $0x310  }
0x132: {  	s5 =	sadd.s32 $0x10, s5;
	s1 =	smov.u32 s6;
	s6 =	sadd.s32 $0x10, s6  }
0x133: {  	v7 =	vsub.f32 $1.500000000e+00, v7;
	_ =	sdelay $0x1  }
0x134: {  	v4 =	vmul.f32 v6, v4;
	v5 =	vmul.f32 v7, v5;
	_ =	sdelay $0x1  }
0x135: {  	v4 =	vadd.f32 $1.570796250e+00, v4;
	v3 =	vmul.f32 v5, v3  }
0x136: {  	v5 =	vmov s1  }
0x137: {  	v5 =	vshll.u32 v5, $0x4;
	v3 =	vmul.f32 v3, v4  }
0x138: {  	v4 =	vor.u32 v0, v5  }
0x139: {  	v5 =	vor.u32 $0x1, v4;
	v6 =	vor.u32 $0x2, v4;
	v7 =	vsub.f32 $3.141592740e+00, v3  }
0x13a: {  	vm0 =	vlt.f32 v2, $0.0e+00  }
0x13b: {  	v2 =	vsel vm0, v7, v3  }
0x13c: {  	v3 =	vsub.f32 $0.0e+00, v2  }
0x13d: {  	vm0 =	vgt.f32 v1, $0.0e+00  }
0x13e: {  	v1 =	vsel vm0, v2, v3  }
0x13f: {  	[tilespmem:s2+$0x0] =	vst v1;
	s2 =	smov.u32 s5  }
0x140: {  	v1 =	vld.idx.msk [tilespmem:v4+s17+$0x0], $0xffff  }
0x141: {  	v2 =	vld.idx.msk [tilespmem:v4+s21+$0x0], $0xffff  }
0x142: {  	v3 =	vld.idx.msk [tilespmem:v4+s18+$0x0], $0xffff  }
0x143: {  	v7 =	vld.idx.msk [tilespmem:v6+s21+$0x0], $0xffff  }
0x144: {  	v8 =	vld.idx.msk [tilespmem:v5+s17+$0x0], $0xffff  }
0x145: {  	v4 =	vld.idx.msk [tilespmem:v4+s19+$0x0], $0xffff  }
0x146: {  	v9 =	vld.idx.msk [tilespmem:v6+s19+$0x0], $0xffff  }
0x147: {  	v10 =	vld.idx.msk [tilespmem:v5+s18+$0x0], $0xffff  }
0x148: {  	v11 =	vld.idx.msk [tilespmem:v6+s18+$0x0], $0xffff  }
0x149: {  	v6 =	vld.idx.msk [tilespmem:v6+s17+$0x0], $0xffff  }
0x14a: {  	v12 =	vld.idx.msk [tilespmem:v5+s19+$0x0], $0xffff  }
0x14b: {  	v13 =	vsub.f32 v4, v3;
	v5 =	vld.idx.msk [tilespmem:v5+s21+$0x0], $0xffff  }
0x14c: {  	v2 =	vsub.f32 v2, v4;
	v4 =	vsub.f32 v7, v9  }
0x14d: {  	v7 =	vsub.f32 v10, v8  }
0x14e: {  	v1 =	vsub.f32 v3, v1;
	v3 =	vsub.f32 v9, v11;
	v8 =	vmul.f32 v4, v13  }
0x14f: {  	v6 =	vsub.f32 v11, v6;
	v9 =	vmul.f32 v13, v7  }
0x150: {  	v10 =	vsub.f32 v12, v10;
	v7 =	vmul.f32 v3, v7;
	v11 =	vmul.f32 v3, v1  }
0x151: {  	v5 =	vsub.f32 v5, v12;
	v12 =	vmul.f32 v13, v6  }
0x152: {  	v6 =	vmul.f32 v10, v6;
	v14 =	vmul.f32 v4, v10  }
0x153: {  	v15 =	vmul.f32 v5, v3;
	v13 =	vmul.f32 v5, v13  }
0x154: {  	v11 =	vsub.f32 v12, v11;
	v3 =	vmul.f32 v2, v3;
	v12 =	vmul.f32 v2, v10  }
0x155: {  	v1 =	vmul.f32 v10, v1;
	v6 =	vsub.f32 v7, v6;
	v7 =	vsub.f32 v14, v15  }
0x156: {  	v3 =	vsub.f32 v3, v8;
	v8 =	vsub.f32 v13, v12;
	v5 =	vmul.f32 v5, v11  }
0x157: {  	v1 =	vsub.f32 v1, v9;
	v2 =	vmul.f32 v6, v2;
	v9 =	vmul.f32 v7, v6  }
0x158: {  	v10 =	vmul.f32 v11, v11;
	v6 =	vmul.f32 v6, v6  }
0x159: {  	v7 =	vmul.f32 v7, v7;
	v12 =	vmul.f32 v3, v3;
	v2 =	vadd.f32 v5, v2  }
0x15a: {  	v3 =	vmul.f32 v3, v11;
	v5 =	vmul.f32 v8, v1;
	v6 =	vadd.f32 v10, v6  }
0x15b: {  	v8 =	vmul.f32 v8, v8;
	v10 =	vmul.f32 v1, v1;
	v7 =	vadd.f32 v12, v7  }
0x15c: {  	v3 =	vadd.f32 v3, v9;
	v1 =	vmul.f32 v4, v1  }
0x15d: {  	v4 =	vadd.f32 v6, v10;
	v6 =	vadd.f32 v7, v8  }
0x15e: {  	v1 =	vadd.f32 v1, v2  }
0x15f: {  	v2 =	vmul.f32 v6, v4;
	_ =	sdelay $0x1  }
0x160: {  	v4 =	vshra.s32 v2, $0x1;
	v6 =	vmul.f32 $5.000000000e-01, v2  }
0x161: {  	v4 =	vsub.s32 $0x5F3759DF, v4  }
0x162: {  	v7 =	vmul.f32 v4, v6;
	_ =	sdelay $0x1  }
0x163: {  	v7 =	vmul.f32 v4, v7;
	_ =	sdelay $0x1  }
0x164: {  	v7 =	vsub.f32 $1.500000000e+00, v7;
	_ =	sdelay $0x1  }
0x165: {  	v4 =	vmul.f32 v4, v7;
	_ =	sdelay $0x1  }
0x166: {  	v7 =	vmul.f32 v4, v6;
	_ =	sdelay $0x1  }
0x167: {  	v7 =	vmul.f32 v7, v4;
	_ =	sdelay $0x1  }
0x168: {  	v7 =	vsub.f32 $1.500000000e+00, v7;
	_ =	sdelay $0x1  }
0x169: {  	v4 =	vmul.f32 v7, v4;
	_ =	sdelay $0x1  }
0x16a: {  	v6 =	vmul.f32 v4, v6;
	_ =	sdelay $0x1  }
0x16b: {  	v6 =	vmul.f32 v6, v4;
	_ =	sdelay $0x1  }
0x16c: {  	v6 =	vsub.f32 $1.500000000e+00, v6;
	_ =	sdelay $0x1  }
0x16d: {  	v3 =	vadd.f32 v3, v5;
	v4 =	vmul.f32 v6, v4;
	_ =	sdelay $0x1  }
0x16e: {  	v3 =	vmul.f32 v4, v3;
	_ =	sdelay $0x1  }
0x16f: {  	v3 =	vmax.f32 v3, $-1.000000000e+00  }
0x170: {  	vm0 =	vgt.f32 v2, $0.0e+00;
	v3 =	vmin.f32 v3, $1.000000000e+00  }
0x171: {  	v2 =	vnsel vm0, $0x7FC00000, v3  }
0x172: {  	v4 =	vand.u32 $0x7FFFFFFF, v2  }
0x173: {  	v3 =	vsub.f32 $1.000000000e+00, v4;
	v5 =	vmul.f32 $-1.262491100e-03, v4;
	_ =	sdelay $0x1  }
0x174: {  	v6 =	vmax.f32 v3, $1.000000000e-30;
	v5 =	vadd.f32 $6.670089900e-03, v5  }
0x175: {  	v7 =	vshra.s32 v6, $0x1;
	v6 =	vmul.f32 $5.000000000e-01, v6  }
0x176: {  	v7 =	vsub.s32 $0x5F3759DF, v7;
	v5 =	vmul.f32 v5, v4  }
0x177: {  	v8 =	vmul.f32 v7, v6  }
0x178: {  	v5 =	vadd.f32 $-1.708812640e-02, v5  }
0x179: {  	v8 =	vmul.f32 v7, v8  }
0x17a: {  	v5 =	vmul.f32 v5, v4  }
0x17b: {  	v8 =	vsub.f32 $1.500000000e+00, v8  }
0x17c: {  	v5 =	vadd.f32 $3.089188040e-02, v5  }
0x17d: {  	v7 =	vmul.f32 v7, v8  }
0x17e: {  	v5 =	vmul.f32 v5, v4  }
0x17f: {  	v8 =	vmul.f32 v7, v6  }
0x180: {  	v5 =	vadd.f32 $-5.017430340e-02, v5  }
0x181: {  	v8 =	vmul.f32 v8, v7  }
0x182: {  	v5 =	vmul.f32 v5, v4  }
0x183: {  	v8 =	vsub.f32 $1.500000000e+00, v8  }
0x184: {  	v9 =	vadd.f32 $8.897899090e-02, v5  }
.Ltmp10:
0x185: {  	v5 =	vmul.f32 v8, v7;
	(pc) =	sbr.rel @p3 .LBB2_7-.Ltmp10, $4  }
0x186: {  	v7 =	vmul.f32 v9, v4  }
0x187: {  	v8 =	vmul.f32 v5, v6  }
0x188: {  	v6 =	vadd.f32 $-2.145988050e-01, v7  }
0x189: {  	v7 =	vmul.f32 v8, v5  }
0x18a: {  	_ = 	snop  }
0x18b: {  	v7 =	vsub.f32 $1.500000000e+00, v7;
	_ =	sdelay $0x1  }
0x18c: {  	v4 =	vmul.f32 v6, v4;
	v5 =	vmul.f32 v7, v5;
	_ =	sdelay $0x1  }
0x18d: {  	v4 =	vadd.f32 $1.570796250e+00, v4;
	v3 =	vmul.f32 v5, v3;
	_ =	sdelay $0x1  }
0x18e: {  	v3 =	vmul.f32 v3, v4;
	_ =	sdelay $0x1  }
0x18f: {  	v4 =	vsub.f32 $3.141592740e+00, v3  }
0x190: {  	vm0 =	vlt.f32 v2, $0.0e+00  }
0x191: {  	s1 =	sadd.s32 $0x2, s4;
	v2 =	vsel vm0, v4, v3  }
0x192: {  	p3 =	sge.u32 s1, s14;
	v3 =	vsub.f32 $0.0e+00, v2  }
0x193: {  	vm15 =	vgt.f32 v1, $0.0e+00;
	s5 =	smul.u32 $0x64, s16;
	s1 =	sshll.u32 @!p3 s1, $0x5  }
0x194: {  	s6 =	rddreg [dreg:$0x1];
	s1 =	sor.u32 @!p3 s11, s1;
	v1 =	vsel vm15, v2, v3  }
0x195: {  	s16 =	simm.s32 $0x1A900;
	s1 =	smul.u32 @!p3 $0x64, s1;
	[tilespmem:s2+$0x0] =	vst v1;
	s2 =	sadd.s32 s6, s5  }
0x196: {  	[hbm4b:s2+s3] =	stream.linear.scatter [tilespmem:s16], [sflag:$0x5], $0x320, $0x38;
	[tilespmem:$0x1EAA0] =	vst v63  }
0x197: {  	s4 =	simm.s32 @!p3 $0x0;
	s2 =	sadd.s32 @!p3 s15, s1  }
0x198: {  	[tilespmem:s4], [sflag:$0x1] =	stream.linear.gather @!p3 [hbm4b:s2+s4], $0x320, $0x38;
	[tilespmem:$0x1EAA0] =	vst v63  }
0x199: {  	s5 =	simm.s32 @!p3 $0x320;
	s2 =	sadd.s32 @!p3 s8, s1  }
0x19a: {  	[tilespmem:s5], [sflag:$0x1] =	stream.linear.gather @!p3 [hbm4b:s2+s4], $0x320, $0x38;
	[tilespmem:$0x1EAA0] =	vst v63  }
0x19b: {  	s6 =	simm.s32 @!p3 $0x640;
	s2 =	sadd.s32 @!p3 s9, s1  }
0x19c: {  	[tilespmem:s6], [sflag:$0x1] =	stream.linear.gather @!p3 [hbm4b:s2+s4], $0x320, $0x38;
	[tilespmem:$0x1EAA0] =	vst v63  }
0x19d: {  	s1 =	sadd.s32 @!p3 s10, s1;
	s2 =	simm.s32 @!p3 $0x960  }
0x19e: {  	[tilespmem:s2], [sflag:$0x1] =	stream.linear.gather @!p3 [hbm4b:s1+s4], $0x320, $0x38;
	[tilespmem:$0x1EAA0] =	vst v63  }
0x19f: {  	s1 =	simm.s32 @!p3 $0x1  }
0x1a0: {  	_ =	swait.ge @!p3 [sflag:s1], $0x320  }
0x1a1: {  	[sflag:s1] =	ssyncset.done @!p3 $0x0  }
0x1a2: {  	[sflag:s1] =	ssyncadd.s32 @!p3 $0xFFFFFCE0  }
0x1a3: {  	_ =	swait.ge @!p3 [sflag:s1], $0x320  }
0x1a4: {  	[sflag:s1] =	ssyncset.done @!p3 $0x0  }
0x1a5: {  	[sflag:s1] =	ssyncadd.s32 @!p3 $0xFFFFFCE0  }
0x1a6: {  	_ =	swait.ge @!p3 [sflag:s1], $0x320  }
0x1a7: {  	[sflag:s1] =	ssyncset.done @!p3 $0x0  }
0x1a8: {  	[sflag:s1] =	ssyncadd.s32 @!p3 $0xFFFFFCE0  }
0x1a9: {  	_ =	swait.ge @!p3 [sflag:s1], $0x320  }
0x1aa: {  	[sflag:s1] =	ssyncset.done @!p3 $0x0  }
0x1ab: {  	[sflag:s1] =	ssyncadd.s32 @!p3 $0xFFFFFCE0;
	s1 =	simm.s32 @!p3 $0x1900  }
0x1ac: {  	[tilespmem:s1], [sflag:$0x3] =	stream.indirect.gather @!p3 [hbm4b:s12+s5], $0x10, s4, s5, $0xb8;
	[tilespmem:$0x1EAA0] =	vst v63  }
0x1ad: {  	s1 =	simm.s32 @!p3 $0x4B00  }
0x1ae: {  	[tilespmem:s1], [sflag:$0x3] =	stream.indirect.gather @!p3 [hbm4b:s12+s5], $0x10, s5, s5, $0xb8;
	[tilespmem:$0x1EAA0] =	vst v63  }
.Ltmp11:
0x1af: {  	_ = 	snop;
	(pc) =	sbr.rel @p1 .LBB2_12-.Ltmp11, $4  }
0x1b0: {  	s1 =	simm.s32 @!p3 $0x7D00  }
0x1b1: {  	[tilespmem:s1], [sflag:$0x3] =	stream.indirect.gather @!p3 [hbm4b:s12+s5], $0x10, s6, s5, $0xb8;
	[tilespmem:$0x1EAA0] =	vst v63  }
0x1b2: {  	s1 =	simm.s32 @!p3 $0xAF00  }
0x1b3: {  	[tilespmem:s1], [sflag:$0x3] =	stream.indirect.gather @!p3 [hbm4b:s12+s5], $0x10, s2, s5, $0xb8;
	[tilespmem:$0x1EAA0] =	vst v63  }
0x1b4: {  	_ =	swait.ge [sflag:s24], $0x3200  }
0x1b5: {  	[sflag:s24] =	ssyncset.done $0x0  }
0x1b6: {  	[sflag:s24] =	ssyncadd.s32 $0xFFFFCE00  }
0x1b7: {  	_ =	swait.ge [sflag:s24], $0x3200  }
0x1b8: {  	[sflag:s24] =	ssyncset.done $0x0  }
0x1b9: {  	[sflag:s24] =	ssyncadd.s32 $0xFFFFCE00  }
0x1ba: {  	_ =	swait.ge [sflag:s24], $0x3200  }
0x1bb: {  	s1 =	simm.s32 $0x0;
	[sflag:s24] =	ssyncset.done $0x0  }
0x1bc: {  	v1 =	vmov s1;
	[sflag:s24] =	ssyncadd.s32 $0xFFFFCE00  }
0x1bd: {  	v1 =	vshll.u32 v1, $0x4;
	_ =	swait.ge [sflag:s24], $0x3200  }
0x1be: {  	v1 =	vor.u32 v0, v1;
	[sflag:s24] =	ssyncset.done $0x0  }
0x1bf: {  	s1 =	simm.s32 @!p2 $0x6;
	[sflag:s24] =	ssyncadd.s32 $0xFFFFCE00  }
0x1c0: {  	v2 =	vor.u32 $0x2, v1;
	_ =	swait.ge @!p2 [sflag:s1], $0x320  }
0x1c1: {  	v3 =	vor.u32 $0x1, v1;
	[sflag:s1] =	ssyncset.done @!p2 $0x0  }
0x1c2: {  	[sflag:s1] =	ssyncadd.s32 @!p2 $0xFFFFFCE0  }
0x1c3: {  	v4 =	vld.idx.msk [tilespmem:v1+s31+$0x0], $0xffff  }
0x1c4: {  	v5 =	vld.idx.msk [tilespmem:v1+s0+$0x0], $0xffff  }
0x1c5: {  	v6 =	vld.idx.msk [tilespmem:v2+s30+$0x0], $0xffff  }
0x1c6: {  	v7 =	vld.idx.msk [tilespmem:v3+s31+$0x0], $0xffff  }
0x1c7: {  	v8 =	vld.idx.msk [tilespmem:v1+s25+$0x0], $0xffff  }
0x1c8: {  	v9 =	vld.idx.msk [tilespmem:v2+s25+$0x0], $0xffff  }
0x1c9: {  	v10 =	vld.idx.msk [tilespmem:v3+s0+$0x0], $0xffff  }
0x1ca: {  	v11 =	vld.idx.msk [tilespmem:v2+s0+$0x0], $0xffff  }
0x1cb: {  	v2 =	vld.idx.msk [tilespmem:v2+s31+$0x0], $0xffff  }
0x1cc: {  	v12 =	vld.idx.msk [tilespmem:v3+s25+$0x0], $0xffff  }
0x1cd: {  	v3 =	vld.idx.msk [tilespmem:v3+s30+$0x0], $0xffff  }
0x1ce: {  	v1 =	vld.idx.msk [tilespmem:v1+s30+$0x0], $0xffff;
	v13 =	vsub.f32 v8, v5;
	v6 =	vsub.f32 v6, v9  }
0x1cf: {  	v7 =	vsub.f32 v10, v7;
	v4 =	vsub.f32 v5, v4  }
0x1d0: {  	v5 =	vsub.f32 v9, v11;
	v2 =	vsub.f32 v11, v2  }
0x1d1: {  	v10 =	vsub.f32 v12, v10;
	v54 =	vmul.f32 v6, v13;
	v55 =	vmul.f32 v13, v7  }
0x1d2: {  	v12 =	vsub.f32 v3, v12;
	v7 =	vmul.f32 v5, v7;
	v14 =	vmul.f32 v5, v4  }
0x1d3: {  	v1 =	vsub.f32 v1, v8;
	v3 =	vmul.f32 v13, v2;
	v2 =	vmul.f32 v10, v2  }
0x1d4: {  	v8 =	vmul.f32 v6, v10;
	v15 =	vmul.f32 v12, v5  }
0x1d5: {  	v13 =	vmul.f32 v12, v13;
	v5 =	vmul.f32 v1, v5  }
0x1d6: {  	v14 =	vsub.f32 v3, v14;
	v3 =	vmul.f32 v1, v10;
	v7 =	vsub.f32 v7, v2  }
0x1d7: {  	v2 =	vmul.f32 v10, v4;
	v4 =	vsub.f32 v8, v15;
	v5 =	vsub.f32 v5, v54  }
0x1d8: {  	v3 =	vsub.f32 v13, v3;
	v8 =	vmul.f32 v7, v7;
	v56 =	vmul.f32 v14, v14  }
0x1d9: {  	v10 =	vsub.f32 v2, v55;
	v2 =	vmul.f32 v4, v4;
	v57 =	vmul.f32 v5, v5  }
0x1da: {  	v8 =	vadd.f32 v56, v8  }
0x1db: {  	v58 =	vmul.f32 v10, v10;
	v2 =	vadd.f32 v57, v2;
	v59 =	vmul.f32 v3, v3;
	_ =	sdelay $0x1  }
0x1dc: {  	v8 =	vadd.f32 v8, v58;
	v2 =	vadd.f32 v2, v59;
	_ =	sdelay $0x1  }
0x1dd: {  	v2 =	vmul.f32 v2, v8;
	_ =	sdelay $0x1  }
0x1de: {  	v8 =	vshra.s32 v2, $0x1;
	v60 =	vmul.f32 $5.000000000e-01, v2  }
0x1df: {  	v8 =	vsub.s32 $0x5F3759DF, v8  }
0x1e0: {  	v61 =	vmul.f32 v8, v60;
	_ =	sdelay $0x1  }
0x1e1: {  	v11 =	vmul.f32 v8, v61;
	_ =	sdelay $0x1  }
0x1e2: {  	v11 =	vsub.f32 $1.500000000e+00, v11;
	_ =	sdelay $0x1  }
0x1e3: {  	v8 =	vmul.f32 v8, v11;
	_ =	sdelay $0x1  }
0x1e4: {  	v11 =	vmul.f32 v8, v60;
	_ =	sdelay $0x1  }
0x1e5: {  	v11 =	vmul.f32 v11, v8;
	_ =	sdelay $0x1  }
0x1e6: {  	v11 =	vsub.f32 $1.500000000e+00, v11;
	_ =	sdelay $0x1  }
0x1e7: {  	v8 =	vmul.f32 v11, v8;
	_ =	sdelay $0x1  }
0x1e8: {  	v9 =	vmul.f32 v8, v60  }
0x1e9: {  	v4 =	vmul.f32 v4, v7  }
0x1ea: {  	v5 =	vmul.f32 v5, v14;
	v9 =	vmul.f32 v9, v8;
	_ =	sdelay $0x1  }
0x1eb: {  	v3 =	vmul.f32 v3, v10;
	v4 =	vadd.f32 v5, v4;
	v5 =	vsub.f32 $1.500000000e+00, v9;
	_ =	sdelay $0x1  }
0x1ec: {  	v3 =	vadd.f32 v4, v3;
	v4 =	vmul.f32 v5, v8;
	_ =	sdelay $0x1  }
0x1ed: {  	v3 =	vmul.f32 v4, v3;
	_ =	sdelay $0x1  }
0x1ee: {  	v3 =	vmax.f32 v3, $-1.000000000e+00  }
0x1ef: {  	vm0 =	vgt.f32 v2, $0.0e+00;
	v3 =	vmin.f32 v3, $1.000000000e+00  }
0x1f0: {  	v2 =	vnsel vm0, $0x7FC00000, v3  }
0x1f1: {  	v4 =	vand.u32 $0x7FFFFFFF, v2  }
0x1f2: {  	v3 =	vsub.f32 $1.000000000e+00, v4  }
0x1f3: {  	v5 =	vmul.f32 $-1.262491100e-03, v4  }
0x1f4: {  	v8 =	vmax.f32 v3, $1.000000000e-30  }
0x1f5: {  	v5 =	vadd.f32 $6.670089900e-03, v5;
	v62 =	vshra.s32 v8, $0x1;
	v8 =	vmul.f32 $5.000000000e-01, v8  }
0x1f6: {  	v9 =	vsub.s32 $0x5F3759DF, v62  }
0x1f7: {  	v5 =	vmul.f32 v5, v4;
	v63 =	vmul.f32 v9, v8;
	_ =	sdelay $0x1  }
0x1f8: {  	v5 =	vadd.f32 $-1.708812640e-02, v5;
	v11 =	vmul.f32 v9, v63;
	_ =	sdelay $0x1  }
0x1f9: {  	v5 =	vmul.f32 v5, v4;
	v11 =	vsub.f32 $1.500000000e+00, v11;
	_ =	sdelay $0x1  }
0x1fa: {  	v5 =	vadd.f32 $3.089188040e-02, v5;
	v9 =	vmul.f32 v9, v11;
	_ =	sdelay $0x1  }
0x1fb: {  	v5 =	vmul.f32 v5, v4;
	v11 =	vmul.f32 v9, v8;
	_ =	sdelay $0x1  }
0x1fc: {  	v5 =	vadd.f32 $-5.017430340e-02, v5;
	v11 =	vmul.f32 v11, v9;
	_ =	sdelay $0x1  }
0x1fd: {  	v5 =	vmul.f32 v5, v4;
	v11 =	vsub.f32 $1.500000000e+00, v11  }
0x1fe: {  	v12 =	vmul.f32 v12, v14  }
0x1ff: {  	v1 =	vmul.f32 v7, v1;
	v7 =	vadd.f32 $8.897899090e-02, v5;
	v5 =	vmul.f32 v11, v9  }
0x200: {  	v6 =	vmul.f32 v6, v10  }
0x201: {  	v1 =	vadd.f32 v12, v1;
	v7 =	vmul.f32 v7, v4;
	v8 =	vmul.f32 v5, v8  }
0x202: {  	s23 =	sshll.u32 s23, $0x5;
	s4 =	simm.s32 $0x1AC20  }
0x203: {  	s5 =	simm.s32 $0x10;
	s2 =	simm.s32 $0x1AC20;
	s16 =	sor.u32 s11, s23;
	v1 =	vadd.f32 v6, v1;
	v6 =	vadd.f32 $-2.145988050e-01, v7;
	v7 =	vmul.f32 v8, v5  }
.LBB2_10:
0x204: {  	p1 =	sne.s32 s5, $0x310  }
0x205: {  	s4 =	sadd.s32 $0x10, s4;
	s1 =	smov.u32 s5;
	s5 =	sadd.s32 $0x10, s5  }
0x206: {  	v7 =	vsub.f32 $1.500000000e+00, v7;
	_ =	sdelay $0x1  }
0x207: {  	v4 =	vmul.f32 v6, v4;
	v5 =	vmul.f32 v7, v5;
	_ =	sdelay $0x1  }
0x208: {  	v4 =	vadd.f32 $1.570796250e+00, v4;
	v3 =	vmul.f32 v5, v3  }
0x209: {  	v5 =	vmov s1  }
0x20a: {  	v5 =	vshll.u32 v5, $0x4;
	v3 =	vmul.f32 v3, v4  }
0x20b: {  	v4 =	vor.u32 v0, v5  }
0x20c: {  	v5 =	vor.u32 $0x1, v4;
	v6 =	vor.u32 $0x2, v4;
	v7 =	vsub.f32 $3.141592740e+00, v3  }
0x20d: {  	vm0 =	vlt.f32 v2, $0.0e+00  }
0x20e: {  	v2 =	vsel vm0, v7, v3  }
0x20f: {  	v3 =	vsub.f32 $0.0e+00, v2  }
0x210: {  	vm0 =	vgt.f32 v1, $0.0e+00  }
0x211: {  	v1 =	vsel vm0, v2, v3  }
0x212: {  	[tilespmem:s2+$0x0] =	vst v1;
	s2 =	smov.u32 s4  }
0x213: {  	v1 =	vld.idx.msk [tilespmem:v4+s31+$0x0], $0xffff  }
0x214: {  	v2 =	vld.idx.msk [tilespmem:v4+s30+$0x0], $0xffff  }
0x215: {  	v3 =	vld.idx.msk [tilespmem:v4+s0+$0x0], $0xffff  }
0x216: {  	v7 =	vld.idx.msk [tilespmem:v6+s30+$0x0], $0xffff  }
0x217: {  	v8 =	vld.idx.msk [tilespmem:v5+s31+$0x0], $0xffff  }
0x218: {  	v4 =	vld.idx.msk [tilespmem:v4+s25+$0x0], $0xffff  }
0x219: {  	v9 =	vld.idx.msk [tilespmem:v6+s25+$0x0], $0xffff  }
0x21a: {  	v10 =	vld.idx.msk [tilespmem:v5+s0+$0x0], $0xffff  }
0x21b: {  	v11 =	vld.idx.msk [tilespmem:v6+s0+$0x0], $0xffff  }
0x21c: {  	v6 =	vld.idx.msk [tilespmem:v6+s31+$0x0], $0xffff  }
0x21d: {  	v12 =	vld.idx.msk [tilespmem:v5+s25+$0x0], $0xffff  }
0x21e: {  	v13 =	vsub.f32 v4, v3;
	v5 =	vld.idx.msk [tilespmem:v5+s30+$0x0], $0xffff  }
0x21f: {  	v2 =	vsub.f32 v2, v4;
	v4 =	vsub.f32 v7, v9  }
0x220: {  	v7 =	vsub.f32 v10, v8  }
0x221: {  	v1 =	vsub.f32 v3, v1;
	v3 =	vsub.f32 v9, v11;
	v8 =	vmul.f32 v4, v13  }
0x222: {  	v6 =	vsub.f32 v11, v6;
	v9 =	vmul.f32 v13, v7  }
0x223: {  	v10 =	vsub.f32 v12, v10;
	v7 =	vmul.f32 v3, v7;
	v11 =	vmul.f32 v3, v1  }
0x224: {  	v5 =	vsub.f32 v5, v12;
	v12 =	vmul.f32 v13, v6  }
0x225: {  	v6 =	vmul.f32 v10, v6;
	v14 =	vmul.f32 v4, v10  }
0x226: {  	v15 =	vmul.f32 v5, v3;
	v13 =	vmul.f32 v5, v13  }
0x227: {  	v11 =	vsub.f32 v12, v11;
	v3 =	vmul.f32 v2, v3;
	v12 =	vmul.f32 v2, v10  }
0x228: {  	v1 =	vmul.f32 v10, v1;
	v6 =	vsub.f32 v7, v6;
	v7 =	vsub.f32 v14, v15  }
0x229: {  	v3 =	vsub.f32 v3, v8;
	v8 =	vsub.f32 v13, v12;
	v5 =	vmul.f32 v5, v11  }
0x22a: {  	v1 =	vsub.f32 v1, v9;
	v2 =	vmul.f32 v6, v2;
	v9 =	vmul.f32 v7, v6  }
0x22b: {  	v10 =	vmul.f32 v11, v11;
	v6 =	vmul.f32 v6, v6  }
0x22c: {  	v7 =	vmul.f32 v7, v7;
	v12 =	vmul.f32 v3, v3;
	v2 =	vadd.f32 v5, v2  }
0x22d: {  	v3 =	vmul.f32 v3, v11;
	v5 =	vmul.f32 v8, v1;
	v6 =	vadd.f32 v10, v6  }
0x22e: {  	v8 =	vmul.f32 v8, v8;
	v10 =	vmul.f32 v1, v1;
	v7 =	vadd.f32 v12, v7  }
0x22f: {  	v3 =	vadd.f32 v3, v9;
	v1 =	vmul.f32 v4, v1  }
0x230: {  	v4 =	vadd.f32 v6, v10;
	v6 =	vadd.f32 v7, v8  }
0x231: {  	v1 =	vadd.f32 v1, v2  }
0x232: {  	v2 =	vmul.f32 v6, v4;
	_ =	sdelay $0x1  }
0x233: {  	v4 =	vshra.s32 v2, $0x1;
	v6 =	vmul.f32 $5.000000000e-01, v2  }
0x234: {  	v4 =	vsub.s32 $0x5F3759DF, v4  }
0x235: {  	v7 =	vmul.f32 v4, v6;
	_ =	sdelay $0x1  }
0x236: {  	v7 =	vmul.f32 v4, v7;
	_ =	sdelay $0x1  }
0x237: {  	v7 =	vsub.f32 $1.500000000e+00, v7;
	_ =	sdelay $0x1  }
0x238: {  	v4 =	vmul.f32 v4, v7;
	_ =	sdelay $0x1  }
0x239: {  	v7 =	vmul.f32 v4, v6;
	_ =	sdelay $0x1  }
0x23a: {  	v7 =	vmul.f32 v7, v4;
	_ =	sdelay $0x1  }
0x23b: {  	v7 =	vsub.f32 $1.500000000e+00, v7;
	_ =	sdelay $0x1  }
0x23c: {  	v4 =	vmul.f32 v7, v4;
	_ =	sdelay $0x1  }
0x23d: {  	v6 =	vmul.f32 v4, v6;
	_ =	sdelay $0x1  }
0x23e: {  	v6 =	vmul.f32 v6, v4;
	_ =	sdelay $0x1  }
0x23f: {  	v6 =	vsub.f32 $1.500000000e+00, v6;
	_ =	sdelay $0x1  }
0x240: {  	v3 =	vadd.f32 v3, v5;
	v4 =	vmul.f32 v6, v4;
	_ =	sdelay $0x1  }
0x241: {  	v3 =	vmul.f32 v4, v3;
	_ =	sdelay $0x1  }
0x242: {  	v3 =	vmax.f32 v3, $-1.000000000e+00  }
0x243: {  	vm0 =	vgt.f32 v2, $0.0e+00;
	v3 =	vmin.f32 v3, $1.000000000e+00  }
0x244: {  	v2 =	vnsel vm0, $0x7FC00000, v3  }
0x245: {  	v4 =	vand.u32 $0x7FFFFFFF, v2  }
0x246: {  	v3 =	vsub.f32 $1.000000000e+00, v4;
	v5 =	vmul.f32 $-1.262491100e-03, v4;
	_ =	sdelay $0x1  }
0x247: {  	v6 =	vmax.f32 v3, $1.000000000e-30;
	v5 =	vadd.f32 $6.670089900e-03, v5  }
0x248: {  	v7 =	vshra.s32 v6, $0x1;
	v6 =	vmul.f32 $5.000000000e-01, v6  }
0x249: {  	v7 =	vsub.s32 $0x5F3759DF, v7;
	v5 =	vmul.f32 v5, v4  }
0x24a: {  	v8 =	vmul.f32 v7, v6  }
0x24b: {  	v5 =	vadd.f32 $-1.708812640e-02, v5  }
0x24c: {  	v8 =	vmul.f32 v7, v8  }
0x24d: {  	v5 =	vmul.f32 v5, v4  }
0x24e: {  	v8 =	vsub.f32 $1.500000000e+00, v8  }
0x24f: {  	v5 =	vadd.f32 $3.089188040e-02, v5  }
0x250: {  	v7 =	vmul.f32 v7, v8  }
0x251: {  	v5 =	vmul.f32 v5, v4  }
0x252: {  	v8 =	vmul.f32 v7, v6  }
0x253: {  	v5 =	vadd.f32 $-5.017430340e-02, v5  }
0x254: {  	v8 =	vmul.f32 v8, v7  }
0x255: {  	v5 =	vmul.f32 v5, v4  }
0x256: {  	v8 =	vsub.f32 $1.500000000e+00, v8  }
0x257: {  	v9 =	vadd.f32 $8.897899090e-02, v5  }
.Ltmp12:
0x258: {  	v5 =	vmul.f32 v8, v7;
	(pc) =	sbr.rel @p1 .LBB2_10-.Ltmp12, $4  }
0x259: {  	v7 =	vmul.f32 v9, v4  }
0x25a: {  	v8 =	vmul.f32 v5, v6  }
0x25b: {  	v6 =	vadd.f32 $-2.145988050e-01, v7  }
0x25c: {  	v7 =	vmul.f32 v8, v5  }
0x25d: {  	_ = 	snop  }
0x25e: {  	v7 =	vsub.f32 $1.500000000e+00, v7;
	_ =	sdelay $0x1  }
0x25f: {  	v4 =	vmul.f32 v6, v4;
	v5 =	vmul.f32 v7, v5;
	_ =	sdelay $0x1  }
0x260: {  	v4 =	vadd.f32 $1.570796250e+00, v4;
	v3 =	vmul.f32 v5, v3;
	_ =	sdelay $0x1  }
0x261: {  	v3 =	vmul.f32 v3, v4;
	_ =	sdelay $0x1  }
0x262: {  	v4 =	vsub.f32 $3.141592740e+00, v3  }
0x263: {  	vm0 =	vlt.f32 v2, $0.0e+00  }
0x264: {  	v2 =	vsel vm0, v4, v3  }
.Ltmp13:
0x265: {  	v3 =	vsub.f32 $0.0e+00, v2;
	(pc) =	sbr.rel .LBB2_12-.Ltmp13, $4  }
0x266: {  	vm15 =	vgt.f32 v1, $0.0e+00;
	s1 =	smul.u32 $0x64, s16  }
0x267: {  	s16 =	rddreg [dreg:$0x1];
	v1 =	vsel vm15, v2, v3  }
0x268: {  	s23 =	simm.s32 $0x1AC20;
	s1 =	sadd.s32 s16, s1;
	[tilespmem:s2+$0x0] =	vst v1  }
0x269: {  	[hbm4b:s1+s3] =	stream.linear.scatter [tilespmem:s23], [sflag:$0x6], $0x320, $0x38;
	[tilespmem:$0x1EAA0] =	vst v63  }
.LBB2_22:
0x26a: {  	v7 =	vsub.f32 $1.500000000e+00, v7;
	_ =	sdelay $0x1  }
0x26b: {  	v4 =	vmul.f32 v6, v4;
	v5 =	vmul.f32 v7, v5;
	_ =	sdelay $0x1  }
0x26c: {  	v4 =	vadd.f32 $1.570796250e+00, v4;
	v3 =	vmul.f32 v5, v3;
	_ =	sdelay $0x1  }
0x26d: {  	v3 =	vmul.f32 v3, v4;
	_ =	sdelay $0x1  }
0x26e: {  	v4 =	vsub.f32 $3.141592740e+00, v3  }
0x26f: {  	vm0 =	vlt.f32 v2, $0.0e+00  }
0x270: {  	v2 =	vsel vm0, v4, v3  }
0x271: {  	v3 =	vsub.f32 $0.0e+00, v2  }
0x272: {  	vm15 =	vgt.f32 v1, $0.0e+00;
	s1 =	smul.u32 $0x64, s2  }
0x273: {  	s16 =	rddreg [dreg:$0x1];
	v1 =	vsel vm15, v2, v3  }
0x274: {  	s23 =	simm.s32 $0x1AC20;
	s1 =	sadd.s32 s16, s1;
	[tilespmem:s4+$0x0] =	vst v1  }
0x275: {  	[hbm4b:s1+s3] =	stream.linear.scatter [tilespmem:s23], [sflag:$0x6], $0x320, $0x38;
	[tilespmem:$0x1EAA0] =	vst v63  }
.LBB2_23:
0x276: {  	s7 =	sadd.s32 $0x1, s7;
	s1 =	rddreg [dreg:$0xa]  }
0x277: {  	p1 =	sne.s32 s7, s1  }
.Ltmp14:
0x278: {  	_ = 	snop;
	(pc) =	sbr.rel @!p1 .LBB2_24-.Ltmp14, $1  }
0x279: {  	_ =	sdelay $0x3  }
.LBB2_17:
0x27a: {  	s23 =	sshllo.u32 s7, $0x1  }
0x27b: {  	p1 =	sge.u32 s23, s14  }
0x27c: {  	s1 =	sshll.u32 @!p1 s23, $0x5  }
0x27d: {  	s1 =	sor.u32 @!p1 s13, s1  }
0x27e: {  	s1 =	smul.u32 @!p1 $0x64, s1;
	_ =	sdelay $0x1  }
0x27f: {  	s4 =	simm.s32 @!p1 $0x0;
	s5 =	simm.s32 @!p1 $0xC80;
	s2 =	sadd.s32 @!p1 s15, s1  }
0x280: {  	[tilespmem:s5], [sflag:$0x2] =	stream.linear.gather @!p1 [hbm4b:s2+s4], $0x320, $0x38;
	[tilespmem:$0x1EAA0] =	vst v63  }
0x281: {  	s6 =	simm.s32 @!p1 $0xFA0;
	s2 =	sadd.s32 @!p1 s8, s1  }
0x282: {  	[tilespmem:s6], [sflag:$0x2] =	stream.linear.gather @!p1 [hbm4b:s2+s4], $0x320, $0x38;
	[tilespmem:$0x1EAA0] =	vst v63  }
0x283: {  	s16 =	simm.s32 @!p1 $0x12C0;
	s2 =	sadd.s32 @!p1 s9, s1  }
0x284: {  	[tilespmem:s16], [sflag:$0x2] =	stream.linear.gather @!p1 [hbm4b:s2+s4], $0x320, $0x38;
	[tilespmem:$0x1EAA0] =	vst v63  }
0x285: {  	s1 =	sadd.s32 @!p1 s10, s1;
	s2 =	simm.s32 @!p1 $0x15E0  }
0x286: {  	[tilespmem:s2], [sflag:$0x2] =	stream.linear.gather @!p1 [hbm4b:s1+s4], $0x320, $0x38;
	[tilespmem:$0x1EAA0] =	vst v63  }
0x287: {  	s1 =	simm.s32 @!p1 $0x2  }
0x288: {  	_ =	swait.ge @!p1 [sflag:s1], $0x320  }
0x289: {  	[sflag:s1] =	ssyncset.done @!p1 $0x0  }
0x28a: {  	[sflag:s1] =	ssyncadd.s32 @!p1 $0xFFFFFCE0  }
0x28b: {  	_ =	swait.ge @!p1 [sflag:s1], $0x320  }
0x28c: {  	[sflag:s1] =	ssyncset.done @!p1 $0x0  }
0x28d: {  	[sflag:s1] =	ssyncadd.s32 @!p1 $0xFFFFFCE0  }
0x28e: {  	_ =	swait.ge @!p1 [sflag:s1], $0x320  }
0x28f: {  	[sflag:s1] =	ssyncset.done @!p1 $0x0  }
0x290: {  	[sflag:s1] =	ssyncadd.s32 @!p1 $0xFFFFFCE0  }
0x291: {  	_ =	swait.ge @!p1 [sflag:s1], $0x320  }
0x292: {  	[sflag:s1] =	ssyncset.done @!p1 $0x0  }
0x293: {  	s4 =	simm.s32 @!p1 $0xE100;
	[sflag:s1] =	ssyncadd.s32 @!p1 $0xFFFFFCE0;
	s1 =	simm.s32 @!p1 $0x320  }
0x294: {  	[tilespmem:s4], [sflag:$0x4] =	stream.indirect.gather @!p1 [hbm4b:s26+s1], $0x10, s5, s1, $0xb8;
	[tilespmem:$0x1EAA0] =	vst v63  }
0x295: {  	s4 =	simm.s32 @!p1 $0x11300  }
0x296: {  	[tilespmem:s4], [sflag:$0x4] =	stream.indirect.gather @!p1 [hbm4b:s26+s1], $0x10, s6, s1, $0xb8;
	[tilespmem:$0x1EAA0] =	vst v63  }
0x297: {  	s4 =	simm.s32 @!p1 $0x14500  }
0x298: {  	[tilespmem:s4], [sflag:$0x4] =	stream.indirect.gather @!p1 [hbm4b:s26+s1], $0x10, s16, s1, $0xb8;
	[tilespmem:$0x1EAA0] =	vst v63  }
0x299: {  	s4 =	simm.s32 @!p1 $0x17700  }
0x29a: {  	[tilespmem:s4], [sflag:$0x4] =	stream.indirect.gather @!p1 [hbm4b:s26+s1], $0x10, s2, s1, $0xb8;
	[tilespmem:$0x1EAA0] =	vst v63  }
0x29b: {  	_ =	swait.ge [sflag:s22], $0x3200  }
0x29c: {  	[sflag:s22] =	ssyncset.done $0x0  }
0x29d: {  	[sflag:s22] =	ssyncadd.s32 $0xFFFFCE00  }
0x29e: {  	_ =	swait.ge [sflag:s22], $0x3200  }
0x29f: {  	[sflag:s22] =	ssyncset.done $0x0  }
0x2a0: {  	[sflag:s22] =	ssyncadd.s32 $0xFFFFCE00  }
0x2a1: {  	_ =	swait.ge [sflag:s22], $0x3200  }
0x2a2: {  	s6 =	simm.s32 $0x0;
	[sflag:s22] =	ssyncset.done $0x0  }
0x2a3: {  	v1 =	vmov s6;
	[sflag:s22] =	ssyncadd.s32 $0xFFFFCE00  }
0x2a4: {  	v1 =	vshll.u32 v1, $0x4;
	_ =	swait.ge [sflag:s22], $0x3200  }
0x2a5: {  	p2 =	seq.s32 s7, $0x0;
	v1 =	vor.u32 v0, v1;
	[sflag:s22] =	ssyncset.done $0x0  }
0x2a6: {  	s1 =	simm.s32 @!p2 $0x5;
	[sflag:s22] =	ssyncadd.s32 $0xFFFFCE00  }
0x2a7: {  	v2 =	vor.u32 $0x2, v1;
	_ =	swait.ge @!p2 [sflag:s1], $0x320  }
0x2a8: {  	v3 =	vor.u32 $0x1, v1;
	[sflag:s1] =	ssyncset.done @!p2 $0x0  }
0x2a9: {  	[sflag:s1] =	ssyncadd.s32 @!p2 $0xFFFFFCE0  }
0x2aa: {  	v4 =	vld.idx.msk [tilespmem:v1+s17+$0x0], $0xffff  }
0x2ab: {  	v5 =	vld.idx.msk [tilespmem:v1+s18+$0x0], $0xffff  }
0x2ac: {  	v6 =	vld.idx.msk [tilespmem:v2+s21+$0x0], $0xffff  }
0x2ad: {  	v7 =	vld.idx.msk [tilespmem:v3+s17+$0x0], $0xffff  }
0x2ae: {  	v8 =	vld.idx.msk [tilespmem:v1+s19+$0x0], $0xffff  }
0x2af: {  	v9 =	vld.idx.msk [tilespmem:v2+s19+$0x0], $0xffff  }
0x2b0: {  	v10 =	vld.idx.msk [tilespmem:v3+s18+$0x0], $0xffff  }
0x2b1: {  	v11 =	vld.idx.msk [tilespmem:v2+s18+$0x0], $0xffff  }
0x2b2: {  	v2 =	vld.idx.msk [tilespmem:v2+s17+$0x0], $0xffff  }
0x2b3: {  	v12 =	vld.idx.msk [tilespmem:v3+s19+$0x0], $0xffff  }
0x2b4: {  	v3 =	vld.idx.msk [tilespmem:v3+s21+$0x0], $0xffff  }
0x2b5: {  	v1 =	vld.idx.msk [tilespmem:v1+s21+$0x0], $0xffff;
	v13 =	vsub.f32 v8, v5;
	v6 =	vsub.f32 v6, v9  }
0x2b6: {  	v7 =	vsub.f32 v10, v7;
	v4 =	vsub.f32 v5, v4  }
0x2b7: {  	v5 =	vsub.f32 v9, v11;
	v2 =	vsub.f32 v11, v2  }
0x2b8: {  	v10 =	vsub.f32 v12, v10;
	v54 =	vmul.f32 v6, v13;
	v55 =	vmul.f32 v13, v7  }
0x2b9: {  	v12 =	vsub.f32 v3, v12;
	v7 =	vmul.f32 v5, v7;
	v14 =	vmul.f32 v5, v4  }
0x2ba: {  	v1 =	vsub.f32 v1, v8;
	v3 =	vmul.f32 v13, v2;
	v2 =	vmul.f32 v10, v2  }
0x2bb: {  	v8 =	vmul.f32 v6, v10;
	v15 =	vmul.f32 v12, v5  }
0x2bc: {  	v13 =	vmul.f32 v12, v13;
	v5 =	vmul.f32 v1, v5  }
0x2bd: {  	v14 =	vsub.f32 v3, v14;
	v3 =	vmul.f32 v1, v10;
	v7 =	vsub.f32 v7, v2  }
0x2be: {  	v2 =	vmul.f32 v10, v4;
	v4 =	vsub.f32 v8, v15;
	v5 =	vsub.f32 v5, v54  }
0x2bf: {  	v3 =	vsub.f32 v13, v3;
	v8 =	vmul.f32 v7, v7;
	v56 =	vmul.f32 v14, v14  }
0x2c0: {  	v10 =	vsub.f32 v2, v55;
	v2 =	vmul.f32 v4, v4;
	v57 =	vmul.f32 v5, v5  }
0x2c1: {  	v8 =	vadd.f32 v56, v8  }
0x2c2: {  	v58 =	vmul.f32 v10, v10;
	v2 =	vadd.f32 v57, v2;
	v59 =	vmul.f32 v3, v3;
	_ =	sdelay $0x1  }
0x2c3: {  	v8 =	vadd.f32 v8, v58;
	v2 =	vadd.f32 v2, v59;
	_ =	sdelay $0x1  }
0x2c4: {  	v2 =	vmul.f32 v2, v8;
	_ =	sdelay $0x1  }
0x2c5: {  	v8 =	vshra.s32 v2, $0x1;
	v60 =	vmul.f32 $5.000000000e-01, v2  }
0x2c6: {  	v8 =	vsub.s32 $0x5F3759DF, v8  }
0x2c7: {  	v61 =	vmul.f32 v8, v60;
	_ =	sdelay $0x1  }
0x2c8: {  	v11 =	vmul.f32 v8, v61;
	_ =	sdelay $0x1  }
0x2c9: {  	v11 =	vsub.f32 $1.500000000e+00, v11;
	_ =	sdelay $0x1  }
0x2ca: {  	v8 =	vmul.f32 v8, v11;
	_ =	sdelay $0x1  }
0x2cb: {  	v11 =	vmul.f32 v8, v60;
	_ =	sdelay $0x1  }
0x2cc: {  	v11 =	vmul.f32 v11, v8;
	_ =	sdelay $0x1  }
0x2cd: {  	v11 =	vsub.f32 $1.500000000e+00, v11;
	_ =	sdelay $0x1  }
0x2ce: {  	v8 =	vmul.f32 v11, v8;
	_ =	sdelay $0x1  }
0x2cf: {  	v9 =	vmul.f32 v8, v60  }
0x2d0: {  	v4 =	vmul.f32 v4, v7  }
0x2d1: {  	v5 =	vmul.f32 v5, v14;
	v9 =	vmul.f32 v9, v8;
	_ =	sdelay $0x1  }
0x2d2: {  	v3 =	vmul.f32 v3, v10;
	v4 =	vadd.f32 v5, v4;
	v5 =	vsub.f32 $1.500000000e+00, v9;
	_ =	sdelay $0x1  }
0x2d3: {  	v3 =	vadd.f32 v4, v3;
	v4 =	vmul.f32 v5, v8;
	_ =	sdelay $0x1  }
0x2d4: {  	v3 =	vmul.f32 v4, v3;
	_ =	sdelay $0x1  }
0x2d5: {  	v3 =	vmax.f32 v3, $-1.000000000e+00  }
0x2d6: {  	vm0 =	vgt.f32 v2, $0.0e+00;
	v3 =	vmin.f32 v3, $1.000000000e+00  }
0x2d7: {  	v2 =	vnsel vm0, $0x7FC00000, v3  }
0x2d8: {  	v4 =	vand.u32 $0x7FFFFFFF, v2  }
0x2d9: {  	v3 =	vsub.f32 $1.000000000e+00, v4  }
0x2da: {  	v5 =	vmul.f32 $-1.262491100e-03, v4  }
0x2db: {  	v8 =	vmax.f32 v3, $1.000000000e-30  }
0x2dc: {  	v5 =	vadd.f32 $6.670089900e-03, v5;
	v62 =	vshra.s32 v8, $0x1;
	v8 =	vmul.f32 $5.000000000e-01, v8  }
0x2dd: {  	v9 =	vsub.s32 $0x5F3759DF, v62  }
0x2de: {  	v5 =	vmul.f32 v5, v4;
	v63 =	vmul.f32 v9, v8;
	_ =	sdelay $0x1  }
0x2df: {  	v5 =	vadd.f32 $-1.708812640e-02, v5;
	v11 =	vmul.f32 v9, v63;
	_ =	sdelay $0x1  }
0x2e0: {  	v5 =	vmul.f32 v5, v4;
	v11 =	vsub.f32 $1.500000000e+00, v11;
	_ =	sdelay $0x1  }
0x2e1: {  	v5 =	vadd.f32 $3.089188040e-02, v5;
	v9 =	vmul.f32 v9, v11;
	_ =	sdelay $0x1  }
0x2e2: {  	v5 =	vmul.f32 v5, v4;
	v11 =	vmul.f32 v9, v8;
	_ =	sdelay $0x1  }
0x2e3: {  	v5 =	vadd.f32 $-5.017430340e-02, v5;
	v11 =	vmul.f32 v11, v9;
	_ =	sdelay $0x1  }
0x2e4: {  	v5 =	vmul.f32 v5, v4;
	v11 =	vsub.f32 $1.500000000e+00, v11  }
0x2e5: {  	v12 =	vmul.f32 v12, v14  }
0x2e6: {  	v1 =	vmul.f32 v7, v1;
	v7 =	vadd.f32 $8.897899090e-02, v5;
	v5 =	vmul.f32 v11, v9  }
0x2e7: {  	v6 =	vmul.f32 v6, v10  }
0x2e8: {  	v1 =	vadd.f32 v12, v1;
	v7 =	vmul.f32 v7, v4;
	v8 =	vmul.f32 v5, v8  }
0x2e9: {  	s5 =	simm.s32 $0x1A900;
	s6 =	simm.s32 $0x10;
	s16 =	sshll.u32 s7, $0x6  }
0x2ea: {  	s4 =	sshll.u32 s7, $0x1;
	s2 =	sor.u32 s13, s16;
	s16 =	simm.s32 $0x1A900;
	v1 =	vadd.f32 v6, v1;
	v6 =	vadd.f32 $-2.145988050e-01, v7;
	v7 =	vmul.f32 v8, v5  }
.LBB2_18:
0x2eb: {  	p3 =	sne.s32 s6, $0x310  }
0x2ec: {  	s5 =	sadd.s32 $0x10, s5;
	s1 =	smov.u32 s6;
	s6 =	sadd.s32 $0x10, s6  }
0x2ed: {  	v7 =	vsub.f32 $1.500000000e+00, v7;
	_ =	sdelay $0x1  }
0x2ee: {  	v4 =	vmul.f32 v6, v4;
	v5 =	vmul.f32 v7, v5;
	_ =	sdelay $0x1  }
0x2ef: {  	v4 =	vadd.f32 $1.570796250e+00, v4;
	v3 =	vmul.f32 v5, v3  }
0x2f0: {  	v5 =	vmov s1  }
0x2f1: {  	v5 =	vshll.u32 v5, $0x4;
	v3 =	vmul.f32 v3, v4  }
0x2f2: {  	v4 =	vor.u32 v0, v5  }
0x2f3: {  	v5 =	vor.u32 $0x1, v4;
	v6 =	vor.u32 $0x2, v4;
	v7 =	vsub.f32 $3.141592740e+00, v3  }
0x2f4: {  	vm0 =	vlt.f32 v2, $0.0e+00  }
0x2f5: {  	v2 =	vsel vm0, v7, v3  }
0x2f6: {  	v3 =	vsub.f32 $0.0e+00, v2  }
0x2f7: {  	vm0 =	vgt.f32 v1, $0.0e+00  }
0x2f8: {  	v1 =	vsel vm0, v2, v3  }
0x2f9: {  	[tilespmem:s16+$0x0] =	vst v1;
	s16 =	smov.u32 s5  }
0x2fa: {  	v1 =	vld.idx.msk [tilespmem:v4+s17+$0x0], $0xffff  }
0x2fb: {  	v2 =	vld.idx.msk [tilespmem:v4+s21+$0x0], $0xffff  }
0x2fc: {  	v3 =	vld.idx.msk [tilespmem:v4+s18+$0x0], $0xffff  }
0x2fd: {  	v7 =	vld.idx.msk [tilespmem:v6+s21+$0x0], $0xffff  }
0x2fe: {  	v8 =	vld.idx.msk [tilespmem:v5+s17+$0x0], $0xffff  }
0x2ff: {  	v4 =	vld.idx.msk [tilespmem:v4+s19+$0x0], $0xffff  }
0x300: {  	v9 =	vld.idx.msk [tilespmem:v6+s19+$0x0], $0xffff  }
0x301: {  	v10 =	vld.idx.msk [tilespmem:v5+s18+$0x0], $0xffff  }
0x302: {  	v11 =	vld.idx.msk [tilespmem:v6+s18+$0x0], $0xffff  }
0x303: {  	v6 =	vld.idx.msk [tilespmem:v6+s17+$0x0], $0xffff  }
0x304: {  	v12 =	vld.idx.msk [tilespmem:v5+s19+$0x0], $0xffff  }
0x305: {  	v13 =	vsub.f32 v4, v3;
	v5 =	vld.idx.msk [tilespmem:v5+s21+$0x0], $0xffff  }
0x306: {  	v2 =	vsub.f32 v2, v4;
	v4 =	vsub.f32 v7, v9  }
0x307: {  	v7 =	vsub.f32 v10, v8  }
0x308: {  	v1 =	vsub.f32 v3, v1;
	v3 =	vsub.f32 v9, v11;
	v8 =	vmul.f32 v4, v13  }
0x309: {  	v6 =	vsub.f32 v11, v6;
	v9 =	vmul.f32 v13, v7  }
0x30a: {  	v10 =	vsub.f32 v12, v10;
	v7 =	vmul.f32 v3, v7;
	v11 =	vmul.f32 v3, v1  }
0x30b: {  	v5 =	vsub.f32 v5, v12;
	v12 =	vmul.f32 v13, v6  }
0x30c: {  	v6 =	vmul.f32 v10, v6;
	v14 =	vmul.f32 v4, v10  }
0x30d: {  	v15 =	vmul.f32 v5, v3;
	v13 =	vmul.f32 v5, v13  }
0x30e: {  	v11 =	vsub.f32 v12, v11;
	v3 =	vmul.f32 v2, v3;
	v12 =	vmul.f32 v2, v10  }
0x30f: {  	v1 =	vmul.f32 v10, v1;
	v6 =	vsub.f32 v7, v6;
	v7 =	vsub.f32 v14, v15  }
0x310: {  	v3 =	vsub.f32 v3, v8;
	v8 =	vsub.f32 v13, v12;
	v5 =	vmul.f32 v5, v11  }
0x311: {  	v1 =	vsub.f32 v1, v9;
	v2 =	vmul.f32 v6, v2;
	v9 =	vmul.f32 v7, v6  }
0x312: {  	v10 =	vmul.f32 v11, v11;
	v6 =	vmul.f32 v6, v6  }
0x313: {  	v7 =	vmul.f32 v7, v7;
	v12 =	vmul.f32 v3, v3;
	v2 =	vadd.f32 v5, v2  }
0x314: {  	v3 =	vmul.f32 v3, v11;
	v5 =	vmul.f32 v8, v1;
	v6 =	vadd.f32 v10, v6  }
0x315: {  	v8 =	vmul.f32 v8, v8;
	v10 =	vmul.f32 v1, v1;
	v7 =	vadd.f32 v12, v7  }
0x316: {  	v3 =	vadd.f32 v3, v9;
	v1 =	vmul.f32 v4, v1  }
0x317: {  	v4 =	vadd.f32 v6, v10;
	v6 =	vadd.f32 v7, v8  }
0x318: {  	v1 =	vadd.f32 v1, v2  }
0x319: {  	v2 =	vmul.f32 v6, v4;
	_ =	sdelay $0x1  }
0x31a: {  	v4 =	vshra.s32 v2, $0x1;
	v6 =	vmul.f32 $5.000000000e-01, v2  }
0x31b: {  	v4 =	vsub.s32 $0x5F3759DF, v4  }
0x31c: {  	v7 =	vmul.f32 v4, v6;
	_ =	sdelay $0x1  }
0x31d: {  	v7 =	vmul.f32 v4, v7;
	_ =	sdelay $0x1  }
0x31e: {  	v7 =	vsub.f32 $1.500000000e+00, v7;
	_ =	sdelay $0x1  }
0x31f: {  	v4 =	vmul.f32 v4, v7;
	_ =	sdelay $0x1  }
0x320: {  	v7 =	vmul.f32 v4, v6;
	_ =	sdelay $0x1  }
0x321: {  	v7 =	vmul.f32 v7, v4;
	_ =	sdelay $0x1  }
0x322: {  	v7 =	vsub.f32 $1.500000000e+00, v7;
	_ =	sdelay $0x1  }
0x323: {  	v4 =	vmul.f32 v7, v4;
	_ =	sdelay $0x1  }
0x324: {  	v6 =	vmul.f32 v4, v6;
	_ =	sdelay $0x1  }
0x325: {  	v6 =	vmul.f32 v6, v4;
	_ =	sdelay $0x1  }
0x326: {  	v6 =	vsub.f32 $1.500000000e+00, v6;
	_ =	sdelay $0x1  }
0x327: {  	v3 =	vadd.f32 v3, v5;
	v4 =	vmul.f32 v6, v4;
	_ =	sdelay $0x1  }
0x328: {  	v3 =	vmul.f32 v4, v3;
	_ =	sdelay $0x1  }
0x329: {  	v3 =	vmax.f32 v3, $-1.000000000e+00  }
0x32a: {  	vm0 =	vgt.f32 v2, $0.0e+00;
	v3 =	vmin.f32 v3, $1.000000000e+00  }
0x32b: {  	v2 =	vnsel vm0, $0x7FC00000, v3  }
0x32c: {  	v4 =	vand.u32 $0x7FFFFFFF, v2  }
0x32d: {  	v3 =	vsub.f32 $1.000000000e+00, v4;
	v5 =	vmul.f32 $-1.262491100e-03, v4;
	_ =	sdelay $0x1  }
0x32e: {  	v6 =	vmax.f32 v3, $1.000000000e-30;
	v5 =	vadd.f32 $6.670089900e-03, v5  }
0x32f: {  	v7 =	vshra.s32 v6, $0x1;
	v6 =	vmul.f32 $5.000000000e-01, v6  }
0x330: {  	v7 =	vsub.s32 $0x5F3759DF, v7;
	v5 =	vmul.f32 v5, v4  }
0x331: {  	v8 =	vmul.f32 v7, v6  }
0x332: {  	v5 =	vadd.f32 $-1.708812640e-02, v5  }
0x333: {  	v8 =	vmul.f32 v7, v8  }
0x334: {  	v5 =	vmul.f32 v5, v4  }
0x335: {  	v8 =	vsub.f32 $1.500000000e+00, v8  }
0x336: {  	v5 =	vadd.f32 $3.089188040e-02, v5  }
0x337: {  	v7 =	vmul.f32 v7, v8  }
0x338: {  	v5 =	vmul.f32 v5, v4  }
0x339: {  	v8 =	vmul.f32 v7, v6  }
0x33a: {  	v5 =	vadd.f32 $-5.017430340e-02, v5  }
0x33b: {  	v8 =	vmul.f32 v8, v7  }
0x33c: {  	v5 =	vmul.f32 v5, v4  }
0x33d: {  	v8 =	vsub.f32 $1.500000000e+00, v8  }
0x33e: {  	v9 =	vadd.f32 $8.897899090e-02, v5  }
.Ltmp15:
0x33f: {  	v5 =	vmul.f32 v8, v7;
	(pc) =	sbr.rel @p3 .LBB2_18-.Ltmp15, $4  }
0x340: {  	v7 =	vmul.f32 v9, v4  }
0x341: {  	v8 =	vmul.f32 v5, v6  }
0x342: {  	v6 =	vadd.f32 $-2.145988050e-01, v7  }
0x343: {  	v7 =	vmul.f32 v8, v5  }
0x344: {  	_ = 	snop  }
0x345: {  	v7 =	vsub.f32 $1.500000000e+00, v7;
	_ =	sdelay $0x1  }
0x346: {  	v4 =	vmul.f32 v6, v4;
	v5 =	vmul.f32 v7, v5;
	_ =	sdelay $0x1  }
0x347: {  	v4 =	vadd.f32 $1.570796250e+00, v4;
	v3 =	vmul.f32 v5, v3;
	_ =	sdelay $0x1  }
0x348: {  	v3 =	vmul.f32 v3, v4;
	_ =	sdelay $0x1  }
0x349: {  	v4 =	vsub.f32 $3.141592740e+00, v3  }
0x34a: {  	vm0 =	vlt.f32 v2, $0.0e+00  }
0x34b: {  	s1 =	sadd.s32 $0x2, s4;
	v2 =	vsel vm0, v4, v3  }
0x34c: {  	s2 =	smul.u32 $0x320, s2;
	p3 =	sge.u32 s1, s14;
	v3 =	vsub.f32 $0.0e+00, v2  }
0x34d: {  	vm15 =	vgt.f32 v1, $0.0e+00;
	s1 =	sshll.u32 @!p3 s1, $0x5  }
0x34e: {  	s6 =	rddreg [dreg:$0x1];
	s2 =	sshrl.u32 s2, $0x3;
	s1 =	sor.u32 @!p3 s13, s1;
	v1 =	vsel vm15, v2, v3  }
0x34f: {  	s2 =	sadd.s32 s6, s2;
	s1 =	smul.u32 @!p3 $0x64, s1;
	[tilespmem:s16+$0x0] =	vst v1;
	s16 =	simm.s32 $0x1A900  }
0x350: {  	[hbm4b:s2+s3] =	stream.linear.scatter [tilespmem:s16], [sflag:$0x5], $0x320, $0x38;
	[tilespmem:$0x1EAA0] =	vst v63  }
0x351: {  	s4 =	simm.s32 @!p3 $0x0;
	s2 =	sadd.s32 @!p3 s15, s1  }
0x352: {  	[tilespmem:s4], [sflag:$0x1] =	stream.linear.gather @!p3 [hbm4b:s2+s4], $0x320, $0x38;
	[tilespmem:$0x1EAA0] =	vst v63  }
0x353: {  	s5 =	simm.s32 @!p3 $0x320;
	s2 =	sadd.s32 @!p3 s8, s1  }
0x354: {  	[tilespmem:s5], [sflag:$0x1] =	stream.linear.gather @!p3 [hbm4b:s2+s4], $0x320, $0x38;
	[tilespmem:$0x1EAA0] =	vst v63  }
0x355: {  	s6 =	simm.s32 @!p3 $0x640;
	s2 =	sadd.s32 @!p3 s9, s1  }
0x356: {  	[tilespmem:s6], [sflag:$0x1] =	stream.linear.gather @!p3 [hbm4b:s2+s4], $0x320, $0x38;
	[tilespmem:$0x1EAA0] =	vst v63  }
0x357: {  	s1 =	sadd.s32 @!p3 s10, s1;
	s2 =	simm.s32 @!p3 $0x960  }
0x358: {  	[tilespmem:s2], [sflag:$0x1] =	stream.linear.gather @!p3 [hbm4b:s1+s4], $0x320, $0x38;
	[tilespmem:$0x1EAA0] =	vst v63  }
0x359: {  	s1 =	simm.s32 @!p3 $0x1  }
0x35a: {  	_ =	swait.ge @!p3 [sflag:s1], $0x320  }
0x35b: {  	[sflag:s1] =	ssyncset.done @!p3 $0x0  }
0x35c: {  	[sflag:s1] =	ssyncadd.s32 @!p3 $0xFFFFFCE0  }
0x35d: {  	_ =	swait.ge @!p3 [sflag:s1], $0x320  }
0x35e: {  	[sflag:s1] =	ssyncset.done @!p3 $0x0  }
0x35f: {  	[sflag:s1] =	ssyncadd.s32 @!p3 $0xFFFFFCE0  }
0x360: {  	_ =	swait.ge @!p3 [sflag:s1], $0x320  }
0x361: {  	[sflag:s1] =	ssyncset.done @!p3 $0x0  }
0x362: {  	[sflag:s1] =	ssyncadd.s32 @!p3 $0xFFFFFCE0  }
0x363: {  	_ =	swait.ge @!p3 [sflag:s1], $0x320  }
0x364: {  	[sflag:s1] =	ssyncset.done @!p3 $0x0  }
0x365: {  	[sflag:s1] =	ssyncadd.s32 @!p3 $0xFFFFFCE0;
	s1 =	simm.s32 @!p3 $0x1900  }
0x366: {  	[tilespmem:s1], [sflag:$0x3] =	stream.indirect.gather @!p3 [hbm4b:s26+s5], $0x10, s4, s5, $0xb8;
	[tilespmem:$0x1EAA0] =	vst v63  }
0x367: {  	s1 =	simm.s32 @!p3 $0x4B00  }
0x368: {  	[tilespmem:s1], [sflag:$0x3] =	stream.indirect.gather @!p3 [hbm4b:s26+s5], $0x10, s5, s5, $0xb8;
	[tilespmem:$0x1EAA0] =	vst v63  }
.Ltmp16:
0x369: {  	_ = 	snop;
	(pc) =	sbr.rel @p1 .LBB2_23-.Ltmp16, $4  }
0x36a: {  	s1 =	simm.s32 @!p3 $0x7D00  }
0x36b: {  	[tilespmem:s1], [sflag:$0x3] =	stream.indirect.gather @!p3 [hbm4b:s26+s5], $0x10, s6, s5, $0xb8;
	[tilespmem:$0x1EAA0] =	vst v63  }
0x36c: {  	s1 =	simm.s32 @!p3 $0xAF00  }
0x36d: {  	[tilespmem:s1], [sflag:$0x3] =	stream.indirect.gather @!p3 [hbm4b:s26+s5], $0x10, s2, s5, $0xb8;
	[tilespmem:$0x1EAA0] =	vst v63  }
0x36e: {  	_ =	swait.ge [sflag:s24], $0x3200  }
0x36f: {  	[sflag:s24] =	ssyncset.done $0x0  }
0x370: {  	[sflag:s24] =	ssyncadd.s32 $0xFFFFCE00  }
0x371: {  	_ =	swait.ge [sflag:s24], $0x3200  }
0x372: {  	[sflag:s24] =	ssyncset.done $0x0  }
0x373: {  	[sflag:s24] =	ssyncadd.s32 $0xFFFFCE00  }
0x374: {  	_ =	swait.ge [sflag:s24], $0x3200  }
0x375: {  	s1 =	simm.s32 $0x0;
	[sflag:s24] =	ssyncset.done $0x0  }
0x376: {  	v1 =	vmov s1;
	[sflag:s24] =	ssyncadd.s32 $0xFFFFCE00  }
0x377: {  	v1 =	vshll.u32 v1, $0x4;
	_ =	swait.ge [sflag:s24], $0x3200  }
0x378: {  	v1 =	vor.u32 v0, v1;
	[sflag:s24] =	ssyncset.done $0x0  }
0x379: {  	s1 =	simm.s32 @!p2 $0x6;
	[sflag:s24] =	ssyncadd.s32 $0xFFFFCE00  }
0x37a: {  	v2 =	vor.u32 $0x2, v1;
	_ =	swait.ge @!p2 [sflag:s1], $0x320  }
0x37b: {  	v3 =	vor.u32 $0x1, v1;
	[sflag:s1] =	ssyncset.done @!p2 $0x0  }
0x37c: {  	[sflag:s1] =	ssyncadd.s32 @!p2 $0xFFFFFCE0  }
0x37d: {  	v4 =	vld.idx.msk [tilespmem:v1+s31+$0x0], $0xffff  }
0x37e: {  	v5 =	vld.idx.msk [tilespmem:v1+s0+$0x0], $0xffff  }
0x37f: {  	v6 =	vld.idx.msk [tilespmem:v2+s30+$0x0], $0xffff  }
0x380: {  	v7 =	vld.idx.msk [tilespmem:v3+s31+$0x0], $0xffff  }
0x381: {  	v8 =	vld.idx.msk [tilespmem:v1+s25+$0x0], $0xffff  }
0x382: {  	v9 =	vld.idx.msk [tilespmem:v2+s25+$0x0], $0xffff  }
0x383: {  	v10 =	vld.idx.msk [tilespmem:v3+s0+$0x0], $0xffff  }
0x384: {  	v11 =	vld.idx.msk [tilespmem:v2+s0+$0x0], $0xffff  }
0x385: {  	v2 =	vld.idx.msk [tilespmem:v2+s31+$0x0], $0xffff  }
0x386: {  	v12 =	vld.idx.msk [tilespmem:v3+s25+$0x0], $0xffff  }
0x387: {  	v3 =	vld.idx.msk [tilespmem:v3+s30+$0x0], $0xffff  }
0x388: {  	v1 =	vld.idx.msk [tilespmem:v1+s30+$0x0], $0xffff;
	v13 =	vsub.f32 v8, v5;
	v6 =	vsub.f32 v6, v9  }
0x389: {  	v7 =	vsub.f32 v10, v7;
	v4 =	vsub.f32 v5, v4  }
0x38a: {  	v5 =	vsub.f32 v9, v11;
	v2 =	vsub.f32 v11, v2  }
0x38b: {  	v10 =	vsub.f32 v12, v10;
	v54 =	vmul.f32 v6, v13;
	v55 =	vmul.f32 v13, v7  }
0x38c: {  	v12 =	vsub.f32 v3, v12;
	v7 =	vmul.f32 v5, v7;
	v14 =	vmul.f32 v5, v4  }
0x38d: {  	v1 =	vsub.f32 v1, v8;
	v3 =	vmul.f32 v13, v2;
	v2 =	vmul.f32 v10, v2  }
0x38e: {  	v8 =	vmul.f32 v6, v10;
	v15 =	vmul.f32 v12, v5  }
0x38f: {  	v13 =	vmul.f32 v12, v13;
	v5 =	vmul.f32 v1, v5  }
0x390: {  	v14 =	vsub.f32 v3, v14;
	v3 =	vmul.f32 v1, v10;
	v7 =	vsub.f32 v7, v2  }
0x391: {  	v2 =	vmul.f32 v10, v4;
	v4 =	vsub.f32 v8, v15;
	v5 =	vsub.f32 v5, v54  }
0x392: {  	v3 =	vsub.f32 v13, v3;
	v8 =	vmul.f32 v7, v7;
	v56 =	vmul.f32 v14, v14  }
0x393: {  	v10 =	vsub.f32 v2, v55;
	v2 =	vmul.f32 v4, v4;
	v57 =	vmul.f32 v5, v5  }
0x394: {  	v8 =	vadd.f32 v56, v8  }
0x395: {  	v58 =	vmul.f32 v10, v10;
	v2 =	vadd.f32 v57, v2;
	v59 =	vmul.f32 v3, v3;
	_ =	sdelay $0x1  }
0x396: {  	v8 =	vadd.f32 v8, v58;
	v2 =	vadd.f32 v2, v59;
	_ =	sdelay $0x1  }
0x397: {  	v2 =	vmul.f32 v2, v8;
	_ =	sdelay $0x1  }
0x398: {  	v8 =	vshra.s32 v2, $0x1;
	v60 =	vmul.f32 $5.000000000e-01, v2  }
0x399: {  	v8 =	vsub.s32 $0x5F3759DF, v8  }
0x39a: {  	v61 =	vmul.f32 v8, v60;
	_ =	sdelay $0x1  }
0x39b: {  	v11 =	vmul.f32 v8, v61;
	_ =	sdelay $0x1  }
0x39c: {  	v11 =	vsub.f32 $1.500000000e+00, v11;
	_ =	sdelay $0x1  }
0x39d: {  	v8 =	vmul.f32 v8, v11;
	_ =	sdelay $0x1  }
0x39e: {  	v11 =	vmul.f32 v8, v60;
	_ =	sdelay $0x1  }
0x39f: {  	v11 =	vmul.f32 v11, v8;
	_ =	sdelay $0x1  }
0x3a0: {  	v11 =	vsub.f32 $1.500000000e+00, v11;
	_ =	sdelay $0x1  }
0x3a1: {  	v8 =	vmul.f32 v11, v8;
	_ =	sdelay $0x1  }
0x3a2: {  	v9 =	vmul.f32 v8, v60  }
0x3a3: {  	v4 =	vmul.f32 v4, v7  }
0x3a4: {  	v5 =	vmul.f32 v5, v14;
	v9 =	vmul.f32 v9, v8;
	_ =	sdelay $0x1  }
0x3a5: {  	v3 =	vmul.f32 v3, v10;
	v4 =	vadd.f32 v5, v4;
	v5 =	vsub.f32 $1.500000000e+00, v9;
	_ =	sdelay $0x1  }
0x3a6: {  	v3 =	vadd.f32 v4, v3;
	v4 =	vmul.f32 v5, v8;
	_ =	sdelay $0x1  }
0x3a7: {  	v3 =	vmul.f32 v4, v3;
	_ =	sdelay $0x1  }
0x3a8: {  	v3 =	vmax.f32 v3, $-1.000000000e+00  }
0x3a9: {  	vm0 =	vgt.f32 v2, $0.0e+00;
	v3 =	vmin.f32 v3, $1.000000000e+00  }
0x3aa: {  	v2 =	vnsel vm0, $0x7FC00000, v3  }
0x3ab: {  	v4 =	vand.u32 $0x7FFFFFFF, v2  }
0x3ac: {  	v3 =	vsub.f32 $1.000000000e+00, v4  }
0x3ad: {  	v5 =	vmul.f32 $-1.262491100e-03, v4  }
0x3ae: {  	v8 =	vmax.f32 v3, $1.000000000e-30  }
0x3af: {  	v5 =	vadd.f32 $6.670089900e-03, v5;
	v62 =	vshra.s32 v8, $0x1;
	v8 =	vmul.f32 $5.000000000e-01, v8  }
0x3b0: {  	v9 =	vsub.s32 $0x5F3759DF, v62  }
0x3b1: {  	v5 =	vmul.f32 v5, v4;
	v63 =	vmul.f32 v9, v8;
	_ =	sdelay $0x1  }
0x3b2: {  	v5 =	vadd.f32 $-1.708812640e-02, v5;
	v11 =	vmul.f32 v9, v63;
	_ =	sdelay $0x1  }
0x3b3: {  	v5 =	vmul.f32 v5, v4;
	v11 =	vsub.f32 $1.500000000e+00, v11;
	_ =	sdelay $0x1  }
0x3b4: {  	v5 =	vadd.f32 $3.089188040e-02, v5;
	v9 =	vmul.f32 v9, v11;
	_ =	sdelay $0x1  }
0x3b5: {  	v5 =	vmul.f32 v5, v4;
	v11 =	vmul.f32 v9, v8;
	_ =	sdelay $0x1  }
0x3b6: {  	v5 =	vadd.f32 $-5.017430340e-02, v5;
	v11 =	vmul.f32 v11, v9;
	_ =	sdelay $0x1  }
0x3b7: {  	v5 =	vmul.f32 v5, v4;
	v11 =	vsub.f32 $1.500000000e+00, v11  }
0x3b8: {  	v12 =	vmul.f32 v12, v14  }
0x3b9: {  	v1 =	vmul.f32 v7, v1;
	v7 =	vadd.f32 $8.897899090e-02, v5;
	v5 =	vmul.f32 v11, v9  }
0x3ba: {  	v6 =	vmul.f32 v6, v10  }
0x3bb: {  	v1 =	vadd.f32 v12, v1;
	v7 =	vmul.f32 v7, v4;
	v8 =	vmul.f32 v5, v8  }
0x3bc: {  	s23 =	sshll.u32 s23, $0x5;
	s5 =	simm.s32 $0x1AC20  }
0x3bd: {  	s6 =	simm.s32 $0x10;
	s4 =	simm.s32 $0x1AC20;
	s2 =	sor.u32 s13, s23;
	v1 =	vadd.f32 v6, v1;
	v6 =	vadd.f32 $-2.145988050e-01, v7;
	v7 =	vmul.f32 v8, v5  }
.LBB2_21:
0x3be: {  	p1 =	sne.s32 s6, $0x310  }
0x3bf: {  	s5 =	sadd.s32 $0x10, s5;
	s1 =	smov.u32 s6;
	s6 =	sadd.s32 $0x10, s6  }
0x3c0: {  	v7 =	vsub.f32 $1.500000000e+00, v7;
	_ =	sdelay $0x1  }
0x3c1: {  	v4 =	vmul.f32 v6, v4;
	v5 =	vmul.f32 v7, v5;
	_ =	sdelay $0x1  }
0x3c2: {  	v4 =	vadd.f32 $1.570796250e+00, v4;
	v3 =	vmul.f32 v5, v3  }
0x3c3: {  	v5 =	vmov s1  }
0x3c4: {  	v5 =	vshll.u32 v5, $0x4;
	v3 =	vmul.f32 v3, v4  }
0x3c5: {  	v4 =	vor.u32 v0, v5  }
0x3c6: {  	v5 =	vor.u32 $0x1, v4;
	v6 =	vor.u32 $0x2, v4;
	v7 =	vsub.f32 $3.141592740e+00, v3  }
0x3c7: {  	vm0 =	vlt.f32 v2, $0.0e+00  }
0x3c8: {  	v2 =	vsel vm0, v7, v3  }
0x3c9: {  	v3 =	vsub.f32 $0.0e+00, v2  }
0x3ca: {  	vm0 =	vgt.f32 v1, $0.0e+00  }
0x3cb: {  	v1 =	vsel vm0, v2, v3  }
0x3cc: {  	[tilespmem:s4+$0x0] =	vst v1;
	s4 =	smov.u32 s5  }
0x3cd: {  	v1 =	vld.idx.msk [tilespmem:v4+s31+$0x0], $0xffff  }
0x3ce: {  	v2 =	vld.idx.msk [tilespmem:v4+s30+$0x0], $0xffff  }
0x3cf: {  	v3 =	vld.idx.msk [tilespmem:v4+s0+$0x0], $0xffff  }
0x3d0: {  	v7 =	vld.idx.msk [tilespmem:v6+s30+$0x0], $0xffff  }
0x3d1: {  	v8 =	vld.idx.msk [tilespmem:v5+s31+$0x0], $0xffff  }
0x3d2: {  	v4 =	vld.idx.msk [tilespmem:v4+s25+$0x0], $0xffff  }
0x3d3: {  	v9 =	vld.idx.msk [tilespmem:v6+s25+$0x0], $0xffff  }
0x3d4: {  	v10 =	vld.idx.msk [tilespmem:v5+s0+$0x0], $0xffff  }
0x3d5: {  	v11 =	vld.idx.msk [tilespmem:v6+s0+$0x0], $0xffff  }
0x3d6: {  	v6 =	vld.idx.msk [tilespmem:v6+s31+$0x0], $0xffff  }
0x3d7: {  	v12 =	vld.idx.msk [tilespmem:v5+s25+$0x0], $0xffff  }
0x3d8: {  	v13 =	vsub.f32 v4, v3;
	v5 =	vld.idx.msk [tilespmem:v5+s30+$0x0], $0xffff  }
0x3d9: {  	v2 =	vsub.f32 v2, v4;
	v4 =	vsub.f32 v7, v9  }
0x3da: {  	v7 =	vsub.f32 v10, v8  }
0x3db: {  	v1 =	vsub.f32 v3, v1;
	v3 =	vsub.f32 v9, v11;
	v8 =	vmul.f32 v4, v13  }
0x3dc: {  	v6 =	vsub.f32 v11, v6;
	v9 =	vmul.f32 v13, v7  }
0x3dd: {  	v10 =	vsub.f32 v12, v10;
	v7 =	vmul.f32 v3, v7;
	v11 =	vmul.f32 v3, v1  }
0x3de: {  	v5 =	vsub.f32 v5, v12;
	v12 =	vmul.f32 v13, v6  }
0x3df: {  	v6 =	vmul.f32 v10, v6;
	v14 =	vmul.f32 v4, v10  }
0x3e0: {  	v15 =	vmul.f32 v5, v3;
	v13 =	vmul.f32 v5, v13  }
0x3e1: {  	v11 =	vsub.f32 v12, v11;
	v3 =	vmul.f32 v2, v3;
	v12 =	vmul.f32 v2, v10  }
0x3e2: {  	v1 =	vmul.f32 v10, v1;
	v6 =	vsub.f32 v7, v6;
	v7 =	vsub.f32 v14, v15  }
0x3e3: {  	v3 =	vsub.f32 v3, v8;
	v8 =	vsub.f32 v13, v12;
	v5 =	vmul.f32 v5, v11  }
0x3e4: {  	v1 =	vsub.f32 v1, v9;
	v2 =	vmul.f32 v6, v2;
	v9 =	vmul.f32 v7, v6  }
0x3e5: {  	v10 =	vmul.f32 v11, v11;
	v6 =	vmul.f32 v6, v6  }
0x3e6: {  	v7 =	vmul.f32 v7, v7;
	v12 =	vmul.f32 v3, v3;
	v2 =	vadd.f32 v5, v2  }
0x3e7: {  	v3 =	vmul.f32 v3, v11;
	v5 =	vmul.f32 v8, v1;
	v6 =	vadd.f32 v10, v6  }
0x3e8: {  	v8 =	vmul.f32 v8, v8;
	v10 =	vmul.f32 v1, v1;
	v7 =	vadd.f32 v12, v7  }
0x3e9: {  	v3 =	vadd.f32 v3, v9;
	v1 =	vmul.f32 v4, v1  }
0x3ea: {  	v4 =	vadd.f32 v6, v10;
	v6 =	vadd.f32 v7, v8  }
0x3eb: {  	v1 =	vadd.f32 v1, v2  }
0x3ec: {  	v2 =	vmul.f32 v6, v4;
	_ =	sdelay $0x1  }
0x3ed: {  	v4 =	vshra.s32 v2, $0x1;
	v6 =	vmul.f32 $5.000000000e-01, v2  }
0x3ee: {  	v4 =	vsub.s32 $0x5F3759DF, v4  }
0x3ef: {  	v7 =	vmul.f32 v4, v6;
	_ =	sdelay $0x1  }
0x3f0: {  	v7 =	vmul.f32 v4, v7;
	_ =	sdelay $0x1  }
0x3f1: {  	v7 =	vsub.f32 $1.500000000e+00, v7;
	_ =	sdelay $0x1  }
0x3f2: {  	v4 =	vmul.f32 v4, v7;
	_ =	sdelay $0x1  }
0x3f3: {  	v7 =	vmul.f32 v4, v6;
	_ =	sdelay $0x1  }
0x3f4: {  	v7 =	vmul.f32 v7, v4;
	_ =	sdelay $0x1  }
0x3f5: {  	v7 =	vsub.f32 $1.500000000e+00, v7;
	_ =	sdelay $0x1  }
0x3f6: {  	v4 =	vmul.f32 v7, v4;
	_ =	sdelay $0x1  }
0x3f7: {  	v6 =	vmul.f32 v4, v6;
	_ =	sdelay $0x1  }
0x3f8: {  	v6 =	vmul.f32 v6, v4;
	_ =	sdelay $0x1  }
0x3f9: {  	v6 =	vsub.f32 $1.500000000e+00, v6;
	_ =	sdelay $0x1  }
0x3fa: {  	v3 =	vadd.f32 v3, v5;
	v4 =	vmul.f32 v6, v4;
	_ =	sdelay $0x1  }
0x3fb: {  	v3 =	vmul.f32 v4, v3;
	_ =	sdelay $0x1  }
0x3fc: {  	v3 =	vmax.f32 v3, $-1.000000000e+00  }
0x3fd: {  	vm0 =	vgt.f32 v2, $0.0e+00;
	v3 =	vmin.f32 v3, $1.000000000e+00  }
0x3fe: {  	v2 =	vnsel vm0, $0x7FC00000, v3  }
0x3ff: {  	v4 =	vand.u32 $0x7FFFFFFF, v2  }
0x400: {  	v3 =	vsub.f32 $1.000000000e+00, v4;
	v5 =	vmul.f32 $-1.262491100e-03, v4;
	_ =	sdelay $0x1  }
0x401: {  	v6 =	vmax.f32 v3, $1.000000000e-30;
	v5 =	vadd.f32 $6.670089900e-03, v5  }
0x402: {  	v7 =	vshra.s32 v6, $0x1;
	v6 =	vmul.f32 $5.000000000e-01, v6  }
0x403: {  	v7 =	vsub.s32 $0x5F3759DF, v7;
	v5 =	vmul.f32 v5, v4  }
0x404: {  	v8 =	vmul.f32 v7, v6  }
0x405: {  	v5 =	vadd.f32 $-1.708812640e-02, v5  }
0x406: {  	v8 =	vmul.f32 v7, v8  }
0x407: {  	v5 =	vmul.f32 v5, v4  }
0x408: {  	v8 =	vsub.f32 $1.500000000e+00, v8  }
0x409: {  	v5 =	vadd.f32 $3.089188040e-02, v5  }
0x40a: {  	v7 =	vmul.f32 v7, v8  }
0x40b: {  	v5 =	vmul.f32 v5, v4  }
0x40c: {  	v8 =	vmul.f32 v7, v6  }
0x40d: {  	v5 =	vadd.f32 $-5.017430340e-02, v5  }
0x40e: {  	v8 =	vmul.f32 v8, v7  }
0x40f: {  	v5 =	vmul.f32 v5, v4  }
0x410: {  	v8 =	vsub.f32 $1.500000000e+00, v8  }
0x411: {  	v9 =	vadd.f32 $8.897899090e-02, v5  }
.Ltmp17:
0x412: {  	v5 =	vmul.f32 v8, v7;
	(pc) =	sbr.rel @p1 .LBB2_21-.Ltmp17, $4  }
0x413: {  	v7 =	vmul.f32 v9, v4  }
0x414: {  	v8 =	vmul.f32 v5, v6  }
0x415: {  	v6 =	vadd.f32 $-2.145988050e-01, v7  }
0x416: {  	v7 =	vmul.f32 v8, v5  }
.Ltmp18:
0x417: {  	_ = 	snop;
	(pc) =	sbr.rel .LBB2_22-.Ltmp18, $1  }
0x418: {  	_ =	sdelay $0x3  }
.LBB2_25:
0x419: {  	_ =	sfence.sel $0x180000  }
0x41a: {  	[bflag:$0x0] =	sbarrier.arrive $0xFFFF  }
0x41b: {  	_ =	strace $0x90000047  }
0x41c: {  	s0 =	stileid.u32;
	[bflag:$0x2] =	sbarrier.arrive $0xFFFF  }
0x41d: {  	p0 =	sne.s32 s0, $0x0;
	s0 =	rddreg [dreg:$0x2]  }
0x41e: {  	s0 =	sadd.s32 @!p0 $0x100000, s0  }
0x41f: {  	[sflag:s0] =	ssyncadd.tile.s32 @!p0 $0x1;
	_ =	shalt  }
.Lfunc_end2:
_tile_overlayer_lowered:
.L_overlay_start_2:
0x420: {  	(tag) =	ssettag $0x2  }
0x421: {  	s0 =	rddreg [dreg:$0x0];
	s2 =	stileid.u32  }
0x422: {  	s1 =	rddreg [dreg:$0x1];
	p0 =	sne.s32 s2, $0x0  }
0x423: {  	s3 =	rddreg [dreg:$0x2];
	[bflag:$0x3] =	sbarrier.arrive $0xFFFF;
	s2 =	simm.s32 @!p0 $0x1C07  }
0x424: {  	[timem:s3], [sflag:s2] =	dma.local @!p0 [hbm:s0], s1  }
0x425: {  	s0 =	simm.s32 @!p0 $0x7  }
0x426: {  	_ =	swait.ge @!p0 [sflag:s0], s1  }
0x427: {  	s1 =	ssub.s32 @!p0 $0x0, s1;
	[sflag:s0] =	ssyncset.done @!p0 $0x0  }
0x428: {  	[sflag:s0] =	ssyncadd.s32 @!p0 s1  }
0x429: {  	[bflag:$0x3] =	sbarrier.arrive $0xFFFF  }
0x42a: {  	_ =	shalt  }

</sc_bundles>
